<compile_context>
chip_gen: v7x
topology: tpu7x:2x2x1
jax: 0.10.2.dev20260603
libtpu: 0.0.44.dev20260713+nightly
codegen_flags: <defaults>
</compile_context>

<pallas_src>
import functools

import jax
import jax.numpy as jnp
from jax import lax
from jax.experimental import pallas as pl
from jax.experimental.pallas import tpu as pltpu
from jax.experimental.pallas import tpu_sc as plsc

N = 10000
E = 320000
D_FEAT = 128
D_HID = 128
N_CLASSES = 16

NC = 2
NS = 16
NW = NC * NS
EPT = E // NW
K = 80
ITERS = EPT // K
RPS = 624
TAIL = N - NS * RPS

_mesh = plsc.VectorSubcoreMesh(core_axis_name="c", subcore_axis_name="s")
_sc_params = pltpu.CompilerParams(use_tc_tiling_on_sc=False)


def _copy_rows(slice_src, slice_dst, s):
    r0 = s * RPS
    pltpu.sync_copy(slice_src(r0, RPS), slice_dst(r0, RPS))

    @pl.when(s == NS - 1)
    def _():
        pltpu.sync_copy(slice_src(NS * RPS, TAIL), slice_dst(NS * RPS, TAIL))


def _deg_body(ones_hbm, rows3_hbm, out_hbm, obuf, ridx, acc, *sems):
    NB = len(sems)
    c = lax.axis_index("c")
    s = lax.axis_index("s")
    wid = c * NS + s
    _copy_rows(lambda o, n: ones_hbm.at[pl.ds(o, n)],
               lambda o, n: acc.at[pl.ds(o, n)], s)
    pltpu.sync_copy(ones_hbm.at[pl.ds(0, K)], obuf)
    pltpu.sync_copy(rows3_hbm.at[wid], ridx)
    plsc.subcore_barrier()

    def group(g, carry):
        descs = [
            pltpu.async_copy(obuf, acc.at[ridx.at[g * NB + b]], sems[b],
                             add=True)
            for b in range(NB)
        ]
        for d in descs:
            d.wait()
        return carry

    lax.fori_loop(0, ITERS // NB, group, 0)
    plsc.subcore_barrier()
    _copy_rows(lambda o, n: acc.at[pl.ds(o, n)],
               lambda o, n: out_hbm.at[c, pl.ds(o, n)], s)


_deg = functools.partial(
    pl.kernel,
    out_type=jax.ShapeDtypeStruct((NC, N, 16), jnp.float32),
    mesh=_mesh,
    compiler_params=_sc_params,
    scratch_types=[
        pltpu.VMEM((K, 16), jnp.float32),
        pltpu.VMEM((ITERS, K), jnp.int32),
        pltpu.VMEM_SHARED((N, 16), jnp.float32),
    ] + [pltpu.SemaphoreType.DMA] * 25,
)(_deg_body)


def _spmm_body(g_hbm, cols3_hbm, rows3_hbm, out_hbm, cidx, ridx, bufs, acc,
               *sems):
    NB = len(sems) // 2
    iters, k = cidx.shape
    gsems, ssems = sems[:NB], sems[NB:]
    c = lax.axis_index("c")
    s = lax.axis_index("s")
    wid = c * NS + s
    pltpu.sync_copy(cols3_hbm.at[wid], cidx)
    pltpu.sync_copy(rows3_hbm.at[wid], ridx)

    nslot = len(gsems)
    half = nslot // 2

    def fire(i, b):
        return pltpu.async_copy(g_hbm.at[cidx.at[i]], bufs.at[b], gsems[b])

    def init_acc():
        _copy_rows(lambda o, n: g_hbm.at[pl.ds(o, n)],
                   lambda o, n: acc.at[pl.ds(o, n)], s)
        plsc.subcore_barrier()

    def process_set(idx_slot_pairs):
        sds = []
        for i, b in idx_slot_pairs:
            pltpu.make_async_copy(g_hbm.at[cidx.at[i]], bufs.at[b],
                                  gsems[b]).wait()
            sds.append(pltpu.async_copy(bufs.at[b], acc.at[ridx.at[i]],
                                        ssems[b], add=True))
        for d in sds:
            d.wait()

    if nslot >= 4:
        n_body = iters // (2 * half) - 1
        for b in range(half):
            fire(b, b)
        init_acc()

        def body(t, carry):
            i0 = 2 * half * t
            for b in range(half):
                fire(i0 + half + b, half + b)
            process_set([(i0 + b, b) for b in range(half)])
            for b in range(half):
                fire(i0 + 2 * half + b, b)
            process_set([(i0 + half + b, half + b) for b in range(half)])
            return carry

        lax.fori_loop(0, n_body, body, 0)
        done = 2 * half * n_body
        process_set([(done + b, b) for b in range(half)])
        rest = list(range(done + half, iters))
        for t0 in range(0, len(rest), nslot):
            batch = rest[t0:t0 + nslot]
            for j, i in enumerate(batch):
                fire(i, j)
            process_set([(i, j) for j, i in enumerate(batch)])
    else:
        init_acc()
        def group(g, carry):
            for b in range(nslot):
                fire(g * nslot + b, b)
            process_set([(g * nslot + b, b) for b in range(nslot)])
            return carry

        lax.fori_loop(0, iters // nslot, group, 0)
        for i in range((iters // nslot) * nslot, iters):
            fire(i, 0)
            process_set([(i, 0)])
    plsc.subcore_barrier()
    _copy_rows(lambda o, n: acc.at[pl.ds(o, n)],
               lambda o, n: out_hbm.at[c, pl.ds(o, n)], s)


def _make_spmm(d, nb, k):
    iters = EPT // k
    return functools.partial(
        pl.kernel,
        out_type=jax.ShapeDtypeStruct((NC, N, d), jnp.float32),
        mesh=_mesh,
        compiler_params=_sc_params,
        scratch_types=[
            pltpu.VMEM((iters, k), jnp.int32),
            pltpu.VMEM((iters, k), jnp.int32),
            pltpu.VMEM((nb, k, d), jnp.float32),
            pltpu.VMEM_SHARED((N, d), jnp.float32),
        ] + [pltpu.SemaphoreType.DMA] * (2 * nb),
    )(_spmm_body)


K128 = 40
_spmm128 = _make_spmm(D_HID, 4, K128)
_spmm16 = _make_spmm(N_CLASSES, 8, K)

_BLK = N
_GRID = N // _BLK


def _dis_block(dp):
    deg = dp[0] + dp[1] - 1.0
    return lax.rsqrt(deg[:, :1])


def _tc_lin0_body(dp_ref, x_ref, w0_ref, g0_ref):
    dis = _dis_block(dp_ref[...])
    h = lax.dot_general(x_ref[...], w0_ref[...], (((1,), (1,)), ((), ())),
                        preferred_element_type=jnp.float32)
    g0_ref[...] = h * dis


_tc_lin0 = pl.pallas_call(
    _tc_lin0_body,
    grid=(_GRID,),
    in_specs=[
        pl.BlockSpec((NC, _BLK, 16), lambda i: (0, i, 0)),
        pl.BlockSpec((_BLK, D_FEAT), lambda i: (i, 0)),
        pl.BlockSpec((D_HID, D_FEAT), lambda i: (0, 0)),
    ],
    out_specs=pl.BlockSpec((_BLK, D_HID), lambda i: (i, 0)),
    out_shape=jax.ShapeDtypeStruct((N, D_HID), jnp.float32),
)


def _tc_lin1_body(dp_ref, p_ref, g0_ref, w1t_ref, g1_ref):
    dis = _dis_block(dp_ref[...])
    p = p_ref[...]
    s0 = (p[0] + p[1] - g0_ref[...]) * dis
    h1 = lax.dot_general(jnp.maximum(s0, 0.0), w1t_ref[...],
                         (((1,), (1,)), ((), ())),
                         preferred_element_type=jnp.float32)
    g1_ref[...] = h1 * dis


_tc_lin1 = pl.pallas_call(
    _tc_lin1_body,
    grid=(_GRID,),
    in_specs=[
        pl.BlockSpec((NC, _BLK, 16), lambda i: (0, i, 0)),
        pl.BlockSpec((NC, _BLK, D_HID), lambda i: (0, i, 0)),
        pl.BlockSpec((_BLK, D_HID), lambda i: (i, 0)),
        pl.BlockSpec((N_CLASSES, D_HID), lambda i: (0, 0)),
    ],
    out_specs=pl.BlockSpec((_BLK, N_CLASSES), lambda i: (i, 0)),
    out_shape=jax.ShapeDtypeStruct((N, N_CLASSES), jnp.float32),
)


def _tc_out_body(dp_ref, q_ref, g1_ref, out_ref):
    dis = _dis_block(dp_ref[...])
    q = q_ref[...]
    out_ref[...] = (q[0] + q[1] - g1_ref[...]) * dis


_tc_out = pl.pallas_call(
    _tc_out_body,
    grid=(_GRID,),
    in_specs=[
        pl.BlockSpec((NC, _BLK, 16), lambda i: (0, i, 0)),
        pl.BlockSpec((NC, _BLK, N_CLASSES), lambda i: (0, i, 0)),
        pl.BlockSpec((_BLK, N_CLASSES), lambda i: (i, 0)),
    ],
    out_specs=pl.BlockSpec((_BLK, N_CLASSES), lambda i: (i, 0)),
    out_shape=jax.ShapeDtypeStruct((N, N_CLASSES), jnp.float32),
)


@jax.jit
def kernel(X, edge_index, W0, W1):
    rows3 = edge_index[0].reshape(NW, ITERS, K)
    cols3 = edge_index[1].reshape(NW, ITERS, K)
    rows3b = edge_index[0].reshape(NW, EPT // K128, K128)
    cols3b = edge_index[1].reshape(NW, EPT // K128, K128)
    ones_aux = jnp.ones((N, 16), jnp.float32)
    dp = _deg(ones_aux, rows3)
    g0 = _tc_lin0(dp, X, W0)
    p = _spmm128(g0, cols3b, rows3b)
    g1 = _tc_lin1(dp, p, g0, W1)
    q = _spmm16(g1, cols3, rows3)
    return _tc_out(dp, q, g1)

# --- scband reference (transcript-rebuilt; emitter-appended) ---
"""Pipeline reference for scband-gcn-8297876816011 (READ-ONLY COPY).

The authoritative reference and input builder live on the scoring server;
editing this copy changes nothing except your own understanding.
"""

import jax, jax.numpy as jnp
import numpy as np

N = 10000
E = 320000
D_FEAT = 128
D_HID = 128
N_CLASSES = 16


def setup_inputs(seed: int = 0) -> dict:
    key = jax.random.key(seed)
    k1, k2, k3, k4 = jax.random.split(key, 4)
    X = jax.random.normal(k1, (N, D_FEAT), dtype=jnp.float32)
    edge_index = jax.random.randint(k2, (2, E), 0, N, dtype=jnp.int32)
    # Linear weights (torch nn.Linear stores [out, in]); Kaiming-uniform-like scale
    W0 = jax.random.normal(k3, (D_HID, D_FEAT), dtype=jnp.float32) * (1.0 / np.sqrt(D_FEAT))
    W1 = jax.random.normal(k4, (N_CLASSES, D_HID), dtype=jnp.float32) * (1.0 / np.sqrt(D_HID))
    return {"X": X, "edge_index": edge_index, "W0": W0, "W1": W1}


def reference(X, edge_index, W0, W1):
    # A is the COO adjacency (values=1) built from edge_index, with self-loops added
    n = X.shape[0]
    loops = jnp.arange(n, dtype=edge_index.dtype)
    rows = jnp.concatenate([edge_index[0], loops])
    cols = jnp.concatenate([edge_index[1], loops])
    vals = jnp.ones(rows.shape[0], dtype=X.dtype)

    # _normalize: A_hat = D^{-1/2} A D^{-1/2}, degrees = row sums of A
    deg = jax.ops.segment_sum(vals, rows, num_segments=n)
    d_inv_sqrt = 1.0 / jnp.clip(jnp.sqrt(deg), 1e-12)
    a_vals = d_inv_sqrt[rows] * vals * d_inv_sqrt[cols]

    def spmm(Hm):
        # torch.sparse.mm(A_hat, Hm): gather by col, scale, scatter-add by row
        return jax.ops.segment_sum(a_vals[:, None] * Hm[cols], rows, num_segments=n)

    # Layer 0: GraphConvolution -> ReLU -> Dropout (eval mode: identity)
    Hm = X @ W0.T
    Hm = spmm(Hm)
    Hm = jax.nn.relu(Hm)
    # Layer 1: GraphConvolution (logits)
    Hm = Hm @ W1.T
    Hm = spmm(Hm)
    return Hm

if __name__ == "__main__":
    import jax
    _d = setup_inputs()
    print(jax.jit(kernel)(*tuple(_d.values())))

</pallas_src>

<mosaic_0001>
#map = affine_map<(d0, d1) -> (0, 0)>
#map1 = affine_map<(d0, d1) -> (0, 0, 0)>
module attributes {stable_mosaic.version = 14 : i64} {
  func.func @_spmm_body(%arg0: i32, %arg1: i32, %arg2: memref<10000x16xf32, #tpu.memory_space<hbm>>, %arg3: memref<32x125x80xi32, #tpu.memory_space<hbm>>, %arg4: memref<32x125x80xi32, #tpu.memory_space<hbm>>, %arg5: memref<2x10000x16xf32, #tpu.memory_space<hbm>>, %arg6: memref<125x80xi32, #tpu.memory_space<vmem>>, %arg7: memref<125x80xi32, #tpu.memory_space<vmem>>, %arg8: memref<8x80x16xf32, #tpu.memory_space<vmem>>, %arg9: memref<10000x16xf32, #tpu.memory_space<vmem_shared>>, %arg10: memref<!tpu.dma_semaphore, #tpu.memory_space<semaphore_mem>>, %arg11: memref<!tpu.dma_semaphore, #tpu.memory_space<semaphore_mem>>, %arg12: memref<!tpu.dma_semaphore, #tpu.memory_space<semaphore_mem>>, %arg13: memref<!tpu.dma_semaphore, #tpu.memory_space<semaphore_mem>>, %arg14: memref<!tpu.dma_semaphore, #tpu.memory_space<semaphore_mem>>, %arg15: memref<!tpu.dma_semaphore, #tpu.memory_space<semaphore_mem>>, %arg16: memref<!tpu.dma_semaphore, #tpu.memory_space<semaphore_mem>>, %arg17: memref<!tpu.dma_semaphore, #tpu.memory_space<semaphore_mem>>, %arg18: memref<!tpu.dma_semaphore, #tpu.memory_space<semaphore_mem>>, %arg19: memref<!tpu.dma_semaphore, #tpu.memory_space<semaphore_mem>>, %arg20: memref<!tpu.dma_semaphore, #tpu.memory_space<semaphore_mem>>, %arg21: memref<!tpu.dma_semaphore, #tpu.memory_space<semaphore_mem>>, %arg22: memref<!tpu.dma_semaphore, #tpu.memory_space<semaphore_mem>>, %arg23: memref<!tpu.dma_semaphore, #tpu.memory_space<semaphore_mem>>, %arg24: memref<!tpu.dma_semaphore, #tpu.memory_space<semaphore_mem>>, %arg25: memref<!tpu.dma_semaphore, #tpu.memory_space<semaphore_mem>>) attributes {dimension_semantics = [#tpu.dimension_semantics<core_parallel>, #tpu.dimension_semantics<subcore_parallel>], iteration_bounds = array<i64: 2, 16>, scalar_prefetch = 0 : i64, scratch_operands = 20 : i64, tpu.core_type = #tpu.core_type<sc_vector_subcore>, window_params = [{transform_indices = #map}, {transform_indices = #map1}, {transform_indices = #map1}, {transform_indices = #map1}]} {
    %mul3A = arith.constant 16 : i32
    %mul3A_0 = arith.muli %arg0, %mul3A : i32
    %add3A = arith.addi %mul3A_0, %arg1 : i32
    "tpu.region"() ({
      %run_scoped3A = tpu.sem_alloc : memref<!tpu.dma_semaphore, #tpu.memory_space<semaphore_mem>>
      %dma_start3A_640 = arith.constant 0 : i32
      %dma_start3A_641 = arith.constant 0 : i32
      %dma_start3A_642 = tpu.memref_slice %arg3[%add3A, %dma_start3A_640, %dma_start3A_641] : memref<32x125x80xi32, #tpu.memory_space<hbm>> -> memref<1x125x80xi32, #tpu.memory_space<hbm>>
      %dma_start3A_643 = tpu.memref_squeeze %dma_start3A_642 : memref<1x125x80xi32, #tpu.memory_space<hbm>> -> memref<125x80xi32, #tpu.memory_space<hbm>>
      %dma_start3A_644 = arith.constant 0 : i32
      %dma_start3A_645 = arith.constant 0 : i32
      %dma_start3A_646 = tpu.memref_slice %arg3[%add3A, %dma_start3A_644, %dma_start3A_645] : memref<32x125x80xi32, #tpu.memory_space<hbm>> -> memref<1x125x80xi32, #tpu.memory_space<hbm>>
      %dma_start3A_647 = tpu.memref_squeeze %dma_start3A_646 : memref<1x125x80xi32, #tpu.memory_space<hbm>> -> memref<125x80xi32, #tpu.memory_space<hbm>>
      tpu.enqueue_dma source(%dma_start3A_647 : memref<125x80xi32, #tpu.memory_space<hbm>>) target(%arg6 : memref<125x80xi32, #tpu.memory_space<vmem>>) target_semaphore(%run_scoped3A : memref<!tpu.dma_semaphore, #tpu.memory_space<semaphore_mem>>)
      %dma_wait3A_648 = arith.constant 0 : i32
      %dma_wait3A_649 = arith.constant 0 : i32
      %dma_wait3A_650 = tpu.memref_slice %arg3[%add3A, %dma_wait3A_648, %dma_wait3A_649] : memref<32x125x80xi32, #tpu.memory_space<hbm>> -> memref<1x125x80xi32, #tpu.memory_space<hbm>>
      %dma_wait3A_651 = tpu.memref_squeeze %dma_wait3A_650 : memref<1x125x80xi32, #tpu.memory_space<hbm>> -> memref<125x80xi32, #tpu.memory_space<hbm>>
      %dma_wait3A_652 = arith.constant 0 : i32
      %dma_wait3A_653 = arith.constant 0 : i32
      %dma_wait3A_654 = tpu.memref_slice %arg3[%add3A, %dma_wait3A_652, %dma_wait3A_653] : memref<32x125x80xi32, #tpu.memory_space<hbm>> -> memref<1x125x80xi32, #tpu.memory_space<hbm>>
      %dma_wait3A_655 = tpu.memref_squeeze %dma_wait3A_654 : memref<1x125x80xi32, #tpu.memory_space<hbm>> -> memref<125x80xi32, #tpu.memory_space<hbm>>
      tpu.wait_dma2 semaphore(%run_scoped3A : memref<!tpu.dma_semaphore, #tpu.memory_space<semaphore_mem>>) src(%dma_wait3A_655 : memref<125x80xi32, #tpu.memory_space<hbm>>) dst(%arg6 : memref<125x80xi32, #tpu.memory_space<vmem>>)
      tpu.yield
    }) : () -> ()
    "tpu.region"() ({
      %run_scoped3A = tpu.sem_alloc : memref<!tpu.dma_semaphore, #tpu.memory_space<semaphore_mem>>
      %dma_start3A_640 = arith.constant 0 : i32
      %dma_start3A_641 = arith.constant 0 : i32
      %dma_start3A_642 = tpu.memref_slice %arg4[%add3A, %dma_start3A_640, %dma_start3A_641] : memref<32x125x80xi32, #tpu.memory_space<hbm>> -> memref<1x125x80xi32, #tpu.memory_space<hbm>>
      %dma_start3A_643 = tpu.memref_squeeze %dma_start3A_642 : memref<1x125x80xi32, #tpu.memory_space<hbm>> -> memref<125x80xi32, #tpu.memory_space<hbm>>
      %dma_start3A_644 = arith.constant 0 : i32
      %dma_start3A_645 = arith.constant 0 : i32
      %dma_start3A_646 = tpu.memref_slice %arg4[%add3A, %dma_start3A_644, %dma_start3A_645] : memref<32x125x80xi32, #tpu.memory_space<hbm>> -> memref<1x125x80xi32, #tpu.memory_space<hbm>>
      %dma_start3A_647 = tpu.memref_squeeze %dma_start3A_646 : memref<1x125x80xi32, #tpu.memory_space<hbm>> -> memref<125x80xi32, #tpu.memory_space<hbm>>
      tpu.enqueue_dma source(%dma_start3A_647 : memref<125x80xi32, #tpu.memory_space<hbm>>) target(%arg7 : memref<125x80xi32, #tpu.memory_space<vmem>>) target_semaphore(%run_scoped3A : memref<!tpu.dma_semaphore, #tpu.memory_space<semaphore_mem>>)
      %dma_wait3A_648 = arith.constant 0 : i32
      %dma_wait3A_649 = arith.constant 0 : i32
      %dma_wait3A_650 = tpu.memref_slice %arg4[%add3A, %dma_wait3A_648, %dma_wait3A_649] : memref<32x125x80xi32, #tpu.memory_space<hbm>> -> memref<1x125x80xi32, #tpu.memory_space<hbm>>
      %dma_wait3A_651 = tpu.memref_squeeze %dma_wait3A_650 : memref<1x125x80xi32, #tpu.memory_space<hbm>> -> memref<125x80xi32, #tpu.memory_space<hbm>>
      %dma_wait3A_652 = arith.constant 0 : i32
      %dma_wait3A_653 = arith.constant 0 : i32
      %dma_wait3A_654 = tpu.memref_slice %arg4[%add3A, %dma_wait3A_652, %dma_wait3A_653] : memref<32x125x80xi32, #tpu.memory_space<hbm>> -> memref<1x125x80xi32, #tpu.memory_space<hbm>>
      %dma_wait3A_655 = tpu.memref_squeeze %dma_wait3A_654 : memref<1x125x80xi32, #tpu.memory_space<hbm>> -> memref<125x80xi32, #tpu.memory_space<hbm>>
      tpu.wait_dma2 semaphore(%run_scoped3A : memref<!tpu.dma_semaphore, #tpu.memory_space<semaphore_mem>>) src(%dma_wait3A_655 : memref<125x80xi32, #tpu.memory_space<hbm>>) dst(%arg7 : memref<125x80xi32, #tpu.memory_space<vmem>>)
      tpu.yield
    }) : () -> ()
    %dma_start3A = arith.constant 0 : i32
    %dma_start3A_1 = arith.constant 0 : i32
    %dma_start3A_2 = arith.constant 0 : i32
    %dma_start3A_3 = arith.constant 0 : i32
    %dma_start3A_4 = tpu.memref_slice %arg8[%dma_start3A_1, %dma_start3A_2, %dma_start3A_3] : memref<8x80x16xf32, #tpu.memory_space<vmem>> -> memref<1x80x16xf32, #tpu.memory_space<vmem>>
    %dma_start3A_5 = tpu.memref_squeeze %dma_start3A_4 : memref<1x80x16xf32, #tpu.memory_space<vmem>> -> memref<80x16xf32, #tpu.memory_space<vmem>>
    %dma_start3A_6 = arith.constant 0 : i32
    %dma_start3A_7 = tpu.memref_slice %arg6[%dma_start3A, %dma_start3A_6] : memref<125x80xi32, #tpu.memory_space<vmem>> -> memref<1x80xi32, #tpu.memory_space<vmem>>
    %dma_start3A_8 = tpu.memref_squeeze %dma_start3A_7 : memref<1x80xi32, #tpu.memory_space<vmem>> -> memref<80xi32, #tpu.memory_space<vmem>>
    %dma_start3A_9 = arith.constant 0 : i32
    %dma_start3A_10 = arith.constant 0 : i32
    %dma_start3A_11 = tpu.memref_slice %arg2[%dma_start3A_9, %dma_start3A_10] : memref<10000x16xf32, #tpu.memory_space<hbm>> -> memref<10000x16xf32, #tpu.memory_space<hbm>>
    tpu.enqueue_indirect_dma source(%dma_start3A_11 : memref<10000x16xf32, #tpu.memory_space<hbm>>) target(%dma_start3A_5 : memref<80x16xf32, #tpu.memory_space<vmem>>) offsets(%dma_start3A_8 : memref<80xi32, #tpu.memory_space<vmem>>) semaphore(%arg10 : memref<!tpu.dma_semaphore, #tpu.memory_space<semaphore_mem>>)
    %dma_start3A_12 = arith.constant 1 : i32
    %dma_start3A_13 = arith.constant 1 : i32
    %dma_start3A_14 = arith.constant 0 : i32
    %dma_start3A_15 = arith.constant 0 : i32
    %dma_start3A_16 = tpu.memref_slice %arg8[%dma_start3A_13, %dma_start3A_14, %dma_start3A_15] : memref<8x80x16xf32, #tpu.memory_space<vmem>> -> memref<1x80x16xf32, #tpu.memory_space<vmem>>
    %dma_start3A_17 = tpu.memref_squeeze %dma_start3A_16 : memref<1x80x16xf32, #tpu.memory_space<vmem>> -> memref<80x16xf32, #tpu.memory_space<vmem>>
    %dma_start3A_18 = arith.constant 0 : i32
    %dma_start3A_19 = tpu.memref_slice %arg6[%dma_start3A_12, %dma_start3A_18] : memref<125x80xi32, #tpu.memory_space<vmem>> -> memref<1x80xi32, #tpu.memory_space<vmem>>
    %dma_start3A_20 = tpu.memref_squeeze %dma_start3A_19 : memref<1x80xi32, #tpu.memory_space<vmem>> -> memref<80xi32, #tpu.memory_space<vmem>>
    %dma_start3A_21 = arith.constant 0 : i32
    %dma_start3A_22 = arith.constant 0 : i32
    %dma_start3A_23 = tpu.memref_slice %arg2[%dma_start3A_21, %dma_start3A_22] : memref<10000x16xf32, #tpu.memory_space<hbm>> -> memref<10000x16xf32, #tpu.memory_space<hbm>>
    tpu.enqueue_indirect_dma source(%dma_start3A_23 : memref<10000x16xf32, #tpu.memory_space<hbm>>) target(%dma_start3A_17 : memref<80x16xf32, #tpu.memory_space<vmem>>) offsets(%dma_start3A_20 : memref<80xi32, #tpu.memory_space<vmem>>) semaphore(%arg11 : memref<!tpu.dma_semaphore, #tpu.memory_space<semaphore_mem>>)
    %dma_start3A_24 = arith.constant 2 : i32
    %dma_start3A_25 = arith.constant 2 : i32
    %dma_start3A_26 = arith.constant 0 : i32
    %dma_start3A_27 = arith.constant 0 : i32
    %dma_start3A_28 = tpu.memref_slice %arg8[%dma_start3A_25, %dma_start3A_26, %dma_start3A_27] : memref<8x80x16xf32, #tpu.memory_space<vmem>> -> memref<1x80x16xf32, #tpu.memory_space<vmem>>
    %dma_start3A_29 = tpu.memref_squeeze %dma_start3A_28 : memref<1x80x16xf32, #tpu.memory_space<vmem>> -> memref<80x16xf32, #tpu.memory_space<vmem>>
    %dma_start3A_30 = arith.constant 0 : i32
    %dma_start3A_31 = tpu.memref_slice %arg6[%dma_start3A_24, %dma_start3A_30] : memref<125x80xi32, #tpu.memory_space<vmem>> -> memref<1x80xi32, #tpu.memory_space<vmem>>
    %dma_start3A_32 = tpu.memref_squeeze %dma_start3A_31 : memref<1x80xi32, #tpu.memory_space<vmem>> -> memref<80xi32, #tpu.memory_space<vmem>>
    %dma_start3A_33 = arith.constant 0 : i32
    %dma_start3A_34 = arith.constant 0 : i32
    %dma_start3A_35 = tpu.memref_slice %arg2[%dma_start3A_33, %dma_start3A_34] : memref<10000x16xf32, #tpu.memory_space<hbm>> -> memref<10000x16xf32, #tpu.memory_space<hbm>>
    tpu.enqueue_indirect_dma source(%dma_start3A_35 : memref<10000x16xf32, #tpu.memory_space<hbm>>) target(%dma_start3A_29 : memref<80x16xf32, #tpu.memory_space<vmem>>) offsets(%dma_start3A_32 : memref<80xi32, #tpu.memory_space<vmem>>) semaphore(%arg12 : memref<!tpu.dma_semaphore, #tpu.memory_space<semaphore_mem>>)
    %dma_start3A_36 = arith.constant 3 : i32
    %dma_start3A_37 = arith.constant 3 : i32
    %dma_start3A_38 = arith.constant 0 : i32
    %dma_start3A_39 = arith.constant 0 : i32
    %dma_start3A_40 = tpu.memref_slice %arg8[%dma_start3A_37, %dma_start3A_38, %dma_start3A_39] : memref<8x80x16xf32, #tpu.memory_space<vmem>> -> memref<1x80x16xf32, #tpu.memory_space<vmem>>
    %dma_start3A_41 = tpu.memref_squeeze %dma_start3A_40 : memref<1x80x16xf32, #tpu.memory_space<vmem>> -> memref<80x16xf32, #tpu.memory_space<vmem>>
    %dma_start3A_42 = arith.constant 0 : i32
    %dma_start3A_43 = tpu.memref_slice %arg6[%dma_start3A_36, %dma_start3A_42] : memref<125x80xi32, #tpu.memory_space<vmem>> -> memref<1x80xi32, #tpu.memory_space<vmem>>
    %dma_start3A_44 = tpu.memref_squeeze %dma_start3A_43 : memref<1x80xi32, #tpu.memory_space<vmem>> -> memref<80xi32, #tpu.memory_space<vmem>>
    %dma_start3A_45 = arith.constant 0 : i32
    %dma_start3A_46 = arith.constant 0 : i32
    %dma_start3A_47 = tpu.memref_slice %arg2[%dma_start3A_45, %dma_start3A_46] : memref<10000x16xf32, #tpu.memory_space<hbm>> -> memref<10000x16xf32, #tpu.memory_space<hbm>>
    tpu.enqueue_indirect_dma source(%dma_start3A_47 : memref<10000x16xf32, #tpu.memory_space<hbm>>) target(%dma_start3A_41 : memref<80x16xf32, #tpu.memory_space<vmem>>) offsets(%dma_start3A_44 : memref<80xi32, #tpu.memory_space<vmem>>) semaphore(%arg13 : memref<!tpu.dma_semaphore, #tpu.memory_space<semaphore_mem>>)
    %mul3A_48 = arith.constant 624 : i32
    %mul3A_49 = arith.muli %arg1, %mul3A_48 : i32
    "tpu.region"() ({
      %run_scoped3A = tpu.sem_alloc : memref<!tpu.dma_semaphore, #tpu.memory_space<semaphore_mem>>
      %dma_start3A_640 = arith.constant 0 : i32
      %dma_start3A_641 = tpu.memref_slice %arg9[%mul3A_49, %dma_start3A_640] : memref<10000x16xf32, #tpu.memory_space<vmem_shared>> -> memref<624x16xf32, #tpu.memory_space<vmem_shared>>
      %dma_start3A_642 = arith.constant 0 : i32
      %dma_start3A_643 = tpu.memref_slice %arg2[%mul3A_49, %dma_start3A_642] : memref<10000x16xf32, #tpu.memory_space<hbm>> -> memref<624x16xf32, #tpu.memory_space<hbm>>
      tpu.enqueue_dma source(%dma_start3A_643 : memref<624x16xf32, #tpu.memory_space<hbm>>) target(%dma_start3A_641 : memref<624x16xf32, #tpu.memory_space<vmem_shared>>) target_semaphore(%run_scoped3A : memref<!tpu.dma_semaphore, #tpu.memory_space<semaphore_mem>>)
      %dma_wait3A_644 = arith.constant 0 : i32
      %dma_wait3A_645 = tpu.memref_slice %arg9[%mul3A_49, %dma_wait3A_644] : memref<10000x16xf32, #tpu.memory_space<vmem_shared>> -> memref<624x16xf32, #tpu.memory_space<vmem_shared>>
      %dma_wait3A_646 = arith.constant 0 : i32
      %dma_wait3A_647 = tpu.memref_slice %arg2[%mul3A_49, %dma_wait3A_646] : memref<10000x16xf32, #tpu.memory_space<hbm>> -> memref<624x16xf32, #tpu.memory_space<hbm>>
      tpu.wait_dma2 semaphore(%run_scoped3A : memref<!tpu.dma_semaphore, #tpu.memory_space<semaphore_mem>>) src(%dma_wait3A_647 : memref<624x16xf32, #tpu.memory_space<hbm>>) dst(%dma_wait3A_645 : memref<624x16xf32, #tpu.memory_space<vmem_shared>>)
      tpu.yield
    }) : () -> ()
    %eq3A = arith.constant 15 : i32
    %eq3A_50 = arith.cmpi eq, %arg1, %eq3A : i32
    %convert_element_type3A = arith.extui %eq3A_50 : i1 to i32
    %cond3A = arith.constant 0 : i32
    %cond3A_51 = arith.cmpi ne, %convert_element_type3A, %cond3A : i32
    scf.if %cond3A_51 {
      "tpu.region"() ({
        %run_scoped3A = tpu.sem_alloc : memref<!tpu.dma_semaphore, #tpu.memory_space<semaphore_mem>>
        %dma_start3A_640 = arith.constant 9984 : i32
        %dma_start3A_641 = arith.constant 0 : i32
        %dma_start3A_642 = tpu.memref_slice %arg9[%dma_start3A_640, %dma_start3A_641] : memref<10000x16xf32, #tpu.memory_space<vmem_shared>> -> memref<16x16xf32, #tpu.memory_space<vmem_shared>>
        %dma_start3A_643 = arith.constant 9984 : i32
        %dma_start3A_644 = arith.constant 0 : i32
        %dma_start3A_645 = tpu.memref_slice %arg2[%dma_start3A_643, %dma_start3A_644] : memref<10000x16xf32, #tpu.memory_space<hbm>> -> memref<16x16xf32, #tpu.memory_space<hbm>>
        tpu.enqueue_dma source(%dma_start3A_645 : memref<16x16xf32, #tpu.memory_space<hbm>>) target(%dma_start3A_642 : memref<16x16xf32, #tpu.memory_space<vmem_shared>>) target_semaphore(%run_scoped3A : memref<!tpu.dma_semaphore, #tpu.memory_space<semaphore_mem>>)
        %dma_wait3A_646 = arith.constant 9984 : i32
        %dma_wait3A_647 = arith.constant 0 : i32
        %dma_wait3A_648 = tpu.memref_slice %arg9[%dma_wait3A_646, %dma_wait3A_647] : memref<10000x16xf32, #tpu.memory_space<vmem_shared>> -> memref<16x16xf32, #tpu.memory_space<vmem_shared>>
        %dma_wait3A_649 = arith.constant 9984 : i32
        %dma_wait3A_650 = arith.constant 0 : i32
        %dma_wait3A_651 = tpu.memref_slice %arg2[%dma_wait3A_649, %dma_wait3A_650] : memref<10000x16xf32, #tpu.memory_space<hbm>> -> memref<16x16xf32, #tpu.memory_space<hbm>>
        tpu.wait_dma2 semaphore(%run_scoped3A : memref<!tpu.dma_semaphore, #tpu.memory_space<semaphore_mem>>) src(%dma_wait3A_651 : memref<16x16xf32, #tpu.memory_space<hbm>>) dst(%dma_wait3A_648 : memref<16x16xf32, #tpu.memory_space<vmem_shared>>)
        tpu.yield
      }) : () -> ()
    } else {
    }
    %barrier3A = arith.constant 0 : index
    tpu.barrier barrier_id(%barrier3A)
    %scan3A = arith.constant 0 : i32
    %scan3A_52 = arith.constant 0 : i32
    %scan3A_53 = arith.constant 14 : i32
    %scan3A_54 = arith.addi %scan3A_52, %scan3A_53 : i32
    %scan3A_55 = arith.constant 1 : i32
    scf.for %scan3A_640 = %scan3A_52 to %scan3A_54 step %scan3A_55  : i32 {
      %mul3A_641 = arith.constant 8 : i32
      %mul3A_642 = arith.muli %mul3A_641, %scan3A_640 : i32
      %add3A_643 = arith.constant 4 : i32
      %add3A_644 = arith.addi %mul3A_642, %add3A_643 : i32
      %add3A_645 = arith.constant 0 : i32
      %add3A_646 = arith.addi %add3A_644, %add3A_645 : i32
      %dma_start3A_647 = arith.constant 4 : i32
      %dma_start3A_648 = arith.constant 0 : i32
      %dma_start3A_649 = arith.constant 0 : i32
      %dma_start3A_650 = tpu.memref_slice %arg8[%dma_start3A_647, %dma_start3A_648, %dma_start3A_649] : memref<8x80x16xf32, #tpu.memory_space<vmem>> -> memref<1x80x16xf32, #tpu.memory_space<vmem>>
      %dma_start3A_651 = tpu.memref_squeeze %dma_start3A_650 : memref<1x80x16xf32, #tpu.memory_space<vmem>> -> memref<80x16xf32, #tpu.memory_space<vmem>>
      %dma_start3A_652 = arith.constant 0 : i32
      %dma_start3A_653 = tpu.memref_slice %arg6[%add3A_646, %dma_start3A_652] : memref<125x80xi32, #tpu.memory_space<vmem>> -> memref<1x80xi32, #tpu.memory_space<vmem>>
      %dma_start3A_654 = tpu.memref_squeeze %dma_start3A_653 : memref<1x80xi32, #tpu.memory_space<vmem>> -> memref<80xi32, #tpu.memory_space<vmem>>
      %dma_start3A_655 = arith.constant 0 : i32
      %dma_start3A_656 = arith.constant 0 : i32
      %dma_start3A_657 = tpu.memref_slice %arg2[%dma_start3A_655, %dma_start3A_656] : memref<10000x16xf32, #tpu.memory_space<hbm>> -> memref<10000x16xf32, #tpu.memory_space<hbm>>
      tpu.enqueue_indirect_dma source(%dma_start3A_657 : memref<10000x16xf32, #tpu.memory_space<hbm>>) target(%dma_start3A_651 : memref<80x16xf32, #tpu.memory_space<vmem>>) offsets(%dma_start3A_654 : memref<80xi32, #tpu.memory_space<vmem>>) semaphore(%arg14 : memref<!tpu.dma_semaphore, #tpu.memory_space<semaphore_mem>>)
      %add3A_658 = arith.constant 4 : i32
      %add3A_659 = arith.addi %mul3A_642, %add3A_658 : i32
      %add3A_660 = arith.constant 1 : i32
      %add3A_661 = arith.addi %add3A_659, %add3A_660 : i32
      %dma_start3A_662 = arith.constant 5 : i32
      %dma_start3A_663 = arith.constant 0 : i32
      %dma_start3A_664 = arith.constant 0 : i32
      %dma_start3A_665 = tpu.memref_slice %arg8[%dma_start3A_662, %dma_start3A_663, %dma_start3A_664] : memref<8x80x16xf32, #tpu.memory_space<vmem>> -> memref<1x80x16xf32, #tpu.memory_space<vmem>>
      %dma_start3A_666 = tpu.memref_squeeze %dma_start3A_665 : memref<1x80x16xf32, #tpu.memory_space<vmem>> -> memref<80x16xf32, #tpu.memory_space<vmem>>
      %dma_start3A_667 = arith.constant 0 : i32
      %dma_start3A_668 = tpu.memref_slice %arg6[%add3A_661, %dma_start3A_667] : memref<125x80xi32, #tpu.memory_space<vmem>> -> memref<1x80xi32, #tpu.memory_space<vmem>>
      %dma_start3A_669 = tpu.memref_squeeze %dma_start3A_668 : memref<1x80xi32, #tpu.memory_space<vmem>> -> memref<80xi32, #tpu.memory_space<vmem>>
      %dma_start3A_670 = arith.constant 0 : i32
      %dma_start3A_671 = arith.constant 0 : i32
      %dma_start3A_672 = tpu.memref_slice %arg2[%dma_start3A_670, %dma_start3A_671] : memref<10000x16xf32, #tpu.memory_space<hbm>> -> memref<10000x16xf32, #tpu.memory_space<hbm>>
      tpu.enqueue_indirect_dma source(%dma_start3A_672 : memref<10000x16xf32, #tpu.memory_space<hbm>>) target(%dma_start3A_666 : memref<80x16xf32, #tpu.memory_space<vmem>>) offsets(%dma_start3A_669 : memref<80xi32, #tpu.memory_space<vmem>>) semaphore(%arg15 : memref<!tpu.dma_semaphore, #tpu.memory_space<semaphore_mem>>)
      %add3A_673 = arith.constant 4 : i32
      %add3A_674 = arith.addi %mul3A_642, %add3A_673 : i32
      %add3A_675 = arith.constant 2 : i32
      %add3A_676 = arith.addi %add3A_674, %add3A_675 : i32
      %dma_start3A_677 = arith.constant 6 : i32
      %dma_start3A_678 = arith.constant 0 : i32
      %dma_start3A_679 = arith.constant 0 : i32
      %dma_start3A_680 = tpu.memref_slice %arg8[%dma_start3A_677, %dma_start3A_678, %dma_start3A_679] : memref<8x80x16xf32, #tpu.memory_space<vmem>> -> memref<1x80x16xf32, #tpu.memory_space<vmem>>
      %dma_start3A_681 = tpu.memref_squeeze %dma_start3A_680 : memref<1x80x16xf32, #tpu.memory_space<vmem>> -> memref<80x16xf32, #tpu.memory_space<vmem>>
      %dma_start3A_682 = arith.constant 0 : i32
      %dma_start3A_683 = tpu.memref_slice %arg6[%add3A_676, %dma_start3A_682] : memref<125x80xi32, #tpu.memory_space<vmem>> -> memref<1x80xi32, #tpu.memory_space<vmem>>
      %dma_start3A_684 = tpu.memref_squeeze %dma_start3A_683 : memref<1x80xi32, #tpu.memory_space<vmem>> -> memref<80xi32, #tpu.memory_space<vmem>>
      %dma_start3A_685 = arith.constant 0 : i32
      %dma_start3A_686 = arith.constant 0 : i32
      %dma_start3A_687 = tpu.memref_slice %arg2[%dma_start3A_685, %dma_start3A_686] : memref<10000x16xf32, #tpu.memory_space<hbm>> -> memref<10000x16xf32, #tpu.memory_space<hbm>>
      tpu.enqueue_indirect_dma source(%dma_start3A_687 : memref<10000x16xf32, #tpu.memory_space<hbm>>) target(%dma_start3A_681 : memref<80x16xf32, #tpu.memory_space<vmem>>) offsets(%dma_start3A_684 : memref<80xi32, #tpu.memory_space<vmem>>) semaphore(%arg16 : memref<!tpu.dma_semaphore, #tpu.memory_space<semaphore_mem>>)
      %add3A_688 = arith.constant 4 : i32
      %add3A_689 = arith.addi %mul3A_642, %add3A_688 : i32
      %add3A_690 = arith.constant 3 : i32
      %add3A_691 = arith.addi %add3A_689, %add3A_690 : i32
      %dma_start3A_692 = arith.constant 7 : i32
      %dma_start3A_693 = arith.constant 0 : i32
      %dma_start3A_694 = arith.constant 0 : i32
      %dma_start3A_695 = tpu.memref_slice %arg8[%dma_start3A_692, %dma_start3A_693, %dma_start3A_694] : memref<8x80x16xf32, #tpu.memory_space<vmem>> -> memref<1x80x16xf32, #tpu.memory_space<vmem>>
      %dma_start3A_696 = tpu.memref_squeeze %dma_start3A_695 : memref<1x80x16xf32, #tpu.memory_space<vmem>> -> memref<80x16xf32, #tpu.memory_space<vmem>>
      %dma_start3A_697 = arith.constant 0 : i32
      %dma_start3A_698 = tpu.memref_slice %arg6[%add3A_691, %dma_start3A_697] : memref<125x80xi32, #tpu.memory_space<vmem>> -> memref<1x80xi32, #tpu.memory_space<vmem>>
      %dma_start3A_699 = tpu.memref_squeeze %dma_start3A_698 : memref<1x80xi32, #tpu.memory_space<vmem>> -> memref<80xi32, #tpu.memory_space<vmem>>
      %dma_start3A_700 = arith.constant 0 : i32
      %dma_start3A_701 = arith.constant 0 : i32
      %dma_start3A_702 = tpu.memref_slice %arg2[%dma_start3A_700, %dma_start3A_701] : memref<10000x16xf32, #tpu.memory_space<hbm>> -> memref<10000x16xf32, #tpu.memory_space<hbm>>
      tpu.enqueue_indirect_dma source(%dma_start3A_702 : memref<10000x16xf32, #tpu.memory_space<hbm>>) target(%dma_start3A_696 : memref<80x16xf32, #tpu.memory_space<vmem>>) offsets(%dma_start3A_699 : memref<80xi32, #tpu.memory_space<vmem>>) semaphore(%arg17 : memref<!tpu.dma_semaphore, #tpu.memory_space<semaphore_mem>>)
      %add3A_703 = arith.constant 0 : i32
      %add3A_704 = arith.addi %mul3A_642, %add3A_703 : i32
      %add3A_705 = arith.constant 1 : i32
      %add3A_706 = arith.addi %mul3A_642, %add3A_705 : i32
      %add3A_707 = arith.constant 2 : i32
      %add3A_708 = arith.addi %mul3A_642, %add3A_707 : i32
      %add3A_709 = arith.constant 3 : i32
      %add3A_710 = arith.addi %mul3A_642, %add3A_709 : i32
      %dma_wait3A_711 = arith.constant 0 : i32
      %dma_wait3A_712 = arith.constant 0 : i32
      %dma_wait3A_713 = arith.constant 0 : i32
      %dma_wait3A_714 = tpu.memref_slice %arg8[%dma_wait3A_711, %dma_wait3A_712, %dma_wait3A_713] : memref<8x80x16xf32, #tpu.memory_space<vmem>> -> memref<1x80x16xf32, #tpu.memory_space<vmem>>
      %dma_wait3A_715 = tpu.memref_squeeze %dma_wait3A_714 : memref<1x80x16xf32, #tpu.memory_space<vmem>> -> memref<80x16xf32, #tpu.memory_space<vmem>>
      %dma_wait3A_716 = arith.constant 0 : i32
      %dma_wait3A_717 = tpu.memref_slice %arg6[%add3A_704, %dma_wait3A_716] : memref<125x80xi32, #tpu.memory_space<vmem>> -> memref<1x80xi32, #tpu.memory_space<vmem>>
      %dma_wait3A_718 = tpu.memref_squeeze %dma_wait3A_717 : memref<1x80xi32, #tpu.memory_space<vmem>> -> memref<80xi32, #tpu.memory_space<vmem>>
      %dma_wait3A_719 = arith.constant 0 : i32
      %dma_wait3A_720 = arith.constant 0 : i32
      %dma_wait3A_721 = tpu.memref_slice %arg2[%dma_wait3A_719, %dma_wait3A_720] : memref<10000x16xf32, #tpu.memory_space<hbm>> -> memref<10000x16xf32, #tpu.memory_space<hbm>>
      tpu.wait_indirect_dma semaphore(%arg10 : memref<!tpu.dma_semaphore, #tpu.memory_space<semaphore_mem>>) src(%dma_wait3A_721 : memref<10000x16xf32, #tpu.memory_space<hbm>>) dst(%dma_wait3A_715 : memref<80x16xf32, #tpu.memory_space<vmem>>)
      %dma_start3A_722 = arith.constant 0 : i32
      %dma_start3A_723 = arith.constant 0 : i32
      %dma_start3A_724 = arith.constant 0 : i32
      %dma_start3A_725 = tpu.memref_slice %arg8[%dma_start3A_722, %dma_start3A_723, %dma_start3A_724] : memref<8x80x16xf32, #tpu.memory_space<vmem>> -> memref<1x80x16xf32, #tpu.memory_space<vmem>>
      %dma_start3A_726 = tpu.memref_squeeze %dma_start3A_725 : memref<1x80x16xf32, #tpu.memory_space<vmem>> -> memref<80x16xf32, #tpu.memory_space<vmem>>
      %dma_start3A_727 = arith.constant 0 : i32
      %dma_start3A_728 = tpu.memref_slice %arg7[%add3A_704, %dma_start3A_727] : memref<125x80xi32, #tpu.memory_space<vmem>> -> memref<1x80xi32, #tpu.memory_space<vmem>>
      %dma_start3A_729 = tpu.memref_squeeze %dma_start3A_728 : memref<1x80xi32, #tpu.memory_space<vmem>> -> memref<80xi32, #tpu.memory_space<vmem>>
      %dma_start3A_730 = arith.constant 0 : i32
      %dma_start3A_731 = arith.constant 0 : i32
      %dma_start3A_732 = tpu.memref_slice %arg9[%dma_start3A_730, %dma_start3A_731] : memref<10000x16xf32, #tpu.memory_space<vmem_shared>> -> memref<10000x16xf32, #tpu.memory_space<vmem_shared>>
      tpu.enqueue_indirect_dma source(%dma_start3A_726 : memref<80x16xf32, #tpu.memory_space<vmem>>) target(%dma_start3A_732 : memref<10000x16xf32, #tpu.memory_space<vmem_shared>>) offsets(%dma_start3A_729 : memref<80xi32, #tpu.memory_space<vmem>>) semaphore(%arg18 : memref<!tpu.dma_semaphore, #tpu.memory_space<semaphore_mem>>) {add = true}
      %dma_wait3A_733 = arith.constant 1 : i32
      %dma_wait3A_734 = arith.constant 0 : i32
      %dma_wait3A_735 = arith.constant 0 : i32
      %dma_wait3A_736 = tpu.memref_slice %arg8[%dma_wait3A_733, %dma_wait3A_734, %dma_wait3A_735] : memref<8x80x16xf32, #tpu.memory_space<vmem>> -> memref<1x80x16xf32, #tpu.memory_space<vmem>>
      %dma_wait3A_737 = tpu.memref_squeeze %dma_wait3A_736 : memref<1x80x16xf32, #tpu.memory_space<vmem>> -> memref<80x16xf32, #tpu.memory_space<vmem>>
      %dma_wait3A_738 = arith.constant 0 : i32
      %dma_wait3A_739 = tpu.memref_slice %arg6[%add3A_706, %dma_wait3A_738] : memref<125x80xi32, #tpu.memory_space<vmem>> -> memref<1x80xi32, #tpu.memory_space<vmem>>
      %dma_wait3A_740 = tpu.memref_squeeze %dma_wait3A_739 : memref<1x80xi32, #tpu.memory_space<vmem>> -> memref<80xi32, #tpu.memory_space<vmem>>
      %dma_wait3A_741 = arith.constant 0 : i32
      %dma_wait3A_742 = arith.constant 0 : i32
      %dma_wait3A_743 = tpu.memref_slice %arg2[%dma_wait3A_741, %dma_wait3A_742] : memref<10000x16xf32, #tpu.memory_space<hbm>> -> memref<10000x16xf32, #tpu.memory_space<hbm>>
      tpu.wait_indirect_dma semaphore(%arg11 : memref<!tpu.dma_semaphore, #tpu.memory_space<semaphore_mem>>) src(%dma_wait3A_743 : memref<10000x16xf32, #tpu.memory_space<hbm>>) dst(%dma_wait3A_737 : memref<80x16xf32, #tpu.memory_space<vmem>>)
      %dma_start3A_744 = arith.constant 1 : i32
      %dma_start3A_745 = arith.constant 0 : i32
      %dma_start3A_746 = arith.constant 0 : i32
      %dma_start3A_747 = tpu.memref_slice %arg8[%dma_start3A_744, %dma_start3A_745, %dma_start3A_746] : memref<8x80x16xf32, #tpu.memory_space<vmem>> -> memref<1x80x16xf32, #tpu.memory_space<vmem>>
      %dma_start3A_748 = tpu.memref_squeeze %dma_start3A_747 : memref<1x80x16xf32, #tpu.memory_space<vmem>> -> memref<80x16xf32, #tpu.memory_space<vmem>>
      %dma_start3A_749 = arith.constant 0 : i32
      %dma_start3A_750 = tpu.memref_slice %arg7[%add3A_706, %dma_start3A_749] : memref<125x80xi32, #tpu.memory_space<vmem>> -> memref<1x80xi32, #tpu.memory_space<vmem>>
      %dma_start3A_751 = tpu.memref_squeeze %dma_start3A_750 : memref<1x80xi32, #tpu.memory_space<vmem>> -> memref<80xi32, #tpu.memory_space<vmem>>
      %dma_start3A_752 = arith.constant 0 : i32
      %dma_start3A_753 = arith.constant 0 : i32
      %dma_start3A_754 = tpu.memref_slice %arg9[%dma_start3A_752, %dma_start3A_753] : memref<10000x16xf32, #tpu.memory_space<vmem_shared>> -> memref<10000x16xf32, #tpu.memory_space<vmem_shared>>
      tpu.enqueue_indirect_dma source(%dma_start3A_748 : memref<80x16xf32, #tpu.memory_space<vmem>>) target(%dma_start3A_754 : memref<10000x16xf32, #tpu.memory_space<vmem_shared>>) offsets(%dma_start3A_751 : memref<80xi32, #tpu.memory_space<vmem>>) semaphore(%arg19 : memref<!tpu.dma_semaphore, #tpu.memory_space<semaphore_mem>>) {add = true}
      %dma_wait3A_755 = arith.constant 2 : i32
      %dma_wait3A_756 = arith.constant 0 : i32
      %dma_wait3A_757 = arith.constant 0 : i32
      %dma_wait3A_758 = tpu.memref_slice %arg8[%dma_wait3A_755, %dma_wait3A_756, %dma_wait3A_757] : memref<8x80x16xf32, #tpu.memory_space<vmem>> -> memref<1x80x16xf32, #tpu.memory_space<vmem>>
      %dma_wait3A_759 = tpu.memref_squeeze %dma_wait3A_758 : memref<1x80x16xf32, #tpu.memory_space<vmem>> -> memref<80x16xf32, #tpu.memory_space<vmem>>
      %dma_wait3A_760 = arith.constant 0 : i32
      %dma_wait3A_761 = tpu.memref_slice %arg6[%add3A_708, %dma_wait3A_760] : memref<125x80xi32, #tpu.memory_space<vmem>> -> memref<1x80xi32, #tpu.memory_space<vmem>>
      %dma_wait3A_762 = tpu.memref_squeeze %dma_wait3A_761 : memref<1x80xi32, #tpu.memory_space<vmem>> -> memref<80xi32, #tpu.memory_space<vmem>>
      %dma_wait3A_763 = arith.constant 0 : i32
      %dma_wait3A_764 = arith.constant 0 : i32
      %dma_wait3A_765 = tpu.memref_slice %arg2[%dma_wait3A_763, %dma_wait3A_764] : memref<10000x16xf32, #tpu.memory_space<hbm>> -> memref<10000x16xf32, #tpu.memory_space<hbm>>
      tpu.wait_indirect_dma semaphore(%arg12 : memref<!tpu.dma_semaphore, #tpu.memory_space<semaphore_mem>>) src(%dma_wait3A_765 : memref<10000x16xf32, #tpu.memory_space<hbm>>) dst(%dma_wait3A_759 : memref<80x16xf32, #tpu.memory_space<vmem>>)
      %dma_start3A_766 = arith.constant 2 : i32
      %dma_start3A_767 = arith.constant 0 : i32
      %dma_start3A_768 = arith.constant 0 : i32
      %dma_start3A_769 = tpu.memref_slice %arg8[%dma_start3A_766, %dma_start3A_767, %dma_start3A_768] : memref<8x80x16xf32, #tpu.memory_space<vmem>> -> memref<1x80x16xf32, #tpu.memory_space<vmem>>
      %dma_start3A_770 = tpu.memref_squeeze %dma_start3A_769 : memref<1x80x16xf32, #tpu.memory_space<vmem>> -> memref<80x16xf32, #tpu.memory_space<vmem>>
      %dma_start3A_771 = arith.constant 0 : i32
      %dma_start3A_772 = tpu.memref_slice %arg7[%add3A_708, %dma_start3A_771] : memref<125x80xi32, #tpu.memory_space<vmem>> -> memref<1x80xi32, #tpu.memory_space<vmem>>
      %dma_start3A_773 = tpu.memref_squeeze %dma_start3A_772 : memref<1x80xi32, #tpu.memory_space<vmem>> -> memref<80xi32, #tpu.memory_space<vmem>>
      %dma_start3A_774 = arith.constant 0 : i32
      %dma_start3A_775 = arith.constant 0 : i32
      %dma_start3A_776 = tpu.memref_slice %arg9[%dma_start3A_774, %dma_start3A_775] : memref<10000x16xf32, #tpu.memory_space<vmem_shared>> -> memref<10000x16xf32, #tpu.memory_space<vmem_shared>>
      tpu.enqueue_indirect_dma source(%dma_start3A_770 : memref<80x16xf32, #tpu.memory_space<vmem>>) target(%dma_start3A_776 : memref<10000x16xf32, #tpu.memory_space<vmem_shared>>) offsets(%dma_start3A_773 : memref<80xi32, #tpu.memory_space<vmem>>) semaphore(%arg20 : memref<!tpu.dma_semaphore, #tpu.memory_space<semaphore_mem>>) {add = true}
      %dma_wait3A_777 = arith.constant 3 : i32
      %dma_wait3A_778 = arith.constant 0 : i32
      %dma_wait3A_779 = arith.constant 0 : i32
      %dma_wait3A_780 = tpu.memref_slice %arg8[%dma_wait3A_777, %dma_wait3A_778, %dma_wait3A_779] : memref<8x80x16xf32, #tpu.memory_space<vmem>> -> memref<1x80x16xf32, #tpu.memory_space<vmem>>
      %dma_wait3A_781 = tpu.memref_squeeze %dma_wait3A_780 : memref<1x80x16xf32, #tpu.memory_space<vmem>> -> memref<80x16xf32, #tpu.memory_space<vmem>>
      %dma_wait3A_782 = arith.constant 0 : i32
      %dma_wait3A_783 = tpu.memref_slice %arg6[%add3A_710, %dma_wait3A_782] : memref<125x80xi32, #tpu.memory_space<vmem>> -> memref<1x80xi32, #tpu.memory_space<vmem>>
      %dma_wait3A_784 = tpu.memref_squeeze %dma_wait3A_783 : memref<1x80xi32, #tpu.memory_space<vmem>> -> memref<80xi32, #tpu.memory_space<vmem>>
      %dma_wait3A_785 = arith.constant 0 : i32
      %dma_wait3A_786 = arith.constant 0 : i32
      %dma_wait3A_787 = tpu.memref_slice %arg2[%dma_wait3A_785, %dma_wait3A_786] : memref<10000x16xf32, #tpu.memory_space<hbm>> -> memref<10000x16xf32, #tpu.memory_space<hbm>>
      tpu.wait_indirect_dma semaphore(%arg13 : memref<!tpu.dma_semaphore, #tpu.memory_space<semaphore_mem>>) src(%dma_wait3A_787 : memref<10000x16xf32, #tpu.memory_space<hbm>>) dst(%dma_wait3A_781 : memref<80x16xf32, #tpu.memory_space<vmem>>)
      %dma_start3A_788 = arith.constant 3 : i32
      %dma_start3A_789 = arith.constant 0 : i32
      %dma_start3A_790 = arith.constant 0 : i32
      %dma_start3A_791 = tpu.memref_slice %arg8[%dma_start3A_788, %dma_start3A_789, %dma_start3A_790] : memref<8x80x16xf32, #tpu.memory_space<vmem>> -> memref<1x80x16xf32, #tpu.memory_space<vmem>>
      %dma_start3A_792 = tpu.memref_squeeze %dma_start3A_791 : memref<1x80x16xf32, #tpu.memory_space<vmem>> -> memref<80x16xf32, #tpu.memory_space<vmem>>
      %dma_start3A_793 = arith.constant 0 : i32
      %dma_start3A_794 = tpu.memref_slice %arg7[%add3A_710, %dma_start3A_793] : memref<125x80xi32, #tpu.memory_space<vmem>> -> memref<1x80xi32, #tpu.memory_space<vmem>>
      %dma_start3A_795 = tpu.memref_squeeze %dma_start3A_794 : memref<1x80xi32, #tpu.memory_space<vmem>> -> memref<80xi32, #tpu.memory_space<vmem>>
      %dma_start3A_796 = arith.constant 0 : i32
      %dma_start3A_797 = arith.constant 0 : i32
      %dma_start3A_798 = tpu.memref_slice %arg9[%dma_start3A_796, %dma_start3A_797] : memref<10000x16xf32, #tpu.memory_space<vmem_shared>> -> memref<10000x16xf32, #tpu.memory_space<vmem_shared>>
      tpu.enqueue_indirect_dma source(%dma_start3A_792 : memref<80x16xf32, #tpu.memory_space<vmem>>) target(%dma_start3A_798 : memref<10000x16xf32, #tpu.memory_space<vmem_shared>>) offsets(%dma_start3A_795 : memref<80xi32, #tpu.memory_space<vmem>>) semaphore(%arg21 : memref<!tpu.dma_semaphore, #tpu.memory_space<semaphore_mem>>) {add = true}
      %dma_wait3A_799 = arith.constant 0 : i32
      %dma_wait3A_800 = arith.constant 0 : i32
      %dma_wait3A_801 = arith.constant 0 : i32
      %dma_wait3A_802 = tpu.memref_slice %arg8[%dma_wait3A_799, %dma_wait3A_800, %dma_wait3A_801] : memref<8x80x16xf32, #tpu.memory_space<vmem>> -> memref<1x80x16xf32, #tpu.memory_space<vmem>>
      %dma_wait3A_803 = tpu.memref_squeeze %dma_wait3A_802 : memref<1x80x16xf32, #tpu.memory_space<vmem>> -> memref<80x16xf32, #tpu.memory_space<vmem>>
      %dma_wait3A_804 = arith.constant 0 : i32
      %dma_wait3A_805 = tpu.memref_slice %arg7[%add3A_704, %dma_wait3A_804] : memref<125x80xi32, #tpu.memory_space<vmem>> -> memref<1x80xi32, #tpu.memory_space<vmem>>
      %dma_wait3A_806 = tpu.memref_squeeze %dma_wait3A_805 : memref<1x80xi32, #tpu.memory_space<vmem>> -> memref<80xi32, #tpu.memory_space<vmem>>
      %dma_wait3A_807 = arith.constant 0 : i32
      %dma_wait3A_808 = arith.constant 0 : i32
      %dma_wait3A_809 = tpu.memref_slice %arg9[%dma_wait3A_807, %dma_wait3A_808] : memref<10000x16xf32, #tpu.memory_space<vmem_shared>> -> memref<10000x16xf32, #tpu.memory_space<vmem_shared>>
      tpu.wait_indirect_dma semaphore(%arg18 : memref<!tpu.dma_semaphore, #tpu.memory_space<semaphore_mem>>) src(%dma_wait3A_803 : memref<80x16xf32, #tpu.memory_space<vmem>>) dst(%dma_wait3A_809 : memref<10000x16xf32, #tpu.memory_space<vmem_shared>>)
      %dma_wait3A_810 = arith.constant 1 : i32
      %dma_wait3A_811 = arith.constant 0 : i32
      %dma_wait3A_812 = arith.constant 0 : i32
      %dma_wait3A_813 = tpu.memref_slice %arg8[%dma_wait3A_810, %dma_wait3A_811, %dma_wait3A_812] : memref<8x80x16xf32, #tpu.memory_space<vmem>> -> memref<1x80x16xf32, #tpu.memory_space<vmem>>
      %dma_wait3A_814 = tpu.memref_squeeze %dma_wait3A_813 : memref<1x80x16xf32, #tpu.memory_space<vmem>> -> memref<80x16xf32, #tpu.memory_space<vmem>>
      %dma_wait3A_815 = arith.constant 0 : i32
      %dma_wait3A_816 = tpu.memref_slice %arg7[%add3A_706, %dma_wait3A_815] : memref<125x80xi32, #tpu.memory_space<vmem>> -> memref<1x80xi32, #tpu.memory_space<vmem>>
      %dma_wait3A_817 = tpu.memref_squeeze %dma_wait3A_816 : memref<1x80xi32, #tpu.memory_space<vmem>> -> memref<80xi32, #tpu.memory_space<vmem>>
      %dma_wait3A_818 = arith.constant 0 : i32
      %dma_wait3A_819 = arith.constant 0 : i32
      %dma_wait3A_820 = tpu.memref_slice %arg9[%dma_wait3A_818, %dma_wait3A_819] : memref<10000x16xf32, #tpu.memory_space<vmem_shared>> -> memref<10000x16xf32, #tpu.memory_space<vmem_shared>>
      tpu.wait_indirect_dma semaphore(%arg19 : memref<!tpu.dma_semaphore, #tpu.memory_space<semaphore_mem>>) src(%dma_wait3A_814 : memref<80x16xf32, #tpu.memory_space<vmem>>) dst(%dma_wait3A_820 : memref<10000x16xf32, #tpu.memory_space<vmem_shared>>)
      %dma_wait3A_821 = arith.constant 2 : i32
      %dma_wait3A_822 = arith.constant 0 : i32
      %dma_wait3A_823 = arith.constant 0 : i32
      %dma_wait3A_824 = tpu.memref_slice %arg8[%dma_wait3A_821, %dma_wait3A_822, %dma_wait3A_823] : memref<8x80x16xf32, #tpu.memory_space<vmem>> -> memref<1x80x16xf32, #tpu.memory_space<vmem>>
      %dma_wait3A_825 = tpu.memref_squeeze %dma_wait3A_824 : memref<1x80x16xf32, #tpu.memory_space<vmem>> -> memref<80x16xf32, #tpu.memory_space<vmem>>
      %dma_wait3A_826 = arith.constant 0 : i32
      %dma_wait3A_827 = tpu.memref_slice %arg7[%add3A_708, %dma_wait3A_826] : memref<125x80xi32, #tpu.memory_space<vmem>> -> memref<1x80xi32, #tpu.memory_space<vmem>>
      %dma_wait3A_828 = tpu.memref_squeeze %dma_wait3A_827 : memref<1x80xi32, #tpu.memory_space<vmem>> -> memref<80xi32, #tpu.memory_space<vmem>>
      %dma_wait3A_829 = arith.constant 0 : i32
      %dma_wait3A_830 = arith.constant 0 : i32
      %dma_wait3A_831 = tpu.memref_slice %arg9[%dma_wait3A_829, %dma_wait3A_830] : memref<10000x16xf32, #tpu.memory_space<vmem_shared>> -> memref<10000x16xf32, #tpu.memory_space<vmem_shared>>
      tpu.wait_indirect_dma semaphore(%arg20 : memref<!tpu.dma_semaphore, #tpu.memory_space<semaphore_mem>>) src(%dma_wait3A_825 : memref<80x16xf32, #tpu.memory_space<vmem>>) dst(%dma_wait3A_831 : memref<10000x16xf32, #tpu.memory_space<vmem_shared>>)
      %dma_wait3A_832 = arith.constant 3 : i32
      %dma_wait3A_833 = arith.constant 0 : i32
      %dma_wait3A_834 = arith.constant 0 : i32
      %dma_wait3A_835 = tpu.memref_slice %arg8[%dma_wait3A_832, %dma_wait3A_833, %dma_wait3A_834] : memref<8x80x16xf32, #tpu.memory_space<vmem>> -> memref<1x80x16xf32, #tpu.memory_space<vmem>>
      %dma_wait3A_836 = tpu.memref_squeeze %dma_wait3A_835 : memref<1x80x16xf32, #tpu.memory_space<vmem>> -> memref<80x16xf32, #tpu.memory_space<vmem>>
      %dma_wait3A_837 = arith.constant 0 : i32
      %dma_wait3A_838 = tpu.memref_slice %arg7[%add3A_710, %dma_wait3A_837] : memref<125x80xi32, #tpu.memory_space<vmem>> -> memref<1x80xi32, #tpu.memory_space<vmem>>
      %dma_wait3A_839 = tpu.memref_squeeze %dma_wait3A_838 : memref<1x80xi32, #tpu.memory_space<vmem>> -> memref<80xi32, #tpu.memory_space<vmem>>
      %dma_wait3A_840 = arith.constant 0 : i32
      %dma_wait3A_841 = arith.constant 0 : i32
      %dma_wait3A_842 = tpu.memref_slice %arg9[%dma_wait3A_840, %dma_wait3A_841] : memref<10000x16xf32, #tpu.memory_space<vmem_shared>> -> memref<10000x16xf32, #tpu.memory_space<vmem_shared>>
      tpu.wait_indirect_dma semaphore(%arg21 : memref<!tpu.dma_semaphore, #tpu.memory_space<semaphore_mem>>) src(%dma_wait3A_836 : memref<80x16xf32, #tpu.memory_space<vmem>>) dst(%dma_wait3A_842 : memref<10000x16xf32, #tpu.memory_space<vmem_shared>>)
      %add3A_843 = arith.constant 8 : i32
      %add3A_844 = arith.addi %mul3A_642, %add3A_843 : i32
      %add3A_845 = arith.constant 0 : i32
      %add3A_846 = arith.addi %add3A_844, %add3A_845 : i32
      %dma_start3A_847 = arith.constant 0 : i32
      %dma_start3A_848 = arith.constant 0 : i32
      %dma_start3A_849 = arith.constant 0 : i32
      %dma_start3A_850 = tpu.memref_slice %arg8[%dma_start3A_847, %dma_start3A_848, %dma_start3A_849] : memref<8x80x16xf32, #tpu.memory_space<vmem>> -> memref<1x80x16xf32, #tpu.memory_space<vmem>>
      %dma_start3A_851 = tpu.memref_squeeze %dma_start3A_850 : memref<1x80x16xf32, #tpu.memory_space<vmem>> -> memref<80x16xf32, #tpu.memory_space<vmem>>
      %dma_start3A_852 = arith.constant 0 : i32
      %dma_start3A_853 = tpu.memref_slice %arg6[%add3A_846, %dma_start3A_852] : memref<125x80xi32, #tpu.memory_space<vmem>> -> memref<1x80xi32, #tpu.memory_space<vmem>>
      %dma_start3A_854 = tpu.memref_squeeze %dma_start3A_853 : memref<1x80xi32, #tpu.memory_space<vmem>> -> memref<80xi32, #tpu.memory_space<vmem>>
      %dma_start3A_855 = arith.constant 0 : i32
      %dma_start3A_856 = arith.constant 0 : i32
      %dma_start3A_857 = tpu.memref_slice %arg2[%dma_start3A_855, %dma_start3A_856] : memref<10000x16xf32, #tpu.memory_space<hbm>> -> memref<10000x16xf32, #tpu.memory_space<hbm>>
      tpu.enqueue_indirect_dma source(%dma_start3A_857 : memref<10000x16xf32, #tpu.memory_space<hbm>>) target(%dma_start3A_851 : memref<80x16xf32, #tpu.memory_space<vmem>>) offsets(%dma_start3A_854 : memref<80xi32, #tpu.memory_space<vmem>>) semaphore(%arg10 : memref<!tpu.dma_semaphore, #tpu.memory_space<semaphore_mem>>)
      %add3A_858 = arith.constant 8 : i32
      %add3A_859 = arith.addi %mul3A_642, %add3A_858 : i32
      %add3A_860 = arith.constant 1 : i32
      %add3A_861 = arith.addi %add3A_859, %add3A_860 : i32
      %dma_start3A_862 = arith.constant 1 : i32
      %dma_start3A_863 = arith.constant 0 : i32
      %dma_start3A_864 = arith.constant 0 : i32
      %dma_start3A_865 = tpu.memref_slice %arg8[%dma_start3A_862, %dma_start3A_863, %dma_start3A_864] : memref<8x80x16xf32, #tpu.memory_space<vmem>> -> memref<1x80x16xf32, #tpu.memory_space<vmem>>
      %dma_start3A_866 = tpu.memref_squeeze %dma_start3A_865 : memref<1x80x16xf32, #tpu.memory_space<vmem>> -> memref<80x16xf32, #tpu.memory_space<vmem>>
      %dma_start3A_867 = arith.constant 0 : i32
      %dma_start3A_868 = tpu.memref_slice %arg6[%add3A_861, %dma_start3A_867] : memref<125x80xi32, #tpu.memory_space<vmem>> -> memref<1x80xi32, #tpu.memory_space<vmem>>
      %dma_start3A_869 = tpu.memref_squeeze %dma_start3A_868 : memref<1x80xi32, #tpu.memory_space<vmem>> -> memref<80xi32, #tpu.memory_space<vmem>>
      %dma_start3A_870 = arith.constant 0 : i32
      %dma_start3A_871 = arith.constant 0 : i32
      %dma_start3A_872 = tpu.memref_slice %arg2[%dma_start3A_870, %dma_start3A_871] : memref<10000x16xf32, #tpu.memory_space<hbm>> -> memref<10000x16xf32, #tpu.memory_space<hbm>>
      tpu.enqueue_indirect_dma source(%dma_start3A_872 : memref<10000x16xf32, #tpu.memory_space<hbm>>) target(%dma_start3A_866 : memref<80x16xf32, #tpu.memory_space<vmem>>) offsets(%dma_start3A_869 : memref<80xi32, #tpu.memory_space<vmem>>) semaphore(%arg11 : memref<!tpu.dma_semaphore, #tpu.memory_space<semaphore_mem>>)
      %add3A_873 = arith.constant 8 : i32
      %add3A_874 = arith.addi %mul3A_642, %add3A_873 : i32
      %add3A_875 = arith.constant 2 : i32
      %add3A_876 = arith.addi %add3A_874, %add3A_875 : i32
      %dma_start3A_877 = arith.constant 2 : i32
      %dma_start3A_878 = arith.constant 0 : i32
      %dma_start3A_879 = arith.constant 0 : i32
      %dma_start3A_880 = tpu.memref_slice %arg8[%dma_start3A_877, %dma_start3A_878, %dma_start3A_879] : memref<8x80x16xf32, #tpu.memory_space<vmem>> -> memref<1x80x16xf32, #tpu.memory_space<vmem>>
      %dma_start3A_881 = tpu.memref_squeeze %dma_start3A_880 : memref<1x80x16xf32, #tpu.memory_space<vmem>> -> memref<80x16xf32, #tpu.memory_space<vmem>>
      %dma_start3A_882 = arith.constant 0 : i32
      %dma_start3A_883 = tpu.memref_slice %arg6[%add3A_876, %dma_start3A_882] : memref<125x80xi32, #tpu.memory_space<vmem>> -> memref<1x80xi32, #tpu.memory_space<vmem>>
      %dma_start3A_884 = tpu.memref_squeeze %dma_start3A_883 : memref<1x80xi32, #tpu.memory_space<vmem>> -> memref<80xi32, #tpu.memory_space<vmem>>
      %dma_start3A_885 = arith.constant 0 : i32
      %dma_start3A_886 = arith.constant 0 : i32
      %dma_start3A_887 = tpu.memref_slice %arg2[%dma_start3A_885, %dma_start3A_886] : memref<10000x16xf32, #tpu.memory_space<hbm>> -> memref<10000x16xf32, #tpu.memory_space<hbm>>
      tpu.enqueue_indirect_dma source(%dma_start3A_887 : memref<10000x16xf32, #tpu.memory_space<hbm>>) target(%dma_start3A_881 : memref<80x16xf32, #tpu.memory_space<vmem>>) offsets(%dma_start3A_884 : memref<80xi32, #tpu.memory_space<vmem>>) semaphore(%arg12 : memref<!tpu.dma_semaphore, #tpu.memory_space<semaphore_mem>>)
      %add3A_888 = arith.constant 8 : i32
      %add3A_889 = arith.addi %mul3A_642, %add3A_888 : i32
      %add3A_890 = arith.constant 3 : i32
      %add3A_891 = arith.addi %add3A_889, %add3A_890 : i32
      %dma_start3A_892 = arith.constant 3 : i32
      %dma_start3A_893 = arith.constant 0 : i32
      %dma_start3A_894 = arith.constant 0 : i32
      %dma_start3A_895 = tpu.memref_slice %arg8[%dma_start3A_892, %dma_start3A_893, %dma_start3A_894] : memref<8x80x16xf32, #tpu.memory_space<vmem>> -> memref<1x80x16xf32, #tpu.memory_space<vmem>>
      %dma_start3A_896 = tpu.memref_squeeze %dma_start3A_895 : memref<1x80x16xf32, #tpu.memory_space<vmem>> -> memref<80x16xf32, #tpu.memory_space<vmem>>
      %dma_start3A_897 = arith.constant 0 : i32
      %dma_start3A_898 = tpu.memref_slice %arg6[%add3A_891, %dma_start3A_897] : memref<125x80xi32, #tpu.memory_space<vmem>> -> memref<1x80xi32, #tpu.memory_space<vmem>>
      %dma_start3A_899 = tpu.memref_squeeze %dma_start3A_898 : memref<1x80xi32, #tpu.memory_space<vmem>> -> memref<80xi32, #tpu.memory_space<vmem>>
      %dma_start3A_900 = arith.constant 0 : i32
      %dma_start3A_901 = arith.constant 0 : i32
      %dma_start3A_902 = tpu.memref_slice %arg2[%dma_start3A_900, %dma_start3A_901] : memref<10000x16xf32, #tpu.memory_space<hbm>> -> memref<10000x16xf32, #tpu.memory_space<hbm>>
      tpu.enqueue_indirect_dma source(%dma_start3A_902 : memref<10000x16xf32, #tpu.memory_space<hbm>>) target(%dma_start3A_896 : memref<80x16xf32, #tpu.memory_space<vmem>>) offsets(%dma_start3A_899 : memref<80xi32, #tpu.memory_space<vmem>>) semaphore(%arg13 : memref<!tpu.dma_semaphore, #tpu.memory_space<semaphore_mem>>)
      %add3A_903 = arith.constant 4 : i32
      %add3A_904 = arith.addi %mul3A_642, %add3A_903 : i32
      %add3A_905 = arith.constant 0 : i32
      %add3A_906 = arith.addi %add3A_904, %add3A_905 : i32
      %add3A_907 = arith.constant 4 : i32
      %add3A_908 = arith.addi %mul3A_642, %add3A_907 : i32
      %add3A_909 = arith.constant 1 : i32
      %add3A_910 = arith.addi %add3A_908, %add3A_909 : i32
      %add3A_911 = arith.constant 4 : i32
      %add3A_912 = arith.addi %mul3A_642, %add3A_911 : i32
      %add3A_913 = arith.constant 2 : i32
      %add3A_914 = arith.addi %add3A_912, %add3A_913 : i32
      %add3A_915 = arith.constant 4 : i32
      %add3A_916 = arith.addi %mul3A_642, %add3A_915 : i32
      %add3A_917 = arith.constant 3 : i32
      %add3A_918 = arith.addi %add3A_916, %add3A_917 : i32
      %dma_wait3A_919 = arith.constant 4 : i32
      %dma_wait3A_920 = arith.constant 0 : i32
      %dma_wait3A_921 = arith.constant 0 : i32
      %dma_wait3A_922 = tpu.memref_slice %arg8[%dma_wait3A_919, %dma_wait3A_920, %dma_wait3A_921] : memref<8x80x16xf32, #tpu.memory_space<vmem>> -> memref<1x80x16xf32, #tpu.memory_space<vmem>>
      %dma_wait3A_923 = tpu.memref_squeeze %dma_wait3A_922 : memref<1x80x16xf32, #tpu.memory_space<vmem>> -> memref<80x16xf32, #tpu.memory_space<vmem>>
      %dma_wait3A_924 = arith.constant 0 : i32
      %dma_wait3A_925 = tpu.memref_slice %arg6[%add3A_906, %dma_wait3A_924] : memref<125x80xi32, #tpu.memory_space<vmem>> -> memref<1x80xi32, #tpu.memory_space<vmem>>
      %dma_wait3A_926 = tpu.memref_squeeze %dma_wait3A_925 : memref<1x80xi32, #tpu.memory_space<vmem>> -> memref<80xi32, #tpu.memory_space<vmem>>
      %dma_wait3A_927 = arith.constant 0 : i32
      %dma_wait3A_928 = arith.constant 0 : i32
      %dma_wait3A_929 = tpu.memref_slice %arg2[%dma_wait3A_927, %dma_wait3A_928] : memref<10000x16xf32, #tpu.memory_space<hbm>> -> memref<10000x16xf32, #tpu.memory_space<hbm>>
      tpu.wait_indirect_dma semaphore(%arg14 : memref<!tpu.dma_semaphore, #tpu.memory_space<semaphore_mem>>) src(%dma_wait3A_929 : memref<10000x16xf32, #tpu.memory_space<hbm>>) dst(%dma_wait3A_923 : memref<80x16xf32, #tpu.memory_space<vmem>>)
      %dma_start3A_930 = arith.constant 4 : i32
      %dma_start3A_931 = arith.constant 0 : i32
      %dma_start3A_932 = arith.constant 0 : i32
      %dma_start3A_933 = tpu.memref_slice %arg8[%dma_start3A_930, %dma_start3A_931, %dma_start3A_932] : memref<8x80x16xf32, #tpu.memory_space<vmem>> -> memref<1x80x16xf32, #tpu.memory_space<vmem>>
      %dma_start3A_934 = tpu.memref_squeeze %dma_start3A_933 : memref<1x80x16xf32, #tpu.memory_space<vmem>> -> memref<80x16xf32, #tpu.memory_space<vmem>>
      %dma_start3A_935 = arith.constant 0 : i32
      %dma_start3A_936 = tpu.memref_slice %arg7[%add3A_906, %dma_start3A_935] : memref<125x80xi32, #tpu.memory_space<vmem>> -> memref<1x80xi32, #tpu.memory_space<vmem>>
      %dma_start3A_937 = tpu.memref_squeeze %dma_start3A_936 : memref<1x80xi32, #tpu.memory_space<vmem>> -> memref<80xi32, #tpu.memory_space<vmem>>
      %dma_start3A_938 = arith.constant 0 : i32
      %dma_start3A_939 = arith.constant 0 : i32
      %dma_start3A_940 = tpu.memref_slice %arg9[%dma_start3A_938, %dma_start3A_939] : memref<10000x16xf32, #tpu.memory_space<vmem_shared>> -> memref<10000x16xf32, #tpu.memory_space<vmem_shared>>
      tpu.enqueue_indirect_dma source(%dma_start3A_934 : memref<80x16xf32, #tpu.memory_space<vmem>>) target(%dma_start3A_940 : memref<10000x16xf32, #tpu.memory_space<vmem_shared>>) offsets(%dma_start3A_937 : memref<80xi32, #tpu.memory_space<vmem>>) semaphore(%arg22 : memref<!tpu.dma_semaphore, #tpu.memory_space<semaphore_mem>>) {add = true}
      %dma_wait3A_941 = arith.constant 5 : i32
      %dma_wait3A_942 = arith.constant 0 : i32
      %dma_wait3A_943 = arith.constant 0 : i32
      %dma_wait3A_944 = tpu.memref_slice %arg8[%dma_wait3A_941, %dma_wait3A_942, %dma_wait3A_943] : memref<8x80x16xf32, #tpu.memory_space<vmem>> -> memref<1x80x16xf32, #tpu.memory_space<vmem>>
      %dma_wait3A_945 = tpu.memref_squeeze %dma_wait3A_944 : memref<1x80x16xf32, #tpu.memory_space<vmem>> -> memref<80x16xf32, #tpu.memory_space<vmem>>
      %dma_wait3A_946 = arith.constant 0 : i32
      %dma_wait3A_947 = tpu.memref_slice %arg6[%add3A_910, %dma_wait3A_946] : memref<125x80xi32, #tpu.memory_space<vmem>> -> memref<1x80xi32, #tpu.memory_space<vmem>>
      %dma_wait3A_948 = tpu.memref_squeeze %dma_wait3A_947 : memref<1x80xi32, #tpu.memory_space<vmem>> -> memref<80xi32, #tpu.memory_space<vmem>>
      %dma_wait3A_949 = arith.constant 0 : i32
      %dma_wait3A_950 = arith.constant 0 : i32
      %dma_wait3A_951 = tpu.memref_slice %arg2[%dma_wait3A_949, %dma_wait3A_950] : memref<10000x16xf32, #tpu.memory_space<hbm>> -> memref<10000x16xf32, #tpu.memory_space<hbm>>
      tpu.wait_indirect_dma semaphore(%arg15 : memref<!tpu.dma_semaphore, #tpu.memory_space<semaphore_mem>>) src(%dma_wait3A_951 : memref<10000x16xf32, #tpu.memory_space<hbm>>) dst(%dma_wait3A_945 : memref<80x16xf32, #tpu.memory_space<vmem>>)
      %dma_start3A_952 = arith.constant 5 : i32
      %dma_start3A_953 = arith.constant 0 : i32
      %dma_start3A_954 = arith.constant 0 : i32
      %dma_start3A_955 = tpu.memref_slice %arg8[%dma_start3A_952, %dma_start3A_953, %dma_start3A_954] : memref<8x80x16xf32, #tpu.memory_space<vmem>> -> memref<1x80x16xf32, #tpu.memory_space<vmem>>
      %dma_start3A_956 = tpu.memref_squeeze %dma_start3A_955 : memref<1x80x16xf32, #tpu.memory_space<vmem>> -> memref<80x16xf32, #tpu.memory_space<vmem>>
      %dma_start3A_957 = arith.constant 0 : i32
      %dma_start3A_958 = tpu.memref_slice %arg7[%add3A_910, %dma_start3A_957] : memref<125x80xi32, #tpu.memory_space<vmem>> -> memref<1x80xi32, #tpu.memory_space<vmem>>
      %dma_start3A_959 = tpu.memref_squeeze %dma_start3A_958 : memref<1x80xi32, #tpu.memory_space<vmem>> -> memref<80xi32, #tpu.memory_space<vmem>>
      %dma_start3A_960 = arith.constant 0 : i32
      %dma_start3A_961 = arith.constant 0 : i32
      %dma_start3A_962 = tpu.memref_slice %arg9[%dma_start3A_960, %dma_start3A_961] : memref<10000x16xf32, #tpu.memory_space<vmem_shared>> -> memref<10000x16xf32, #tpu.memory_space<vmem_shared>>
      tpu.enqueue_indirect_dma source(%dma_start3A_956 : memref<80x16xf32, #tpu.memory_space<vmem>>) target(%dma_start3A_962 : memref<10000x16xf32, #tpu.memory_space<vmem_shared>>) offsets(%dma_start3A_959 : memref<80xi32, #tpu.memory_space<vmem>>) semaphore(%arg23 : memref<!tpu.dma_semaphore, #tpu.memory_space<semaphore_mem>>) {add = true}
      %dma_wait3A_963 = arith.constant 6 : i32
      %dma_wait3A_964 = arith.constant 0 : i32
      %dma_wait3A_965 = arith.constant 0 : i32
      %dma_wait3A_966 = tpu.memref_slice %arg8[%dma_wait3A_963, %dma_wait3A_964, %dma_wait3A_965] : memref<8x80x16xf32, #tpu.memory_space<vmem>> -> memref<1x80x16xf32, #tpu.memory_space<vmem>>
      %dma_wait3A_967 = tpu.memref_squeeze %dma_wait3A_966 : memref<1x80x16xf32, #tpu.memory_space<vmem>> -> memref<80x16xf32, #tpu.memory_space<vmem>>
      %dma_wait3A_968 = arith.constant 0 : i32
      %dma_wait3A_969 = tpu.memref_slice %arg6[%add3A_914, %dma_wait3A_968] : memref<125x80xi32, #tpu.memory_space<vmem>> -> memref<1x80xi32, #tpu.memory_space<vmem>>
      %dma_wait3A_970 = tpu.memref_squeeze %dma_wait3A_969 : memref<1x80xi32, #tpu.memory_space<vmem>> -> memref<80xi32, #tpu.memory_space<vmem>>
      %dma_wait3A_971 = arith.constant 0 : i32
      %dma_wait3A_972 = arith.constant 0 : i32
      %dma_wait3A_973 = tpu.memref_slice %arg2[%dma_wait3A_971, %dma_wait3A_972] : memref<10000x16xf32, #tpu.memory_space<hbm>> -> memref<10000x16xf32, #tpu.memory_space<hbm>>
      tpu.wait_indirect_dma semaphore(%arg16 : memref<!tpu.dma_semaphore, #tpu.memory_space<semaphore_mem>>) src(%dma_wait3A_973 : memref<10000x16xf32, #tpu.memory_space<hbm>>) dst(%dma_wait3A_967 : memref<80x16xf32, #tpu.memory_space<vmem>>)
      %dma_start3A_974 = arith.constant 6 : i32
      %dma_start3A_975 = arith.constant 0 : i32
      %dma_start3A_976 = arith.constant 0 : i32
      %dma_start3A_977 = tpu.memref_slice %arg8[%dma_start3A_974, %dma_start3A_975, %dma_start3A_976] : memref<8x80x16xf32, #tpu.memory_space<vmem>> -> memref<1x80x16xf32, #tpu.memory_space<vmem>>
      %dma_start3A_978 = tpu.memref_squeeze %dma_start3A_977 : memref<1x80x16xf32, #tpu.memory_space<vmem>> -> memref<80x16xf32, #tpu.memory_space<vmem>>
      %dma_start3A_979 = arith.constant 0 : i32
      %dma_start3A_980 = tpu.memref_slice %arg7[%add3A_914, %dma_start3A_979] : memref<125x80xi32, #tpu.memory_space<vmem>> -> memref<1x80xi32, #tpu.memory_space<vmem>>
      %dma_start3A_981 = tpu.memref_squeeze %dma_start3A_980 : memref<1x80xi32, #tpu.memory_space<vmem>> -> memref<80xi32, #tpu.memory_space<vmem>>
      %dma_start3A_982 = arith.constant 0 : i32
      %dma_start3A_983 = arith.constant 0 : i32
      %dma_start3A_984 = tpu.memref_slice %arg9[%dma_start3A_982, %dma_start3A_983] : memref<10000x16xf32, #tpu.memory_space<vmem_shared>> -> memref<10000x16xf32, #tpu.memory_space<vmem_shared>>
      tpu.enqueue_indirect_dma source(%dma_start3A_978 : memref<80x16xf32, #tpu.memory_space<vmem>>) target(%dma_start3A_984 : memref<10000x16xf32, #tpu.memory_space<vmem_shared>>) offsets(%dma_start3A_981 : memref<80xi32, #tpu.memory_space<vmem>>) semaphore(%arg24 : memref<!tpu.dma_semaphore, #tpu.memory_space<semaphore_mem>>) {add = true}
      %dma_wait3A_985 = arith.constant 7 : i32
      %dma_wait3A_986 = arith.constant 0 : i32
      %dma_wait3A_987 = arith.constant 0 : i32
      %dma_wait3A_988 = tpu.memref_slice %arg8[%dma_wait3A_985, %dma_wait3A_986, %dma_wait3A_987] : memref<8x80x16xf32, #tpu.memory_space<vmem>> -> memref<1x80x16xf32, #tpu.memory_space<vmem>>
      %dma_wait3A_989 = tpu.memref_squeeze %dma_wait3A_988 : memref<1x80x16xf32, #tpu.memory_space<vmem>> -> memref<80x16xf32, #tpu.memory_space<vmem>>
      %dma_wait3A_990 = arith.constant 0 : i32
      %dma_wait3A_991 = tpu.memref_slice %arg6[%add3A_918, %dma_wait3A_990] : memref<125x80xi32, #tpu.memory_space<vmem>> -> memref<1x80xi32, #tpu.memory_space<vmem>>
      %dma_wait3A_992 = tpu.memref_squeeze %dma_wait3A_991 : memref<1x80xi32, #tpu.memory_space<vmem>> -> memref<80xi32, #tpu.memory_space<vmem>>
      %dma_wait3A_993 = arith.constant 0 : i32
      %dma_wait3A_994 = arith.constant 0 : i32
      %dma_wait3A_995 = tpu.memref_slice %arg2[%dma_wait3A_993, %dma_wait3A_994] : memref<10000x16xf32, #tpu.memory_space<hbm>> -> memref<10000x16xf32, #tpu.memory_space<hbm>>
      tpu.wait_indirect_dma semaphore(%arg17 : memref<!tpu.dma_semaphore, #tpu.memory_space<semaphore_mem>>) src(%dma_wait3A_995 : memref<10000x16xf32, #tpu.memory_space<hbm>>) dst(%dma_wait3A_989 : memref<80x16xf32, #tpu.memory_space<vmem>>)
      %dma_start3A_996 = arith.constant 7 : i32
      %dma_start3A_997 = arith.constant 0 : i32
      %dma_start3A_998 = arith.constant 0 : i32
      %dma_start3A_999 = tpu.memref_slice %arg8[%dma_start3A_996, %dma_start3A_997, %dma_start3A_998] : memref<8x80x16xf32, #tpu.memory_space<vmem>> -> memref<1x80x16xf32, #tpu.memory_space<vmem>>
      %dma_start3A_1000 = tpu.memref_squeeze %dma_start3A_999 : memref<1x80x16xf32, #tpu.memory_space<vmem>> -> memref<80x16xf32, #tpu.memory_space<vmem>>
      %dma_start3A_1001 = arith.constant 0 : i32
      %dma_start3A_1002 = tpu.memref_slice %arg7[%add3A_918, %dma_start3A_1001] : memref<125x80xi32, #tpu.memory_space<vmem>> -> memref<1x80xi32, #tpu.memory_space<vmem>>
      %dma_start3A_1003 = tpu.memref_squeeze %dma_start3A_1002 : memref<1x80xi32, #tpu.memory_space<vmem>> -> memref<80xi32, #tpu.memory_space<vmem>>
      %dma_start3A_1004 = arith.constant 0 : i32
      %dma_start3A_1005 = arith.constant 0 : i32
      %dma_start3A_1006 = tpu.memref_slice %arg9[%dma_start3A_1004, %dma_start3A_1005] : memref<10000x16xf32, #tpu.memory_space<vmem_shared>> -> memref<10000x16xf32, #tpu.memory_space<vmem_shared>>
      tpu.enqueue_indirect_dma source(%dma_start3A_1000 : memref<80x16xf32, #tpu.memory_space<vmem>>) target(%dma_start3A_1006 : memref<10000x16xf32, #tpu.memory_space<vmem_shared>>) offsets(%dma_start3A_1003 : memref<80xi32, #tpu.memory_space<vmem>>) semaphore(%arg25 : memref<!tpu.dma_semaphore, #tpu.memory_space<semaphore_mem>>) {add = true}
      %dma_wait3A_1007 = arith.constant 4 : i32
      %dma_wait3A_1008 = arith.constant 0 : i32
      %dma_wait3A_1009 = arith.constant 0 : i32
      %dma_wait3A_1010 = tpu.memref_slice %arg8[%dma_wait3A_1007, %dma_wait3A_1008, %dma_wait3A_1009] : memref<8x80x16xf32, #tpu.memory_space<vmem>> -> memref<1x80x16xf32, #tpu.memory_space<vmem>>
      %dma_wait3A_1011 = tpu.memref_squeeze %dma_wait3A_1010 : memref<1x80x16xf32, #tpu.memory_space<vmem>> -> memref<80x16xf32, #tpu.memory_space<vmem>>
      %dma_wait3A_1012 = arith.constant 0 : i32
      %dma_wait3A_1013 = tpu.memref_slice %arg7[%add3A_906, %dma_wait3A_1012] : memref<125x80xi32, #tpu.memory_space<vmem>> -> memref<1x80xi32, #tpu.memory_space<vmem>>
      %dma_wait3A_1014 = tpu.memref_squeeze %dma_wait3A_1013 : memref<1x80xi32, #tpu.memory_space<vmem>> -> memref<80xi32, #tpu.memory_space<vmem>>
      %dma_wait3A_1015 = arith.constant 0 : i32
      %dma_wait3A_1016 = arith.constant 0 : i32
      %dma_wait3A_1017 = tpu.memref_slice %arg9[%dma_wait3A_1015, %dma_wait3A_1016] : memref<10000x16xf32, #tpu.memory_space<vmem_shared>> -> memref<10000x16xf32, #tpu.memory_space<vmem_shared>>
      tpu.wait_indirect_dma semaphore(%arg22 : memref<!tpu.dma_semaphore, #tpu.memory_space<semaphore_mem>>) src(%dma_wait3A_1011 : memref<80x16xf32, #tpu.memory_space<vmem>>) dst(%dma_wait3A_1017 : memref<10000x16xf32, #tpu.memory_space<vmem_shared>>)
      %dma_wait3A_1018 = arith.constant 5 : i32
      %dma_wait3A_1019 = arith.constant 0 : i32
      %dma_wait3A_1020 = arith.constant 0 : i32
      %dma_wait3A_1021 = tpu.memref_slice %arg8[%dma_wait3A_1018, %dma_wait3A_1019, %dma_wait3A_1020] : memref<8x80x16xf32, #tpu.memory_space<vmem>> -> memref<1x80x16xf32, #tpu.memory_space<vmem>>
      %dma_wait3A_1022 = tpu.memref_squeeze %dma_wait3A_1021 : memref<1x80x16xf32, #tpu.memory_space<vmem>> -> memref<80x16xf32, #tpu.memory_space<vmem>>
      %dma_wait3A_1023 = arith.constant 0 : i32
      %dma_wait3A_1024 = tpu.memref_slice %arg7[%add3A_910, %dma_wait3A_1023] : memref<125x80xi32, #tpu.memory_space<vmem>> -> memref<1x80xi32, #tpu.memory_space<vmem>>
      %dma_wait3A_1025 = tpu.memref_squeeze %dma_wait3A_1024 : memref<1x80xi32, #tpu.memory_space<vmem>> -> memref<80xi32, #tpu.memory_space<vmem>>
      %dma_wait3A_1026 = arith.constant 0 : i32
      %dma_wait3A_1027 = arith.constant 0 : i32
      %dma_wait3A_1028 = tpu.memref_slice %arg9[%dma_wait3A_1026, %dma_wait3A_1027] : memref<10000x16xf32, #tpu.memory_space<vmem_shared>> -> memref<10000x16xf32, #tpu.memory_space<vmem_shared>>
      tpu.wait_indirect_dma semaphore(%arg23 : memref<!tpu.dma_semaphore, #tpu.memory_space<semaphore_mem>>) src(%dma_wait3A_1022 : memref<80x16xf32, #tpu.memory_space<vmem>>) dst(%dma_wait3A_1028 : memref<10000x16xf32, #tpu.memory_space<vmem_shared>>)
      %dma_wait3A_1029 = arith.constant 6 : i32
      %dma_wait3A_1030 = arith.constant 0 : i32
      %dma_wait3A_1031 = arith.constant 0 : i32
      %dma_wait3A_1032 = tpu.memref_slice %arg8[%dma_wait3A_1029, %dma_wait3A_1030, %dma_wait3A_1031] : memref<8x80x16xf32, #tpu.memory_space<vmem>> -> memref<1x80x16xf32, #tpu.memory_space<vmem>>
      %dma_wait3A_1033 = tpu.memref_squeeze %dma_wait3A_1032 : memref<1x80x16xf32, #tpu.memory_space<vmem>> -> memref<80x16xf32, #tpu.memory_space<vmem>>
      %dma_wait3A_1034 = arith.constant 0 : i32
      %dma_wait3A_1035 = tpu.memref_slice %arg7[%add3A_914, %dma_wait3A_1034] : memref<125x80xi32, #tpu.memory_space<vmem>> -> memref<1x80xi32, #tpu.memory_space<vmem>>
      %dma_wait3A_1036 = tpu.memref_squeeze %dma_wait3A_1035 : memref<1x80xi32, #tpu.memory_space<vmem>> -> memref<80xi32, #tpu.memory_space<vmem>>
      %dma_wait3A_1037 = arith.constant 0 : i32
      %dma_wait3A_1038 = arith.constant 0 : i32
      %dma_wait3A_1039 = tpu.memref_slice %arg9[%dma_wait3A_1037, %dma_wait3A_1038] : memref<10000x16xf32, #tpu.memory_space<vmem_shared>> -> memref<10000x16xf32, #tpu.memory_space<vmem_shared>>
      tpu.wait_indirect_dma semaphore(%arg24 : memref<!tpu.dma_semaphore, #tpu.memory_space<semaphore_mem>>) src(%dma_wait3A_1033 : memref<80x16xf32, #tpu.memory_space<vmem>>) dst(%dma_wait3A_1039 : memref<10000x16xf32, #tpu.memory_space<vmem_shared>>)
      %dma_wait3A_1040 = arith.constant 7 : i32
      %dma_wait3A_1041 = arith.constant 0 : i32
      %dma_wait3A_1042 = arith.constant 0 : i32
      %dma_wait3A_1043 = tpu.memref_slice %arg8[%dma_wait3A_1040, %dma_wait3A_1041, %dma_wait3A_1042] : memref<8x80x16xf32, #tpu.memory_space<vmem>> -> memref<1x80x16xf32, #tpu.memory_space<vmem>>
      %dma_wait3A_1044 = tpu.memref_squeeze %dma_wait3A_1043 : memref<1x80x16xf32, #tpu.memory_space<vmem>> -> memref<80x16xf32, #tpu.memory_space<vmem>>
      %dma_wait3A_1045 = arith.constant 0 : i32
      %dma_wait3A_1046 = tpu.memref_slice %arg7[%add3A_918, %dma_wait3A_1045] : memref<125x80xi32, #tpu.memory_space<vmem>> -> memref<1x80xi32, #tpu.memory_space<vmem>>
      %dma_wait3A_1047 = tpu.memref_squeeze %dma_wait3A_1046 : memref<1x80xi32, #tpu.memory_space<vmem>> -> memref<80xi32, #tpu.memory_space<vmem>>
      %dma_wait3A_1048 = arith.constant 0 : i32
      %dma_wait3A_1049 = arith.constant 0 : i32
      %dma_wait3A_1050 = tpu.memref_slice %arg9[%dma_wait3A_1048, %dma_wait3A_1049] : memref<10000x16xf32, #tpu.memory_space<vmem_shared>> -> memref<10000x16xf32, #tpu.memory_space<vmem_shared>>
      tpu.wait_indirect_dma semaphore(%arg25 : memref<!tpu.dma_semaphore, #tpu.memory_space<semaphore_mem>>) src(%dma_wait3A_1044 : memref<80x16xf32, #tpu.memory_space<vmem>>) dst(%dma_wait3A_1050 : memref<10000x16xf32, #tpu.memory_space<vmem_shared>>)
    }
    %scan3A_56 = arith.constant 14 : i32
    %dma_wait3A = arith.constant 112 : i32
    %dma_wait3A_57 = arith.constant 0 : i32
    %dma_wait3A_58 = arith.constant 0 : i32
    %dma_wait3A_59 = arith.constant 0 : i32
    %dma_wait3A_60 = tpu.memref_slice %arg8[%dma_wait3A_57, %dma_wait3A_58, %dma_wait3A_59] : memref<8x80x16xf32, #tpu.memory_space<vmem>> -> memref<1x80x16xf32, #tpu.memory_space<vmem>>
    %dma_wait3A_61 = tpu.memref_squeeze %dma_wait3A_60 : memref<1x80x16xf32, #tpu.memory_space<vmem>> -> memref<80x16xf32, #tpu.memory_space<vmem>>
    %dma_wait3A_62 = arith.constant 0 : i32
    %dma_wait3A_63 = tpu.memref_slice %arg6[%dma_wait3A, %dma_wait3A_62] : memref<125x80xi32, #tpu.memory_space<vmem>> -> memref<1x80xi32, #tpu.memory_space<vmem>>
    %dma_wait3A_64 = tpu.memref_squeeze %dma_wait3A_63 : memref<1x80xi32, #tpu.memory_space<vmem>> -> memref<80xi32, #tpu.memory_space<vmem>>
    %dma_wait3A_65 = arith.constant 0 : i32
    %dma_wait3A_66 = arith.constant 0 : i32
    %dma_wait3A_67 = tpu.memref_slice %arg2[%dma_wait3A_65, %dma_wait3A_66] : memref<10000x16xf32, #tpu.memory_space<hbm>> -> memref<10000x16xf32, #tpu.memory_space<hbm>>
    tpu.wait_indirect_dma semaphore(%arg10 : memref<!tpu.dma_semaphore, #tpu.memory_space<semaphore_mem>>) src(%dma_wait3A_67 : memref<10000x16xf32, #tpu.memory_space<hbm>>) dst(%dma_wait3A_61 : memref<80x16xf32, #tpu.memory_space<vmem>>)
    %dma_start3A_68 = arith.constant 0 : i32
    %dma_start3A_69 = arith.constant 112 : i32
    %dma_start3A_70 = arith.constant 0 : i32
    %dma_start3A_71 = arith.constant 0 : i32
    %dma_start3A_72 = tpu.memref_slice %arg8[%dma_start3A_68, %dma_start3A_70, %dma_start3A_71] : memref<8x80x16xf32, #tpu.memory_space<vmem>> -> memref<1x80x16xf32, #tpu.memory_space<vmem>>
    %dma_start3A_73 = tpu.memref_squeeze %dma_start3A_72 : memref<1x80x16xf32, #tpu.memory_space<vmem>> -> memref<80x16xf32, #tpu.memory_space<vmem>>
    %dma_start3A_74 = arith.constant 0 : i32
    %dma_start3A_75 = tpu.memref_slice %arg7[%dma_start3A_69, %dma_start3A_74] : memref<125x80xi32, #tpu.memory_space<vmem>> -> memref<1x80xi32, #tpu.memory_space<vmem>>
    %dma_start3A_76 = tpu.memref_squeeze %dma_start3A_75 : memref<1x80xi32, #tpu.memory_space<vmem>> -> memref<80xi32, #tpu.memory_space<vmem>>
    %dma_start3A_77 = arith.constant 0 : i32
    %dma_start3A_78 = arith.constant 0 : i32
    %dma_start3A_79 = tpu.memref_slice %arg9[%dma_start3A_77, %dma_start3A_78] : memref<10000x16xf32, #tpu.memory_space<vmem_shared>> -> memref<10000x16xf32, #tpu.memory_space<vmem_shared>>
    tpu.enqueue_indirect_dma source(%dma_start3A_73 : memref<80x16xf32, #tpu.memory_space<vmem>>) target(%dma_start3A_79 : memref<10000x16xf32, #tpu.memory_space<vmem_shared>>) offsets(%dma_start3A_76 : memref<80xi32, #tpu.memory_space<vmem>>) semaphore(%arg18 : memref<!tpu.dma_semaphore, #tpu.memory_space<semaphore_mem>>) {add = true}
    %dma_wait3A_80 = arith.constant 113 : i32
    %dma_wait3A_81 = arith.constant 1 : i32
    %dma_wait3A_82 = arith.constant 0 : i32
    %dma_wait3A_83 = arith.constant 0 : i32
    %dma_wait3A_84 = tpu.memref_slice %arg8[%dma_wait3A_81, %dma_wait3A_82, %dma_wait3A_83] : memref<8x80x16xf32, #tpu.memory_space<vmem>> -> memref<1x80x16xf32, #tpu.memory_space<vmem>>
    %dma_wait3A_85 = tpu.memref_squeeze %dma_wait3A_84 : memref<1x80x16xf32, #tpu.memory_space<vmem>> -> memref<80x16xf32, #tpu.memory_space<vmem>>
    %dma_wait3A_86 = arith.constant 0 : i32
    %dma_wait3A_87 = tpu.memref_slice %arg6[%dma_wait3A_80, %dma_wait3A_86] : memref<125x80xi32, #tpu.memory_space<vmem>> -> memref<1x80xi32, #tpu.memory_space<vmem>>
    %dma_wait3A_88 = tpu.memref_squeeze %dma_wait3A_87 : memref<1x80xi32, #tpu.memory_space<vmem>> -> memref<80xi32, #tpu.memory_space<vmem>>
    %dma_wait3A_89 = arith.constant 0 : i32
    %dma_wait3A_90 = arith.constant 0 : i32
    %dma_wait3A_91 = tpu.memref_slice %arg2[%dma_wait3A_89, %dma_wait3A_90] : memref<10000x16xf32, #tpu.memory_space<hbm>> -> memref<10000x16xf32, #tpu.memory_space<hbm>>
    tpu.wait_indirect_dma semaphore(%arg11 : memref<!tpu.dma_semaphore, #tpu.memory_space<semaphore_mem>>) src(%dma_wait3A_91 : memref<10000x16xf32, #tpu.memory_space<hbm>>) dst(%dma_wait3A_85 : memref<80x16xf32, #tpu.memory_space<vmem>>)
    %dma_start3A_92 = arith.constant 1 : i32
    %dma_start3A_93 = arith.constant 113 : i32
    %dma_start3A_94 = arith.constant 0 : i32
    %dma_start3A_95 = arith.constant 0 : i32
    %dma_start3A_96 = tpu.memref_slice %arg8[%dma_start3A_92, %dma_start3A_94, %dma_start3A_95] : memref<8x80x16xf32, #tpu.memory_space<vmem>> -> memref<1x80x16xf32, #tpu.memory_space<vmem>>
    %dma_start3A_97 = tpu.memref_squeeze %dma_start3A_96 : memref<1x80x16xf32, #tpu.memory_space<vmem>> -> memref<80x16xf32, #tpu.memory_space<vmem>>
    %dma_start3A_98 = arith.constant 0 : i32
    %dma_start3A_99 = tpu.memref_slice %arg7[%dma_start3A_93, %dma_start3A_98] : memref<125x80xi32, #tpu.memory_space<vmem>> -> memref<1x80xi32, #tpu.memory_space<vmem>>
    %dma_start3A_100 = tpu.memref_squeeze %dma_start3A_99 : memref<1x80xi32, #tpu.memory_space<vmem>> -> memref<80xi32, #tpu.memory_space<vmem>>
    %dma_start3A_101 = arith.constant 0 : i32
    %dma_start3A_102 = arith.constant 0 : i32
    %dma_start3A_103 = tpu.memref_slice %arg9[%dma_start3A_101, %dma_start3A_102] : memref<10000x16xf32, #tpu.memory_space<vmem_shared>> -> memref<10000x16xf32, #tpu.memory_space<vmem_shared>>
    tpu.enqueue_indirect_dma source(%dma_start3A_97 : memref<80x16xf32, #tpu.memory_space<vmem>>) target(%dma_start3A_103 : memref<10000x16xf32, #tpu.memory_space<vmem_shared>>) offsets(%dma_start3A_100 : memref<80xi32, #tpu.memory_space<vmem>>) semaphore(%arg19 : memref<!tpu.dma_semaphore, #tpu.memory_space<semaphore_mem>>) {add = true}
    %dma_wait3A_104 = arith.constant 114 : i32
    %dma_wait3A_105 = arith.constant 2 : i32
    %dma_wait3A_106 = arith.constant 0 : i32
    %dma_wait3A_107 = arith.constant 0 : i32
    %dma_wait3A_108 = tpu.memref_slice %arg8[%dma_wait3A_105, %dma_wait3A_106, %dma_wait3A_107] : memref<8x80x16xf32, #tpu.memory_space<vmem>> -> memref<1x80x16xf32, #tpu.memory_space<vmem>>
    %dma_wait3A_109 = tpu.memref_squeeze %dma_wait3A_108 : memref<1x80x16xf32, #tpu.memory_space<vmem>> -> memref<80x16xf32, #tpu.memory_space<vmem>>
    %dma_wait3A_110 = arith.constant 0 : i32
    %dma_wait3A_111 = tpu.memref_slice %arg6[%dma_wait3A_104, %dma_wait3A_110] : memref<125x80xi32, #tpu.memory_space<vmem>> -> memref<1x80xi32, #tpu.memory_space<vmem>>
    %dma_wait3A_112 = tpu.memref_squeeze %dma_wait3A_111 : memref<1x80xi32, #tpu.memory_space<vmem>> -> memref<80xi32, #tpu.memory_space<vmem>>
    %dma_wait3A_113 = arith.constant 0 : i32
    %dma_wait3A_114 = arith.constant 0 : i32
    %dma_wait3A_115 = tpu.memref_slice %arg2[%dma_wait3A_113, %dma_wait3A_114] : memref<10000x16xf32, #tpu.memory_space<hbm>> -> memref<10000x16xf32, #tpu.memory_space<hbm>>
    tpu.wait_indirect_dma semaphore(%arg12 : memref<!tpu.dma_semaphore, #tpu.memory_space<semaphore_mem>>) src(%dma_wait3A_115 : memref<10000x16xf32, #tpu.memory_space<hbm>>) dst(%dma_wait3A_109 : memref<80x16xf32, #tpu.memory_space<vmem>>)
    %dma_start3A_116 = arith.constant 2 : i32
    %dma_start3A_117 = arith.constant 114 : i32
    %dma_start3A_118 = arith.constant 0 : i32
    %dma_start3A_119 = arith.constant 0 : i32
    %dma_start3A_120 = tpu.memref_slice %arg8[%dma_start3A_116, %dma_start3A_118, %dma_start3A_119] : memref<8x80x16xf32, #tpu.memory_space<vmem>> -> memref<1x80x16xf32, #tpu.memory_space<vmem>>
    %dma_start3A_121 = tpu.memref_squeeze %dma_start3A_120 : memref<1x80x16xf32, #tpu.memory_space<vmem>> -> memref<80x16xf32, #tpu.memory_space<vmem>>
    %dma_start3A_122 = arith.constant 0 : i32
    %dma_start3A_123 = tpu.memref_slice %arg7[%dma_start3A_117, %dma_start3A_122] : memref<125x80xi32, #tpu.memory_space<vmem>> -> memref<1x80xi32, #tpu.memory_space<vmem>>
    %dma_start3A_124 = tpu.memref_squeeze %dma_start3A_123 : memref<1x80xi32, #tpu.memory_space<vmem>> -> memref<80xi32, #tpu.memory_space<vmem>>
    %dma_start3A_125 = arith.constant 0 : i32
    %dma_start3A_126 = arith.constant 0 : i32
    %dma_start3A_127 = tpu.memref_slice %arg9[%dma_start3A_125, %dma_start3A_126] : memref<10000x16xf32, #tpu.memory_space<vmem_shared>> -> memref<10000x16xf32, #tpu.memory_space<vmem_shared>>
    tpu.enqueue_indirect_dma source(%dma_start3A_121 : memref<80x16xf32, #tpu.memory_space<vmem>>) target(%dma_start3A_127 : memref<10000x16xf32, #tpu.memory_space<vmem_shared>>) offsets(%dma_start3A_124 : memref<80xi32, #tpu.memory_space<vmem>>) semaphore(%arg20 : memref<!tpu.dma_semaphore, #tpu.memory_space<semaphore_mem>>) {add = true}
    %dma_wait3A_128 = arith.constant 115 : i32
    %dma_wait3A_129 = arith.constant 3 : i32
    %dma_wait3A_130 = arith.constant 0 : i32
    %dma_wait3A_131 = arith.constant 0 : i32
    %dma_wait3A_132 = tpu.memref_slice %arg8[%dma_wait3A_129, %dma_wait3A_130, %dma_wait3A_131] : memref<8x80x16xf32, #tpu.memory_space<vmem>> -> memref<1x80x16xf32, #tpu.memory_space<vmem>>
    %dma_wait3A_133 = tpu.memref_squeeze %dma_wait3A_132 : memref<1x80x16xf32, #tpu.memory_space<vmem>> -> memref<80x16xf32, #tpu.memory_space<vmem>>
    %dma_wait3A_134 = arith.constant 0 : i32
    %dma_wait3A_135 = tpu.memref_slice %arg6[%dma_wait3A_128, %dma_wait3A_134] : memref<125x80xi32, #tpu.memory_space<vmem>> -> memref<1x80xi32, #tpu.memory_space<vmem>>
    %dma_wait3A_136 = tpu.memref_squeeze %dma_wait3A_135 : memref<1x80xi32, #tpu.memory_space<vmem>> -> memref<80xi32, #tpu.memory_space<vmem>>
    %dma_wait3A_137 = arith.constant 0 : i32
    %dma_wait3A_138 = arith.constant 0 : i32
    %dma_wait3A_139 = tpu.memref_slice %arg2[%dma_wait3A_137, %dma_wait3A_138] : memref<10000x16xf32, #tpu.memory_space<hbm>> -> memref<10000x16xf32, #tpu.memory_space<hbm>>
    tpu.wait_indirect_dma semaphore(%arg13 : memref<!tpu.dma_semaphore, #tpu.memory_space<semaphore_mem>>) src(%dma_wait3A_139 : memref<10000x16xf32, #tpu.memory_space<hbm>>) dst(%dma_wait3A_133 : memref<80x16xf32, #tpu.memory_space<vmem>>)
    %dma_start3A_140 = arith.constant 3 : i32
    %dma_start3A_141 = arith.constant 115 : i32
    %dma_start3A_142 = arith.constant 0 : i32
    %dma_start3A_143 = arith.constant 0 : i32
    %dma_start3A_144 = tpu.memref_slice %arg8[%dma_start3A_140, %dma_start3A_142, %dma_start3A_143] : memref<8x80x16xf32, #tpu.memory_space<vmem>> -> memref<1x80x16xf32, #tpu.memory_space<vmem>>
    %dma_start3A_145 = tpu.memref_squeeze %dma_start3A_144 : memref<1x80x16xf32, #tpu.memory_space<vmem>> -> memref<80x16xf32, #tpu.memory_space<vmem>>
    %dma_start3A_146 = arith.constant 0 : i32
    %dma_start3A_147 = tpu.memref_slice %arg7[%dma_start3A_141, %dma_start3A_146] : memref<125x80xi32, #tpu.memory_space<vmem>> -> memref<1x80xi32, #tpu.memory_space<vmem>>
    %dma_start3A_148 = tpu.memref_squeeze %dma_start3A_147 : memref<1x80xi32, #tpu.memory_space<vmem>> -> memref<80xi32, #tpu.memory_space<vmem>>
    %dma_start3A_149 = arith.constant 0 : i32
    %dma_start3A_150 = arith.constant 0 : i32
    %dma_start3A_151 = tpu.memref_slice %arg9[%dma_start3A_149, %dma_start3A_150] : memref<10000x16xf32, #tpu.memory_space<vmem_shared>> -> memref<10000x16xf32, #tpu.memory_space<vmem_shared>>
    tpu.enqueue_indirect_dma source(%dma_start3A_145 : memref<80x16xf32, #tpu.memory_space<vmem>>) target(%dma_start3A_151 : memref<10000x16xf32, #tpu.memory_space<vmem_shared>>) offsets(%dma_start3A_148 : memref<80xi32, #tpu.memory_space<vmem>>) semaphore(%arg21 : memref<!tpu.dma_semaphore, #tpu.memory_space<semaphore_mem>>) {add = true}
    %dma_wait3A_152 = arith.constant 0 : i32
    %dma_wait3A_153 = arith.constant 112 : i32
    %dma_wait3A_154 = arith.constant 0 : i32
    %dma_wait3A_155 = arith.constant 0 : i32
    %dma_wait3A_156 = tpu.memref_slice %arg8[%dma_wait3A_152, %dma_wait3A_154, %dma_wait3A_155] : memref<8x80x16xf32, #tpu.memory_space<vmem>> -> memref<1x80x16xf32, #tpu.memory_space<vmem>>
    %dma_wait3A_157 = tpu.memref_squeeze %dma_wait3A_156 : memref<1x80x16xf32, #tpu.memory_space<vmem>> -> memref<80x16xf32, #tpu.memory_space<vmem>>
    %dma_wait3A_158 = arith.constant 0 : i32
    %dma_wait3A_159 = tpu.memref_slice %arg7[%dma_wait3A_153, %dma_wait3A_158] : memref<125x80xi32, #tpu.memory_space<vmem>> -> memref<1x80xi32, #tpu.memory_space<vmem>>
    %dma_wait3A_160 = tpu.memref_squeeze %dma_wait3A_159 : memref<1x80xi32, #tpu.memory_space<vmem>> -> memref<80xi32, #tpu.memory_space<vmem>>
    %dma_wait3A_161 = arith.constant 0 : i32
    %dma_wait3A_162 = arith.constant 0 : i32
    %dma_wait3A_163 = tpu.memref_slice %arg9[%dma_wait3A_161, %dma_wait3A_162] : memref<10000x16xf32, #tpu.memory_space<vmem_shared>> -> memref<10000x16xf32, #tpu.memory_space<vmem_shared>>
    tpu.wait_indirect_dma semaphore(%arg18 : memref<!tpu.dma_semaphore, #tpu.memory_space<semaphore_mem>>) src(%dma_wait3A_157 : memref<80x16xf32, #tpu.memory_space<vmem>>) dst(%dma_wait3A_163 : memref<10000x16xf32, #tpu.memory_space<vmem_shared>>)
    %dma_wait3A_164 = arith.constant 1 : i32
    %dma_wait3A_165 = arith.constant 113 : i32
    %dma_wait3A_166 = arith.constant 0 : i32
    %dma_wait3A_167 = arith.constant 0 : i32
    %dma_wait3A_168 = tpu.memref_slice %arg8[%dma_wait3A_164, %dma_wait3A_166, %dma_wait3A_167] : memref<8x80x16xf32, #tpu.memory_space<vmem>> -> memref<1x80x16xf32, #tpu.memory_space<vmem>>
    %dma_wait3A_169 = tpu.memref_squeeze %dma_wait3A_168 : memref<1x80x16xf32, #tpu.memory_space<vmem>> -> memref<80x16xf32, #tpu.memory_space<vmem>>
    %dma_wait3A_170 = arith.constant 0 : i32
    %dma_wait3A_171 = tpu.memref_slice %arg7[%dma_wait3A_165, %dma_wait3A_170] : memref<125x80xi32, #tpu.memory_space<vmem>> -> memref<1x80xi32, #tpu.memory_space<vmem>>
    %dma_wait3A_172 = tpu.memref_squeeze %dma_wait3A_171 : memref<1x80xi32, #tpu.memory_space<vmem>> -> memref<80xi32, #tpu.memory_space<vmem>>
    %dma_wait3A_173 = arith.constant 0 : i32
    %dma_wait3A_174 = arith.constant 0 : i32
    %dma_wait3A_175 = tpu.memref_slice %arg9[%dma_wait3A_173, %dma_wait3A_174] : memref<10000x16xf32, #tpu.memory_space<vmem_shared>> -> memref<10000x16xf32, #tpu.memory_space<vmem_shared>>
    tpu.wait_indirect_dma semaphore(%arg19 : memref<!tpu.dma_semaphore, #tpu.memory_space<semaphore_mem>>) src(%dma_wait3A_169 : memref<80x16xf32, #tpu.memory_space<vmem>>) dst(%dma_wait3A_175 : memref<10000x16xf32, #tpu.memory_space<vmem_shared>>)
    %dma_wait3A_176 = arith.constant 2 : i32
    %dma_wait3A_177 = arith.constant 114 : i32
    %dma_wait3A_178 = arith.constant 0 : i32
    %dma_wait3A_179 = arith.constant 0 : i32
    %dma_wait3A_180 = tpu.memref_slice %arg8[%dma_wait3A_176, %dma_wait3A_178, %dma_wait3A_179] : memref<8x80x16xf32, #tpu.memory_space<vmem>> -> memref<1x80x16xf32, #tpu.memory_space<vmem>>
    %dma_wait3A_181 = tpu.memref_squeeze %dma_wait3A_180 : memref<1x80x16xf32, #tpu.memory_space<vmem>> -> memref<80x16xf32, #tpu.memory_space<vmem>>
    %dma_wait3A_182 = arith.constant 0 : i32
    %dma_wait3A_183 = tpu.memref_slice %arg7[%dma_wait3A_177, %dma_wait3A_182] : memref<125x80xi32, #tpu.memory_space<vmem>> -> memref<1x80xi32, #tpu.memory_space<vmem>>
    %dma_wait3A_184 = tpu.memref_squeeze %dma_wait3A_183 : memref<1x80xi32, #tpu.memory_space<vmem>> -> memref<80xi32, #tpu.memory_space<vmem>>
    %dma_wait3A_185 = arith.constant 0 : i32
    %dma_wait3A_186 = arith.constant 0 : i32
    %dma_wait3A_187 = tpu.memref_slice %arg9[%dma_wait3A_185, %dma_wait3A_186] : memref<10000x16xf32, #tpu.memory_space<vmem_shared>> -> memref<10000x16xf32, #tpu.memory_space<vmem_shared>>
    tpu.wait_indirect_dma semaphore(%arg20 : memref<!tpu.dma_semaphore, #tpu.memory_space<semaphore_mem>>) src(%dma_wait3A_181 : memref<80x16xf32, #tpu.memory_space<vmem>>) dst(%dma_wait3A_187 : memref<10000x16xf32, #tpu.memory_space<vmem_shared>>)
    %dma_wait3A_188 = arith.constant 3 : i32
    %dma_wait3A_189 = arith.constant 115 : i32
    %dma_wait3A_190 = arith.constant 0 : i32
    %dma_wait3A_191 = arith.constant 0 : i32
    %dma_wait3A_192 = tpu.memref_slice %arg8[%dma_wait3A_188, %dma_wait3A_190, %dma_wait3A_191] : memref<8x80x16xf32, #tpu.memory_space<vmem>> -> memref<1x80x16xf32, #tpu.memory_space<vmem>>
    %dma_wait3A_193 = tpu.memref_squeeze %dma_wait3A_192 : memref<1x80x16xf32, #tpu.memory_space<vmem>> -> memref<80x16xf32, #tpu.memory_space<vmem>>
    %dma_wait3A_194 = arith.constant 0 : i32
    %dma_wait3A_195 = tpu.memref_slice %arg7[%dma_wait3A_189, %dma_wait3A_194] : memref<125x80xi32, #tpu.memory_space<vmem>> -> memref<1x80xi32, #tpu.memory_space<vmem>>
    %dma_wait3A_196 = tpu.memref_squeeze %dma_wait3A_195 : memref<1x80xi32, #tpu.memory_space<vmem>> -> memref<80xi32, #tpu.memory_space<vmem>>
    %dma_wait3A_197 = arith.constant 0 : i32
    %dma_wait3A_198 = arith.constant 0 : i32
    %dma_wait3A_199 = tpu.memref_slice %arg9[%dma_wait3A_197, %dma_wait3A_198] : memref<10000x16xf32, #tpu.memory_space<vmem_shared>> -> memref<10000x16xf32, #tpu.memory_space<vmem_shared>>
    tpu.wait_indirect_dma semaphore(%arg21 : memref<!tpu.dma_semaphore, #tpu.memory_space<semaphore_mem>>) src(%dma_wait3A_193 : memref<80x16xf32, #tpu.memory_space<vmem>>) dst(%dma_wait3A_199 : memref<10000x16xf32, #tpu.memory_space<vmem_shared>>)
    %dma_start3A_200 = arith.constant 116 : i32
    %dma_start3A_201 = arith.constant 0 : i32
    %dma_start3A_202 = arith.constant 0 : i32
    %dma_start3A_203 = arith.constant 0 : i32
    %dma_start3A_204 = tpu.memref_slice %arg8[%dma_start3A_201, %dma_start3A_202, %dma_start3A_203] : memref<8x80x16xf32, #tpu.memory_space<vmem>> -> memref<1x80x16xf32, #tpu.memory_space<vmem>>
    %dma_start3A_205 = tpu.memref_squeeze %dma_start3A_204 : memref<1x80x16xf32, #tpu.memory_space<vmem>> -> memref<80x16xf32, #tpu.memory_space<vmem>>
    %dma_start3A_206 = arith.constant 0 : i32
    %dma_start3A_207 = tpu.memref_slice %arg6[%dma_start3A_200, %dma_start3A_206] : memref<125x80xi32, #tpu.memory_space<vmem>> -> memref<1x80xi32, #tpu.memory_space<vmem>>
    %dma_start3A_208 = tpu.memref_squeeze %dma_start3A_207 : memref<1x80xi32, #tpu.memory_space<vmem>> -> memref<80xi32, #tpu.memory_space<vmem>>
    %dma_start3A_209 = arith.constant 0 : i32
    %dma_start3A_210 = arith.constant 0 : i32
    %dma_start3A_211 = tpu.memref_slice %arg2[%dma_start3A_209, %dma_start3A_210] : memref<10000x16xf32, #tpu.memory_space<hbm>> -> memref<10000x16xf32, #tpu.memory_space<hbm>>
    tpu.enqueue_indirect_dma source(%dma_start3A_211 : memref<10000x16xf32, #tpu.memory_space<hbm>>) target(%dma_start3A_205 : memref<80x16xf32, #tpu.memory_space<vmem>>) offsets(%dma_start3A_208 : memref<80xi32, #tpu.memory_space<vmem>>) semaphore(%arg10 : memref<!tpu.dma_semaphore, #tpu.memory_space<semaphore_mem>>)
    %dma_start3A_212 = arith.constant 117 : i32
    %dma_start3A_213 = arith.constant 1 : i32
    %dma_start3A_214 = arith.constant 0 : i32
    %dma_start3A_215 = arith.constant 0 : i32
    %dma_start3A_216 = tpu.memref_slice %arg8[%dma_start3A_213, %dma_start3A_214, %dma_start3A_215] : memref<8x80x16xf32, #tpu.memory_space<vmem>> -> memref<1x80x16xf32, #tpu.memory_space<vmem>>
    %dma_start3A_217 = tpu.memref_squeeze %dma_start3A_216 : memref<1x80x16xf32, #tpu.memory_space<vmem>> -> memref<80x16xf32, #tpu.memory_space<vmem>>
    %dma_start3A_218 = arith.constant 0 : i32
    %dma_start3A_219 = tpu.memref_slice %arg6[%dma_start3A_212, %dma_start3A_218] : memref<125x80xi32, #tpu.memory_space<vmem>> -> memref<1x80xi32, #tpu.memory_space<vmem>>
    %dma_start3A_220 = tpu.memref_squeeze %dma_start3A_219 : memref<1x80xi32, #tpu.memory_space<vmem>> -> memref<80xi32, #tpu.memory_space<vmem>>
    %dma_start3A_221 = arith.constant 0 : i32
    %dma_start3A_222 = arith.constant 0 : i32
    %dma_start3A_223 = tpu.memref_slice %arg2[%dma_start3A_221, %dma_start3A_222] : memref<10000x16xf32, #tpu.memory_space<hbm>> -> memref<10000x16xf32, #tpu.memory_space<hbm>>
    tpu.enqueue_indirect_dma source(%dma_start3A_223 : memref<10000x16xf32, #tpu.memory_space<hbm>>) target(%dma_start3A_217 : memref<80x16xf32, #tpu.memory_space<vmem>>) offsets(%dma_start3A_220 : memref<80xi32, #tpu.memory_space<vmem>>) semaphore(%arg11 : memref<!tpu.dma_semaphore, #tpu.memory_space<semaphore_mem>>)
    %dma_start3A_224 = arith.constant 118 : i32
    %dma_start3A_225 = arith.constant 2 : i32
    %dma_start3A_226 = arith.constant 0 : i32
    %dma_start3A_227 = arith.constant 0 : i32
    %dma_start3A_228 = tpu.memref_slice %arg8[%dma_start3A_225, %dma_start3A_226, %dma_start3A_227] : memref<8x80x16xf32, #tpu.memory_space<vmem>> -> memref<1x80x16xf32, #tpu.memory_space<vmem>>
    %dma_start3A_229 = tpu.memref_squeeze %dma_start3A_228 : memref<1x80x16xf32, #tpu.memory_space<vmem>> -> memref<80x16xf32, #tpu.memory_space<vmem>>
    %dma_start3A_230 = arith.constant 0 : i32
    %dma_start3A_231 = tpu.memref_slice %arg6[%dma_start3A_224, %dma_start3A_230] : memref<125x80xi32, #tpu.memory_space<vmem>> -> memref<1x80xi32, #tpu.memory_space<vmem>>
    %dma_start3A_232 = tpu.memref_squeeze %dma_start3A_231 : memref<1x80xi32, #tpu.memory_space<vmem>> -> memref<80xi32, #tpu.memory_space<vmem>>
    %dma_start3A_233 = arith.constant 0 : i32
    %dma_start3A_234 = arith.constant 0 : i32
    %dma_start3A_235 = tpu.memref_slice %arg2[%dma_start3A_233, %dma_start3A_234] : memref<10000x16xf32, #tpu.memory_space<hbm>> -> memref<10000x16xf32, #tpu.memory_space<hbm>>
    tpu.enqueue_indirect_dma source(%dma_start3A_235 : memref<10000x16xf32, #tpu.memory_space<hbm>>) target(%dma_start3A_229 : memref<80x16xf32, #tpu.memory_space<vmem>>) offsets(%dma_start3A_232 : memref<80xi32, #tpu.memory_space<vmem>>) semaphore(%arg12 : memref<!tpu.dma_semaphore, #tpu.memory_space<semaphore_mem>>)
    %dma_start3A_236 = arith.constant 119 : i32
    %dma_start3A_237 = arith.constant 3 : i32
    %dma_start3A_238 = arith.constant 0 : i32
    %dma_start3A_239 = arith.constant 0 : i32
    %dma_start3A_240 = tpu.memref_slice %arg8[%dma_start3A_237, %dma_start3A_238, %dma_start3A_239] : memref<8x80x16xf32, #tpu.memory_space<vmem>> -> memref<1x80x16xf32, #tpu.memory_space<vmem>>
    %dma_start3A_241 = tpu.memref_squeeze %dma_start3A_240 : memref<1x80x16xf32, #tpu.memory_space<vmem>> -> memref<80x16xf32, #tpu.memory_space<vmem>>
    %dma_start3A_242 = arith.constant 0 : i32
    %dma_start3A_243 = tpu.memref_slice %arg6[%dma_start3A_236, %dma_start3A_242] : memref<125x80xi32, #tpu.memory_space<vmem>> -> memref<1x80xi32, #tpu.memory_space<vmem>>
    %dma_start3A_244 = tpu.memref_squeeze %dma_start3A_243 : memref<1x80xi32, #tpu.memory_space<vmem>> -> memref<80xi32, #tpu.memory_space<vmem>>
    %dma_start3A_245 = arith.constant 0 : i32
    %dma_start3A_246 = arith.constant 0 : i32
    %dma_start3A_247 = tpu.memref_slice %arg2[%dma_start3A_245, %dma_start3A_246] : memref<10000x16xf32, #tpu.memory_space<hbm>> -> memref<10000x16xf32, #tpu.memory_space<hbm>>
    tpu.enqueue_indirect_dma source(%dma_start3A_247 : memref<10000x16xf32, #tpu.memory_space<hbm>>) target(%dma_start3A_241 : memref<80x16xf32, #tpu.memory_space<vmem>>) offsets(%dma_start3A_244 : memref<80xi32, #tpu.memory_space<vmem>>) semaphore(%arg13 : memref<!tpu.dma_semaphore, #tpu.memory_space<semaphore_mem>>)
    %dma_start3A_248 = arith.constant 120 : i32
    %dma_start3A_249 = arith.constant 4 : i32
    %dma_start3A_250 = arith.constant 0 : i32
    %dma_start3A_251 = arith.constant 0 : i32
    %dma_start3A_252 = tpu.memref_slice %arg8[%dma_start3A_249, %dma_start3A_250, %dma_start3A_251] : memref<8x80x16xf32, #tpu.memory_space<vmem>> -> memref<1x80x16xf32, #tpu.memory_space<vmem>>
    %dma_start3A_253 = tpu.memref_squeeze %dma_start3A_252 : memref<1x80x16xf32, #tpu.memory_space<vmem>> -> memref<80x16xf32, #tpu.memory_space<vmem>>
    %dma_start3A_254 = arith.constant 0 : i32
    %dma_start3A_255 = tpu.memref_slice %arg6[%dma_start3A_248, %dma_start3A_254] : memref<125x80xi32, #tpu.memory_space<vmem>> -> memref<1x80xi32, #tpu.memory_space<vmem>>
    %dma_start3A_256 = tpu.memref_squeeze %dma_start3A_255 : memref<1x80xi32, #tpu.memory_space<vmem>> -> memref<80xi32, #tpu.memory_space<vmem>>
    %dma_start3A_257 = arith.constant 0 : i32
    %dma_start3A_258 = arith.constant 0 : i32
    %dma_start3A_259 = tpu.memref_slice %arg2[%dma_start3A_257, %dma_start3A_258] : memref<10000x16xf32, #tpu.memory_space<hbm>> -> memref<10000x16xf32, #tpu.memory_space<hbm>>
    tpu.enqueue_indirect_dma source(%dma_start3A_259 : memref<10000x16xf32, #tpu.memory_space<hbm>>) target(%dma_start3A_253 : memref<80x16xf32, #tpu.memory_space<vmem>>) offsets(%dma_start3A_256 : memref<80xi32, #tpu.memory_space<vmem>>) semaphore(%arg14 : memref<!tpu.dma_semaphore, #tpu.memory_space<semaphore_mem>>)
    %dma_start3A_260 = arith.constant 121 : i32
    %dma_start3A_261 = arith.constant 5 : i32
    %dma_start3A_262 = arith.constant 0 : i32
    %dma_start3A_263 = arith.constant 0 : i32
    %dma_start3A_264 = tpu.memref_slice %arg8[%dma_start3A_261, %dma_start3A_262, %dma_start3A_263] : memref<8x80x16xf32, #tpu.memory_space<vmem>> -> memref<1x80x16xf32, #tpu.memory_space<vmem>>
    %dma_start3A_265 = tpu.memref_squeeze %dma_start3A_264 : memref<1x80x16xf32, #tpu.memory_space<vmem>> -> memref<80x16xf32, #tpu.memory_space<vmem>>
    %dma_start3A_266 = arith.constant 0 : i32
    %dma_start3A_267 = tpu.memref_slice %arg6[%dma_start3A_260, %dma_start3A_266] : memref<125x80xi32, #tpu.memory_space<vmem>> -> memref<1x80xi32, #tpu.memory_space<vmem>>
    %dma_start3A_268 = tpu.memref_squeeze %dma_start3A_267 : memref<1x80xi32, #tpu.memory_space<vmem>> -> memref<80xi32, #tpu.memory_space<vmem>>
    %dma_start3A_269 = arith.constant 0 : i32
    %dma_start3A_270 = arith.constant 0 : i32
    %dma_start3A_271 = tpu.memref_slice %arg2[%dma_start3A_269, %dma_start3A_270] : memref<10000x16xf32, #tpu.memory_space<hbm>> -> memref<10000x16xf32, #tpu.memory_space<hbm>>
    tpu.enqueue_indirect_dma source(%dma_start3A_271 : memref<10000x16xf32, #tpu.memory_space<hbm>>) target(%dma_start3A_265 : memref<80x16xf32, #tpu.memory_space<vmem>>) offsets(%dma_start3A_268 : memref<80xi32, #tpu.memory_space<vmem>>) semaphore(%arg15 : memref<!tpu.dma_semaphore, #tpu.memory_space<semaphore_mem>>)
    %dma_start3A_272 = arith.constant 122 : i32
    %dma_start3A_273 = arith.constant 6 : i32
    %dma_start3A_274 = arith.constant 0 : i32
    %dma_start3A_275 = arith.constant 0 : i32
    %dma_start3A_276 = tpu.memref_slice %arg8[%dma_start3A_273, %dma_start3A_274, %dma_start3A_275] : memref<8x80x16xf32, #tpu.memory_space<vmem>> -> memref<1x80x16xf32, #tpu.memory_space<vmem>>
    %dma_start3A_277 = tpu.memref_squeeze %dma_start3A_276 : memref<1x80x16xf32, #tpu.memory_space<vmem>> -> memref<80x16xf32, #tpu.memory_space<vmem>>
    %dma_start3A_278 = arith.constant 0 : i32
    %dma_start3A_279 = tpu.memref_slice %arg6[%dma_start3A_272, %dma_start3A_278] : memref<125x80xi32, #tpu.memory_space<vmem>> -> memref<1x80xi32, #tpu.memory_space<vmem>>
    %dma_start3A_280 = tpu.memref_squeeze %dma_start3A_279 : memref<1x80xi32, #tpu.memory_space<vmem>> -> memref<80xi32, #tpu.memory_space<vmem>>
    %dma_start3A_281 = arith.constant 0 : i32
    %dma_start3A_282 = arith.constant 0 : i32
    %dma_start3A_283 = tpu.memref_slice %arg2[%dma_start3A_281, %dma_start3A_282] : memref<10000x16xf32, #tpu.memory_space<hbm>> -> memref<10000x16xf32, #tpu.memory_space<hbm>>
    tpu.enqueue_indirect_dma source(%dma_start3A_283 : memref<10000x16xf32, #tpu.memory_space<hbm>>) target(%dma_start3A_277 : memref<80x16xf32, #tpu.memory_space<vmem>>) offsets(%dma_start3A_280 : memref<80xi32, #tpu.memory_space<vmem>>) semaphore(%arg16 : memref<!tpu.dma_semaphore, #tpu.memory_space<semaphore_mem>>)
    %dma_start3A_284 = arith.constant 123 : i32
    %dma_start3A_285 = arith.constant 7 : i32
    %dma_start3A_286 = arith.constant 0 : i32
    %dma_start3A_287 = arith.constant 0 : i32
    %dma_start3A_288 = tpu.memref_slice %arg8[%dma_start3A_285, %dma_start3A_286, %dma_start3A_287] : memref<8x80x16xf32, #tpu.memory_space<vmem>> -> memref<1x80x16xf32, #tpu.memory_space<vmem>>
    %dma_start3A_289 = tpu.memref_squeeze %dma_start3A_288 : memref<1x80x16xf32, #tpu.memory_space<vmem>> -> memref<80x16xf32, #tpu.memory_space<vmem>>
    %dma_start3A_290 = arith.constant 0 : i32
    %dma_start3A_291 = tpu.memref_slice %arg6[%dma_start3A_284, %dma_start3A_290] : memref<125x80xi32, #tpu.memory_space<vmem>> -> memref<1x80xi32, #tpu.memory_space<vmem>>
    %dma_start3A_292 = tpu.memref_squeeze %dma_start3A_291 : memref<1x80xi32, #tpu.memory_space<vmem>> -> memref<80xi32, #tpu.memory_space<vmem>>
    %dma_start3A_293 = arith.constant 0 : i32
    %dma_start3A_294 = arith.constant 0 : i32
    %dma_start3A_295 = tpu.memref_slice %arg2[%dma_start3A_293, %dma_start3A_294] : memref<10000x16xf32, #tpu.memory_space<hbm>> -> memref<10000x16xf32, #tpu.memory_space<hbm>>
    tpu.enqueue_indirect_dma source(%dma_start3A_295 : memref<10000x16xf32, #tpu.memory_space<hbm>>) target(%dma_start3A_289 : memref<80x16xf32, #tpu.memory_space<vmem>>) offsets(%dma_start3A_292 : memref<80xi32, #tpu.memory_space<vmem>>) semaphore(%arg17 : memref<!tpu.dma_semaphore, #tpu.memory_space<semaphore_mem>>)
    %dma_wait3A_296 = arith.constant 116 : i32
    %dma_wait3A_297 = arith.constant 0 : i32
    %dma_wait3A_298 = arith.constant 0 : i32
    %dma_wait3A_299 = arith.constant 0 : i32
    %dma_wait3A_300 = tpu.memref_slice %arg8[%dma_wait3A_297, %dma_wait3A_298, %dma_wait3A_299] : memref<8x80x16xf32, #tpu.memory_space<vmem>> -> memref<1x80x16xf32, #tpu.memory_space<vmem>>
    %dma_wait3A_301 = tpu.memref_squeeze %dma_wait3A_300 : memref<1x80x16xf32, #tpu.memory_space<vmem>> -> memref<80x16xf32, #tpu.memory_space<vmem>>
    %dma_wait3A_302 = arith.constant 0 : i32
    %dma_wait3A_303 = tpu.memref_slice %arg6[%dma_wait3A_296, %dma_wait3A_302] : memref<125x80xi32, #tpu.memory_space<vmem>> -> memref<1x80xi32, #tpu.memory_space<vmem>>
    %dma_wait3A_304 = tpu.memref_squeeze %dma_wait3A_303 : memref<1x80xi32, #tpu.memory_space<vmem>> -> memref<80xi32, #tpu.memory_space<vmem>>
    %dma_wait3A_305 = arith.constant 0 : i32
    %dma_wait3A_306 = arith.constant 0 : i32
    %dma_wait3A_307 = tpu.memref_slice %arg2[%dma_wait3A_305, %dma_wait3A_306] : memref<10000x16xf32, #tpu.memory_space<hbm>> -> memref<10000x16xf32, #tpu.memory_space<hbm>>
    tpu.wait_indirect_dma semaphore(%arg10 : memref<!tpu.dma_semaphore, #tpu.memory_space<semaphore_mem>>) src(%dma_wait3A_307 : memref<10000x16xf32, #tpu.memory_space<hbm>>) dst(%dma_wait3A_301 : memref<80x16xf32, #tpu.memory_space<vmem>>)
    %dma_start3A_308 = arith.constant 0 : i32
    %dma_start3A_309 = arith.constant 116 : i32
    %dma_start3A_310 = arith.constant 0 : i32
    %dma_start3A_311 = arith.constant 0 : i32
    %dma_start3A_312 = tpu.memref_slice %arg8[%dma_start3A_308, %dma_start3A_310, %dma_start3A_311] : memref<8x80x16xf32, #tpu.memory_space<vmem>> -> memref<1x80x16xf32, #tpu.memory_space<vmem>>
    %dma_start3A_313 = tpu.memref_squeeze %dma_start3A_312 : memref<1x80x16xf32, #tpu.memory_space<vmem>> -> memref<80x16xf32, #tpu.memory_space<vmem>>
    %dma_start3A_314 = arith.constant 0 : i32
    %dma_start3A_315 = tpu.memref_slice %arg7[%dma_start3A_309, %dma_start3A_314] : memref<125x80xi32, #tpu.memory_space<vmem>> -> memref<1x80xi32, #tpu.memory_space<vmem>>
    %dma_start3A_316 = tpu.memref_squeeze %dma_start3A_315 : memref<1x80xi32, #tpu.memory_space<vmem>> -> memref<80xi32, #tpu.memory_space<vmem>>
    %dma_start3A_317 = arith.constant 0 : i32
    %dma_start3A_318 = arith.constant 0 : i32
    %dma_start3A_319 = tpu.memref_slice %arg9[%dma_start3A_317, %dma_start3A_318] : memref<10000x16xf32, #tpu.memory_space<vmem_shared>> -> memref<10000x16xf32, #tpu.memory_space<vmem_shared>>
    tpu.enqueue_indirect_dma source(%dma_start3A_313 : memref<80x16xf32, #tpu.memory_space<vmem>>) target(%dma_start3A_319 : memref<10000x16xf32, #tpu.memory_space<vmem_shared>>) offsets(%dma_start3A_316 : memref<80xi32, #tpu.memory_space<vmem>>) semaphore(%arg18 : memref<!tpu.dma_semaphore, #tpu.memory_space<semaphore_mem>>) {add = true}
    %dma_wait3A_320 = arith.constant 117 : i32
    %dma_wait3A_321 = arith.constant 1 : i32
    %dma_wait3A_322 = arith.constant 0 : i32
    %dma_wait3A_323 = arith.constant 0 : i32
    %dma_wait3A_324 = tpu.memref_slice %arg8[%dma_wait3A_321, %dma_wait3A_322, %dma_wait3A_323] : memref<8x80x16xf32, #tpu.memory_space<vmem>> -> memref<1x80x16xf32, #tpu.memory_space<vmem>>
    %dma_wait3A_325 = tpu.memref_squeeze %dma_wait3A_324 : memref<1x80x16xf32, #tpu.memory_space<vmem>> -> memref<80x16xf32, #tpu.memory_space<vmem>>
    %dma_wait3A_326 = arith.constant 0 : i32
    %dma_wait3A_327 = tpu.memref_slice %arg6[%dma_wait3A_320, %dma_wait3A_326] : memref<125x80xi32, #tpu.memory_space<vmem>> -> memref<1x80xi32, #tpu.memory_space<vmem>>
    %dma_wait3A_328 = tpu.memref_squeeze %dma_wait3A_327 : memref<1x80xi32, #tpu.memory_space<vmem>> -> memref<80xi32, #tpu.memory_space<vmem>>
    %dma_wait3A_329 = arith.constant 0 : i32
    %dma_wait3A_330 = arith.constant 0 : i32
    %dma_wait3A_331 = tpu.memref_slice %arg2[%dma_wait3A_329, %dma_wait3A_330] : memref<10000x16xf32, #tpu.memory_space<hbm>> -> memref<10000x16xf32, #tpu.memory_space<hbm>>
    tpu.wait_indirect_dma semaphore(%arg11 : memref<!tpu.dma_semaphore, #tpu.memory_space<semaphore_mem>>) src(%dma_wait3A_331 : memref<10000x16xf32, #tpu.memory_space<hbm>>) dst(%dma_wait3A_325 : memref<80x16xf32, #tpu.memory_space<vmem>>)
    %dma_start3A_332 = arith.constant 1 : i32
    %dma_start3A_333 = arith.constant 117 : i32
    %dma_start3A_334 = arith.constant 0 : i32
    %dma_start3A_335 = arith.constant 0 : i32
    %dma_start3A_336 = tpu.memref_slice %arg8[%dma_start3A_332, %dma_start3A_334, %dma_start3A_335] : memref<8x80x16xf32, #tpu.memory_space<vmem>> -> memref<1x80x16xf32, #tpu.memory_space<vmem>>
    %dma_start3A_337 = tpu.memref_squeeze %dma_start3A_336 : memref<1x80x16xf32, #tpu.memory_space<vmem>> -> memref<80x16xf32, #tpu.memory_space<vmem>>
    %dma_start3A_338 = arith.constant 0 : i32
    %dma_start3A_339 = tpu.memref_slice %arg7[%dma_start3A_333, %dma_start3A_338] : memref<125x80xi32, #tpu.memory_space<vmem>> -> memref<1x80xi32, #tpu.memory_space<vmem>>
    %dma_start3A_340 = tpu.memref_squeeze %dma_start3A_339 : memref<1x80xi32, #tpu.memory_space<vmem>> -> memref<80xi32, #tpu.memory_space<vmem>>
    %dma_start3A_341 = arith.constant 0 : i32
    %dma_start3A_342 = arith.constant 0 : i32
    %dma_start3A_343 = tpu.memref_slice %arg9[%dma_start3A_341, %dma_start3A_342] : memref<10000x16xf32, #tpu.memory_space<vmem_shared>> -> memref<10000x16xf32, #tpu.memory_space<vmem_shared>>
    tpu.enqueue_indirect_dma source(%dma_start3A_337 : memref<80x16xf32, #tpu.memory_space<vmem>>) target(%dma_start3A_343 : memref<10000x16xf32, #tpu.memory_space<vmem_shared>>) offsets(%dma_start3A_340 : memref<80xi32, #tpu.memory_space<vmem>>) semaphore(%arg19 : memref<!tpu.dma_semaphore, #tpu.memory_space<semaphore_mem>>) {add = true}
    %dma_wait3A_344 = arith.constant 118 : i32
    %dma_wait3A_345 = arith.constant 2 : i32
    %dma_wait3A_346 = arith.constant 0 : i32
    %dma_wait3A_347 = arith.constant 0 : i32
    %dma_wait3A_348 = tpu.memref_slice %arg8[%dma_wait3A_345, %dma_wait3A_346, %dma_wait3A_347] : memref<8x80x16xf32, #tpu.memory_space<vmem>> -> memref<1x80x16xf32, #tpu.memory_space<vmem>>
    %dma_wait3A_349 = tpu.memref_squeeze %dma_wait3A_348 : memref<1x80x16xf32, #tpu.memory_space<vmem>> -> memref<80x16xf32, #tpu.memory_space<vmem>>
    %dma_wait3A_350 = arith.constant 0 : i32
    %dma_wait3A_351 = tpu.memref_slice %arg6[%dma_wait3A_344, %dma_wait3A_350] : memref<125x80xi32, #tpu.memory_space<vmem>> -> memref<1x80xi32, #tpu.memory_space<vmem>>
    %dma_wait3A_352 = tpu.memref_squeeze %dma_wait3A_351 : memref<1x80xi32, #tpu.memory_space<vmem>> -> memref<80xi32, #tpu.memory_space<vmem>>
    %dma_wait3A_353 = arith.constant 0 : i32
    %dma_wait3A_354 = arith.constant 0 : i32
    %dma_wait3A_355 = tpu.memref_slice %arg2[%dma_wait3A_353, %dma_wait3A_354] : memref<10000x16xf32, #tpu.memory_space<hbm>> -> memref<10000x16xf32, #tpu.memory_space<hbm>>
    tpu.wait_indirect_dma semaphore(%arg12 : memref<!tpu.dma_semaphore, #tpu.memory_space<semaphore_mem>>) src(%dma_wait3A_355 : memref<10000x16xf32, #tpu.memory_space<hbm>>) dst(%dma_wait3A_349 : memref<80x16xf32, #tpu.memory_space<vmem>>)
    %dma_start3A_356 = arith.constant 2 : i32
    %dma_start3A_357 = arith.constant 118 : i32
    %dma_start3A_358 = arith.constant 0 : i32
    %dma_start3A_359 = arith.constant 0 : i32
    %dma_start3A_360 = tpu.memref_slice %arg8[%dma_start3A_356, %dma_start3A_358, %dma_start3A_359] : memref<8x80x16xf32, #tpu.memory_space<vmem>> -> memref<1x80x16xf32, #tpu.memory_space<vmem>>
    %dma_start3A_361 = tpu.memref_squeeze %dma_start3A_360 : memref<1x80x16xf32, #tpu.memory_space<vmem>> -> memref<80x16xf32, #tpu.memory_space<vmem>>
    %dma_start3A_362 = arith.constant 0 : i32
    %dma_start3A_363 = tpu.memref_slice %arg7[%dma_start3A_357, %dma_start3A_362] : memref<125x80xi32, #tpu.memory_space<vmem>> -> memref<1x80xi32, #tpu.memory_space<vmem>>
    %dma_start3A_364 = tpu.memref_squeeze %dma_start3A_363 : memref<1x80xi32, #tpu.memory_space<vmem>> -> memref<80xi32, #tpu.memory_space<vmem>>
    %dma_start3A_365 = arith.constant 0 : i32
    %dma_start3A_366 = arith.constant 0 : i32
    %dma_start3A_367 = tpu.memref_slice %arg9[%dma_start3A_365, %dma_start3A_366] : memref<10000x16xf32, #tpu.memory_space<vmem_shared>> -> memref<10000x16xf32, #tpu.memory_space<vmem_shared>>
    tpu.enqueue_indirect_dma source(%dma_start3A_361 : memref<80x16xf32, #tpu.memory_space<vmem>>) target(%dma_start3A_367 : memref<10000x16xf32, #tpu.memory_space<vmem_shared>>) offsets(%dma_start3A_364 : memref<80xi32, #tpu.memory_space<vmem>>) semaphore(%arg20 : memref<!tpu.dma_semaphore, #tpu.memory_space<semaphore_mem>>) {add = true}
    %dma_wait3A_368 = arith.constant 119 : i32
    %dma_wait3A_369 = arith.constant 3 : i32
    %dma_wait3A_370 = arith.constant 0 : i32
    %dma_wait3A_371 = arith.constant 0 : i32
    %dma_wait3A_372 = tpu.memref_slice %arg8[%dma_wait3A_369, %dma_wait3A_370, %dma_wait3A_371] : memref<8x80x16xf32, #tpu.memory_space<vmem>> -> memref<1x80x16xf32, #tpu.memory_space<vmem>>
    %dma_wait3A_373 = tpu.memref_squeeze %dma_wait3A_372 : memref<1x80x16xf32, #tpu.memory_space<vmem>> -> memref<80x16xf32, #tpu.memory_space<vmem>>
    %dma_wait3A_374 = arith.constant 0 : i32
    %dma_wait3A_375 = tpu.memref_slice %arg6[%dma_wait3A_368, %dma_wait3A_374] : memref<125x80xi32, #tpu.memory_space<vmem>> -> memref<1x80xi32, #tpu.memory_space<vmem>>
    %dma_wait3A_376 = tpu.memref_squeeze %dma_wait3A_375 : memref<1x80xi32, #tpu.memory_space<vmem>> -> memref<80xi32, #tpu.memory_space<vmem>>
    %dma_wait3A_377 = arith.constant 0 : i32
    %dma_wait3A_378 = arith.constant 0 : i32
    %dma_wait3A_379 = tpu.memref_slice %arg2[%dma_wait3A_377, %dma_wait3A_378] : memref<10000x16xf32, #tpu.memory_space<hbm>> -> memref<10000x16xf32, #tpu.memory_space<hbm>>
    tpu.wait_indirect_dma semaphore(%arg13 : memref<!tpu.dma_semaphore, #tpu.memory_space<semaphore_mem>>) src(%dma_wait3A_379 : memref<10000x16xf32, #tpu.memory_space<hbm>>) dst(%dma_wait3A_373 : memref<80x16xf32, #tpu.memory_space<vmem>>)
    %dma_start3A_380 = arith.constant 3 : i32
    %dma_start3A_381 = arith.constant 119 : i32
    %dma_start3A_382 = arith.constant 0 : i32
    %dma_start3A_383 = arith.constant 0 : i32
    %dma_start3A_384 = tpu.memref_slice %arg8[%dma_start3A_380, %dma_start3A_382, %dma_start3A_383] : memref<8x80x16xf32, #tpu.memory_space<vmem>> -> memref<1x80x16xf32, #tpu.memory_space<vmem>>
    %dma_start3A_385 = tpu.memref_squeeze %dma_start3A_384 : memref<1x80x16xf32, #tpu.memory_space<vmem>> -> memref<80x16xf32, #tpu.memory_space<vmem>>
    %dma_start3A_386 = arith.constant 0 : i32
    %dma_start3A_387 = tpu.memref_slice %arg7[%dma_start3A_381, %dma_start3A_386] : memref<125x80xi32, #tpu.memory_space<vmem>> -> memref<1x80xi32, #tpu.memory_space<vmem>>
    %dma_start3A_388 = tpu.memref_squeeze %dma_start3A_387 : memref<1x80xi32, #tpu.memory_space<vmem>> -> memref<80xi32, #tpu.memory_space<vmem>>
    %dma_start3A_389 = arith.constant 0 : i32
    %dma_start3A_390 = arith.constant 0 : i32
    %dma_start3A_391 = tpu.memref_slice %arg9[%dma_start3A_389, %dma_start3A_390] : memref<10000x16xf32, #tpu.memory_space<vmem_shared>> -> memref<10000x16xf32, #tpu.memory_space<vmem_shared>>
    tpu.enqueue_indirect_dma source(%dma_start3A_385 : memref<80x16xf32, #tpu.memory_space<vmem>>) target(%dma_start3A_391 : memref<10000x16xf32, #tpu.memory_space<vmem_shared>>) offsets(%dma_start3A_388 : memref<80xi32, #tpu.memory_space<vmem>>) semaphore(%arg21 : memref<!tpu.dma_semaphore, #tpu.memory_space<semaphore_mem>>) {add = true}
    %dma_wait3A_392 = arith.constant 120 : i32
    %dma_wait3A_393 = arith.constant 4 : i32
    %dma_wait3A_394 = arith.constant 0 : i32
    %dma_wait3A_395 = arith.constant 0 : i32
    %dma_wait3A_396 = tpu.memref_slice %arg8[%dma_wait3A_393, %dma_wait3A_394, %dma_wait3A_395] : memref<8x80x16xf32, #tpu.memory_space<vmem>> -> memref<1x80x16xf32, #tpu.memory_space<vmem>>
    %dma_wait3A_397 = tpu.memref_squeeze %dma_wait3A_396 : memref<1x80x16xf32, #tpu.memory_space<vmem>> -> memref<80x16xf32, #tpu.memory_space<vmem>>
    %dma_wait3A_398 = arith.constant 0 : i32
    %dma_wait3A_399 = tpu.memref_slice %arg6[%dma_wait3A_392, %dma_wait3A_398] : memref<125x80xi32, #tpu.memory_space<vmem>> -> memref<1x80xi32, #tpu.memory_space<vmem>>
    %dma_wait3A_400 = tpu.memref_squeeze %dma_wait3A_399 : memref<1x80xi32, #tpu.memory_space<vmem>> -> memref<80xi32, #tpu.memory_space<vmem>>
    %dma_wait3A_401 = arith.constant 0 : i32
    %dma_wait3A_402 = arith.constant 0 : i32
    %dma_wait3A_403 = tpu.memref_slice %arg2[%dma_wait3A_401, %dma_wait3A_402] : memref<10000x16xf32, #tpu.memory_space<hbm>> -> memref<10000x16xf32, #tpu.memory_space<hbm>>
    tpu.wait_indirect_dma semaphore(%arg14 : memref<!tpu.dma_semaphore, #tpu.memory_space<semaphore_mem>>) src(%dma_wait3A_403 : memref<10000x16xf32, #tpu.memory_space<hbm>>) dst(%dma_wait3A_397 : memref<80x16xf32, #tpu.memory_space<vmem>>)
    %dma_start3A_404 = arith.constant 4 : i32
    %dma_start3A_405 = arith.constant 120 : i32
    %dma_start3A_406 = arith.constant 0 : i32
    %dma_start3A_407 = arith.constant 0 : i32
    %dma_start3A_408 = tpu.memref_slice %arg8[%dma_start3A_404, %dma_start3A_406, %dma_start3A_407] : memref<8x80x16xf32, #tpu.memory_space<vmem>> -> memref<1x80x16xf32, #tpu.memory_space<vmem>>
    %dma_start3A_409 = tpu.memref_squeeze %dma_start3A_408 : memref<1x80x16xf32, #tpu.memory_space<vmem>> -> memref<80x16xf32, #tpu.memory_space<vmem>>
    %dma_start3A_410 = arith.constant 0 : i32
    %dma_start3A_411 = tpu.memref_slice %arg7[%dma_start3A_405, %dma_start3A_410] : memref<125x80xi32, #tpu.memory_space<vmem>> -> memref<1x80xi32, #tpu.memory_space<vmem>>
    %dma_start3A_412 = tpu.memref_squeeze %dma_start3A_411 : memref<1x80xi32, #tpu.memory_space<vmem>> -> memref<80xi32, #tpu.memory_space<vmem>>
    %dma_start3A_413 = arith.constant 0 : i32
    %dma_start3A_414 = arith.constant 0 : i32
    %dma_start3A_415 = tpu.memref_slice %arg9[%dma_start3A_413, %dma_start3A_414] : memref<10000x16xf32, #tpu.memory_space<vmem_shared>> -> memref<10000x16xf32, #tpu.memory_space<vmem_shared>>
    tpu.enqueue_indirect_dma source(%dma_start3A_409 : memref<80x16xf32, #tpu.memory_space<vmem>>) target(%dma_start3A_415 : memref<10000x16xf32, #tpu.memory_space<vmem_shared>>) offsets(%dma_start3A_412 : memref<80xi32, #tpu.memory_space<vmem>>) semaphore(%arg22 : memref<!tpu.dma_semaphore, #tpu.memory_space<semaphore_mem>>) {add = true}
    %dma_wait3A_416 = arith.constant 121 : i32
    %dma_wait3A_417 = arith.constant 5 : i32
    %dma_wait3A_418 = arith.constant 0 : i32
    %dma_wait3A_419 = arith.constant 0 : i32
    %dma_wait3A_420 = tpu.memref_slice %arg8[%dma_wait3A_417, %dma_wait3A_418, %dma_wait3A_419] : memref<8x80x16xf32, #tpu.memory_space<vmem>> -> memref<1x80x16xf32, #tpu.memory_space<vmem>>
    %dma_wait3A_421 = tpu.memref_squeeze %dma_wait3A_420 : memref<1x80x16xf32, #tpu.memory_space<vmem>> -> memref<80x16xf32, #tpu.memory_space<vmem>>
    %dma_wait3A_422 = arith.constant 0 : i32
    %dma_wait3A_423 = tpu.memref_slice %arg6[%dma_wait3A_416, %dma_wait3A_422] : memref<125x80xi32, #tpu.memory_space<vmem>> -> memref<1x80xi32, #tpu.memory_space<vmem>>
    %dma_wait3A_424 = tpu.memref_squeeze %dma_wait3A_423 : memref<1x80xi32, #tpu.memory_space<vmem>> -> memref<80xi32, #tpu.memory_space<vmem>>
    %dma_wait3A_425 = arith.constant 0 : i32
    %dma_wait3A_426 = arith.constant 0 : i32
    %dma_wait3A_427 = tpu.memref_slice %arg2[%dma_wait3A_425, %dma_wait3A_426] : memref<10000x16xf32, #tpu.memory_space<hbm>> -> memref<10000x16xf32, #tpu.memory_space<hbm>>
    tpu.wait_indirect_dma semaphore(%arg15 : memref<!tpu.dma_semaphore, #tpu.memory_space<semaphore_mem>>) src(%dma_wait3A_427 : memref<10000x16xf32, #tpu.memory_space<hbm>>) dst(%dma_wait3A_421 : memref<80x16xf32, #tpu.memory_space<vmem>>)
    %dma_start3A_428 = arith.constant 5 : i32
    %dma_start3A_429 = arith.constant 121 : i32
    %dma_start3A_430 = arith.constant 0 : i32
    %dma_start3A_431 = arith.constant 0 : i32
    %dma_start3A_432 = tpu.memref_slice %arg8[%dma_start3A_428, %dma_start3A_430, %dma_start3A_431] : memref<8x80x16xf32, #tpu.memory_space<vmem>> -> memref<1x80x16xf32, #tpu.memory_space<vmem>>
    %dma_start3A_433 = tpu.memref_squeeze %dma_start3A_432 : memref<1x80x16xf32, #tpu.memory_space<vmem>> -> memref<80x16xf32, #tpu.memory_space<vmem>>
    %dma_start3A_434 = arith.constant 0 : i32
    %dma_start3A_435 = tpu.memref_slice %arg7[%dma_start3A_429, %dma_start3A_434] : memref<125x80xi32, #tpu.memory_space<vmem>> -> memref<1x80xi32, #tpu.memory_space<vmem>>
    %dma_start3A_436 = tpu.memref_squeeze %dma_start3A_435 : memref<1x80xi32, #tpu.memory_space<vmem>> -> memref<80xi32, #tpu.memory_space<vmem>>
    %dma_start3A_437 = arith.constant 0 : i32
    %dma_start3A_438 = arith.constant 0 : i32
    %dma_start3A_439 = tpu.memref_slice %arg9[%dma_start3A_437, %dma_start3A_438] : memref<10000x16xf32, #tpu.memory_space<vmem_shared>> -> memref<10000x16xf32, #tpu.memory_space<vmem_shared>>
    tpu.enqueue_indirect_dma source(%dma_start3A_433 : memref<80x16xf32, #tpu.memory_space<vmem>>) target(%dma_start3A_439 : memref<10000x16xf32, #tpu.memory_space<vmem_shared>>) offsets(%dma_start3A_436 : memref<80xi32, #tpu.memory_space<vmem>>) semaphore(%arg23 : memref<!tpu.dma_semaphore, #tpu.memory_space<semaphore_mem>>) {add = true}
    %dma_wait3A_440 = arith.constant 122 : i32
    %dma_wait3A_441 = arith.constant 6 : i32
    %dma_wait3A_442 = arith.constant 0 : i32
    %dma_wait3A_443 = arith.constant 0 : i32
    %dma_wait3A_444 = tpu.memref_slice %arg8[%dma_wait3A_441, %dma_wait3A_442, %dma_wait3A_443] : memref<8x80x16xf32, #tpu.memory_space<vmem>> -> memref<1x80x16xf32, #tpu.memory_space<vmem>>
    %dma_wait3A_445 = tpu.memref_squeeze %dma_wait3A_444 : memref<1x80x16xf32, #tpu.memory_space<vmem>> -> memref<80x16xf32, #tpu.memory_space<vmem>>
    %dma_wait3A_446 = arith.constant 0 : i32
    %dma_wait3A_447 = tpu.memref_slice %arg6[%dma_wait3A_440, %dma_wait3A_446] : memref<125x80xi32, #tpu.memory_space<vmem>> -> memref<1x80xi32, #tpu.memory_space<vmem>>
    %dma_wait3A_448 = tpu.memref_squeeze %dma_wait3A_447 : memref<1x80xi32, #tpu.memory_space<vmem>> -> memref<80xi32, #tpu.memory_space<vmem>>
    %dma_wait3A_449 = arith.constant 0 : i32
    %dma_wait3A_450 = arith.constant 0 : i32
    %dma_wait3A_451 = tpu.memref_slice %arg2[%dma_wait3A_449, %dma_wait3A_450] : memref<10000x16xf32, #tpu.memory_space<hbm>> -> memref<10000x16xf32, #tpu.memory_space<hbm>>
    tpu.wait_indirect_dma semaphore(%arg16 : memref<!tpu.dma_semaphore, #tpu.memory_space<semaphore_mem>>) src(%dma_wait3A_451 : memref<10000x16xf32, #tpu.memory_space<hbm>>) dst(%dma_wait3A_445 : memref<80x16xf32, #tpu.memory_space<vmem>>)
    %dma_start3A_452 = arith.constant 6 : i32
    %dma_start3A_453 = arith.constant 122 : i32
    %dma_start3A_454 = arith.constant 0 : i32
    %dma_start3A_455 = arith.constant 0 : i32
    %dma_start3A_456 = tpu.memref_slice %arg8[%dma_start3A_452, %dma_start3A_454, %dma_start3A_455] : memref<8x80x16xf32, #tpu.memory_space<vmem>> -> memref<1x80x16xf32, #tpu.memory_space<vmem>>
    %dma_start3A_457 = tpu.memref_squeeze %dma_start3A_456 : memref<1x80x16xf32, #tpu.memory_space<vmem>> -> memref<80x16xf32, #tpu.memory_space<vmem>>
    %dma_start3A_458 = arith.constant 0 : i32
    %dma_start3A_459 = tpu.memref_slice %arg7[%dma_start3A_453, %dma_start3A_458] : memref<125x80xi32, #tpu.memory_space<vmem>> -> memref<1x80xi32, #tpu.memory_space<vmem>>
    %dma_start3A_460 = tpu.memref_squeeze %dma_start3A_459 : memref<1x80xi32, #tpu.memory_space<vmem>> -> memref<80xi32, #tpu.memory_space<vmem>>
    %dma_start3A_461 = arith.constant 0 : i32
    %dma_start3A_462 = arith.constant 0 : i32
    %dma_start3A_463 = tpu.memref_slice %arg9[%dma_start3A_461, %dma_start3A_462] : memref<10000x16xf32, #tpu.memory_space<vmem_shared>> -> memref<10000x16xf32, #tpu.memory_space<vmem_shared>>
    tpu.enqueue_indirect_dma source(%dma_start3A_457 : memref<80x16xf32, #tpu.memory_space<vmem>>) target(%dma_start3A_463 : memref<10000x16xf32, #tpu.memory_space<vmem_shared>>) offsets(%dma_start3A_460 : memref<80xi32, #tpu.memory_space<vmem>>) semaphore(%arg24 : memref<!tpu.dma_semaphore, #tpu.memory_space<semaphore_mem>>) {add = true}
    %dma_wait3A_464 = arith.constant 123 : i32
    %dma_wait3A_465 = arith.constant 7 : i32
    %dma_wait3A_466 = arith.constant 0 : i32
    %dma_wait3A_467 = arith.constant 0 : i32
    %dma_wait3A_468 = tpu.memref_slice %arg8[%dma_wait3A_465, %dma_wait3A_466, %dma_wait3A_467] : memref<8x80x16xf32, #tpu.memory_space<vmem>> -> memref<1x80x16xf32, #tpu.memory_space<vmem>>
    %dma_wait3A_469 = tpu.memref_squeeze %dma_wait3A_468 : memref<1x80x16xf32, #tpu.memory_space<vmem>> -> memref<80x16xf32, #tpu.memory_space<vmem>>
    %dma_wait3A_470 = arith.constant 0 : i32
    %dma_wait3A_471 = tpu.memref_slice %arg6[%dma_wait3A_464, %dma_wait3A_470] : memref<125x80xi32, #tpu.memory_space<vmem>> -> memref<1x80xi32, #tpu.memory_space<vmem>>
    %dma_wait3A_472 = tpu.memref_squeeze %dma_wait3A_471 : memref<1x80xi32, #tpu.memory_space<vmem>> -> memref<80xi32, #tpu.memory_space<vmem>>
    %dma_wait3A_473 = arith.constant 0 : i32
    %dma_wait3A_474 = arith.constant 0 : i32
    %dma_wait3A_475 = tpu.memref_slice %arg2[%dma_wait3A_473, %dma_wait3A_474] : memref<10000x16xf32, #tpu.memory_space<hbm>> -> memref<10000x16xf32, #tpu.memory_space<hbm>>
    tpu.wait_indirect_dma semaphore(%arg17 : memref<!tpu.dma_semaphore, #tpu.memory_space<semaphore_mem>>) src(%dma_wait3A_475 : memref<10000x16xf32, #tpu.memory_space<hbm>>) dst(%dma_wait3A_469 : memref<80x16xf32, #tpu.memory_space<vmem>>)
    %dma_start3A_476 = arith.constant 7 : i32
    %dma_start3A_477 = arith.constant 123 : i32
    %dma_start3A_478 = arith.constant 0 : i32
    %dma_start3A_479 = arith.constant 0 : i32
    %dma_start3A_480 = tpu.memref_slice %arg8[%dma_start3A_476, %dma_start3A_478, %dma_start3A_479] : memref<8x80x16xf32, #tpu.memory_space<vmem>> -> memref<1x80x16xf32, #tpu.memory_space<vmem>>
    %dma_start3A_481 = tpu.memref_squeeze %dma_start3A_480 : memref<1x80x16xf32, #tpu.memory_space<vmem>> -> memref<80x16xf32, #tpu.memory_space<vmem>>
    %dma_start3A_482 = arith.constant 0 : i32
    %dma_start3A_483 = tpu.memref_slice %arg7[%dma_start3A_477, %dma_start3A_482] : memref<125x80xi32, #tpu.memory_space<vmem>> -> memref<1x80xi32, #tpu.memory_space<vmem>>
    %dma_start3A_484 = tpu.memref_squeeze %dma_start3A_483 : memref<1x80xi32, #tpu.memory_space<vmem>> -> memref<80xi32, #tpu.memory_space<vmem>>
    %dma_start3A_485 = arith.constant 0 : i32
    %dma_start3A_486 = arith.constant 0 : i32
    %dma_start3A_487 = tpu.memref_slice %arg9[%dma_start3A_485, %dma_start3A_486] : memref<10000x16xf32, #tpu.memory_space<vmem_shared>> -> memref<10000x16xf32, #tpu.memory_space<vmem_shared>>
    tpu.enqueue_indirect_dma source(%dma_start3A_481 : memref<80x16xf32, #tpu.memory_space<vmem>>) target(%dma_start3A_487 : memref<10000x16xf32, #tpu.memory_space<vmem_shared>>) offsets(%dma_start3A_484 : memref<80xi32, #tpu.memory_space<vmem>>) semaphore(%arg25 : memref<!tpu.dma_semaphore, #tpu.memory_space<semaphore_mem>>) {add = true}
    %dma_wait3A_488 = arith.constant 0 : i32
    %dma_wait3A_489 = arith.constant 116 : i32
    %dma_wait3A_490 = arith.constant 0 : i32
    %dma_wait3A_491 = arith.constant 0 : i32
    %dma_wait3A_492 = tpu.memref_slice %arg8[%dma_wait3A_488, %dma_wait3A_490, %dma_wait3A_491] : memref<8x80x16xf32, #tpu.memory_space<vmem>> -> memref<1x80x16xf32, #tpu.memory_space<vmem>>
    %dma_wait3A_493 = tpu.memref_squeeze %dma_wait3A_492 : memref<1x80x16xf32, #tpu.memory_space<vmem>> -> memref<80x16xf32, #tpu.memory_space<vmem>>
    %dma_wait3A_494 = arith.constant 0 : i32
    %dma_wait3A_495 = tpu.memref_slice %arg7[%dma_wait3A_489, %dma_wait3A_494] : memref<125x80xi32, #tpu.memory_space<vmem>> -> memref<1x80xi32, #tpu.memory_space<vmem>>
    %dma_wait3A_496 = tpu.memref_squeeze %dma_wait3A_495 : memref<1x80xi32, #tpu.memory_space<vmem>> -> memref<80xi32, #tpu.memory_space<vmem>>
    %dma_wait3A_497 = arith.constant 0 : i32
    %dma_wait3A_498 = arith.constant 0 : i32
    %dma_wait3A_499 = tpu.memref_slice %arg9[%dma_wait3A_497, %dma_wait3A_498] : memref<10000x16xf32, #tpu.memory_space<vmem_shared>> -> memref<10000x16xf32, #tpu.memory_space<vmem_shared>>
    tpu.wait_indirect_dma semaphore(%arg18 : memref<!tpu.dma_semaphore, #tpu.memory_space<semaphore_mem>>) src(%dma_wait3A_493 : memref<80x16xf32, #tpu.memory_space<vmem>>) dst(%dma_wait3A_499 : memref<10000x16xf32, #tpu.memory_space<vmem_shared>>)
    %dma_wait3A_500 = arith.constant 1 : i32
    %dma_wait3A_501 = arith.constant 117 : i32
    %dma_wait3A_502 = arith.constant 0 : i32
    %dma_wait3A_503 = arith.constant 0 : i32
    %dma_wait3A_504 = tpu.memref_slice %arg8[%dma_wait3A_500, %dma_wait3A_502, %dma_wait3A_503] : memref<8x80x16xf32, #tpu.memory_space<vmem>> -> memref<1x80x16xf32, #tpu.memory_space<vmem>>
    %dma_wait3A_505 = tpu.memref_squeeze %dma_wait3A_504 : memref<1x80x16xf32, #tpu.memory_space<vmem>> -> memref<80x16xf32, #tpu.memory_space<vmem>>
    %dma_wait3A_506 = arith.constant 0 : i32
    %dma_wait3A_507 = tpu.memref_slice %arg7[%dma_wait3A_501, %dma_wait3A_506] : memref<125x80xi32, #tpu.memory_space<vmem>> -> memref<1x80xi32, #tpu.memory_space<vmem>>
    %dma_wait3A_508 = tpu.memref_squeeze %dma_wait3A_507 : memref<1x80xi32, #tpu.memory_space<vmem>> -> memref<80xi32, #tpu.memory_space<vmem>>
    %dma_wait3A_509 = arith.constant 0 : i32
    %dma_wait3A_510 = arith.constant 0 : i32
    %dma_wait3A_511 = tpu.memref_slice %arg9[%dma_wait3A_509, %dma_wait3A_510] : memref<10000x16xf32, #tpu.memory_space<vmem_shared>> -> memref<10000x16xf32, #tpu.memory_space<vmem_shared>>
    tpu.wait_indirect_dma semaphore(%arg19 : memref<!tpu.dma_semaphore, #tpu.memory_space<semaphore_mem>>) src(%dma_wait3A_505 : memref<80x16xf32, #tpu.memory_space<vmem>>) dst(%dma_wait3A_511 : memref<10000x16xf32, #tpu.memory_space<vmem_shared>>)
    %dma_wait3A_512 = arith.constant 2 : i32
    %dma_wait3A_513 = arith.constant 118 : i32
    %dma_wait3A_514 = arith.constant 0 : i32
    %dma_wait3A_515 = arith.constant 0 : i32
    %dma_wait3A_516 = tpu.memref_slice %arg8[%dma_wait3A_512, %dma_wait3A_514, %dma_wait3A_515] : memref<8x80x16xf32, #tpu.memory_space<vmem>> -> memref<1x80x16xf32, #tpu.memory_space<vmem>>
    %dma_wait3A_517 = tpu.memref_squeeze %dma_wait3A_516 : memref<1x80x16xf32, #tpu.memory_space<vmem>> -> memref<80x16xf32, #tpu.memory_space<vmem>>
    %dma_wait3A_518 = arith.constant 0 : i32
    %dma_wait3A_519 = tpu.memref_slice %arg7[%dma_wait3A_513, %dma_wait3A_518] : memref<125x80xi32, #tpu.memory_space<vmem>> -> memref<1x80xi32, #tpu.memory_space<vmem>>
    %dma_wait3A_520 = tpu.memref_squeeze %dma_wait3A_519 : memref<1x80xi32, #tpu.memory_space<vmem>> -> memref<80xi32, #tpu.memory_space<vmem>>
    %dma_wait3A_521 = arith.constant 0 : i32
    %dma_wait3A_522 = arith.constant 0 : i32
    %dma_wait3A_523 = tpu.memref_slice %arg9[%dma_wait3A_521, %dma_wait3A_522] : memref<10000x16xf32, #tpu.memory_space<vmem_shared>> -> memref<10000x16xf32, #tpu.memory_space<vmem_shared>>
    tpu.wait_indirect_dma semaphore(%arg20 : memref<!tpu.dma_semaphore, #tpu.memory_space<semaphore_mem>>) src(%dma_wait3A_517 : memref<80x16xf32, #tpu.memory_space<vmem>>) dst(%dma_wait3A_523 : memref<10000x16xf32, #tpu.memory_space<vmem_shared>>)
    %dma_wait3A_524 = arith.constant 3 : i32
    %dma_wait3A_525 = arith.constant 119 : i32
    %dma_wait3A_526 = arith.constant 0 : i32
    %dma_wait3A_527 = arith.constant 0 : i32
    %dma_wait3A_528 = tpu.memref_slice %arg8[%dma_wait3A_524, %dma_wait3A_526, %dma_wait3A_527] : memref<8x80x16xf32, #tpu.memory_space<vmem>> -> memref<1x80x16xf32, #tpu.memory_space<vmem>>
    %dma_wait3A_529 = tpu.memref_squeeze %dma_wait3A_528 : memref<1x80x16xf32, #tpu.memory_space<vmem>> -> memref<80x16xf32, #tpu.memory_space<vmem>>
    %dma_wait3A_530 = arith.constant 0 : i32
    %dma_wait3A_531 = tpu.memref_slice %arg7[%dma_wait3A_525, %dma_wait3A_530] : memref<125x80xi32, #tpu.memory_space<vmem>> -> memref<1x80xi32, #tpu.memory_space<vmem>>
    %dma_wait3A_532 = tpu.memref_squeeze %dma_wait3A_531 : memref<1x80xi32, #tpu.memory_space<vmem>> -> memref<80xi32, #tpu.memory_space<vmem>>
    %dma_wait3A_533 = arith.constant 0 : i32
    %dma_wait3A_534 = arith.constant 0 : i32
    %dma_wait3A_535 = tpu.memref_slice %arg9[%dma_wait3A_533, %dma_wait3A_534] : memref<10000x16xf32, #tpu.memory_space<vmem_shared>> -> memref<10000x16xf32, #tpu.memory_space<vmem_shared>>
    tpu.wait_indirect_dma semaphore(%arg21 : memref<!tpu.dma_semaphore, #tpu.memory_space<semaphore_mem>>) src(%dma_wait3A_529 : memref<80x16xf32, #tpu.memory_space<vmem>>) dst(%dma_wait3A_535 : memref<10000x16xf32, #tpu.memory_space<vmem_shared>>)
    %dma_wait3A_536 = arith.constant 4 : i32
    %dma_wait3A_537 = arith.constant 120 : i32
    %dma_wait3A_538 = arith.constant 0 : i32
    %dma_wait3A_539 = arith.constant 0 : i32
    %dma_wait3A_540 = tpu.memref_slice %arg8[%dma_wait3A_536, %dma_wait3A_538, %dma_wait3A_539] : memref<8x80x16xf32, #tpu.memory_space<vmem>> -> memref<1x80x16xf32, #tpu.memory_space<vmem>>
    %dma_wait3A_541 = tpu.memref_squeeze %dma_wait3A_540 : memref<1x80x16xf32, #tpu.memory_space<vmem>> -> memref<80x16xf32, #tpu.memory_space<vmem>>
    %dma_wait3A_542 = arith.constant 0 : i32
    %dma_wait3A_543 = tpu.memref_slice %arg7[%dma_wait3A_537, %dma_wait3A_542] : memref<125x80xi32, #tpu.memory_space<vmem>> -> memref<1x80xi32, #tpu.memory_space<vmem>>
    %dma_wait3A_544 = tpu.memref_squeeze %dma_wait3A_543 : memref<1x80xi32, #tpu.memory_space<vmem>> -> memref<80xi32, #tpu.memory_space<vmem>>
    %dma_wait3A_545 = arith.constant 0 : i32
    %dma_wait3A_546 = arith.constant 0 : i32
    %dma_wait3A_547 = tpu.memref_slice %arg9[%dma_wait3A_545, %dma_wait3A_546] : memref<10000x16xf32, #tpu.memory_space<vmem_shared>> -> memref<10000x16xf32, #tpu.memory_space<vmem_shared>>
    tpu.wait_indirect_dma semaphore(%arg22 : memref<!tpu.dma_semaphore, #tpu.memory_space<semaphore_mem>>) src(%dma_wait3A_541 : memref<80x16xf32, #tpu.memory_space<vmem>>) dst(%dma_wait3A_547 : memref<10000x16xf32, #tpu.memory_space<vmem_shared>>)
    %dma_wait3A_548 = arith.constant 5 : i32
    %dma_wait3A_549 = arith.constant 121 : i32
    %dma_wait3A_550 = arith.constant 0 : i32
    %dma_wait3A_551 = arith.constant 0 : i32
    %dma_wait3A_552 = tpu.memref_slice %arg8[%dma_wait3A_548, %dma_wait3A_550, %dma_wait3A_551] : memref<8x80x16xf32, #tpu.memory_space<vmem>> -> memref<1x80x16xf32, #tpu.memory_space<vmem>>
    %dma_wait3A_553 = tpu.memref_squeeze %dma_wait3A_552 : memref<1x80x16xf32, #tpu.memory_space<vmem>> -> memref<80x16xf32, #tpu.memory_space<vmem>>
    %dma_wait3A_554 = arith.constant 0 : i32
    %dma_wait3A_555 = tpu.memref_slice %arg7[%dma_wait3A_549, %dma_wait3A_554] : memref<125x80xi32, #tpu.memory_space<vmem>> -> memref<1x80xi32, #tpu.memory_space<vmem>>
    %dma_wait3A_556 = tpu.memref_squeeze %dma_wait3A_555 : memref<1x80xi32, #tpu.memory_space<vmem>> -> memref<80xi32, #tpu.memory_space<vmem>>
    %dma_wait3A_557 = arith.constant 0 : i32
    %dma_wait3A_558 = arith.constant 0 : i32
    %dma_wait3A_559 = tpu.memref_slice %arg9[%dma_wait3A_557, %dma_wait3A_558] : memref<10000x16xf32, #tpu.memory_space<vmem_shared>> -> memref<10000x16xf32, #tpu.memory_space<vmem_shared>>
    tpu.wait_indirect_dma semaphore(%arg23 : memref<!tpu.dma_semaphore, #tpu.memory_space<semaphore_mem>>) src(%dma_wait3A_553 : memref<80x16xf32, #tpu.memory_space<vmem>>) dst(%dma_wait3A_559 : memref<10000x16xf32, #tpu.memory_space<vmem_shared>>)
    %dma_wait3A_560 = arith.constant 6 : i32
    %dma_wait3A_561 = arith.constant 122 : i32
    %dma_wait3A_562 = arith.constant 0 : i32
    %dma_wait3A_563 = arith.constant 0 : i32
    %dma_wait3A_564 = tpu.memref_slice %arg8[%dma_wait3A_560, %dma_wait3A_562, %dma_wait3A_563] : memref<8x80x16xf32, #tpu.memory_space<vmem>> -> memref<1x80x16xf32, #tpu.memory_space<vmem>>
    %dma_wait3A_565 = tpu.memref_squeeze %dma_wait3A_564 : memref<1x80x16xf32, #tpu.memory_space<vmem>> -> memref<80x16xf32, #tpu.memory_space<vmem>>
    %dma_wait3A_566 = arith.constant 0 : i32
    %dma_wait3A_567 = tpu.memref_slice %arg7[%dma_wait3A_561, %dma_wait3A_566] : memref<125x80xi32, #tpu.memory_space<vmem>> -> memref<1x80xi32, #tpu.memory_space<vmem>>
    %dma_wait3A_568 = tpu.memref_squeeze %dma_wait3A_567 : memref<1x80xi32, #tpu.memory_space<vmem>> -> memref<80xi32, #tpu.memory_space<vmem>>
    %dma_wait3A_569 = arith.constant 0 : i32
    %dma_wait3A_570 = arith.constant 0 : i32
    %dma_wait3A_571 = tpu.memref_slice %arg9[%dma_wait3A_569, %dma_wait3A_570] : memref<10000x16xf32, #tpu.memory_space<vmem_shared>> -> memref<10000x16xf32, #tpu.memory_space<vmem_shared>>
    tpu.wait_indirect_dma semaphore(%arg24 : memref<!tpu.dma_semaphore, #tpu.memory_space<semaphore_mem>>) src(%dma_wait3A_565 : memref<80x16xf32, #tpu.memory_space<vmem>>) dst(%dma_wait3A_571 : memref<10000x16xf32, #tpu.memory_space<vmem_shared>>)
    %dma_wait3A_572 = arith.constant 7 : i32
    %dma_wait3A_573 = arith.constant 123 : i32
    %dma_wait3A_574 = arith.constant 0 : i32
    %dma_wait3A_575 = arith.constant 0 : i32
    %dma_wait3A_576 = tpu.memref_slice %arg8[%dma_wait3A_572, %dma_wait3A_574, %dma_wait3A_575] : memref<8x80x16xf32, #tpu.memory_space<vmem>> -> memref<1x80x16xf32, #tpu.memory_space<vmem>>
    %dma_wait3A_577 = tpu.memref_squeeze %dma_wait3A_576 : memref<1x80x16xf32, #tpu.memory_space<vmem>> -> memref<80x16xf32, #tpu.memory_space<vmem>>
    %dma_wait3A_578 = arith.constant 0 : i32
    %dma_wait3A_579 = tpu.memref_slice %arg7[%dma_wait3A_573, %dma_wait3A_578] : memref<125x80xi32, #tpu.memory_space<vmem>> -> memref<1x80xi32, #tpu.memory_space<vmem>>
    %dma_wait3A_580 = tpu.memref_squeeze %dma_wait3A_579 : memref<1x80xi32, #tpu.memory_space<vmem>> -> memref<80xi32, #tpu.memory_space<vmem>>
    %dma_wait3A_581 = arith.constant 0 : i32
    %dma_wait3A_582 = arith.constant 0 : i32
    %dma_wait3A_583 = tpu.memref_slice %arg9[%dma_wait3A_581, %dma_wait3A_582] : memref<10000x16xf32, #tpu.memory_space<vmem_shared>> -> memref<10000x16xf32, #tpu.memory_space<vmem_shared>>
    tpu.wait_indirect_dma semaphore(%arg25 : memref<!tpu.dma_semaphore, #tpu.memory_space<semaphore_mem>>) src(%dma_wait3A_577 : memref<80x16xf32, #tpu.memory_space<vmem>>) dst(%dma_wait3A_583 : memref<10000x16xf32, #tpu.memory_space<vmem_shared>>)
    %dma_start3A_584 = arith.constant 124 : i32
    %dma_start3A_585 = arith.constant 0 : i32
    %dma_start3A_586 = arith.constant 0 : i32
    %dma_start3A_587 = arith.constant 0 : i32
    %dma_start3A_588 = tpu.memref_slice %arg8[%dma_start3A_585, %dma_start3A_586, %dma_start3A_587] : memref<8x80x16xf32, #tpu.memory_space<vmem>> -> memref<1x80x16xf32, #tpu.memory_space<vmem>>
    %dma_start3A_589 = tpu.memref_squeeze %dma_start3A_588 : memref<1x80x16xf32, #tpu.memory_space<vmem>> -> memref<80x16xf32, #tpu.memory_space<vmem>>
    %dma_start3A_590 = arith.constant 0 : i32
    %dma_start3A_591 = tpu.memref_slice %arg6[%dma_start3A_584, %dma_start3A_590] : memref<125x80xi32, #tpu.memory_space<vmem>> -> memref<1x80xi32, #tpu.memory_space<vmem>>
    %dma_start3A_592 = tpu.memref_squeeze %dma_start3A_591 : memref<1x80xi32, #tpu.memory_space<vmem>> -> memref<80xi32, #tpu.memory_space<vmem>>
    %dma_start3A_593 = arith.constant 0 : i32
    %dma_start3A_594 = arith.constant 0 : i32
    %dma_start3A_595 = tpu.memref_slice %arg2[%dma_start3A_593, %dma_start3A_594] : memref<10000x16xf32, #tpu.memory_space<hbm>> -> memref<10000x16xf32, #tpu.memory_space<hbm>>
    tpu.enqueue_indirect_dma source(%dma_start3A_595 : memref<10000x16xf32, #tpu.memory_space<hbm>>) target(%dma_start3A_589 : memref<80x16xf32, #tpu.memory_space<vmem>>) offsets(%dma_start3A_592 : memref<80xi32, #tpu.memory_space<vmem>>) semaphore(%arg10 : memref<!tpu.dma_semaphore, #tpu.memory_space<semaphore_mem>>)
    %dma_wait3A_596 = arith.constant 124 : i32
    %dma_wait3A_597 = arith.constant 0 : i32
    %dma_wait3A_598 = arith.constant 0 : i32
    %dma_wait3A_599 = arith.constant 0 : i32
    %dma_wait3A_600 = tpu.memref_slice %arg8[%dma_wait3A_597, %dma_wait3A_598, %dma_wait3A_599] : memref<8x80x16xf32, #tpu.memory_space<vmem>> -> memref<1x80x16xf32, #tpu.memory_space<vmem>>
    %dma_wait3A_601 = tpu.memref_squeeze %dma_wait3A_600 : memref<1x80x16xf32, #tpu.memory_space<vmem>> -> memref<80x16xf32, #tpu.memory_space<vmem>>
    %dma_wait3A_602 = arith.constant 0 : i32
    %dma_wait3A_603 = tpu.memref_slice %arg6[%dma_wait3A_596, %dma_wait3A_602] : memref<125x80xi32, #tpu.memory_space<vmem>> -> memref<1x80xi32, #tpu.memory_space<vmem>>
    %dma_wait3A_604 = tpu.memref_squeeze %dma_wait3A_603 : memref<1x80xi32, #tpu.memory_space<vmem>> -> memref<80xi32, #tpu.memory_space<vmem>>
    %dma_wait3A_605 = arith.constant 0 : i32
    %dma_wait3A_606 = arith.constant 0 : i32
    %dma_wait3A_607 = tpu.memref_slice %arg2[%dma_wait3A_605, %dma_wait3A_606] : memref<10000x16xf32, #tpu.memory_space<hbm>> -> memref<10000x16xf32, #tpu.memory_space<hbm>>
    tpu.wait_indirect_dma semaphore(%arg10 : memref<!tpu.dma_semaphore, #tpu.memory_space<semaphore_mem>>) src(%dma_wait3A_607 : memref<10000x16xf32, #tpu.memory_space<hbm>>) dst(%dma_wait3A_601 : memref<80x16xf32, #tpu.memory_space<vmem>>)
    %dma_start3A_608 = arith.constant 0 : i32
    %dma_start3A_609 = arith.constant 124 : i32
    %dma_start3A_610 = arith.constant 0 : i32
    %dma_start3A_611 = arith.constant 0 : i32
    %dma_start3A_612 = tpu.memref_slice %arg8[%dma_start3A_608, %dma_start3A_610, %dma_start3A_611] : memref<8x80x16xf32, #tpu.memory_space<vmem>> -> memref<1x80x16xf32, #tpu.memory_space<vmem>>
    %dma_start3A_613 = tpu.memref_squeeze %dma_start3A_612 : memref<1x80x16xf32, #tpu.memory_space<vmem>> -> memref<80x16xf32, #tpu.memory_space<vmem>>
    %dma_start3A_614 = arith.constant 0 : i32
    %dma_start3A_615 = tpu.memref_slice %arg7[%dma_start3A_609, %dma_start3A_614] : memref<125x80xi32, #tpu.memory_space<vmem>> -> memref<1x80xi32, #tpu.memory_space<vmem>>
    %dma_start3A_616 = tpu.memref_squeeze %dma_start3A_615 : memref<1x80xi32, #tpu.memory_space<vmem>> -> memref<80xi32, #tpu.memory_space<vmem>>
    %dma_start3A_617 = arith.constant 0 : i32
    %dma_start3A_618 = arith.constant 0 : i32
    %dma_start3A_619 = tpu.memref_slice %arg9[%dma_start3A_617, %dma_start3A_618] : memref<10000x16xf32, #tpu.memory_space<vmem_shared>> -> memref<10000x16xf32, #tpu.memory_space<vmem_shared>>
    tpu.enqueue_indirect_dma source(%dma_start3A_613 : memref<80x16xf32, #tpu.memory_space<vmem>>) target(%dma_start3A_619 : memref<10000x16xf32, #tpu.memory_space<vmem_shared>>) offsets(%dma_start3A_616 : memref<80xi32, #tpu.memory_space<vmem>>) semaphore(%arg18 : memref<!tpu.dma_semaphore, #tpu.memory_space<semaphore_mem>>) {add = true}
    %dma_wait3A_620 = arith.constant 0 : i32
    %dma_wait3A_621 = arith.constant 124 : i32
    %dma_wait3A_622 = arith.constant 0 : i32
    %dma_wait3A_623 = arith.constant 0 : i32
    %dma_wait3A_624 = tpu.memref_slice %arg8[%dma_wait3A_620, %dma_wait3A_622, %dma_wait3A_623] : memref<8x80x16xf32, #tpu.memory_space<vmem>> -> memref<1x80x16xf32, #tpu.memory_space<vmem>>
    %dma_wait3A_625 = tpu.memref_squeeze %dma_wait3A_624 : memref<1x80x16xf32, #tpu.memory_space<vmem>> -> memref<80x16xf32, #tpu.memory_space<vmem>>
    %dma_wait3A_626 = arith.constant 0 : i32
    %dma_wait3A_627 = tpu.memref_slice %arg7[%dma_wait3A_621, %dma_wait3A_626] : memref<125x80xi32, #tpu.memory_space<vmem>> -> memref<1x80xi32, #tpu.memory_space<vmem>>
    %dma_wait3A_628 = tpu.memref_squeeze %dma_wait3A_627 : memref<1x80xi32, #tpu.memory_space<vmem>> -> memref<80xi32, #tpu.memory_space<vmem>>
    %dma_wait3A_629 = arith.constant 0 : i32
    %dma_wait3A_630 = arith.constant 0 : i32
    %dma_wait3A_631 = tpu.memref_slice %arg9[%dma_wait3A_629, %dma_wait3A_630] : memref<10000x16xf32, #tpu.memory_space<vmem_shared>> -> memref<10000x16xf32, #tpu.memory_space<vmem_shared>>
    tpu.wait_indirect_dma semaphore(%arg18 : memref<!tpu.dma_semaphore, #tpu.memory_space<semaphore_mem>>) src(%dma_wait3A_625 : memref<80x16xf32, #tpu.memory_space<vmem>>) dst(%dma_wait3A_631 : memref<10000x16xf32, #tpu.memory_space<vmem_shared>>)
    %barrier3A_632 = arith.constant 0 : index
    tpu.barrier barrier_id(%barrier3A_632)
    %mul3A_633 = arith.constant 624 : i32
    %mul3A_634 = arith.muli %arg1, %mul3A_633 : i32
    "tpu.region"() ({
      %run_scoped3A = tpu.sem_alloc : memref<!tpu.dma_semaphore, #tpu.memory_space<semaphore_mem>>
      %dma_start3A_640 = arith.constant 0 : i32
      %dma_start3A_641 = tpu.memref_slice %arg5[%arg0, %mul3A_634, %dma_start3A_640] : memref<2x10000x16xf32, #tpu.memory_space<hbm>> -> memref<1x624x16xf32, #tpu.memory_space<hbm>>
      %dma_start3A_642 = tpu.memref_squeeze %dma_start3A_641 : memref<1x624x16xf32, #tpu.memory_space<hbm>> -> memref<624x16xf32, #tpu.memory_space<hbm>>
      %dma_start3A_643 = arith.constant 0 : i32
      %dma_start3A_644 = tpu.memref_slice %arg9[%mul3A_634, %dma_start3A_643] : memref<10000x16xf32, #tpu.memory_space<vmem_shared>> -> memref<624x16xf32, #tpu.memory_space<vmem_shared>>
      tpu.enqueue_dma source(%dma_start3A_644 : memref<624x16xf32, #tpu.memory_space<vmem_shared>>) target(%dma_start3A_642 : memref<624x16xf32, #tpu.memory_space<hbm>>) target_semaphore(%run_scoped3A : memref<!tpu.dma_semaphore, #tpu.memory_space<semaphore_mem>>)
      %dma_wait3A_645 = arith.constant 0 : i32
      %dma_wait3A_646 = tpu.memref_slice %arg5[%arg0, %mul3A_634, %dma_wait3A_645] : memref<2x10000x16xf32, #tpu.memory_space<hbm>> -> memref<1x624x16xf32, #tpu.memory_space<hbm>>
      %dma_wait3A_647 = tpu.memref_squeeze %dma_wait3A_646 : memref<1x624x16xf32, #tpu.memory_space<hbm>> -> memref<624x16xf32, #tpu.memory_space<hbm>>
      %dma_wait3A_648 = arith.constant 0 : i32
      %dma_wait3A_649 = tpu.memref_slice %arg9[%mul3A_634, %dma_wait3A_648] : memref<10000x16xf32, #tpu.memory_space<vmem_shared>> -> memref<624x16xf32, #tpu.memory_space<vmem_shared>>
      tpu.wait_dma2 semaphore(%run_scoped3A : memref<!tpu.dma_semaphore, #tpu.memory_space<semaphore_mem>>) src(%dma_wait3A_649 : memref<624x16xf32, #tpu.memory_space<vmem_shared>>) dst(%dma_wait3A_647 : memref<624x16xf32, #tpu.memory_space<hbm>>)
      tpu.yield
    }) : () -> ()
    %eq3A_635 = arith.constant 15 : i32
    %eq3A_636 = arith.cmpi eq, %arg1, %eq3A_635 : i32
    %convert_element_type3A_637 = arith.extui %eq3A_636 : i1 to i32
    %cond3A_638 = arith.constant 0 : i32
    %cond3A_639 = arith.cmpi ne, %convert_element_type3A_637, %cond3A_638 : i32
    scf.if %cond3A_639 {
      "tpu.region"() ({
        %run_scoped3A = tpu.sem_alloc : memref<!tpu.dma_semaphore, #tpu.memory_space<semaphore_mem>>
        %dma_start3A_640 = arith.constant 9984 : i32
        %dma_start3A_641 = arith.constant 0 : i32
        %dma_start3A_642 = tpu.memref_slice %arg5[%arg0, %dma_start3A_640, %dma_start3A_641] : memref<2x10000x16xf32, #tpu.memory_space<hbm>> -> memref<1x16x16xf32, #tpu.memory_space<hbm>>
        %dma_start3A_643 = tpu.memref_squeeze %dma_start3A_642 : memref<1x16x16xf32, #tpu.memory_space<hbm>> -> memref<16x16xf32, #tpu.memory_space<hbm>>
        %dma_start3A_644 = arith.constant 9984 : i32
        %dma_start3A_645 = arith.constant 0 : i32
        %dma_start3A_646 = tpu.memref_slice %arg9[%dma_start3A_644, %dma_start3A_645] : memref<10000x16xf32, #tpu.memory_space<vmem_shared>> -> memref<16x16xf32, #tpu.memory_space<vmem_shared>>
        tpu.enqueue_dma source(%dma_start3A_646 : memref<16x16xf32, #tpu.memory_space<vmem_shared>>) target(%dma_start3A_643 : memref<16x16xf32, #tpu.memory_space<hbm>>) target_semaphore(%run_scoped3A : memref<!tpu.dma_semaphore, #tpu.memory_space<semaphore_mem>>)
        %dma_wait3A_647 = arith.constant 9984 : i32
        %dma_wait3A_648 = arith.constant 0 : i32
        %dma_wait3A_649 = tpu.memref_slice %arg5[%arg0, %dma_wait3A_647, %dma_wait3A_648] : memref<2x10000x16xf32, #tpu.memory_space<hbm>> -> memref<1x16x16xf32, #tpu.memory_space<hbm>>
        %dma_wait3A_650 = tpu.memref_squeeze %dma_wait3A_649 : memref<1x16x16xf32, #tpu.memory_space<hbm>> -> memref<16x16xf32, #tpu.memory_space<hbm>>
        %dma_wait3A_651 = arith.constant 9984 : i32
        %dma_wait3A_652 = arith.constant 0 : i32
        %dma_wait3A_653 = tpu.memref_slice %arg9[%dma_wait3A_651, %dma_wait3A_652] : memref<10000x16xf32, #tpu.memory_space<vmem_shared>> -> memref<16x16xf32, #tpu.memory_space<vmem_shared>>
        tpu.wait_dma2 semaphore(%run_scoped3A : memref<!tpu.dma_semaphore, #tpu.memory_space<semaphore_mem>>) src(%dma_wait3A_653 : memref<16x16xf32, #tpu.memory_space<vmem_shared>>) dst(%dma_wait3A_650 : memref<16x16xf32, #tpu.memory_space<hbm>>)
        tpu.yield
      }) : () -> ()
    } else {
    }
    return
  }
}

#map = affine_map<(d0, d1) -> (0, 0)>
#map1 = affine_map<(d0, d1) -> (0, 0, 0)>
module attributes {stable_mosaic.version = 14 : i64} {
  func.func @_spmm_body(%arg0: i32, %arg1: i32, %arg2: memref<10000x128xf32, #tpu.memory_space<hbm>>, %arg3: memref<32x250x40xi32, #tpu.memory_space<hbm>>, %arg4: memref<32x250x40xi32, #tpu.memory_space<hbm>>, %arg5: memref<2x10000x128xf32, #tpu.memory_space<hbm>>, %arg6: memref<250x40xi32, #tpu.memory_space<vmem>>, %arg7: memref<250x40xi32, #tpu.memory_space<vmem>>, %arg8: memref<4x40x128xf32, #tpu.memory_space<vmem>>, %arg9: memref<10000x128xf32, #tpu.memory_space<vmem_shared>>, %arg10: memref<!tpu.dma_semaphore, #tpu.memory_space<semaphore_mem>>, %arg11: memref<!tpu.dma_semaphore, #tpu.memory_space<semaphore_mem>>, %arg12: memref<!tpu.dma_semaphore, #tpu.memory_space<semaphore_mem>>, %arg13: memref<!tpu.dma_semaphore, #tpu.memory_space<semaphore_mem>>, %arg14: memref<!tpu.dma_semaphore, #tpu.memory_space<semaphore_mem>>, %arg15: memref<!tpu.dma_semaphore, #tpu.memory_space<semaphore_mem>>, %arg16: memref<!tpu.dma_semaphore, #tpu.memory_space<semaphore_mem>>, %arg17: memref<!tpu.dma_semaphore, #tpu.memory_space<semaphore_mem>>) attributes {dimension_semantics = [#tpu.dimension_semantics<core_parallel>, #tpu.dimension_semantics<subcore_parallel>], iteration_bounds = array<i64: 2, 16>, scalar_prefetch = 0 : i64, scratch_operands = 12 : i64, tpu.core_type = #tpu.core_type<sc_vector_subcore>, window_params = [{transform_indices = #map}, {transform_indices = #map1}, {transform_indices = #map1}, {transform_indices = #map1}]} {
    %mul3A = arith.constant 16 : i32
    %mul3A_0 = arith.muli %arg0, %mul3A : i32
    %add3A = arith.addi %mul3A_0, %arg1 : i32
    "tpu.region"() ({
      %run_scoped3A = tpu.sem_alloc : memref<!tpu.dma_semaphore, #tpu.memory_space<semaphore_mem>>
      %dma_start3A_304 = arith.constant 0 : i32
      %dma_start3A_305 = arith.constant 0 : i32
      %dma_start3A_306 = tpu.memref_slice %arg3[%add3A, %dma_start3A_304, %dma_start3A_305] : memref<32x250x40xi32, #tpu.memory_space<hbm>> -> memref<1x250x40xi32, #tpu.memory_space<hbm>>
      %dma_start3A_307 = tpu.memref_squeeze %dma_start3A_306 : memref<1x250x40xi32, #tpu.memory_space<hbm>> -> memref<250x40xi32, #tpu.memory_space<hbm>>
      %dma_start3A_308 = arith.constant 0 : i32
      %dma_start3A_309 = arith.constant 0 : i32
      %dma_start3A_310 = tpu.memref_slice %arg3[%add3A, %dma_start3A_308, %dma_start3A_309] : memref<32x250x40xi32, #tpu.memory_space<hbm>> -> memref<1x250x40xi32, #tpu.memory_space<hbm>>
      %dma_start3A_311 = tpu.memref_squeeze %dma_start3A_310 : memref<1x250x40xi32, #tpu.memory_space<hbm>> -> memref<250x40xi32, #tpu.memory_space<hbm>>
      tpu.enqueue_dma source(%dma_start3A_311 : memref<250x40xi32, #tpu.memory_space<hbm>>) target(%arg6 : memref<250x40xi32, #tpu.memory_space<vmem>>) target_semaphore(%run_scoped3A : memref<!tpu.dma_semaphore, #tpu.memory_space<semaphore_mem>>)
      %dma_wait3A_312 = arith.constant 0 : i32
      %dma_wait3A_313 = arith.constant 0 : i32
      %dma_wait3A_314 = tpu.memref_slice %arg3[%add3A, %dma_wait3A_312, %dma_wait3A_313] : memref<32x250x40xi32, #tpu.memory_space<hbm>> -> memref<1x250x40xi32, #tpu.memory_space<hbm>>
      %dma_wait3A_315 = tpu.memref_squeeze %dma_wait3A_314 : memref<1x250x40xi32, #tpu.memory_space<hbm>> -> memref<250x40xi32, #tpu.memory_space<hbm>>
      %dma_wait3A_316 = arith.constant 0 : i32
      %dma_wait3A_317 = arith.constant 0 : i32
      %dma_wait3A_318 = tpu.memref_slice %arg3[%add3A, %dma_wait3A_316, %dma_wait3A_317] : memref<32x250x40xi32, #tpu.memory_space<hbm>> -> memref<1x250x40xi32, #tpu.memory_space<hbm>>
      %dma_wait3A_319 = tpu.memref_squeeze %dma_wait3A_318 : memref<1x250x40xi32, #tpu.memory_space<hbm>> -> memref<250x40xi32, #tpu.memory_space<hbm>>
      tpu.wait_dma2 semaphore(%run_scoped3A : memref<!tpu.dma_semaphore, #tpu.memory_space<semaphore_mem>>) src(%dma_wait3A_319 : memref<250x40xi32, #tpu.memory_space<hbm>>) dst(%arg6 : memref<250x40xi32, #tpu.memory_space<vmem>>)
      tpu.yield
    }) : () -> ()
    "tpu.region"() ({
      %run_scoped3A = tpu.sem_alloc : memref<!tpu.dma_semaphore, #tpu.memory_space<semaphore_mem>>
      %dma_start3A_304 = arith.constant 0 : i32
      %dma_start3A_305 = arith.constant 0 : i32
      %dma_start3A_306 = tpu.memref_slice %arg4[%add3A, %dma_start3A_304, %dma_start3A_305] : memref<32x250x40xi32, #tpu.memory_space<hbm>> -> memref<1x250x40xi32, #tpu.memory_space<hbm>>
      %dma_start3A_307 = tpu.memref_squeeze %dma_start3A_306 : memref<1x250x40xi32, #tpu.memory_space<hbm>> -> memref<250x40xi32, #tpu.memory_space<hbm>>
      %dma_start3A_308 = arith.constant 0 : i32
      %dma_start3A_309 = arith.constant 0 : i32
      %dma_start3A_310 = tpu.memref_slice %arg4[%add3A, %dma_start3A_308, %dma_start3A_309] : memref<32x250x40xi32, #tpu.memory_space<hbm>> -> memref<1x250x40xi32, #tpu.memory_space<hbm>>
      %dma_start3A_311 = tpu.memref_squeeze %dma_start3A_310 : memref<1x250x40xi32, #tpu.memory_space<hbm>> -> memref<250x40xi32, #tpu.memory_space<hbm>>
      tpu.enqueue_dma source(%dma_start3A_311 : memref<250x40xi32, #tpu.memory_space<hbm>>) target(%arg7 : memref<250x40xi32, #tpu.memory_space<vmem>>) target_semaphore(%run_scoped3A : memref<!tpu.dma_semaphore, #tpu.memory_space<semaphore_mem>>)
      %dma_wait3A_312 = arith.constant 0 : i32
      %dma_wait3A_313 = arith.constant 0 : i32
      %dma_wait3A_314 = tpu.memref_slice %arg4[%add3A, %dma_wait3A_312, %dma_wait3A_313] : memref<32x250x40xi32, #tpu.memory_space<hbm>> -> memref<1x250x40xi32, #tpu.memory_space<hbm>>
      %dma_wait3A_315 = tpu.memref_squeeze %dma_wait3A_314 : memref<1x250x40xi32, #tpu.memory_space<hbm>> -> memref<250x40xi32, #tpu.memory_space<hbm>>
      %dma_wait3A_316 = arith.constant 0 : i32
      %dma_wait3A_317 = arith.constant 0 : i32
      %dma_wait3A_318 = tpu.memref_slice %arg4[%add3A, %dma_wait3A_316, %dma_wait3A_317] : memref<32x250x40xi32, #tpu.memory_space<hbm>> -> memref<1x250x40xi32, #tpu.memory_space<hbm>>
      %dma_wait3A_319 = tpu.memref_squeeze %dma_wait3A_318 : memref<1x250x40xi32, #tpu.memory_space<hbm>> -> memref<250x40xi32, #tpu.memory_space<hbm>>
      tpu.wait_dma2 semaphore(%run_scoped3A : memref<!tpu.dma_semaphore, #tpu.memory_space<semaphore_mem>>) src(%dma_wait3A_319 : memref<250x40xi32, #tpu.memory_space<hbm>>) dst(%arg7 : memref<250x40xi32, #tpu.memory_space<vmem>>)
      tpu.yield
    }) : () -> ()
    %dma_start3A = arith.constant 0 : i32
    %dma_start3A_1 = arith.constant 0 : i32
    %dma_start3A_2 = arith.constant 0 : i32
    %dma_start3A_3 = arith.constant 0 : i32
    %dma_start3A_4 = tpu.memref_slice %arg8[%dma_start3A_1, %dma_start3A_2, %dma_start3A_3] : memref<4x40x128xf32, #tpu.memory_space<vmem>> -> memref<1x40x128xf32, #tpu.memory_space<vmem>>
    %dma_start3A_5 = tpu.memref_squeeze %dma_start3A_4 : memref<1x40x128xf32, #tpu.memory_space<vmem>> -> memref<40x128xf32, #tpu.memory_space<vmem>>
    %dma_start3A_6 = arith.constant 0 : i32
    %dma_start3A_7 = tpu.memref_slice %arg6[%dma_start3A, %dma_start3A_6] : memref<250x40xi32, #tpu.memory_space<vmem>> -> memref<1x40xi32, #tpu.memory_space<vmem>>
    %dma_start3A_8 = tpu.memref_squeeze %dma_start3A_7 : memref<1x40xi32, #tpu.memory_space<vmem>> -> memref<40xi32, #tpu.memory_space<vmem>>
    %dma_start3A_9 = arith.constant 0 : i32
    %dma_start3A_10 = arith.constant 0 : i32
    %dma_start3A_11 = tpu.memref_slice %arg2[%dma_start3A_9, %dma_start3A_10] : memref<10000x128xf32, #tpu.memory_space<hbm>> -> memref<10000x128xf32, #tpu.memory_space<hbm>>
    tpu.enqueue_indirect_dma source(%dma_start3A_11 : memref<10000x128xf32, #tpu.memory_space<hbm>>) target(%dma_start3A_5 : memref<40x128xf32, #tpu.memory_space<vmem>>) offsets(%dma_start3A_8 : memref<40xi32, #tpu.memory_space<vmem>>) semaphore(%arg10 : memref<!tpu.dma_semaphore, #tpu.memory_space<semaphore_mem>>)
    %dma_start3A_12 = arith.constant 1 : i32
    %dma_start3A_13 = arith.constant 1 : i32
    %dma_start3A_14 = arith.constant 0 : i32
    %dma_start3A_15 = arith.constant 0 : i32
    %dma_start3A_16 = tpu.memref_slice %arg8[%dma_start3A_13, %dma_start3A_14, %dma_start3A_15] : memref<4x40x128xf32, #tpu.memory_space<vmem>> -> memref<1x40x128xf32, #tpu.memory_space<vmem>>
    %dma_start3A_17 = tpu.memref_squeeze %dma_start3A_16 : memref<1x40x128xf32, #tpu.memory_space<vmem>> -> memref<40x128xf32, #tpu.memory_space<vmem>>
    %dma_start3A_18 = arith.constant 0 : i32
    %dma_start3A_19 = tpu.memref_slice %arg6[%dma_start3A_12, %dma_start3A_18] : memref<250x40xi32, #tpu.memory_space<vmem>> -> memref<1x40xi32, #tpu.memory_space<vmem>>
    %dma_start3A_20 = tpu.memref_squeeze %dma_start3A_19 : memref<1x40xi32, #tpu.memory_space<vmem>> -> memref<40xi32, #tpu.memory_space<vmem>>
    %dma_start3A_21 = arith.constant 0 : i32
    %dma_start3A_22 = arith.constant 0 : i32
    %dma_start3A_23 = tpu.memref_slice %arg2[%dma_start3A_21, %dma_start3A_22] : memref<10000x128xf32, #tpu.memory_space<hbm>> -> memref<10000x128xf32, #tpu.memory_space<hbm>>
    tpu.enqueue_indirect_dma source(%dma_start3A_23 : memref<10000x128xf32, #tpu.memory_space<hbm>>) target(%dma_start3A_17 : memref<40x128xf32, #tpu.memory_space<vmem>>) offsets(%dma_start3A_20 : memref<40xi32, #tpu.memory_space<vmem>>) semaphore(%arg11 : memref<!tpu.dma_semaphore, #tpu.memory_space<semaphore_mem>>)
    %mul3A_24 = arith.constant 624 : i32
    %mul3A_25 = arith.muli %arg1, %mul3A_24 : i32
    "tpu.region"() ({
      %run_scoped3A = tpu.sem_alloc : memref<!tpu.dma_semaphore, #tpu.memory_space<semaphore_mem>>
      %dma_start3A_304 = arith.constant 0 : i32
      %dma_start3A_305 = tpu.memref_slice %arg9[%mul3A_25, %dma_start3A_304] : memref<10000x128xf32, #tpu.memory_space<vmem_shared>> -> memref<624x128xf32, #tpu.memory_space<vmem_shared>>
      %dma_start3A_306 = arith.constant 0 : i32
      %dma_start3A_307 = tpu.memref_slice %arg2[%mul3A_25, %dma_start3A_306] : memref<10000x128xf32, #tpu.memory_space<hbm>> -> memref<624x128xf32, #tpu.memory_space<hbm>>
      tpu.enqueue_dma source(%dma_start3A_307 : memref<624x128xf32, #tpu.memory_space<hbm>>) target(%dma_start3A_305 : memref<624x128xf32, #tpu.memory_space<vmem_shared>>) target_semaphore(%run_scoped3A : memref<!tpu.dma_semaphore, #tpu.memory_space<semaphore_mem>>)
      %dma_wait3A_308 = arith.constant 0 : i32
      %dma_wait3A_309 = tpu.memref_slice %arg9[%mul3A_25, %dma_wait3A_308] : memref<10000x128xf32, #tpu.memory_space<vmem_shared>> -> memref<624x128xf32, #tpu.memory_space<vmem_shared>>
      %dma_wait3A_310 = arith.constant 0 : i32
      %dma_wait3A_311 = tpu.memref_slice %arg2[%mul3A_25, %dma_wait3A_310] : memref<10000x128xf32, #tpu.memory_space<hbm>> -> memref<624x128xf32, #tpu.memory_space<hbm>>
      tpu.wait_dma2 semaphore(%run_scoped3A : memref<!tpu.dma_semaphore, #tpu.memory_space<semaphore_mem>>) src(%dma_wait3A_311 : memref<624x128xf32, #tpu.memory_space<hbm>>) dst(%dma_wait3A_309 : memref<624x128xf32, #tpu.memory_space<vmem_shared>>)
      tpu.yield
    }) : () -> ()
    %eq3A = arith.constant 15 : i32
    %eq3A_26 = arith.cmpi eq, %arg1, %eq3A : i32
    %convert_element_type3A = arith.extui %eq3A_26 : i1 to i32
    %cond3A = arith.constant 0 : i32
    %cond3A_27 = arith.cmpi ne, %convert_element_type3A, %cond3A : i32
    scf.if %cond3A_27 {
      "tpu.region"() ({
        %run_scoped3A = tpu.sem_alloc : memref<!tpu.dma_semaphore, #tpu.memory_space<semaphore_mem>>
        %dma_start3A_304 = arith.constant 9984 : i32
        %dma_start3A_305 = arith.constant 0 : i32
        %dma_start3A_306 = tpu.memref_slice %arg9[%dma_start3A_304, %dma_start3A_305] : memref<10000x128xf32, #tpu.memory_space<vmem_shared>> -> memref<16x128xf32, #tpu.memory_space<vmem_shared>>
        %dma_start3A_307 = arith.constant 9984 : i32
        %dma_start3A_308 = arith.constant 0 : i32
        %dma_start3A_309 = tpu.memref_slice %arg2[%dma_start3A_307, %dma_start3A_308] : memref<10000x128xf32, #tpu.memory_space<hbm>> -> memref<16x128xf32, #tpu.memory_space<hbm>>
        tpu.enqueue_dma source(%dma_start3A_309 : memref<16x128xf32, #tpu.memory_space<hbm>>) target(%dma_start3A_306 : memref<16x128xf32, #tpu.memory_space<vmem_shared>>) target_semaphore(%run_scoped3A : memref<!tpu.dma_semaphore, #tpu.memory_space<semaphore_mem>>)
        %dma_wait3A_310 = arith.constant 9984 : i32
        %dma_wait3A_311 = arith.constant 0 : i32
        %dma_wait3A_312 = tpu.memref_slice %arg9[%dma_wait3A_310, %dma_wait3A_311] : memref<10000x128xf32, #tpu.memory_space<vmem_shared>> -> memref<16x128xf32, #tpu.memory_space<vmem_shared>>
        %dma_wait3A_313 = arith.constant 9984 : i32
        %dma_wait3A_314 = arith.constant 0 : i32
        %dma_wait3A_315 = tpu.memref_slice %arg2[%dma_wait3A_313, %dma_wait3A_314] : memref<10000x128xf32, #tpu.memory_space<hbm>> -> memref<16x128xf32, #tpu.memory_space<hbm>>
        tpu.wait_dma2 semaphore(%run_scoped3A : memref<!tpu.dma_semaphore, #tpu.memory_space<semaphore_mem>>) src(%dma_wait3A_315 : memref<16x128xf32, #tpu.memory_space<hbm>>) dst(%dma_wait3A_312 : memref<16x128xf32, #tpu.memory_space<vmem_shared>>)
        tpu.yield
      }) : () -> ()
    } else {
    }
    %barrier3A = arith.constant 0 : index
    tpu.barrier barrier_id(%barrier3A)
    %scan3A = arith.constant 0 : i32
    %scan3A_28 = arith.constant 0 : i32
    %scan3A_29 = arith.constant 61 : i32
    %scan3A_30 = arith.addi %scan3A_28, %scan3A_29 : i32
    %scan3A_31 = arith.constant 1 : i32
    scf.for %scan3A_304 = %scan3A_28 to %scan3A_30 step %scan3A_31  : i32 {
      %mul3A_305 = arith.constant 4 : i32
      %mul3A_306 = arith.muli %mul3A_305, %scan3A_304 : i32
      %add3A_307 = arith.constant 2 : i32
      %add3A_308 = arith.addi %mul3A_306, %add3A_307 : i32
      %add3A_309 = arith.constant 0 : i32
      %add3A_310 = arith.addi %add3A_308, %add3A_309 : i32
      %dma_start3A_311 = arith.constant 2 : i32
      %dma_start3A_312 = arith.constant 0 : i32
      %dma_start3A_313 = arith.constant 0 : i32
      %dma_start3A_314 = tpu.memref_slice %arg8[%dma_start3A_311, %dma_start3A_312, %dma_start3A_313] : memref<4x40x128xf32, #tpu.memory_space<vmem>> -> memref<1x40x128xf32, #tpu.memory_space<vmem>>
      %dma_start3A_315 = tpu.memref_squeeze %dma_start3A_314 : memref<1x40x128xf32, #tpu.memory_space<vmem>> -> memref<40x128xf32, #tpu.memory_space<vmem>>
      %dma_start3A_316 = arith.constant 0 : i32
      %dma_start3A_317 = tpu.memref_slice %arg6[%add3A_310, %dma_start3A_316] : memref<250x40xi32, #tpu.memory_space<vmem>> -> memref<1x40xi32, #tpu.memory_space<vmem>>
      %dma_start3A_318 = tpu.memref_squeeze %dma_start3A_317 : memref<1x40xi32, #tpu.memory_space<vmem>> -> memref<40xi32, #tpu.memory_space<vmem>>
      %dma_start3A_319 = arith.constant 0 : i32
      %dma_start3A_320 = arith.constant 0 : i32
      %dma_start3A_321 = tpu.memref_slice %arg2[%dma_start3A_319, %dma_start3A_320] : memref<10000x128xf32, #tpu.memory_space<hbm>> -> memref<10000x128xf32, #tpu.memory_space<hbm>>
      tpu.enqueue_indirect_dma source(%dma_start3A_321 : memref<10000x128xf32, #tpu.memory_space<hbm>>) target(%dma_start3A_315 : memref<40x128xf32, #tpu.memory_space<vmem>>) offsets(%dma_start3A_318 : memref<40xi32, #tpu.memory_space<vmem>>) semaphore(%arg12 : memref<!tpu.dma_semaphore, #tpu.memory_space<semaphore_mem>>)
      %add3A_322 = arith.constant 2 : i32
      %add3A_323 = arith.addi %mul3A_306, %add3A_322 : i32
      %add3A_324 = arith.constant 1 : i32
      %add3A_325 = arith.addi %add3A_323, %add3A_324 : i32
      %dma_start3A_326 = arith.constant 3 : i32
      %dma_start3A_327 = arith.constant 0 : i32
      %dma_start3A_328 = arith.constant 0 : i32
      %dma_start3A_329 = tpu.memref_slice %arg8[%dma_start3A_326, %dma_start3A_327, %dma_start3A_328] : memref<4x40x128xf32, #tpu.memory_space<vmem>> -> memref<1x40x128xf32, #tpu.memory_space<vmem>>
      %dma_start3A_330 = tpu.memref_squeeze %dma_start3A_329 : memref<1x40x128xf32, #tpu.memory_space<vmem>> -> memref<40x128xf32, #tpu.memory_space<vmem>>
      %dma_start3A_331 = arith.constant 0 : i32
      %dma_start3A_332 = tpu.memref_slice %arg6[%add3A_325, %dma_start3A_331] : memref<250x40xi32, #tpu.memory_space<vmem>> -> memref<1x40xi32, #tpu.memory_space<vmem>>
      %dma_start3A_333 = tpu.memref_squeeze %dma_start3A_332 : memref<1x40xi32, #tpu.memory_space<vmem>> -> memref<40xi32, #tpu.memory_space<vmem>>
      %dma_start3A_334 = arith.constant 0 : i32
      %dma_start3A_335 = arith.constant 0 : i32
      %dma_start3A_336 = tpu.memref_slice %arg2[%dma_start3A_334, %dma_start3A_335] : memref<10000x128xf32, #tpu.memory_space<hbm>> -> memref<10000x128xf32, #tpu.memory_space<hbm>>
      tpu.enqueue_indirect_dma source(%dma_start3A_336 : memref<10000x128xf32, #tpu.memory_space<hbm>>) target(%dma_start3A_330 : memref<40x128xf32, #tpu.memory_space<vmem>>) offsets(%dma_start3A_333 : memref<40xi32, #tpu.memory_space<vmem>>) semaphore(%arg13 : memref<!tpu.dma_semaphore, #tpu.memory_space<semaphore_mem>>)
      %add3A_337 = arith.constant 0 : i32
      %add3A_338 = arith.addi %mul3A_306, %add3A_337 : i32
      %add3A_339 = arith.constant 1 : i32
      %add3A_340 = arith.addi %mul3A_306, %add3A_339 : i32
      %dma_wait3A_341 = arith.constant 0 : i32
      %dma_wait3A_342 = arith.constant 0 : i32
      %dma_wait3A_343 = arith.constant 0 : i32
      %dma_wait3A_344 = tpu.memref_slice %arg8[%dma_wait3A_341, %dma_wait3A_342, %dma_wait3A_343] : memref<4x40x128xf32, #tpu.memory_space<vmem>> -> memref<1x40x128xf32, #tpu.memory_space<vmem>>
      %dma_wait3A_345 = tpu.memref_squeeze %dma_wait3A_344 : memref<1x40x128xf32, #tpu.memory_space<vmem>> -> memref<40x128xf32, #tpu.memory_space<vmem>>
      %dma_wait3A_346 = arith.constant 0 : i32
      %dma_wait3A_347 = tpu.memref_slice %arg6[%add3A_338, %dma_wait3A_346] : memref<250x40xi32, #tpu.memory_space<vmem>> -> memref<1x40xi32, #tpu.memory_space<vmem>>
      %dma_wait3A_348 = tpu.memref_squeeze %dma_wait3A_347 : memref<1x40xi32, #tpu.memory_space<vmem>> -> memref<40xi32, #tpu.memory_space<vmem>>
      %dma_wait3A_349 = arith.constant 0 : i32
      %dma_wait3A_350 = arith.constant 0 : i32
      %dma_wait3A_351 = tpu.memref_slice %arg2[%dma_wait3A_349, %dma_wait3A_350] : memref<10000x128xf32, #tpu.memory_space<hbm>> -> memref<10000x128xf32, #tpu.memory_space<hbm>>
      tpu.wait_indirect_dma semaphore(%arg10 : memref<!tpu.dma_semaphore, #tpu.memory_space<semaphore_mem>>) src(%dma_wait3A_351 : memref<10000x128xf32, #tpu.memory_space<hbm>>) dst(%dma_wait3A_345 : memref<40x128xf32, #tpu.memory_space<vmem>>)
      %dma_start3A_352 = arith.constant 0 : i32
      %dma_start3A_353 = arith.constant 0 : i32
      %dma_start3A_354 = arith.constant 0 : i32
      %dma_start3A_355 = tpu.memref_slice %arg8[%dma_start3A_352, %dma_start3A_353, %dma_start3A_354] : memref<4x40x128xf32, #tpu.memory_space<vmem>> -> memref<1x40x128xf32, #tpu.memory_space<vmem>>
      %dma_start3A_356 = tpu.memref_squeeze %dma_start3A_355 : memref<1x40x128xf32, #tpu.memory_space<vmem>> -> memref<40x128xf32, #tpu.memory_space<vmem>>
      %dma_start3A_357 = arith.constant 0 : i32
      %dma_start3A_358 = tpu.memref_slice %arg7[%add3A_338, %dma_start3A_357] : memref<250x40xi32, #tpu.memory_space<vmem>> -> memref<1x40xi32, #tpu.memory_space<vmem>>
      %dma_start3A_359 = tpu.memref_squeeze %dma_start3A_358 : memref<1x40xi32, #tpu.memory_space<vmem>> -> memref<40xi32, #tpu.memory_space<vmem>>
      %dma_start3A_360 = arith.constant 0 : i32
      %dma_start3A_361 = arith.constant 0 : i32
      %dma_start3A_362 = tpu.memref_slice %arg9[%dma_start3A_360, %dma_start3A_361] : memref<10000x128xf32, #tpu.memory_space<vmem_shared>> -> memref<10000x128xf32, #tpu.memory_space<vmem_shared>>
      tpu.enqueue_indirect_dma source(%dma_start3A_356 : memref<40x128xf32, #tpu.memory_space<vmem>>) target(%dma_start3A_362 : memref<10000x128xf32, #tpu.memory_space<vmem_shared>>) offsets(%dma_start3A_359 : memref<40xi32, #tpu.memory_space<vmem>>) semaphore(%arg14 : memref<!tpu.dma_semaphore, #tpu.memory_space<semaphore_mem>>) {add = true}
      %dma_wait3A_363 = arith.constant 1 : i32
      %dma_wait3A_364 = arith.constant 0 : i32
      %dma_wait3A_365 = arith.constant 0 : i32
      %dma_wait3A_366 = tpu.memref_slice %arg8[%dma_wait3A_363, %dma_wait3A_364, %dma_wait3A_365] : memref<4x40x128xf32, #tpu.memory_space<vmem>> -> memref<1x40x128xf32, #tpu.memory_space<vmem>>
      %dma_wait3A_367 = tpu.memref_squeeze %dma_wait3A_366 : memref<1x40x128xf32, #tpu.memory_space<vmem>> -> memref<40x128xf32, #tpu.memory_space<vmem>>
      %dma_wait3A_368 = arith.constant 0 : i32
      %dma_wait3A_369 = tpu.memref_slice %arg6[%add3A_340, %dma_wait3A_368] : memref<250x40xi32, #tpu.memory_space<vmem>> -> memref<1x40xi32, #tpu.memory_space<vmem>>
      %dma_wait3A_370 = tpu.memref_squeeze %dma_wait3A_369 : memref<1x40xi32, #tpu.memory_space<vmem>> -> memref<40xi32, #tpu.memory_space<vmem>>
      %dma_wait3A_371 = arith.constant 0 : i32
      %dma_wait3A_372 = arith.constant 0 : i32
      %dma_wait3A_373 = tpu.memref_slice %arg2[%dma_wait3A_371, %dma_wait3A_372] : memref<10000x128xf32, #tpu.memory_space<hbm>> -> memref<10000x128xf32, #tpu.memory_space<hbm>>
      tpu.wait_indirect_dma semaphore(%arg11 : memref<!tpu.dma_semaphore, #tpu.memory_space<semaphore_mem>>) src(%dma_wait3A_373 : memref<10000x128xf32, #tpu.memory_space<hbm>>) dst(%dma_wait3A_367 : memref<40x128xf32, #tpu.memory_space<vmem>>)
      %dma_start3A_374 = arith.constant 1 : i32
      %dma_start3A_375 = arith.constant 0 : i32
      %dma_start3A_376 = arith.constant 0 : i32
      %dma_start3A_377 = tpu.memref_slice %arg8[%dma_start3A_374, %dma_start3A_375, %dma_start3A_376] : memref<4x40x128xf32, #tpu.memory_space<vmem>> -> memref<1x40x128xf32, #tpu.memory_space<vmem>>
      %dma_start3A_378 = tpu.memref_squeeze %dma_start3A_377 : memref<1x40x128xf32, #tpu.memory_space<vmem>> -> memref<40x128xf32, #tpu.memory_space<vmem>>
      %dma_start3A_379 = arith.constant 0 : i32
      %dma_start3A_380 = tpu.memref_slice %arg7[%add3A_340, %dma_start3A_379] : memref<250x40xi32, #tpu.memory_space<vmem>> -> memref<1x40xi32, #tpu.memory_space<vmem>>
      %dma_start3A_381 = tpu.memref_squeeze %dma_start3A_380 : memref<1x40xi32, #tpu.memory_space<vmem>> -> memref<40xi32, #tpu.memory_space<vmem>>
      %dma_start3A_382 = arith.constant 0 : i32
      %dma_start3A_383 = arith.constant 0 : i32
      %dma_start3A_384 = tpu.memref_slice %arg9[%dma_start3A_382, %dma_start3A_383] : memref<10000x128xf32, #tpu.memory_space<vmem_shared>> -> memref<10000x128xf32, #tpu.memory_space<vmem_shared>>
      tpu.enqueue_indirect_dma source(%dma_start3A_378 : memref<40x128xf32, #tpu.memory_space<vmem>>) target(%dma_start3A_384 : memref<10000x128xf32, #tpu.memory_space<vmem_shared>>) offsets(%dma_start3A_381 : memref<40xi32, #tpu.memory_space<vmem>>) semaphore(%arg15 : memref<!tpu.dma_semaphore, #tpu.memory_space<semaphore_mem>>) {add = true}
      %dma_wait3A_385 = arith.constant 0 : i32
      %dma_wait3A_386 = arith.constant 0 : i32
      %dma_wait3A_387 = arith.constant 0 : i32
      %dma_wait3A_388 = tpu.memref_slice %arg8[%dma_wait3A_385, %dma_wait3A_386, %dma_wait3A_387] : memref<4x40x128xf32, #tpu.memory_space<vmem>> -> memref<1x40x128xf32, #tpu.memory_space<vmem>>
      %dma_wait3A_389 = tpu.memref_squeeze %dma_wait3A_388 : memref<1x40x128xf32, #tpu.memory_space<vmem>> -> memref<40x128xf32, #tpu.memory_space<vmem>>
      %dma_wait3A_390 = arith.constant 0 : i32
      %dma_wait3A_391 = tpu.memref_slice %arg7[%add3A_338, %dma_wait3A_390] : memref<250x40xi32, #tpu.memory_space<vmem>> -> memref<1x40xi32, #tpu.memory_space<vmem>>
      %dma_wait3A_392 = tpu.memref_squeeze %dma_wait3A_391 : memref<1x40xi32, #tpu.memory_space<vmem>> -> memref<40xi32, #tpu.memory_space<vmem>>
      %dma_wait3A_393 = arith.constant 0 : i32
      %dma_wait3A_394 = arith.constant 0 : i32
      %dma_wait3A_395 = tpu.memref_slice %arg9[%dma_wait3A_393, %dma_wait3A_394] : memref<10000x128xf32, #tpu.memory_space<vmem_shared>> -> memref<10000x128xf32, #tpu.memory_space<vmem_shared>>
      tpu.wait_indirect_dma semaphore(%arg14 : memref<!tpu.dma_semaphore, #tpu.memory_space<semaphore_mem>>) src(%dma_wait3A_389 : memref<40x128xf32, #tpu.memory_space<vmem>>) dst(%dma_wait3A_395 : memref<10000x128xf32, #tpu.memory_space<vmem_shared>>)
      %dma_wait3A_396 = arith.constant 1 : i32
      %dma_wait3A_397 = arith.constant 0 : i32
      %dma_wait3A_398 = arith.constant 0 : i32
      %dma_wait3A_399 = tpu.memref_slice %arg8[%dma_wait3A_396, %dma_wait3A_397, %dma_wait3A_398] : memref<4x40x128xf32, #tpu.memory_space<vmem>> -> memref<1x40x128xf32, #tpu.memory_space<vmem>>
      %dma_wait3A_400 = tpu.memref_squeeze %dma_wait3A_399 : memref<1x40x128xf32, #tpu.memory_space<vmem>> -> memref<40x128xf32, #tpu.memory_space<vmem>>
      %dma_wait3A_401 = arith.constant 0 : i32
      %dma_wait3A_402 = tpu.memref_slice %arg7[%add3A_340, %dma_wait3A_401] : memref<250x40xi32, #tpu.memory_space<vmem>> -> memref<1x40xi32, #tpu.memory_space<vmem>>
      %dma_wait3A_403 = tpu.memref_squeeze %dma_wait3A_402 : memref<1x40xi32, #tpu.memory_space<vmem>> -> memref<40xi32, #tpu.memory_space<vmem>>
      %dma_wait3A_404 = arith.constant 0 : i32
      %dma_wait3A_405 = arith.constant 0 : i32
      %dma_wait3A_406 = tpu.memref_slice %arg9[%dma_wait3A_404, %dma_wait3A_405] : memref<10000x128xf32, #tpu.memory_space<vmem_shared>> -> memref<10000x128xf32, #tpu.memory_space<vmem_shared>>
      tpu.wait_indirect_dma semaphore(%arg15 : memref<!tpu.dma_semaphore, #tpu.memory_space<semaphore_mem>>) src(%dma_wait3A_400 : memref<40x128xf32, #tpu.memory_space<vmem>>) dst(%dma_wait3A_406 : memref<10000x128xf32, #tpu.memory_space<vmem_shared>>)
      %add3A_407 = arith.constant 4 : i32
      %add3A_408 = arith.addi %mul3A_306, %add3A_407 : i32
      %add3A_409 = arith.constant 0 : i32
      %add3A_410 = arith.addi %add3A_408, %add3A_409 : i32
      %dma_start3A_411 = arith.constant 0 : i32
      %dma_start3A_412 = arith.constant 0 : i32
      %dma_start3A_413 = arith.constant 0 : i32
      %dma_start3A_414 = tpu.memref_slice %arg8[%dma_start3A_411, %dma_start3A_412, %dma_start3A_413] : memref<4x40x128xf32, #tpu.memory_space<vmem>> -> memref<1x40x128xf32, #tpu.memory_space<vmem>>
      %dma_start3A_415 = tpu.memref_squeeze %dma_start3A_414 : memref<1x40x128xf32, #tpu.memory_space<vmem>> -> memref<40x128xf32, #tpu.memory_space<vmem>>
      %dma_start3A_416 = arith.constant 0 : i32
      %dma_start3A_417 = tpu.memref_slice %arg6[%add3A_410, %dma_start3A_416] : memref<250x40xi32, #tpu.memory_space<vmem>> -> memref<1x40xi32, #tpu.memory_space<vmem>>
      %dma_start3A_418 = tpu.memref_squeeze %dma_start3A_417 : memref<1x40xi32, #tpu.memory_space<vmem>> -> memref<40xi32, #tpu.memory_space<vmem>>
      %dma_start3A_419 = arith.constant 0 : i32
      %dma_start3A_420 = arith.constant 0 : i32
      %dma_start3A_421 = tpu.memref_slice %arg2[%dma_start3A_419, %dma_start3A_420] : memref<10000x128xf32, #tpu.memory_space<hbm>> -> memref<10000x128xf32, #tpu.memory_space<hbm>>
      tpu.enqueue_indirect_dma source(%dma_start3A_421 : memref<10000x128xf32, #tpu.memory_space<hbm>>) target(%dma_start3A_415 : memref<40x128xf32, #tpu.memory_space<vmem>>) offsets(%dma_start3A_418 : memref<40xi32, #tpu.memory_space<vmem>>) semaphore(%arg10 : memref<!tpu.dma_semaphore, #tpu.memory_space<semaphore_mem>>)
      %add3A_422 = arith.constant 4 : i32
      %add3A_423 = arith.addi %mul3A_306, %add3A_422 : i32
      %add3A_424 = arith.constant 1 : i32
      %add3A_425 = arith.addi %add3A_423, %add3A_424 : i32
      %dma_start3A_426 = arith.constant 1 : i32
      %dma_start3A_427 = arith.constant 0 : i32
      %dma_start3A_428 = arith.constant 0 : i32
      %dma_start3A_429 = tpu.memref_slice %arg8[%dma_start3A_426, %dma_start3A_427, %dma_start3A_428] : memref<4x40x128xf32, #tpu.memory_space<vmem>> -> memref<1x40x128xf32, #tpu.memory_space<vmem>>
      %dma_start3A_430 = tpu.memref_squeeze %dma_start3A_429 : memref<1x40x128xf32, #tpu.memory_space<vmem>> -> memref<40x128xf32, #tpu.memory_space<vmem>>
      %dma_start3A_431 = arith.constant 0 : i32
      %dma_start3A_432 = tpu.memref_slice %arg6[%add3A_425, %dma_start3A_431] : memref<250x40xi32, #tpu.memory_space<vmem>> -> memref<1x40xi32, #tpu.memory_space<vmem>>
      %dma_start3A_433 = tpu.memref_squeeze %dma_start3A_432 : memref<1x40xi32, #tpu.memory_space<vmem>> -> memref<40xi32, #tpu.memory_space<vmem>>
      %dma_start3A_434 = arith.constant 0 : i32
      %dma_start3A_435 = arith.constant 0 : i32
      %dma_start3A_436 = tpu.memref_slice %arg2[%dma_start3A_434, %dma_start3A_435] : memref<10000x128xf32, #tpu.memory_space<hbm>> -> memref<10000x128xf32, #tpu.memory_space<hbm>>
      tpu.enqueue_indirect_dma source(%dma_start3A_436 : memref<10000x128xf32, #tpu.memory_space<hbm>>) target(%dma_start3A_430 : memref<40x128xf32, #tpu.memory_space<vmem>>) offsets(%dma_start3A_433 : memref<40xi32, #tpu.memory_space<vmem>>) semaphore(%arg11 : memref<!tpu.dma_semaphore, #tpu.memory_space<semaphore_mem>>)
      %add3A_437 = arith.constant 2 : i32
      %add3A_438 = arith.addi %mul3A_306, %add3A_437 : i32
      %add3A_439 = arith.constant 0 : i32
      %add3A_440 = arith.addi %add3A_438, %add3A_439 : i32
      %add3A_441 = arith.constant 2 : i32
      %add3A_442 = arith.addi %mul3A_306, %add3A_441 : i32
      %add3A_443 = arith.constant 1 : i32
      %add3A_444 = arith.addi %add3A_442, %add3A_443 : i32
      %dma_wait3A_445 = arith.constant 2 : i32
      %dma_wait3A_446 = arith.constant 0 : i32
      %dma_wait3A_447 = arith.constant 0 : i32
      %dma_wait3A_448 = tpu.memref_slice %arg8[%dma_wait3A_445, %dma_wait3A_446, %dma_wait3A_447] : memref<4x40x128xf32, #tpu.memory_space<vmem>> -> memref<1x40x128xf32, #tpu.memory_space<vmem>>
      %dma_wait3A_449 = tpu.memref_squeeze %dma_wait3A_448 : memref<1x40x128xf32, #tpu.memory_space<vmem>> -> memref<40x128xf32, #tpu.memory_space<vmem>>
      %dma_wait3A_450 = arith.constant 0 : i32
      %dma_wait3A_451 = tpu.memref_slice %arg6[%add3A_440, %dma_wait3A_450] : memref<250x40xi32, #tpu.memory_space<vmem>> -> memref<1x40xi32, #tpu.memory_space<vmem>>
      %dma_wait3A_452 = tpu.memref_squeeze %dma_wait3A_451 : memref<1x40xi32, #tpu.memory_space<vmem>> -> memref<40xi32, #tpu.memory_space<vmem>>
      %dma_wait3A_453 = arith.constant 0 : i32
      %dma_wait3A_454 = arith.constant 0 : i32
      %dma_wait3A_455 = tpu.memref_slice %arg2[%dma_wait3A_453, %dma_wait3A_454] : memref<10000x128xf32, #tpu.memory_space<hbm>> -> memref<10000x128xf32, #tpu.memory_space<hbm>>
      tpu.wait_indirect_dma semaphore(%arg12 : memref<!tpu.dma_semaphore, #tpu.memory_space<semaphore_mem>>) src(%dma_wait3A_455 : memref<10000x128xf32, #tpu.memory_space<hbm>>) dst(%dma_wait3A_449 : memref<40x128xf32, #tpu.memory_space<vmem>>)
      %dma_start3A_456 = arith.constant 2 : i32
      %dma_start3A_457 = arith.constant 0 : i32
      %dma_start3A_458 = arith.constant 0 : i32
      %dma_start3A_459 = tpu.memref_slice %arg8[%dma_start3A_456, %dma_start3A_457, %dma_start3A_458] : memref<4x40x128xf32, #tpu.memory_space<vmem>> -> memref<1x40x128xf32, #tpu.memory_space<vmem>>
      %dma_start3A_460 = tpu.memref_squeeze %dma_start3A_459 : memref<1x40x128xf32, #tpu.memory_space<vmem>> -> memref<40x128xf32, #tpu.memory_space<vmem>>
      %dma_start3A_461 = arith.constant 0 : i32
      %dma_start3A_462 = tpu.memref_slice %arg7[%add3A_440, %dma_start3A_461] : memref<250x40xi32, #tpu.memory_space<vmem>> -> memref<1x40xi32, #tpu.memory_space<vmem>>
      %dma_start3A_463 = tpu.memref_squeeze %dma_start3A_462 : memref<1x40xi32, #tpu.memory_space<vmem>> -> memref<40xi32, #tpu.memory_space<vmem>>
      %dma_start3A_464 = arith.constant 0 : i32
      %dma_start3A_465 = arith.constant 0 : i32
      %dma_start3A_466 = tpu.memref_slice %arg9[%dma_start3A_464, %dma_start3A_465] : memref<10000x128xf32, #tpu.memory_space<vmem_shared>> -> memref<10000x128xf32, #tpu.memory_space<vmem_shared>>
      tpu.enqueue_indirect_dma source(%dma_start3A_460 : memref<40x128xf32, #tpu.memory_space<vmem>>) target(%dma_start3A_466 : memref<10000x128xf32, #tpu.memory_space<vmem_shared>>) offsets(%dma_start3A_463 : memref<40xi32, #tpu.memory_space<vmem>>) semaphore(%arg16 : memref<!tpu.dma_semaphore, #tpu.memory_space<semaphore_mem>>) {add = true}
      %dma_wait3A_467 = arith.constant 3 : i32
      %dma_wait3A_468 = arith.constant 0 : i32
      %dma_wait3A_469 = arith.constant 0 : i32
      %dma_wait3A_470 = tpu.memref_slice %arg8[%dma_wait3A_467, %dma_wait3A_468, %dma_wait3A_469] : memref<4x40x128xf32, #tpu.memory_space<vmem>> -> memref<1x40x128xf32, #tpu.memory_space<vmem>>
      %dma_wait3A_471 = tpu.memref_squeeze %dma_wait3A_470 : memref<1x40x128xf32, #tpu.memory_space<vmem>> -> memref<40x128xf32, #tpu.memory_space<vmem>>
      %dma_wait3A_472 = arith.constant 0 : i32
      %dma_wait3A_473 = tpu.memref_slice %arg6[%add3A_444, %dma_wait3A_472] : memref<250x40xi32, #tpu.memory_space<vmem>> -> memref<1x40xi32, #tpu.memory_space<vmem>>
      %dma_wait3A_474 = tpu.memref_squeeze %dma_wait3A_473 : memref<1x40xi32, #tpu.memory_space<vmem>> -> memref<40xi32, #tpu.memory_space<vmem>>
      %dma_wait3A_475 = arith.constant 0 : i32
      %dma_wait3A_476 = arith.constant 0 : i32
      %dma_wait3A_477 = tpu.memref_slice %arg2[%dma_wait3A_475, %dma_wait3A_476] : memref<10000x128xf32, #tpu.memory_space<hbm>> -> memref<10000x128xf32, #tpu.memory_space<hbm>>
      tpu.wait_indirect_dma semaphore(%arg13 : memref<!tpu.dma_semaphore, #tpu.memory_space<semaphore_mem>>) src(%dma_wait3A_477 : memref<10000x128xf32, #tpu.memory_space<hbm>>) dst(%dma_wait3A_471 : memref<40x128xf32, #tpu.memory_space<vmem>>)
      %dma_start3A_478 = arith.constant 3 : i32
      %dma_start3A_479 = arith.constant 0 : i32
      %dma_start3A_480 = arith.constant 0 : i32
      %dma_start3A_481 = tpu.memref_slice %arg8[%dma_start3A_478, %dma_start3A_479, %dma_start3A_480] : memref<4x40x128xf32, #tpu.memory_space<vmem>> -> memref<1x40x128xf32, #tpu.memory_space<vmem>>
      %dma_start3A_482 = tpu.memref_squeeze %dma_start3A_481 : memref<1x40x128xf32, #tpu.memory_space<vmem>> -> memref<40x128xf32, #tpu.memory_space<vmem>>
      %dma_start3A_483 = arith.constant 0 : i32
      %dma_start3A_484 = tpu.memref_slice %arg7[%add3A_444, %dma_start3A_483] : memref<250x40xi32, #tpu.memory_space<vmem>> -> memref<1x40xi32, #tpu.memory_space<vmem>>
      %dma_start3A_485 = tpu.memref_squeeze %dma_start3A_484 : memref<1x40xi32, #tpu.memory_space<vmem>> -> memref<40xi32, #tpu.memory_space<vmem>>
      %dma_start3A_486 = arith.constant 0 : i32
      %dma_start3A_487 = arith.constant 0 : i32
      %dma_start3A_488 = tpu.memref_slice %arg9[%dma_start3A_486, %dma_start3A_487] : memref<10000x128xf32, #tpu.memory_space<vmem_shared>> -> memref<10000x128xf32, #tpu.memory_space<vmem_shared>>
      tpu.enqueue_indirect_dma source(%dma_start3A_482 : memref<40x128xf32, #tpu.memory_space<vmem>>) target(%dma_start3A_488 : memref<10000x128xf32, #tpu.memory_space<vmem_shared>>) offsets(%dma_start3A_485 : memref<40xi32, #tpu.memory_space<vmem>>) semaphore(%arg17 : memref<!tpu.dma_semaphore, #tpu.memory_space<semaphore_mem>>) {add = true}
      %dma_wait3A_489 = arith.constant 2 : i32
      %dma_wait3A_490 = arith.constant 0 : i32
      %dma_wait3A_491 = arith.constant 0 : i32
      %dma_wait3A_492 = tpu.memref_slice %arg8[%dma_wait3A_489, %dma_wait3A_490, %dma_wait3A_491] : memref<4x40x128xf32, #tpu.memory_space<vmem>> -> memref<1x40x128xf32, #tpu.memory_space<vmem>>
      %dma_wait3A_493 = tpu.memref_squeeze %dma_wait3A_492 : memref<1x40x128xf32, #tpu.memory_space<vmem>> -> memref<40x128xf32, #tpu.memory_space<vmem>>
      %dma_wait3A_494 = arith.constant 0 : i32
      %dma_wait3A_495 = tpu.memref_slice %arg7[%add3A_440, %dma_wait3A_494] : memref<250x40xi32, #tpu.memory_space<vmem>> -> memref<1x40xi32, #tpu.memory_space<vmem>>
      %dma_wait3A_496 = tpu.memref_squeeze %dma_wait3A_495 : memref<1x40xi32, #tpu.memory_space<vmem>> -> memref<40xi32, #tpu.memory_space<vmem>>
      %dma_wait3A_497 = arith.constant 0 : i32
      %dma_wait3A_498 = arith.constant 0 : i32
      %dma_wait3A_499 = tpu.memref_slice %arg9[%dma_wait3A_497, %dma_wait3A_498] : memref<10000x128xf32, #tpu.memory_space<vmem_shared>> -> memref<10000x128xf32, #tpu.memory_space<vmem_shared>>
      tpu.wait_indirect_dma semaphore(%arg16 : memref<!tpu.dma_semaphore, #tpu.memory_space<semaphore_mem>>) src(%dma_wait3A_493 : memref<40x128xf32, #tpu.memory_space<vmem>>) dst(%dma_wait3A_499 : memref<10000x128xf32, #tpu.memory_space<vmem_shared>>)
      %dma_wait3A_500 = arith.constant 3 : i32
      %dma_wait3A_501 = arith.constant 0 : i32
      %dma_wait3A_502 = arith.constant 0 : i32
      %dma_wait3A_503 = tpu.memref_slice %arg8[%dma_wait3A_500, %dma_wait3A_501, %dma_wait3A_502] : memref<4x40x128xf32, #tpu.memory_space<vmem>> -> memref<1x40x128xf32, #tpu.memory_space<vmem>>
      %dma_wait3A_504 = tpu.memref_squeeze %dma_wait3A_503 : memref<1x40x128xf32, #tpu.memory_space<vmem>> -> memref<40x128xf32, #tpu.memory_space<vmem>>
      %dma_wait3A_505 = arith.constant 0 : i32
      %dma_wait3A_506 = tpu.memref_slice %arg7[%add3A_444, %dma_wait3A_505] : memref<250x40xi32, #tpu.memory_space<vmem>> -> memref<1x40xi32, #tpu.memory_space<vmem>>
      %dma_wait3A_507 = tpu.memref_squeeze %dma_wait3A_506 : memref<1x40xi32, #tpu.memory_space<vmem>> -> memref<40xi32, #tpu.memory_space<vmem>>
      %dma_wait3A_508 = arith.constant 0 : i32
      %dma_wait3A_509 = arith.constant 0 : i32
      %dma_wait3A_510 = tpu.memref_slice %arg9[%dma_wait3A_508, %dma_wait3A_509] : memref<10000x128xf32, #tpu.memory_space<vmem_shared>> -> memref<10000x128xf32, #tpu.memory_space<vmem_shared>>
      tpu.wait_indirect_dma semaphore(%arg17 : memref<!tpu.dma_semaphore, #tpu.memory_space<semaphore_mem>>) src(%dma_wait3A_504 : memref<40x128xf32, #tpu.memory_space<vmem>>) dst(%dma_wait3A_510 : memref<10000x128xf32, #tpu.memory_space<vmem_shared>>)
    }
    %scan3A_32 = arith.constant 61 : i32
    %dma_wait3A = arith.constant 244 : i32
    %dma_wait3A_33 = arith.constant 0 : i32
    %dma_wait3A_34 = arith.constant 0 : i32
    %dma_wait3A_35 = arith.constant 0 : i32
    %dma_wait3A_36 = tpu.memref_slice %arg8[%dma_wait3A_33, %dma_wait3A_34, %dma_wait3A_35] : memref<4x40x128xf32, #tpu.memory_space<vmem>> -> memref<1x40x128xf32, #tpu.memory_space<vmem>>
    %dma_wait3A_37 = tpu.memref_squeeze %dma_wait3A_36 : memref<1x40x128xf32, #tpu.memory_space<vmem>> -> memref<40x128xf32, #tpu.memory_space<vmem>>
    %dma_wait3A_38 = arith.constant 0 : i32
    %dma_wait3A_39 = tpu.memref_slice %arg6[%dma_wait3A, %dma_wait3A_38] : memref<250x40xi32, #tpu.memory_space<vmem>> -> memref<1x40xi32, #tpu.memory_space<vmem>>
    %dma_wait3A_40 = tpu.memref_squeeze %dma_wait3A_39 : memref<1x40xi32, #tpu.memory_space<vmem>> -> memref<40xi32, #tpu.memory_space<vmem>>
    %dma_wait3A_41 = arith.constant 0 : i32
    %dma_wait3A_42 = arith.constant 0 : i32
    %dma_wait3A_43 = tpu.memref_slice %arg2[%dma_wait3A_41, %dma_wait3A_42] : memref<10000x128xf32, #tpu.memory_space<hbm>> -> memref<10000x128xf32, #tpu.memory_space<hbm>>
    tpu.wait_indirect_dma semaphore(%arg10 : memref<!tpu.dma_semaphore, #tpu.memory_space<semaphore_mem>>) src(%dma_wait3A_43 : memref<10000x128xf32, #tpu.memory_space<hbm>>) dst(%dma_wait3A_37 : memref<40x128xf32, #tpu.memory_space<vmem>>)
    %dma_start3A_44 = arith.constant 0 : i32
    %dma_start3A_45 = arith.constant 244 : i32
    %dma_start3A_46 = arith.constant 0 : i32
    %dma_start3A_47 = arith.constant 0 : i32
    %dma_start3A_48 = tpu.memref_slice %arg8[%dma_start3A_44, %dma_start3A_46, %dma_start3A_47] : memref<4x40x128xf32, #tpu.memory_space<vmem>> -> memref<1x40x128xf32, #tpu.memory_space<vmem>>
    %dma_start3A_49 = tpu.memref_squeeze %dma_start3A_48 : memref<1x40x128xf32, #tpu.memory_space<vmem>> -> memref<40x128xf32, #tpu.memory_space<vmem>>
    %dma_start3A_50 = arith.constant 0 : i32
    %dma_start3A_51 = tpu.memref_slice %arg7[%dma_start3A_45, %dma_start3A_50] : memref<250x40xi32, #tpu.memory_space<vmem>> -> memref<1x40xi32, #tpu.memory_space<vmem>>
    %dma_start3A_52 = tpu.memref_squeeze %dma_start3A_51 : memref<1x40xi32, #tpu.memory_space<vmem>> -> memref<40xi32, #tpu.memory_space<vmem>>
    %dma_start3A_53 = arith.constant 0 : i32
    %dma_start3A_54 = arith.constant 0 : i32
    %dma_start3A_55 = tpu.memref_slice %arg9[%dma_start3A_53, %dma_start3A_54] : memref<10000x128xf32, #tpu.memory_space<vmem_shared>> -> memref<10000x128xf32, #tpu.memory_space<vmem_shared>>
    tpu.enqueue_indirect_dma source(%dma_start3A_49 : memref<40x128xf32, #tpu.memory_space<vmem>>) target(%dma_start3A_55 : memref<10000x128xf32, #tpu.memory_space<vmem_shared>>) offsets(%dma_start3A_52 : memref<40xi32, #tpu.memory_space<vmem>>) semaphore(%arg14 : memref<!tpu.dma_semaphore, #tpu.memory_space<semaphore_mem>>) {add = true}
    %dma_wait3A_56 = arith.constant 245 : i32
    %dma_wait3A_57 = arith.constant 1 : i32
    %dma_wait3A_58 = arith.constant 0 : i32
    %dma_wait3A_59 = arith.constant 0 : i32
    %dma_wait3A_60 = tpu.memref_slice %arg8[%dma_wait3A_57, %dma_wait3A_58, %dma_wait3A_59] : memref<4x40x128xf32, #tpu.memory_space<vmem>> -> memref<1x40x128xf32, #tpu.memory_space<vmem>>
    %dma_wait3A_61 = tpu.memref_squeeze %dma_wait3A_60 : memref<1x40x128xf32, #tpu.memory_space<vmem>> -> memref<40x128xf32, #tpu.memory_space<vmem>>
    %dma_wait3A_62 = arith.constant 0 : i32
    %dma_wait3A_63 = tpu.memref_slice %arg6[%dma_wait3A_56, %dma_wait3A_62] : memref<250x40xi32, #tpu.memory_space<vmem>> -> memref<1x40xi32, #tpu.memory_space<vmem>>
    %dma_wait3A_64 = tpu.memref_squeeze %dma_wait3A_63 : memref<1x40xi32, #tpu.memory_space<vmem>> -> memref<40xi32, #tpu.memory_space<vmem>>
    %dma_wait3A_65 = arith.constant 0 : i32
    %dma_wait3A_66 = arith.constant 0 : i32
    %dma_wait3A_67 = tpu.memref_slice %arg2[%dma_wait3A_65, %dma_wait3A_66] : memref<10000x128xf32, #tpu.memory_space<hbm>> -> memref<10000x128xf32, #tpu.memory_space<hbm>>
    tpu.wait_indirect_dma semaphore(%arg11 : memref<!tpu.dma_semaphore, #tpu.memory_space<semaphore_mem>>) src(%dma_wait3A_67 : memref<10000x128xf32, #tpu.memory_space<hbm>>) dst(%dma_wait3A_61 : memref<40x128xf32, #tpu.memory_space<vmem>>)
    %dma_start3A_68 = arith.constant 1 : i32
    %dma_start3A_69 = arith.constant 245 : i32
    %dma_start3A_70 = arith.constant 0 : i32
    %dma_start3A_71 = arith.constant 0 : i32
    %dma_start3A_72 = tpu.memref_slice %arg8[%dma_start3A_68, %dma_start3A_70, %dma_start3A_71] : memref<4x40x128xf32, #tpu.memory_space<vmem>> -> memref<1x40x128xf32, #tpu.memory_space<vmem>>
    %dma_start3A_73 = tpu.memref_squeeze %dma_start3A_72 : memref<1x40x128xf32, #tpu.memory_space<vmem>> -> memref<40x128xf32, #tpu.memory_space<vmem>>
    %dma_start3A_74 = arith.constant 0 : i32
    %dma_start3A_75 = tpu.memref_slice %arg7[%dma_start3A_69, %dma_start3A_74] : memref<250x40xi32, #tpu.memory_space<vmem>> -> memref<1x40xi32, #tpu.memory_space<vmem>>
    %dma_start3A_76 = tpu.memref_squeeze %dma_start3A_75 : memref<1x40xi32, #tpu.memory_space<vmem>> -> memref<40xi32, #tpu.memory_space<vmem>>
    %dma_start3A_77 = arith.constant 0 : i32
    %dma_start3A_78 = arith.constant 0 : i32
    %dma_start3A_79 = tpu.memref_slice %arg9[%dma_start3A_77, %dma_start3A_78] : memref<10000x128xf32, #tpu.memory_space<vmem_shared>> -> memref<10000x128xf32, #tpu.memory_space<vmem_shared>>
    tpu.enqueue_indirect_dma source(%dma_start3A_73 : memref<40x128xf32, #tpu.memory_space<vmem>>) target(%dma_start3A_79 : memref<10000x128xf32, #tpu.memory_space<vmem_shared>>) offsets(%dma_start3A_76 : memref<40xi32, #tpu.memory_space<vmem>>) semaphore(%arg15 : memref<!tpu.dma_semaphore, #tpu.memory_space<semaphore_mem>>) {add = true}
    %dma_wait3A_80 = arith.constant 0 : i32
    %dma_wait3A_81 = arith.constant 244 : i32
    %dma_wait3A_82 = arith.constant 0 : i32
    %dma_wait3A_83 = arith.constant 0 : i32
    %dma_wait3A_84 = tpu.memref_slice %arg8[%dma_wait3A_80, %dma_wait3A_82, %dma_wait3A_83] : memref<4x40x128xf32, #tpu.memory_space<vmem>> -> memref<1x40x128xf32, #tpu.memory_space<vmem>>
    %dma_wait3A_85 = tpu.memref_squeeze %dma_wait3A_84 : memref<1x40x128xf32, #tpu.memory_space<vmem>> -> memref<40x128xf32, #tpu.memory_space<vmem>>
    %dma_wait3A_86 = arith.constant 0 : i32
    %dma_wait3A_87 = tpu.memref_slice %arg7[%dma_wait3A_81, %dma_wait3A_86] : memref<250x40xi32, #tpu.memory_space<vmem>> -> memref<1x40xi32, #tpu.memory_space<vmem>>
    %dma_wait3A_88 = tpu.memref_squeeze %dma_wait3A_87 : memref<1x40xi32, #tpu.memory_space<vmem>> -> memref<40xi32, #tpu.memory_space<vmem>>
    %dma_wait3A_89 = arith.constant 0 : i32
    %dma_wait3A_90 = arith.constant 0 : i32
    %dma_wait3A_91 = tpu.memref_slice %arg9[%dma_wait3A_89, %dma_wait3A_90] : memref<10000x128xf32, #tpu.memory_space<vmem_shared>> -> memref<10000x128xf32, #tpu.memory_space<vmem_shared>>
    tpu.wait_indirect_dma semaphore(%arg14 : memref<!tpu.dma_semaphore, #tpu.memory_space<semaphore_mem>>) src(%dma_wait3A_85 : memref<40x128xf32, #tpu.memory_space<vmem>>) dst(%dma_wait3A_91 : memref<10000x128xf32, #tpu.memory_space<vmem_shared>>)
    %dma_wait3A_92 = arith.constant 1 : i32
    %dma_wait3A_93 = arith.constant 245 : i32
    %dma_wait3A_94 = arith.constant 0 : i32
    %dma_wait3A_95 = arith.constant 0 : i32
    %dma_wait3A_96 = tpu.memref_slice %arg8[%dma_wait3A_92, %dma_wait3A_94, %dma_wait3A_95] : memref<4x40x128xf32, #tpu.memory_space<vmem>> -> memref<1x40x128xf32, #tpu.memory_space<vmem>>
    %dma_wait3A_97 = tpu.memref_squeeze %dma_wait3A_96 : memref<1x40x128xf32, #tpu.memory_space<vmem>> -> memref<40x128xf32, #tpu.memory_space<vmem>>
    %dma_wait3A_98 = arith.constant 0 : i32
    %dma_wait3A_99 = tpu.memref_slice %arg7[%dma_wait3A_93, %dma_wait3A_98] : memref<250x40xi32, #tpu.memory_space<vmem>> -> memref<1x40xi32, #tpu.memory_space<vmem>>
    %dma_wait3A_100 = tpu.memref_squeeze %dma_wait3A_99 : memref<1x40xi32, #tpu.memory_space<vmem>> -> memref<40xi32, #tpu.memory_space<vmem>>
    %dma_wait3A_101 = arith.constant 0 : i32
    %dma_wait3A_102 = arith.constant 0 : i32
    %dma_wait3A_103 = tpu.memref_slice %arg9[%dma_wait3A_101, %dma_wait3A_102] : memref<10000x128xf32, #tpu.memory_space<vmem_shared>> -> memref<10000x128xf32, #tpu.memory_space<vmem_shared>>
    tpu.wait_indirect_dma semaphore(%arg15 : memref<!tpu.dma_semaphore, #tpu.memory_space<semaphore_mem>>) src(%dma_wait3A_97 : memref<40x128xf32, #tpu.memory_space<vmem>>) dst(%dma_wait3A_103 : memref<10000x128xf32, #tpu.memory_space<vmem_shared>>)
    %dma_start3A_104 = arith.constant 246 : i32
    %dma_start3A_105 = arith.constant 0 : i32
    %dma_start3A_106 = arith.constant 0 : i32
    %dma_start3A_107 = arith.constant 0 : i32
    %dma_start3A_108 = tpu.memref_slice %arg8[%dma_start3A_105, %dma_start3A_106, %dma_start3A_107] : memref<4x40x128xf32, #tpu.memory_space<vmem>> -> memref<1x40x128xf32, #tpu.memory_space<vmem>>
    %dma_start3A_109 = tpu.memref_squeeze %dma_start3A_108 : memref<1x40x128xf32, #tpu.memory_space<vmem>> -> memref<40x128xf32, #tpu.memory_space<vmem>>
    %dma_start3A_110 = arith.constant 0 : i32
    %dma_start3A_111 = tpu.memref_slice %arg6[%dma_start3A_104, %dma_start3A_110] : memref<250x40xi32, #tpu.memory_space<vmem>> -> memref<1x40xi32, #tpu.memory_space<vmem>>
    %dma_start3A_112 = tpu.memref_squeeze %dma_start3A_111 : memref<1x40xi32, #tpu.memory_space<vmem>> -> memref<40xi32, #tpu.memory_space<vmem>>
    %dma_start3A_113 = arith.constant 0 : i32
    %dma_start3A_114 = arith.constant 0 : i32
    %dma_start3A_115 = tpu.memref_slice %arg2[%dma_start3A_113, %dma_start3A_114] : memref<10000x128xf32, #tpu.memory_space<hbm>> -> memref<10000x128xf32, #tpu.memory_space<hbm>>
    tpu.enqueue_indirect_dma source(%dma_start3A_115 : memref<10000x128xf32, #tpu.memory_space<hbm>>) target(%dma_start3A_109 : memref<40x128xf32, #tpu.memory_space<vmem>>) offsets(%dma_start3A_112 : memref<40xi32, #tpu.memory_space<vmem>>) semaphore(%arg10 : memref<!tpu.dma_semaphore, #tpu.memory_space<semaphore_mem>>)
    %dma_start3A_116 = arith.constant 247 : i32
    %dma_start3A_117 = arith.constant 1 : i32
    %dma_start3A_118 = arith.constant 0 : i32
    %dma_start3A_119 = arith.constant 0 : i32
    %dma_start3A_120 = tpu.memref_slice %arg8[%dma_start3A_117, %dma_start3A_118, %dma_start3A_119] : memref<4x40x128xf32, #tpu.memory_space<vmem>> -> memref<1x40x128xf32, #tpu.memory_space<vmem>>
    %dma_start3A_121 = tpu.memref_squeeze %dma_start3A_120 : memref<1x40x128xf32, #tpu.memory_space<vmem>> -> memref<40x128xf32, #tpu.memory_space<vmem>>
    %dma_start3A_122 = arith.constant 0 : i32
    %dma_start3A_123 = tpu.memref_slice %arg6[%dma_start3A_116, %dma_start3A_122] : memref<250x40xi32, #tpu.memory_space<vmem>> -> memref<1x40xi32, #tpu.memory_space<vmem>>
    %dma_start3A_124 = tpu.memref_squeeze %dma_start3A_123 : memref<1x40xi32, #tpu.memory_space<vmem>> -> memref<40xi32, #tpu.memory_space<vmem>>
    %dma_start3A_125 = arith.constant 0 : i32
    %dma_start3A_126 = arith.constant 0 : i32
    %dma_start3A_127 = tpu.memref_slice %arg2[%dma_start3A_125, %dma_start3A_126] : memref<10000x128xf32, #tpu.memory_space<hbm>> -> memref<10000x128xf32, #tpu.memory_space<hbm>>
    tpu.enqueue_indirect_dma source(%dma_start3A_127 : memref<10000x128xf32, #tpu.memory_space<hbm>>) target(%dma_start3A_121 : memref<40x128xf32, #tpu.memory_space<vmem>>) offsets(%dma_start3A_124 : memref<40xi32, #tpu.memory_space<vmem>>) semaphore(%arg11 : memref<!tpu.dma_semaphore, #tpu.memory_space<semaphore_mem>>)
    %dma_start3A_128 = arith.constant 248 : i32
    %dma_start3A_129 = arith.constant 2 : i32
    %dma_start3A_130 = arith.constant 0 : i32
    %dma_start3A_131 = arith.constant 0 : i32
    %dma_start3A_132 = tpu.memref_slice %arg8[%dma_start3A_129, %dma_start3A_130, %dma_start3A_131] : memref<4x40x128xf32, #tpu.memory_space<vmem>> -> memref<1x40x128xf32, #tpu.memory_space<vmem>>
    %dma_start3A_133 = tpu.memref_squeeze %dma_start3A_132 : memref<1x40x128xf32, #tpu.memory_space<vmem>> -> memref<40x128xf32, #tpu.memory_space<vmem>>
    %dma_start3A_134 = arith.constant 0 : i32
    %dma_start3A_135 = tpu.memref_slice %arg6[%dma_start3A_128, %dma_start3A_134] : memref<250x40xi32, #tpu.memory_space<vmem>> -> memref<1x40xi32, #tpu.memory_space<vmem>>
    %dma_start3A_136 = tpu.memref_squeeze %dma_start3A_135 : memref<1x40xi32, #tpu.memory_space<vmem>> -> memref<40xi32, #tpu.memory_space<vmem>>
    %dma_start3A_137 = arith.constant 0 : i32
    %dma_start3A_138 = arith.constant 0 : i32
    %dma_start3A_139 = tpu.memref_slice %arg2[%dma_start3A_137, %dma_start3A_138] : memref<10000x128xf32, #tpu.memory_space<hbm>> -> memref<10000x128xf32, #tpu.memory_space<hbm>>
    tpu.enqueue_indirect_dma source(%dma_start3A_139 : memref<10000x128xf32, #tpu.memory_space<hbm>>) target(%dma_start3A_133 : memref<40x128xf32, #tpu.memory_space<vmem>>) offsets(%dma_start3A_136 : memref<40xi32, #tpu.memory_space<vmem>>) semaphore(%arg12 : memref<!tpu.dma_semaphore, #tpu.memory_space<semaphore_mem>>)
    %dma_start3A_140 = arith.constant 249 : i32
    %dma_start3A_141 = arith.constant 3 : i32
    %dma_start3A_142 = arith.constant 0 : i32
    %dma_start3A_143 = arith.constant 0 : i32
    %dma_start3A_144 = tpu.memref_slice %arg8[%dma_start3A_141, %dma_start3A_142, %dma_start3A_143] : memref<4x40x128xf32, #tpu.memory_space<vmem>> -> memref<1x40x128xf32, #tpu.memory_space<vmem>>
    %dma_start3A_145 = tpu.memref_squeeze %dma_start3A_144 : memref<1x40x128xf32, #tpu.memory_space<vmem>> -> memref<40x128xf32, #tpu.memory_space<vmem>>
    %dma_start3A_146 = arith.constant 0 : i32
    %dma_start3A_147 = tpu.memref_slice %arg6[%dma_start3A_140, %dma_start3A_146] : memref<250x40xi32, #tpu.memory_space<vmem>> -> memref<1x40xi32, #tpu.memory_space<vmem>>
    %dma_start3A_148 = tpu.memref_squeeze %dma_start3A_147 : memref<1x40xi32, #tpu.memory_space<vmem>> -> memref<40xi32, #tpu.memory_space<vmem>>
    %dma_start3A_149 = arith.constant 0 : i32
    %dma_start3A_150 = arith.constant 0 : i32
    %dma_start3A_151 = tpu.memref_slice %arg2[%dma_start3A_149, %dma_start3A_150] : memref<10000x128xf32, #tpu.memory_space<hbm>> -> memref<10000x128xf32, #tpu.memory_space<hbm>>
    tpu.enqueue_indirect_dma source(%dma_start3A_151 : memref<10000x128xf32, #tpu.memory_space<hbm>>) target(%dma_start3A_145 : memref<40x128xf32, #tpu.memory_space<vmem>>) offsets(%dma_start3A_148 : memref<40xi32, #tpu.memory_space<vmem>>) semaphore(%arg13 : memref<!tpu.dma_semaphore, #tpu.memory_space<semaphore_mem>>)
    %dma_wait3A_152 = arith.constant 246 : i32
    %dma_wait3A_153 = arith.constant 0 : i32
    %dma_wait3A_154 = arith.constant 0 : i32
    %dma_wait3A_155 = arith.constant 0 : i32
    %dma_wait3A_156 = tpu.memref_slice %arg8[%dma_wait3A_153, %dma_wait3A_154, %dma_wait3A_155] : memref<4x40x128xf32, #tpu.memory_space<vmem>> -> memref<1x40x128xf32, #tpu.memory_space<vmem>>
    %dma_wait3A_157 = tpu.memref_squeeze %dma_wait3A_156 : memref<1x40x128xf32, #tpu.memory_space<vmem>> -> memref<40x128xf32, #tpu.memory_space<vmem>>
    %dma_wait3A_158 = arith.constant 0 : i32
    %dma_wait3A_159 = tpu.memref_slice %arg6[%dma_wait3A_152, %dma_wait3A_158] : memref<250x40xi32, #tpu.memory_space<vmem>> -> memref<1x40xi32, #tpu.memory_space<vmem>>
    %dma_wait3A_160 = tpu.memref_squeeze %dma_wait3A_159 : memref<1x40xi32, #tpu.memory_space<vmem>> -> memref<40xi32, #tpu.memory_space<vmem>>
    %dma_wait3A_161 = arith.constant 0 : i32
    %dma_wait3A_162 = arith.constant 0 : i32
    %dma_wait3A_163 = tpu.memref_slice %arg2[%dma_wait3A_161, %dma_wait3A_162] : memref<10000x128xf32, #tpu.memory_space<hbm>> -> memref<10000x128xf32, #tpu.memory_space<hbm>>
    tpu.wait_indirect_dma semaphore(%arg10 : memref<!tpu.dma_semaphore, #tpu.memory_space<semaphore_mem>>) src(%dma_wait3A_163 : memref<10000x128xf32, #tpu.memory_space<hbm>>) dst(%dma_wait3A_157 : memref<40x128xf32, #tpu.memory_space<vmem>>)
    %dma_start3A_164 = arith.constant 0 : i32
    %dma_start3A_165 = arith.constant 246 : i32
    %dma_start3A_166 = arith.constant 0 : i32
    %dma_start3A_167 = arith.constant 0 : i32
    %dma_start3A_168 = tpu.memref_slice %arg8[%dma_start3A_164, %dma_start3A_166, %dma_start3A_167] : memref<4x40x128xf32, #tpu.memory_space<vmem>> -> memref<1x40x128xf32, #tpu.memory_space<vmem>>
    %dma_start3A_169 = tpu.memref_squeeze %dma_start3A_168 : memref<1x40x128xf32, #tpu.memory_space<vmem>> -> memref<40x128xf32, #tpu.memory_space<vmem>>
    %dma_start3A_170 = arith.constant 0 : i32
    %dma_start3A_171 = tpu.memref_slice %arg7[%dma_start3A_165, %dma_start3A_170] : memref<250x40xi32, #tpu.memory_space<vmem>> -> memref<1x40xi32, #tpu.memory_space<vmem>>
    %dma_start3A_172 = tpu.memref_squeeze %dma_start3A_171 : memref<1x40xi32, #tpu.memory_space<vmem>> -> memref<40xi32, #tpu.memory_space<vmem>>
    %dma_start3A_173 = arith.constant 0 : i32
    %dma_start3A_174 = arith.constant 0 : i32
    %dma_start3A_175 = tpu.memref_slice %arg9[%dma_start3A_173, %dma_start3A_174] : memref<10000x128xf32, #tpu.memory_space<vmem_shared>> -> memref<10000x128xf32, #tpu.memory_space<vmem_shared>>
    tpu.enqueue_indirect_dma source(%dma_start3A_169 : memref<40x128xf32, #tpu.memory_space<vmem>>) target(%dma_start3A_175 : memref<10000x128xf32, #tpu.memory_space<vmem_shared>>) offsets(%dma_start3A_172 : memref<40xi32, #tpu.memory_space<vmem>>) semaphore(%arg14 : memref<!tpu.dma_semaphore, #tpu.memory_space<semaphore_mem>>) {add = true}
    %dma_wait3A_176 = arith.constant 247 : i32
    %dma_wait3A_177 = arith.constant 1 : i32
    %dma_wait3A_178 = arith.constant 0 : i32
    %dma_wait3A_179 = arith.constant 0 : i32
    %dma_wait3A_180 = tpu.memref_slice %arg8[%dma_wait3A_177, %dma_wait3A_178, %dma_wait3A_179] : memref<4x40x128xf32, #tpu.memory_space<vmem>> -> memref<1x40x128xf32, #tpu.memory_space<vmem>>
    %dma_wait3A_181 = tpu.memref_squeeze %dma_wait3A_180 : memref<1x40x128xf32, #tpu.memory_space<vmem>> -> memref<40x128xf32, #tpu.memory_space<vmem>>
    %dma_wait3A_182 = arith.constant 0 : i32
    %dma_wait3A_183 = tpu.memref_slice %arg6[%dma_wait3A_176, %dma_wait3A_182] : memref<250x40xi32, #tpu.memory_space<vmem>> -> memref<1x40xi32, #tpu.memory_space<vmem>>
    %dma_wait3A_184 = tpu.memref_squeeze %dma_wait3A_183 : memref<1x40xi32, #tpu.memory_space<vmem>> -> memref<40xi32, #tpu.memory_space<vmem>>
    %dma_wait3A_185 = arith.constant 0 : i32
    %dma_wait3A_186 = arith.constant 0 : i32
    %dma_wait3A_187 = tpu.memref_slice %arg2[%dma_wait3A_185, %dma_wait3A_186] : memref<10000x128xf32, #tpu.memory_space<hbm>> -> memref<10000x128xf32, #tpu.memory_space<hbm>>
    tpu.wait_indirect_dma semaphore(%arg11 : memref<!tpu.dma_semaphore, #tpu.memory_space<semaphore_mem>>) src(%dma_wait3A_187 : memref<10000x128xf32, #tpu.memory_space<hbm>>) dst(%dma_wait3A_181 : memref<40x128xf32, #tpu.memory_space<vmem>>)
    %dma_start3A_188 = arith.constant 1 : i32
    %dma_start3A_189 = arith.constant 247 : i32
    %dma_start3A_190 = arith.constant 0 : i32
    %dma_start3A_191 = arith.constant 0 : i32
    %dma_start3A_192 = tpu.memref_slice %arg8[%dma_start3A_188, %dma_start3A_190, %dma_start3A_191] : memref<4x40x128xf32, #tpu.memory_space<vmem>> -> memref<1x40x128xf32, #tpu.memory_space<vmem>>
    %dma_start3A_193 = tpu.memref_squeeze %dma_start3A_192 : memref<1x40x128xf32, #tpu.memory_space<vmem>> -> memref<40x128xf32, #tpu.memory_space<vmem>>
    %dma_start3A_194 = arith.constant 0 : i32
    %dma_start3A_195 = tpu.memref_slice %arg7[%dma_start3A_189, %dma_start3A_194] : memref<250x40xi32, #tpu.memory_space<vmem>> -> memref<1x40xi32, #tpu.memory_space<vmem>>
    %dma_start3A_196 = tpu.memref_squeeze %dma_start3A_195 : memref<1x40xi32, #tpu.memory_space<vmem>> -> memref<40xi32, #tpu.memory_space<vmem>>
    %dma_start3A_197 = arith.constant 0 : i32
    %dma_start3A_198 = arith.constant 0 : i32
    %dma_start3A_199 = tpu.memref_slice %arg9[%dma_start3A_197, %dma_start3A_198] : memref<10000x128xf32, #tpu.memory_space<vmem_shared>> -> memref<10000x128xf32, #tpu.memory_space<vmem_shared>>
    tpu.enqueue_indirect_dma source(%dma_start3A_193 : memref<40x128xf32, #tpu.memory_space<vmem>>) target(%dma_start3A_199 : memref<10000x128xf32, #tpu.memory_space<vmem_shared>>) offsets(%dma_start3A_196 : memref<40xi32, #tpu.memory_space<vmem>>) semaphore(%arg15 : memref<!tpu.dma_semaphore, #tpu.memory_space<semaphore_mem>>) {add = true}
    %dma_wait3A_200 = arith.constant 248 : i32
    %dma_wait3A_201 = arith.constant 2 : i32
    %dma_wait3A_202 = arith.constant 0 : i32
    %dma_wait3A_203 = arith.constant 0 : i32
    %dma_wait3A_204 = tpu.memref_slice %arg8[%dma_wait3A_201, %dma_wait3A_202, %dma_wait3A_203] : memref<4x40x128xf32, #tpu.memory_space<vmem>> -> memref<1x40x128xf32, #tpu.memory_space<vmem>>
    %dma_wait3A_205 = tpu.memref_squeeze %dma_wait3A_204 : memref<1x40x128xf32, #tpu.memory_space<vmem>> -> memref<40x128xf32, #tpu.memory_space<vmem>>
    %dma_wait3A_206 = arith.constant 0 : i32
    %dma_wait3A_207 = tpu.memref_slice %arg6[%dma_wait3A_200, %dma_wait3A_206] : memref<250x40xi32, #tpu.memory_space<vmem>> -> memref<1x40xi32, #tpu.memory_space<vmem>>
    %dma_wait3A_208 = tpu.memref_squeeze %dma_wait3A_207 : memref<1x40xi32, #tpu.memory_space<vmem>> -> memref<40xi32, #tpu.memory_space<vmem>>
    %dma_wait3A_209 = arith.constant 0 : i32
    %dma_wait3A_210 = arith.constant 0 : i32
    %dma_wait3A_211 = tpu.memref_slice %arg2[%dma_wait3A_209, %dma_wait3A_210] : memref<10000x128xf32, #tpu.memory_space<hbm>> -> memref<10000x128xf32, #tpu.memory_space<hbm>>
    tpu.wait_indirect_dma semaphore(%arg12 : memref<!tpu.dma_semaphore, #tpu.memory_space<semaphore_mem>>) src(%dma_wait3A_211 : memref<10000x128xf32, #tpu.memory_space<hbm>>) dst(%dma_wait3A_205 : memref<40x128xf32, #tpu.memory_space<vmem>>)
    %dma_start3A_212 = arith.constant 2 : i32
    %dma_start3A_213 = arith.constant 248 : i32
    %dma_start3A_214 = arith.constant 0 : i32
    %dma_start3A_215 = arith.constant 0 : i32
    %dma_start3A_216 = tpu.memref_slice %arg8[%dma_start3A_212, %dma_start3A_214, %dma_start3A_215] : memref<4x40x128xf32, #tpu.memory_space<vmem>> -> memref<1x40x128xf32, #tpu.memory_space<vmem>>
    %dma_start3A_217 = tpu.memref_squeeze %dma_start3A_216 : memref<1x40x128xf32, #tpu.memory_space<vmem>> -> memref<40x128xf32, #tpu.memory_space<vmem>>
    %dma_start3A_218 = arith.constant 0 : i32
    %dma_start3A_219 = tpu.memref_slice %arg7[%dma_start3A_213, %dma_start3A_218] : memref<250x40xi32, #tpu.memory_space<vmem>> -> memref<1x40xi32, #tpu.memory_space<vmem>>
    %dma_start3A_220 = tpu.memref_squeeze %dma_start3A_219 : memref<1x40xi32, #tpu.memory_space<vmem>> -> memref<40xi32, #tpu.memory_space<vmem>>
    %dma_start3A_221 = arith.constant 0 : i32
    %dma_start3A_222 = arith.constant 0 : i32
    %dma_start3A_223 = tpu.memref_slice %arg9[%dma_start3A_221, %dma_start3A_222] : memref<10000x128xf32, #tpu.memory_space<vmem_shared>> -> memref<10000x128xf32, #tpu.memory_space<vmem_shared>>
    tpu.enqueue_indirect_dma source(%dma_start3A_217 : memref<40x128xf32, #tpu.memory_space<vmem>>) target(%dma_start3A_223 : memref<10000x128xf32, #tpu.memory_space<vmem_shared>>) offsets(%dma_start3A_220 : memref<40xi32, #tpu.memory_space<vmem>>) semaphore(%arg16 : memref<!tpu.dma_semaphore, #tpu.memory_space<semaphore_mem>>) {add = true}
    %dma_wait3A_224 = arith.constant 249 : i32
    %dma_wait3A_225 = arith.constant 3 : i32
    %dma_wait3A_226 = arith.constant 0 : i32
    %dma_wait3A_227 = arith.constant 0 : i32
    %dma_wait3A_228 = tpu.memref_slice %arg8[%dma_wait3A_225, %dma_wait3A_226, %dma_wait3A_227] : memref<4x40x128xf32, #tpu.memory_space<vmem>> -> memref<1x40x128xf32, #tpu.memory_space<vmem>>
    %dma_wait3A_229 = tpu.memref_squeeze %dma_wait3A_228 : memref<1x40x128xf32, #tpu.memory_space<vmem>> -> memref<40x128xf32, #tpu.memory_space<vmem>>
    %dma_wait3A_230 = arith.constant 0 : i32
    %dma_wait3A_231 = tpu.memref_slice %arg6[%dma_wait3A_224, %dma_wait3A_230] : memref<250x40xi32, #tpu.memory_space<vmem>> -> memref<1x40xi32, #tpu.memory_space<vmem>>
    %dma_wait3A_232 = tpu.memref_squeeze %dma_wait3A_231 : memref<1x40xi32, #tpu.memory_space<vmem>> -> memref<40xi32, #tpu.memory_space<vmem>>
    %dma_wait3A_233 = arith.constant 0 : i32
    %dma_wait3A_234 = arith.constant 0 : i32
    %dma_wait3A_235 = tpu.memref_slice %arg2[%dma_wait3A_233, %dma_wait3A_234] : memref<10000x128xf32, #tpu.memory_space<hbm>> -> memref<10000x128xf32, #tpu.memory_space<hbm>>
    tpu.wait_indirect_dma semaphore(%arg13 : memref<!tpu.dma_semaphore, #tpu.memory_space<semaphore_mem>>) src(%dma_wait3A_235 : memref<10000x128xf32, #tpu.memory_space<hbm>>) dst(%dma_wait3A_229 : memref<40x128xf32, #tpu.memory_space<vmem>>)
    %dma_start3A_236 = arith.constant 3 : i32
    %dma_start3A_237 = arith.constant 249 : i32
    %dma_start3A_238 = arith.constant 0 : i32
    %dma_start3A_239 = arith.constant 0 : i32
    %dma_start3A_240 = tpu.memref_slice %arg8[%dma_start3A_236, %dma_start3A_238, %dma_start3A_239] : memref<4x40x128xf32, #tpu.memory_space<vmem>> -> memref<1x40x128xf32, #tpu.memory_space<vmem>>
    %dma_start3A_241 = tpu.memref_squeeze %dma_start3A_240 : memref<1x40x128xf32, #tpu.memory_space<vmem>> -> memref<40x128xf32, #tpu.memory_space<vmem>>
    %dma_start3A_242 = arith.constant 0 : i32
    %dma_start3A_243 = tpu.memref_slice %arg7[%dma_start3A_237, %dma_start3A_242] : memref<250x40xi32, #tpu.memory_space<vmem>> -> memref<1x40xi32, #tpu.memory_space<vmem>>
    %dma_start3A_244 = tpu.memref_squeeze %dma_start3A_243 : memref<1x40xi32, #tpu.memory_space<vmem>> -> memref<40xi32, #tpu.memory_space<vmem>>
    %dma_start3A_245 = arith.constant 0 : i32
    %dma_start3A_246 = arith.constant 0 : i32
    %dma_start3A_247 = tpu.memref_slice %arg9[%dma_start3A_245, %dma_start3A_246] : memref<10000x128xf32, #tpu.memory_space<vmem_shared>> -> memref<10000x128xf32, #tpu.memory_space<vmem_shared>>
    tpu.enqueue_indirect_dma source(%dma_start3A_241 : memref<40x128xf32, #tpu.memory_space<vmem>>) target(%dma_start3A_247 : memref<10000x128xf32, #tpu.memory_space<vmem_shared>>) offsets(%dma_start3A_244 : memref<40xi32, #tpu.memory_space<vmem>>) semaphore(%arg17 : memref<!tpu.dma_semaphore, #tpu.memory_space<semaphore_mem>>) {add = true}
    %dma_wait3A_248 = arith.constant 0 : i32
    %dma_wait3A_249 = arith.constant 246 : i32
    %dma_wait3A_250 = arith.constant 0 : i32
    %dma_wait3A_251 = arith.constant 0 : i32
    %dma_wait3A_252 = tpu.memref_slice %arg8[%dma_wait3A_248, %dma_wait3A_250, %dma_wait3A_251] : memref<4x40x128xf32, #tpu.memory_space<vmem>> -> memref<1x40x128xf32, #tpu.memory_space<vmem>>
    %dma_wait3A_253 = tpu.memref_squeeze %dma_wait3A_252 : memref<1x40x128xf32, #tpu.memory_space<vmem>> -> memref<40x128xf32, #tpu.memory_space<vmem>>
    %dma_wait3A_254 = arith.constant 0 : i32
    %dma_wait3A_255 = tpu.memref_slice %arg7[%dma_wait3A_249, %dma_wait3A_254] : memref<250x40xi32, #tpu.memory_space<vmem>> -> memref<1x40xi32, #tpu.memory_space<vmem>>
    %dma_wait3A_256 = tpu.memref_squeeze %dma_wait3A_255 : memref<1x40xi32, #tpu.memory_space<vmem>> -> memref<40xi32, #tpu.memory_space<vmem>>
    %dma_wait3A_257 = arith.constant 0 : i32
    %dma_wait3A_258 = arith.constant 0 : i32
    %dma_wait3A_259 = tpu.memref_slice %arg9[%dma_wait3A_257, %dma_wait3A_258] : memref<10000x128xf32, #tpu.memory_space<vmem_shared>> -> memref<10000x128xf32, #tpu.memory_space<vmem_shared>>
    tpu.wait_indirect_dma semaphore(%arg14 : memref<!tpu.dma_semaphore, #tpu.memory_space<semaphore_mem>>) src(%dma_wait3A_253 : memref<40x128xf32, #tpu.memory_space<vmem>>) dst(%dma_wait3A_259 : memref<10000x128xf32, #tpu.memory_space<vmem_shared>>)
    %dma_wait3A_260 = arith.constant 1 : i32
    %dma_wait3A_261 = arith.constant 247 : i32
    %dma_wait3A_262 = arith.constant 0 : i32
    %dma_wait3A_263 = arith.constant 0 : i32
    %dma_wait3A_264 = tpu.memref_slice %arg8[%dma_wait3A_260, %dma_wait3A_262, %dma_wait3A_263] : memref<4x40x128xf32, #tpu.memory_space<vmem>> -> memref<1x40x128xf32, #tpu.memory_space<vmem>>
    %dma_wait3A_265 = tpu.memref_squeeze %dma_wait3A_264 : memref<1x40x128xf32, #tpu.memory_space<vmem>> -> memref<40x128xf32, #tpu.memory_space<vmem>>
    %dma_wait3A_266 = arith.constant 0 : i32
    %dma_wait3A_267 = tpu.memref_slice %arg7[%dma_wait3A_261, %dma_wait3A_266] : memref<250x40xi32, #tpu.memory_space<vmem>> -> memref<1x40xi32, #tpu.memory_space<vmem>>
    %dma_wait3A_268 = tpu.memref_squeeze %dma_wait3A_267 : memref<1x40xi32, #tpu.memory_space<vmem>> -> memref<40xi32, #tpu.memory_space<vmem>>
    %dma_wait3A_269 = arith.constant 0 : i32
    %dma_wait3A_270 = arith.constant 0 : i32
    %dma_wait3A_271 = tpu.memref_slice %arg9[%dma_wait3A_269, %dma_wait3A_270] : memref<10000x128xf32, #tpu.memory_space<vmem_shared>> -> memref<10000x128xf32, #tpu.memory_space<vmem_shared>>
    tpu.wait_indirect_dma semaphore(%arg15 : memref<!tpu.dma_semaphore, #tpu.memory_space<semaphore_mem>>) src(%dma_wait3A_265 : memref<40x128xf32, #tpu.memory_space<vmem>>) dst(%dma_wait3A_271 : memref<10000x128xf32, #tpu.memory_space<vmem_shared>>)
    %dma_wait3A_272 = arith.constant 2 : i32
    %dma_wait3A_273 = arith.constant 248 : i32
    %dma_wait3A_274 = arith.constant 0 : i32
    %dma_wait3A_275 = arith.constant 0 : i32
    %dma_wait3A_276 = tpu.memref_slice %arg8[%dma_wait3A_272, %dma_wait3A_274, %dma_wait3A_275] : memref<4x40x128xf32, #tpu.memory_space<vmem>> -> memref<1x40x128xf32, #tpu.memory_space<vmem>>
    %dma_wait3A_277 = tpu.memref_squeeze %dma_wait3A_276 : memref<1x40x128xf32, #tpu.memory_space<vmem>> -> memref<40x128xf32, #tpu.memory_space<vmem>>
    %dma_wait3A_278 = arith.constant 0 : i32
    %dma_wait3A_279 = tpu.memref_slice %arg7[%dma_wait3A_273, %dma_wait3A_278] : memref<250x40xi32, #tpu.memory_space<vmem>> -> memref<1x40xi32, #tpu.memory_space<vmem>>
    %dma_wait3A_280 = tpu.memref_squeeze %dma_wait3A_279 : memref<1x40xi32, #tpu.memory_space<vmem>> -> memref<40xi32, #tpu.memory_space<vmem>>
    %dma_wait3A_281 = arith.constant 0 : i32
    %dma_wait3A_282 = arith.constant 0 : i32
    %dma_wait3A_283 = tpu.memref_slice %arg9[%dma_wait3A_281, %dma_wait3A_282] : memref<10000x128xf32, #tpu.memory_space<vmem_shared>> -> memref<10000x128xf32, #tpu.memory_space<vmem_shared>>
    tpu.wait_indirect_dma semaphore(%arg16 : memref<!tpu.dma_semaphore, #tpu.memory_space<semaphore_mem>>) src(%dma_wait3A_277 : memref<40x128xf32, #tpu.memory_space<vmem>>) dst(%dma_wait3A_283 : memref<10000x128xf32, #tpu.memory_space<vmem_shared>>)
    %dma_wait3A_284 = arith.constant 3 : i32
    %dma_wait3A_285 = arith.constant 249 : i32
    %dma_wait3A_286 = arith.constant 0 : i32
    %dma_wait3A_287 = arith.constant 0 : i32
    %dma_wait3A_288 = tpu.memref_slice %arg8[%dma_wait3A_284, %dma_wait3A_286, %dma_wait3A_287] : memref<4x40x128xf32, #tpu.memory_space<vmem>> -> memref<1x40x128xf32, #tpu.memory_space<vmem>>
    %dma_wait3A_289 = tpu.memref_squeeze %dma_wait3A_288 : memref<1x40x128xf32, #tpu.memory_space<vmem>> -> memref<40x128xf32, #tpu.memory_space<vmem>>
    %dma_wait3A_290 = arith.constant 0 : i32
    %dma_wait3A_291 = tpu.memref_slice %arg7[%dma_wait3A_285, %dma_wait3A_290] : memref<250x40xi32, #tpu.memory_space<vmem>> -> memref<1x40xi32, #tpu.memory_space<vmem>>
    %dma_wait3A_292 = tpu.memref_squeeze %dma_wait3A_291 : memref<1x40xi32, #tpu.memory_space<vmem>> -> memref<40xi32, #tpu.memory_space<vmem>>
    %dma_wait3A_293 = arith.constant 0 : i32
    %dma_wait3A_294 = arith.constant 0 : i32
    %dma_wait3A_295 = tpu.memref_slice %arg9[%dma_wait3A_293, %dma_wait3A_294] : memref<10000x128xf32, #tpu.memory_space<vmem_shared>> -> memref<10000x128xf32, #tpu.memory_space<vmem_shared>>
    tpu.wait_indirect_dma semaphore(%arg17 : memref<!tpu.dma_semaphore, #tpu.memory_space<semaphore_mem>>) src(%dma_wait3A_289 : memref<40x128xf32, #tpu.memory_space<vmem>>) dst(%dma_wait3A_295 : memref<10000x128xf32, #tpu.memory_space<vmem_shared>>)
    %barrier3A_296 = arith.constant 0 : index
    tpu.barrier barrier_id(%barrier3A_296)
    %mul3A_297 = arith.constant 624 : i32
    %mul3A_298 = arith.muli %arg1, %mul3A_297 : i32
    "tpu.region"() ({
      %run_scoped3A = tpu.sem_alloc : memref<!tpu.dma_semaphore, #tpu.memory_space<semaphore_mem>>
      %dma_start3A_304 = arith.constant 0 : i32
      %dma_start3A_305 = tpu.memref_slice %arg5[%arg0, %mul3A_298, %dma_start3A_304] : memref<2x10000x128xf32, #tpu.memory_space<hbm>> -> memref<1x624x128xf32, #tpu.memory_space<hbm>>
      %dma_start3A_306 = tpu.memref_squeeze %dma_start3A_305 : memref<1x624x128xf32, #tpu.memory_space<hbm>> -> memref<624x128xf32, #tpu.memory_space<hbm>>
      %dma_start3A_307 = arith.constant 0 : i32
      %dma_start3A_308 = tpu.memref_slice %arg9[%mul3A_298, %dma_start3A_307] : memref<10000x128xf32, #tpu.memory_space<vmem_shared>> -> memref<624x128xf32, #tpu.memory_space<vmem_shared>>
      tpu.enqueue_dma source(%dma_start3A_308 : memref<624x128xf32, #tpu.memory_space<vmem_shared>>) target(%dma_start3A_306 : memref<624x128xf32, #tpu.memory_space<hbm>>) target_semaphore(%run_scoped3A : memref<!tpu.dma_semaphore, #tpu.memory_space<semaphore_mem>>)
      %dma_wait3A_309 = arith.constant 0 : i32
      %dma_wait3A_310 = tpu.memref_slice %arg5[%arg0, %mul3A_298, %dma_wait3A_309] : memref<2x10000x128xf32, #tpu.memory_space<hbm>> -> memref<1x624x128xf32, #tpu.memory_space<hbm>>
      %dma_wait3A_311 = tpu.memref_squeeze %dma_wait3A_310 : memref<1x624x128xf32, #tpu.memory_space<hbm>> -> memref<624x128xf32, #tpu.memory_space<hbm>>
      %dma_wait3A_312 = arith.constant 0 : i32
      %dma_wait3A_313 = tpu.memref_slice %arg9[%mul3A_298, %dma_wait3A_312] : memref<10000x128xf32, #tpu.memory_space<vmem_shared>> -> memref<624x128xf32, #tpu.memory_space<vmem_shared>>
      tpu.wait_dma2 semaphore(%run_scoped3A : memref<!tpu.dma_semaphore, #tpu.memory_space<semaphore_mem>>) src(%dma_wait3A_313 : memref<624x128xf32, #tpu.memory_space<vmem_shared>>) dst(%dma_wait3A_311 : memref<624x128xf32, #tpu.memory_space<hbm>>)
      tpu.yield
    }) : () -> ()
    %eq3A_299 = arith.constant 15 : i32
    %eq3A_300 = arith.cmpi eq, %arg1, %eq3A_299 : i32
    %convert_element_type3A_301 = arith.extui %eq3A_300 : i1 to i32
    %cond3A_302 = arith.constant 0 : i32
    %cond3A_303 = arith.cmpi ne, %convert_element_type3A_301, %cond3A_302 : i32
    scf.if %cond3A_303 {
      "tpu.region"() ({
        %run_scoped3A = tpu.sem_alloc : memref<!tpu.dma_semaphore, #tpu.memory_space<semaphore_mem>>
        %dma_start3A_304 = arith.constant 9984 : i32
        %dma_start3A_305 = arith.constant 0 : i32
        %dma_start3A_306 = tpu.memref_slice %arg5[%arg0, %dma_start3A_304, %dma_start3A_305] : memref<2x10000x128xf32, #tpu.memory_space<hbm>> -> memref<1x16x128xf32, #tpu.memory_space<hbm>>
        %dma_start3A_307 = tpu.memref_squeeze %dma_start3A_306 : memref<1x16x128xf32, #tpu.memory_space<hbm>> -> memref<16x128xf32, #tpu.memory_space<hbm>>
        %dma_start3A_308 = arith.constant 9984 : i32
        %dma_start3A_309 = arith.constant 0 : i32
        %dma_start3A_310 = tpu.memref_slice %arg9[%dma_start3A_308, %dma_start3A_309] : memref<10000x128xf32, #tpu.memory_space<vmem_shared>> -> memref<16x128xf32, #tpu.memory_space<vmem_shared>>
        tpu.enqueue_dma source(%dma_start3A_310 : memref<16x128xf32, #tpu.memory_space<vmem_shared>>) target(%dma_start3A_307 : memref<16x128xf32, #tpu.memory_space<hbm>>) target_semaphore(%run_scoped3A : memref<!tpu.dma_semaphore, #tpu.memory_space<semaphore_mem>>)
        %dma_wait3A_311 = arith.constant 9984 : i32
        %dma_wait3A_312 = arith.constant 0 : i32
        %dma_wait3A_313 = tpu.memref_slice %arg5[%arg0, %dma_wait3A_311, %dma_wait3A_312] : memref<2x10000x128xf32, #tpu.memory_space<hbm>> -> memref<1x16x128xf32, #tpu.memory_space<hbm>>
        %dma_wait3A_314 = tpu.memref_squeeze %dma_wait3A_313 : memref<1x16x128xf32, #tpu.memory_space<hbm>> -> memref<16x128xf32, #tpu.memory_space<hbm>>
        %dma_wait3A_315 = arith.constant 9984 : i32
        %dma_wait3A_316 = arith.constant 0 : i32
        %dma_wait3A_317 = tpu.memref_slice %arg9[%dma_wait3A_315, %dma_wait3A_316] : memref<10000x128xf32, #tpu.memory_space<vmem_shared>> -> memref<16x128xf32, #tpu.memory_space<vmem_shared>>
        tpu.wait_dma2 semaphore(%run_scoped3A : memref<!tpu.dma_semaphore, #tpu.memory_space<semaphore_mem>>) src(%dma_wait3A_317 : memref<16x128xf32, #tpu.memory_space<vmem_shared>>) dst(%dma_wait3A_314 : memref<16x128xf32, #tpu.memory_space<hbm>>)
        tpu.yield
      }) : () -> ()
    } else {
    }
    return
  }
}

#map = affine_map<(d0, d1) -> (0, 0)>
#map1 = affine_map<(d0, d1) -> (0, 0, 0)>
module attributes {stable_mosaic.version = 14 : i64} {
  func.func @_deg_body(%arg0: i32, %arg1: i32, %arg2: memref<10000x16xf32, #tpu.memory_space<hbm>>, %arg3: memref<32x125x80xi32, #tpu.memory_space<hbm>>, %arg4: memref<2x10000x16xf32, #tpu.memory_space<hbm>>, %arg5: memref<80x16xf32, #tpu.memory_space<vmem>>, %arg6: memref<125x80xi32, #tpu.memory_space<vmem>>, %arg7: memref<10000x16xf32, #tpu.memory_space<vmem_shared>>, %arg8: memref<!tpu.dma_semaphore, #tpu.memory_space<semaphore_mem>>, %arg9: memref<!tpu.dma_semaphore, #tpu.memory_space<semaphore_mem>>, %arg10: memref<!tpu.dma_semaphore, #tpu.memory_space<semaphore_mem>>, %arg11: memref<!tpu.dma_semaphore, #tpu.memory_space<semaphore_mem>>, %arg12: memref<!tpu.dma_semaphore, #tpu.memory_space<semaphore_mem>>, %arg13: memref<!tpu.dma_semaphore, #tpu.memory_space<semaphore_mem>>, %arg14: memref<!tpu.dma_semaphore, #tpu.memory_space<semaphore_mem>>, %arg15: memref<!tpu.dma_semaphore, #tpu.memory_space<semaphore_mem>>, %arg16: memref<!tpu.dma_semaphore, #tpu.memory_space<semaphore_mem>>, %arg17: memref<!tpu.dma_semaphore, #tpu.memory_space<semaphore_mem>>, %arg18: memref<!tpu.dma_semaphore, #tpu.memory_space<semaphore_mem>>, %arg19: memref<!tpu.dma_semaphore, #tpu.memory_space<semaphore_mem>>, %arg20: memref<!tpu.dma_semaphore, #tpu.memory_space<semaphore_mem>>, %arg21: memref<!tpu.dma_semaphore, #tpu.memory_space<semaphore_mem>>, %arg22: memref<!tpu.dma_semaphore, #tpu.memory_space<semaphore_mem>>, %arg23: memref<!tpu.dma_semaphore, #tpu.memory_space<semaphore_mem>>, %arg24: memref<!tpu.dma_semaphore, #tpu.memory_space<semaphore_mem>>, %arg25: memref<!tpu.dma_semaphore, #tpu.memory_space<semaphore_mem>>, %arg26: memref<!tpu.dma_semaphore, #tpu.memory_space<semaphore_mem>>, %arg27: memref<!tpu.dma_semaphore, #tpu.memory_space<semaphore_mem>>, %arg28: memref<!tpu.dma_semaphore, #tpu.memory_space<semaphore_mem>>, %arg29: memref<!tpu.dma_semaphore, #tpu.memory_space<semaphore_mem>>, %arg30: memref<!tpu.dma_semaphore, #tpu.memory_space<semaphore_mem>>, %arg31: memref<!tpu.dma_semaphore, #tpu.memory_space<semaphore_mem>>, %arg32: memref<!tpu.dma_semaphore, #tpu.memory_space<semaphore_mem>>) attributes {dimension_semantics = [#tpu.dimension_semantics<core_parallel>, #tpu.dimension_semantics<subcore_parallel>], iteration_bounds = array<i64: 2, 16>, scalar_prefetch = 0 : i64, scratch_operands = 28 : i64, tpu.core_type = #tpu.core_type<sc_vector_subcore>, window_params = [{transform_indices = #map}, {transform_indices = #map1}, {transform_indices = #map1}]} {
    %mul3A = arith.constant 16 : i32
    %mul3A_0 = arith.muli %arg0, %mul3A : i32
    %add3A = arith.addi %mul3A_0, %arg1 : i32
    %mul3A_1 = arith.constant 624 : i32
    %mul3A_2 = arith.muli %arg1, %mul3A_1 : i32
    "tpu.region"() ({
      %run_scoped3A = tpu.sem_alloc : memref<!tpu.dma_semaphore, #tpu.memory_space<semaphore_mem>>
      %dma_start3A = arith.constant 0 : i32
      %dma_start3A_18 = tpu.memref_slice %arg7[%mul3A_2, %dma_start3A] : memref<10000x16xf32, #tpu.memory_space<vmem_shared>> -> memref<624x16xf32, #tpu.memory_space<vmem_shared>>
      %dma_start3A_19 = arith.constant 0 : i32
      %dma_start3A_20 = tpu.memref_slice %arg2[%mul3A_2, %dma_start3A_19] : memref<10000x16xf32, #tpu.memory_space<hbm>> -> memref<624x16xf32, #tpu.memory_space<hbm>>
      tpu.enqueue_dma source(%dma_start3A_20 : memref<624x16xf32, #tpu.memory_space<hbm>>) target(%dma_start3A_18 : memref<624x16xf32, #tpu.memory_space<vmem_shared>>) target_semaphore(%run_scoped3A : memref<!tpu.dma_semaphore, #tpu.memory_space<semaphore_mem>>)
      %dma_wait3A = arith.constant 0 : i32
      %dma_wait3A_21 = tpu.memref_slice %arg7[%mul3A_2, %dma_wait3A] : memref<10000x16xf32, #tpu.memory_space<vmem_shared>> -> memref<624x16xf32, #tpu.memory_space<vmem_shared>>
      %dma_wait3A_22 = arith.constant 0 : i32
      %dma_wait3A_23 = tpu.memref_slice %arg2[%mul3A_2, %dma_wait3A_22] : memref<10000x16xf32, #tpu.memory_space<hbm>> -> memref<624x16xf32, #tpu.memory_space<hbm>>
      tpu.wait_dma2 semaphore(%run_scoped3A : memref<!tpu.dma_semaphore, #tpu.memory_space<semaphore_mem>>) src(%dma_wait3A_23 : memref<624x16xf32, #tpu.memory_space<hbm>>) dst(%dma_wait3A_21 : memref<624x16xf32, #tpu.memory_space<vmem_shared>>)
      tpu.yield
    }) : () -> ()
    %eq3A = arith.constant 15 : i32
    %eq3A_3 = arith.cmpi eq, %arg1, %eq3A : i32
    %convert_element_type3A = arith.extui %eq3A_3 : i1 to i32
    %cond3A = arith.constant 0 : i32
    %cond3A_4 = arith.cmpi ne, %convert_element_type3A, %cond3A : i32
    scf.if %cond3A_4 {
      "tpu.region"() ({
        %run_scoped3A = tpu.sem_alloc : memref<!tpu.dma_semaphore, #tpu.memory_space<semaphore_mem>>
        %dma_start3A = arith.constant 9984 : i32
        %dma_start3A_18 = arith.constant 0 : i32
        %dma_start3A_19 = tpu.memref_slice %arg7[%dma_start3A, %dma_start3A_18] : memref<10000x16xf32, #tpu.memory_space<vmem_shared>> -> memref<16x16xf32, #tpu.memory_space<vmem_shared>>
        %dma_start3A_20 = arith.constant 9984 : i32
        %dma_start3A_21 = arith.constant 0 : i32
        %dma_start3A_22 = tpu.memref_slice %arg2[%dma_start3A_20, %dma_start3A_21] : memref<10000x16xf32, #tpu.memory_space<hbm>> -> memref<16x16xf32, #tpu.memory_space<hbm>>
        tpu.enqueue_dma source(%dma_start3A_22 : memref<16x16xf32, #tpu.memory_space<hbm>>) target(%dma_start3A_19 : memref<16x16xf32, #tpu.memory_space<vmem_shared>>) target_semaphore(%run_scoped3A : memref<!tpu.dma_semaphore, #tpu.memory_space<semaphore_mem>>)
        %dma_wait3A = arith.constant 9984 : i32
        %dma_wait3A_23 = arith.constant 0 : i32
        %dma_wait3A_24 = tpu.memref_slice %arg7[%dma_wait3A, %dma_wait3A_23] : memref<10000x16xf32, #tpu.memory_space<vmem_shared>> -> memref<16x16xf32, #tpu.memory_space<vmem_shared>>
        %dma_wait3A_25 = arith.constant 9984 : i32
        %dma_wait3A_26 = arith.constant 0 : i32
        %dma_wait3A_27 = tpu.memref_slice %arg2[%dma_wait3A_25, %dma_wait3A_26] : memref<10000x16xf32, #tpu.memory_space<hbm>> -> memref<16x16xf32, #tpu.memory_space<hbm>>
        tpu.wait_dma2 semaphore(%run_scoped3A : memref<!tpu.dma_semaphore, #tpu.memory_space<semaphore_mem>>) src(%dma_wait3A_27 : memref<16x16xf32, #tpu.memory_space<hbm>>) dst(%dma_wait3A_24 : memref<16x16xf32, #tpu.memory_space<vmem_shared>>)
        tpu.yield
      }) : () -> ()
    } else {
    }
    "tpu.region"() ({
      %run_scoped3A = tpu.sem_alloc : memref<!tpu.dma_semaphore, #tpu.memory_space<semaphore_mem>>
      %dma_start3A = arith.constant 0 : i32
      %dma_start3A_18 = arith.constant 0 : i32
      %dma_start3A_19 = tpu.memref_slice %arg2[%dma_start3A, %dma_start3A_18] : memref<10000x16xf32, #tpu.memory_space<hbm>> -> memref<80x16xf32, #tpu.memory_space<hbm>>
      %dma_start3A_20 = arith.constant 0 : i32
      %dma_start3A_21 = arith.constant 0 : i32
      %dma_start3A_22 = tpu.memref_slice %arg2[%dma_start3A_20, %dma_start3A_21] : memref<10000x16xf32, #tpu.memory_space<hbm>> -> memref<80x16xf32, #tpu.memory_space<hbm>>
      tpu.enqueue_dma source(%dma_start3A_22 : memref<80x16xf32, #tpu.memory_space<hbm>>) target(%arg5 : memref<80x16xf32, #tpu.memory_space<vmem>>) target_semaphore(%run_scoped3A : memref<!tpu.dma_semaphore, #tpu.memory_space<semaphore_mem>>)
      %dma_wait3A = arith.constant 0 : i32
      %dma_wait3A_23 = arith.constant 0 : i32
      %dma_wait3A_24 = tpu.memref_slice %arg2[%dma_wait3A, %dma_wait3A_23] : memref<10000x16xf32, #tpu.memory_space<hbm>> -> memref<80x16xf32, #tpu.memory_space<hbm>>
      %dma_wait3A_25 = arith.constant 0 : i32
      %dma_wait3A_26 = arith.constant 0 : i32
      %dma_wait3A_27 = tpu.memref_slice %arg2[%dma_wait3A_25, %dma_wait3A_26] : memref<10000x16xf32, #tpu.memory_space<hbm>> -> memref<80x16xf32, #tpu.memory_space<hbm>>
      tpu.wait_dma2 semaphore(%run_scoped3A : memref<!tpu.dma_semaphore, #tpu.memory_space<semaphore_mem>>) src(%dma_wait3A_27 : memref<80x16xf32, #tpu.memory_space<hbm>>) dst(%arg5 : memref<80x16xf32, #tpu.memory_space<vmem>>)
      tpu.yield
    }) : () -> ()
    "tpu.region"() ({
      %run_scoped3A = tpu.sem_alloc : memref<!tpu.dma_semaphore, #tpu.memory_space<semaphore_mem>>
      %dma_start3A = arith.constant 0 : i32
      %dma_start3A_18 = arith.constant 0 : i32
      %dma_start3A_19 = tpu.memref_slice %arg3[%add3A, %dma_start3A, %dma_start3A_18] : memref<32x125x80xi32, #tpu.memory_space<hbm>> -> memref<1x125x80xi32, #tpu.memory_space<hbm>>
      %dma_start3A_20 = tpu.memref_squeeze %dma_start3A_19 : memref<1x125x80xi32, #tpu.memory_space<hbm>> -> memref<125x80xi32, #tpu.memory_space<hbm>>
      %dma_start3A_21 = arith.constant 0 : i32
      %dma_start3A_22 = arith.constant 0 : i32
      %dma_start3A_23 = tpu.memref_slice %arg3[%add3A, %dma_start3A_21, %dma_start3A_22] : memref<32x125x80xi32, #tpu.memory_space<hbm>> -> memref<1x125x80xi32, #tpu.memory_space<hbm>>
      %dma_start3A_24 = tpu.memref_squeeze %dma_start3A_23 : memref<1x125x80xi32, #tpu.memory_space<hbm>> -> memref<125x80xi32, #tpu.memory_space<hbm>>
      tpu.enqueue_dma source(%dma_start3A_24 : memref<125x80xi32, #tpu.memory_space<hbm>>) target(%arg6 : memref<125x80xi32, #tpu.memory_space<vmem>>) target_semaphore(%run_scoped3A : memref<!tpu.dma_semaphore, #tpu.memory_space<semaphore_mem>>)
      %dma_wait3A = arith.constant 0 : i32
      %dma_wait3A_25 = arith.constant 0 : i32
      %dma_wait3A_26 = tpu.memref_slice %arg3[%add3A, %dma_wait3A, %dma_wait3A_25] : memref<32x125x80xi32, #tpu.memory_space<hbm>> -> memref<1x125x80xi32, #tpu.memory_space<hbm>>
      %dma_wait3A_27 = tpu.memref_squeeze %dma_wait3A_26 : memref<1x125x80xi32, #tpu.memory_space<hbm>> -> memref<125x80xi32, #tpu.memory_space<hbm>>
      %dma_wait3A_28 = arith.constant 0 : i32
      %dma_wait3A_29 = arith.constant 0 : i32
      %dma_wait3A_30 = tpu.memref_slice %arg3[%add3A, %dma_wait3A_28, %dma_wait3A_29] : memref<32x125x80xi32, #tpu.memory_space<hbm>> -> memref<1x125x80xi32, #tpu.memory_space<hbm>>
      %dma_wait3A_31 = tpu.memref_squeeze %dma_wait3A_30 : memref<1x125x80xi32, #tpu.memory_space<hbm>> -> memref<125x80xi32, #tpu.memory_space<hbm>>
      tpu.wait_dma2 semaphore(%run_scoped3A : memref<!tpu.dma_semaphore, #tpu.memory_space<semaphore_mem>>) src(%dma_wait3A_31 : memref<125x80xi32, #tpu.memory_space<hbm>>) dst(%arg6 : memref<125x80xi32, #tpu.memory_space<vmem>>)
      tpu.yield
    }) : () -> ()
    %barrier3A = arith.constant 0 : index
    tpu.barrier barrier_id(%barrier3A)
    %scan3A = arith.constant 0 : i32
    %scan3A_5 = arith.constant 0 : i32
    %scan3A_6 = arith.constant 5 : i32
    %scan3A_7 = arith.addi %scan3A_5, %scan3A_6 : i32
    %scan3A_8 = arith.constant 1 : i32
    scf.for %scan3A_18 = %scan3A_5 to %scan3A_7 step %scan3A_8  : i32 {
      %mul3A_19 = arith.constant 25 : i32
      %mul3A_20 = arith.muli %scan3A_18, %mul3A_19 : i32
      %add3A_21 = arith.constant 0 : i32
      %add3A_22 = arith.addi %mul3A_20, %add3A_21 : i32
      %dma_start3A = arith.constant 0 : i32
      %dma_start3A_23 = tpu.memref_slice %arg6[%add3A_22, %dma_start3A] : memref<125x80xi32, #tpu.memory_space<vmem>> -> memref<1x80xi32, #tpu.memory_space<vmem>>
      %dma_start3A_24 = tpu.memref_squeeze %dma_start3A_23 : memref<1x80xi32, #tpu.memory_space<vmem>> -> memref<80xi32, #tpu.memory_space<vmem>>
      %dma_start3A_25 = arith.constant 0 : i32
      %dma_start3A_26 = arith.constant 0 : i32
      %dma_start3A_27 = tpu.memref_slice %arg7[%dma_start3A_25, %dma_start3A_26] : memref<10000x16xf32, #tpu.memory_space<vmem_shared>> -> memref<10000x16xf32, #tpu.memory_space<vmem_shared>>
      tpu.enqueue_indirect_dma source(%arg5 : memref<80x16xf32, #tpu.memory_space<vmem>>) target(%dma_start3A_27 : memref<10000x16xf32, #tpu.memory_space<vmem_shared>>) offsets(%dma_start3A_24 : memref<80xi32, #tpu.memory_space<vmem>>) semaphore(%arg8 : memref<!tpu.dma_semaphore, #tpu.memory_space<semaphore_mem>>) {add = true}
      %mul3A_28 = arith.constant 25 : i32
      %mul3A_29 = arith.muli %scan3A_18, %mul3A_28 : i32
      %add3A_30 = arith.constant 1 : i32
      %add3A_31 = arith.addi %mul3A_29, %add3A_30 : i32
      %dma_start3A_32 = arith.constant 0 : i32
      %dma_start3A_33 = tpu.memref_slice %arg6[%add3A_31, %dma_start3A_32] : memref<125x80xi32, #tpu.memory_space<vmem>> -> memref<1x80xi32, #tpu.memory_space<vmem>>
      %dma_start3A_34 = tpu.memref_squeeze %dma_start3A_33 : memref<1x80xi32, #tpu.memory_space<vmem>> -> memref<80xi32, #tpu.memory_space<vmem>>
      %dma_start3A_35 = arith.constant 0 : i32
      %dma_start3A_36 = arith.constant 0 : i32
      %dma_start3A_37 = tpu.memref_slice %arg7[%dma_start3A_35, %dma_start3A_36] : memref<10000x16xf32, #tpu.memory_space<vmem_shared>> -> memref<10000x16xf32, #tpu.memory_space<vmem_shared>>
      tpu.enqueue_indirect_dma source(%arg5 : memref<80x16xf32, #tpu.memory_space<vmem>>) target(%dma_start3A_37 : memref<10000x16xf32, #tpu.memory_space<vmem_shared>>) offsets(%dma_start3A_34 : memref<80xi32, #tpu.memory_space<vmem>>) semaphore(%arg9 : memref<!tpu.dma_semaphore, #tpu.memory_space<semaphore_mem>>) {add = true}
      %mul3A_38 = arith.constant 25 : i32
      %mul3A_39 = arith.muli %scan3A_18, %mul3A_38 : i32
      %add3A_40 = arith.constant 2 : i32
      %add3A_41 = arith.addi %mul3A_39, %add3A_40 : i32
      %dma_start3A_42 = arith.constant 0 : i32
      %dma_start3A_43 = tpu.memref_slice %arg6[%add3A_41, %dma_start3A_42] : memref<125x80xi32, #tpu.memory_space<vmem>> -> memref<1x80xi32, #tpu.memory_space<vmem>>
      %dma_start3A_44 = tpu.memref_squeeze %dma_start3A_43 : memref<1x80xi32, #tpu.memory_space<vmem>> -> memref<80xi32, #tpu.memory_space<vmem>>
      %dma_start3A_45 = arith.constant 0 : i32
      %dma_start3A_46 = arith.constant 0 : i32
      %dma_start3A_47 = tpu.memref_slice %arg7[%dma_start3A_45, %dma_start3A_46] : memref<10000x16xf32, #tpu.memory_space<vmem_shared>> -> memref<10000x16xf32, #tpu.memory_space<vmem_shared>>
      tpu.enqueue_indirect_dma source(%arg5 : memref<80x16xf32, #tpu.memory_space<vmem>>) target(%dma_start3A_47 : memref<10000x16xf32, #tpu.memory_space<vmem_shared>>) offsets(%dma_start3A_44 : memref<80xi32, #tpu.memory_space<vmem>>) semaphore(%arg10 : memref<!tpu.dma_semaphore, #tpu.memory_space<semaphore_mem>>) {add = true}
      %mul3A_48 = arith.constant 25 : i32
      %mul3A_49 = arith.muli %scan3A_18, %mul3A_48 : i32
      %add3A_50 = arith.constant 3 : i32
      %add3A_51 = arith.addi %mul3A_49, %add3A_50 : i32
      %dma_start3A_52 = arith.constant 0 : i32
      %dma_start3A_53 = tpu.memref_slice %arg6[%add3A_51, %dma_start3A_52] : memref<125x80xi32, #tpu.memory_space<vmem>> -> memref<1x80xi32, #tpu.memory_space<vmem>>
      %dma_start3A_54 = tpu.memref_squeeze %dma_start3A_53 : memref<1x80xi32, #tpu.memory_space<vmem>> -> memref<80xi32, #tpu.memory_space<vmem>>
      %dma_start3A_55 = arith.constant 0 : i32
      %dma_start3A_56 = arith.constant 0 : i32
      %dma_start3A_57 = tpu.memref_slice %arg7[%dma_start3A_55, %dma_start3A_56] : memref<10000x16xf32, #tpu.memory_space<vmem_shared>> -> memref<10000x16xf32, #tpu.memory_space<vmem_shared>>
      tpu.enqueue_indirect_dma source(%arg5 : memref<80x16xf32, #tpu.memory_space<vmem>>) target(%dma_start3A_57 : memref<10000x16xf32, #tpu.memory_space<vmem_shared>>) offsets(%dma_start3A_54 : memref<80xi32, #tpu.memory_space<vmem>>) semaphore(%arg11 : memref<!tpu.dma_semaphore, #tpu.memory_space<semaphore_mem>>) {add = true}
      %mul3A_58 = arith.constant 25 : i32
      %mul3A_59 = arith.muli %scan3A_18, %mul3A_58 : i32
      %add3A_60 = arith.constant 4 : i32
      %add3A_61 = arith.addi %mul3A_59, %add3A_60 : i32
      %dma_start3A_62 = arith.constant 0 : i32
      %dma_start3A_63 = tpu.memref_slice %arg6[%add3A_61, %dma_start3A_62] : memref<125x80xi32, #tpu.memory_space<vmem>> -> memref<1x80xi32, #tpu.memory_space<vmem>>
      %dma_start3A_64 = tpu.memref_squeeze %dma_start3A_63 : memref<1x80xi32, #tpu.memory_space<vmem>> -> memref<80xi32, #tpu.memory_space<vmem>>
      %dma_start3A_65 = arith.constant 0 : i32
      %dma_start3A_66 = arith.constant 0 : i32
      %dma_start3A_67 = tpu.memref_slice %arg7[%dma_start3A_65, %dma_start3A_66] : memref<10000x16xf32, #tpu.memory_space<vmem_shared>> -> memref<10000x16xf32, #tpu.memory_space<vmem_shared>>
      tpu.enqueue_indirect_dma source(%arg5 : memref<80x16xf32, #tpu.memory_space<vmem>>) target(%dma_start3A_67 : memref<10000x16xf32, #tpu.memory_space<vmem_shared>>) offsets(%dma_start3A_64 : memref<80xi32, #tpu.memory_space<vmem>>) semaphore(%arg12 : memref<!tpu.dma_semaphore, #tpu.memory_space<semaphore_mem>>) {add = true}
      %mul3A_68 = arith.constant 25 : i32
      %mul3A_69 = arith.muli %scan3A_18, %mul3A_68 : i32
      %add3A_70 = arith.constant 5 : i32
      %add3A_71 = arith.addi %mul3A_69, %add3A_70 : i32
      %dma_start3A_72 = arith.constant 0 : i32
      %dma_start3A_73 = tpu.memref_slice %arg6[%add3A_71, %dma_start3A_72] : memref<125x80xi32, #tpu.memory_space<vmem>> -> memref<1x80xi32, #tpu.memory_space<vmem>>
      %dma_start3A_74 = tpu.memref_squeeze %dma_start3A_73 : memref<1x80xi32, #tpu.memory_space<vmem>> -> memref<80xi32, #tpu.memory_space<vmem>>
      %dma_start3A_75 = arith.constant 0 : i32
      %dma_start3A_76 = arith.constant 0 : i32
      %dma_start3A_77 = tpu.memref_slice %arg7[%dma_start3A_75, %dma_start3A_76] : memref<10000x16xf32, #tpu.memory_space<vmem_shared>> -> memref<10000x16xf32, #tpu.memory_space<vmem_shared>>
      tpu.enqueue_indirect_dma source(%arg5 : memref<80x16xf32, #tpu.memory_space<vmem>>) target(%dma_start3A_77 : memref<10000x16xf32, #tpu.memory_space<vmem_shared>>) offsets(%dma_start3A_74 : memref<80xi32, #tpu.memory_space<vmem>>) semaphore(%arg13 : memref<!tpu.dma_semaphore, #tpu.memory_space<semaphore_mem>>) {add = true}
      %mul3A_78 = arith.constant 25 : i32
      %mul3A_79 = arith.muli %scan3A_18, %mul3A_78 : i32
      %add3A_80 = arith.constant 6 : i32
      %add3A_81 = arith.addi %mul3A_79, %add3A_80 : i32
      %dma_start3A_82 = arith.constant 0 : i32
      %dma_start3A_83 = tpu.memref_slice %arg6[%add3A_81, %dma_start3A_82] : memref<125x80xi32, #tpu.memory_space<vmem>> -> memref<1x80xi32, #tpu.memory_space<vmem>>
      %dma_start3A_84 = tpu.memref_squeeze %dma_start3A_83 : memref<1x80xi32, #tpu.memory_space<vmem>> -> memref<80xi32, #tpu.memory_space<vmem>>
      %dma_start3A_85 = arith.constant 0 : i32
      %dma_start3A_86 = arith.constant 0 : i32
      %dma_start3A_87 = tpu.memref_slice %arg7[%dma_start3A_85, %dma_start3A_86] : memref<10000x16xf32, #tpu.memory_space<vmem_shared>> -> memref<10000x16xf32, #tpu.memory_space<vmem_shared>>
      tpu.enqueue_indirect_dma source(%arg5 : memref<80x16xf32, #tpu.memory_space<vmem>>) target(%dma_start3A_87 : memref<10000x16xf32, #tpu.memory_space<vmem_shared>>) offsets(%dma_start3A_84 : memref<80xi32, #tpu.memory_space<vmem>>) semaphore(%arg14 : memref<!tpu.dma_semaphore, #tpu.memory_space<semaphore_mem>>) {add = true}
      %mul3A_88 = arith.constant 25 : i32
      %mul3A_89 = arith.muli %scan3A_18, %mul3A_88 : i32
      %add3A_90 = arith.constant 7 : i32
      %add3A_91 = arith.addi %mul3A_89, %add3A_90 : i32
      %dma_start3A_92 = arith.constant 0 : i32
      %dma_start3A_93 = tpu.memref_slice %arg6[%add3A_91, %dma_start3A_92] : memref<125x80xi32, #tpu.memory_space<vmem>> -> memref<1x80xi32, #tpu.memory_space<vmem>>
      %dma_start3A_94 = tpu.memref_squeeze %dma_start3A_93 : memref<1x80xi32, #tpu.memory_space<vmem>> -> memref<80xi32, #tpu.memory_space<vmem>>
      %dma_start3A_95 = arith.constant 0 : i32
      %dma_start3A_96 = arith.constant 0 : i32
      %dma_start3A_97 = tpu.memref_slice %arg7[%dma_start3A_95, %dma_start3A_96] : memref<10000x16xf32, #tpu.memory_space<vmem_shared>> -> memref<10000x16xf32, #tpu.memory_space<vmem_shared>>
      tpu.enqueue_indirect_dma source(%arg5 : memref<80x16xf32, #tpu.memory_space<vmem>>) target(%dma_start3A_97 : memref<10000x16xf32, #tpu.memory_space<vmem_shared>>) offsets(%dma_start3A_94 : memref<80xi32, #tpu.memory_space<vmem>>) semaphore(%arg15 : memref<!tpu.dma_semaphore, #tpu.memory_space<semaphore_mem>>) {add = true}
      %mul3A_98 = arith.constant 25 : i32
      %mul3A_99 = arith.muli %scan3A_18, %mul3A_98 : i32
      %add3A_100 = arith.constant 8 : i32
      %add3A_101 = arith.addi %mul3A_99, %add3A_100 : i32
      %dma_start3A_102 = arith.constant 0 : i32
      %dma_start3A_103 = tpu.memref_slice %arg6[%add3A_101, %dma_start3A_102] : memref<125x80xi32, #tpu.memory_space<vmem>> -> memref<1x80xi32, #tpu.memory_space<vmem>>
      %dma_start3A_104 = tpu.memref_squeeze %dma_start3A_103 : memref<1x80xi32, #tpu.memory_space<vmem>> -> memref<80xi32, #tpu.memory_space<vmem>>
      %dma_start3A_105 = arith.constant 0 : i32
      %dma_start3A_106 = arith.constant 0 : i32
      %dma_start3A_107 = tpu.memref_slice %arg7[%dma_start3A_105, %dma_start3A_106] : memref<10000x16xf32, #tpu.memory_space<vmem_shared>> -> memref<10000x16xf32, #tpu.memory_space<vmem_shared>>
      tpu.enqueue_indirect_dma source(%arg5 : memref<80x16xf32, #tpu.memory_space<vmem>>) target(%dma_start3A_107 : memref<10000x16xf32, #tpu.memory_space<vmem_shared>>) offsets(%dma_start3A_104 : memref<80xi32, #tpu.memory_space<vmem>>) semaphore(%arg16 : memref<!tpu.dma_semaphore, #tpu.memory_space<semaphore_mem>>) {add = true}
      %mul3A_108 = arith.constant 25 : i32
      %mul3A_109 = arith.muli %scan3A_18, %mul3A_108 : i32
      %add3A_110 = arith.constant 9 : i32
      %add3A_111 = arith.addi %mul3A_109, %add3A_110 : i32
      %dma_start3A_112 = arith.constant 0 : i32
      %dma_start3A_113 = tpu.memref_slice %arg6[%add3A_111, %dma_start3A_112] : memref<125x80xi32, #tpu.memory_space<vmem>> -> memref<1x80xi32, #tpu.memory_space<vmem>>
      %dma_start3A_114 = tpu.memref_squeeze %dma_start3A_113 : memref<1x80xi32, #tpu.memory_space<vmem>> -> memref<80xi32, #tpu.memory_space<vmem>>
      %dma_start3A_115 = arith.constant 0 : i32
      %dma_start3A_116 = arith.constant 0 : i32
      %dma_start3A_117 = tpu.memref_slice %arg7[%dma_start3A_115, %dma_start3A_116] : memref<10000x16xf32, #tpu.memory_space<vmem_shared>> -> memref<10000x16xf32, #tpu.memory_space<vmem_shared>>
      tpu.enqueue_indirect_dma source(%arg5 : memref<80x16xf32, #tpu.memory_space<vmem>>) target(%dma_start3A_117 : memref<10000x16xf32, #tpu.memory_space<vmem_shared>>) offsets(%dma_start3A_114 : memref<80xi32, #tpu.memory_space<vmem>>) semaphore(%arg17 : memref<!tpu.dma_semaphore, #tpu.memory_space<semaphore_mem>>) {add = true}
      %mul3A_118 = arith.constant 25 : i32
      %mul3A_119 = arith.muli %scan3A_18, %mul3A_118 : i32
      %add3A_120 = arith.constant 10 : i32
      %add3A_121 = arith.addi %mul3A_119, %add3A_120 : i32
      %dma_start3A_122 = arith.constant 0 : i32
      %dma_start3A_123 = tpu.memref_slice %arg6[%add3A_121, %dma_start3A_122] : memref<125x80xi32, #tpu.memory_space<vmem>> -> memref<1x80xi32, #tpu.memory_space<vmem>>
      %dma_start3A_124 = tpu.memref_squeeze %dma_start3A_123 : memref<1x80xi32, #tpu.memory_space<vmem>> -> memref<80xi32, #tpu.memory_space<vmem>>
      %dma_start3A_125 = arith.constant 0 : i32
      %dma_start3A_126 = arith.constant 0 : i32
      %dma_start3A_127 = tpu.memref_slice %arg7[%dma_start3A_125, %dma_start3A_126] : memref<10000x16xf32, #tpu.memory_space<vmem_shared>> -> memref<10000x16xf32, #tpu.memory_space<vmem_shared>>
      tpu.enqueue_indirect_dma source(%arg5 : memref<80x16xf32, #tpu.memory_space<vmem>>) target(%dma_start3A_127 : memref<10000x16xf32, #tpu.memory_space<vmem_shared>>) offsets(%dma_start3A_124 : memref<80xi32, #tpu.memory_space<vmem>>) semaphore(%arg18 : memref<!tpu.dma_semaphore, #tpu.memory_space<semaphore_mem>>) {add = true}
      %mul3A_128 = arith.constant 25 : i32
      %mul3A_129 = arith.muli %scan3A_18, %mul3A_128 : i32
      %add3A_130 = arith.constant 11 : i32
      %add3A_131 = arith.addi %mul3A_129, %add3A_130 : i32
      %dma_start3A_132 = arith.constant 0 : i32
      %dma_start3A_133 = tpu.memref_slice %arg6[%add3A_131, %dma_start3A_132] : memref<125x80xi32, #tpu.memory_space<vmem>> -> memref<1x80xi32, #tpu.memory_space<vmem>>
      %dma_start3A_134 = tpu.memref_squeeze %dma_start3A_133 : memref<1x80xi32, #tpu.memory_space<vmem>> -> memref<80xi32, #tpu.memory_space<vmem>>
      %dma_start3A_135 = arith.constant 0 : i32
      %dma_start3A_136 = arith.constant 0 : i32
      %dma_start3A_137 = tpu.memref_slice %arg7[%dma_start3A_135, %dma_start3A_136] : memref<10000x16xf32, #tpu.memory_space<vmem_shared>> -> memref<10000x16xf32, #tpu.memory_space<vmem_shared>>
      tpu.enqueue_indirect_dma source(%arg5 : memref<80x16xf32, #tpu.memory_space<vmem>>) target(%dma_start3A_137 : memref<10000x16xf32, #tpu.memory_space<vmem_shared>>) offsets(%dma_start3A_134 : memref<80xi32, #tpu.memory_space<vmem>>) semaphore(%arg19 : memref<!tpu.dma_semaphore, #tpu.memory_space<semaphore_mem>>) {add = true}
      %mul3A_138 = arith.constant 25 : i32
      %mul3A_139 = arith.muli %scan3A_18, %mul3A_138 : i32
      %add3A_140 = arith.constant 12 : i32
      %add3A_141 = arith.addi %mul3A_139, %add3A_140 : i32
      %dma_start3A_142 = arith.constant 0 : i32
      %dma_start3A_143 = tpu.memref_slice %arg6[%add3A_141, %dma_start3A_142] : memref<125x80xi32, #tpu.memory_space<vmem>> -> memref<1x80xi32, #tpu.memory_space<vmem>>
      %dma_start3A_144 = tpu.memref_squeeze %dma_start3A_143 : memref<1x80xi32, #tpu.memory_space<vmem>> -> memref<80xi32, #tpu.memory_space<vmem>>
      %dma_start3A_145 = arith.constant 0 : i32
      %dma_start3A_146 = arith.constant 0 : i32
      %dma_start3A_147 = tpu.memref_slice %arg7[%dma_start3A_145, %dma_start3A_146] : memref<10000x16xf32, #tpu.memory_space<vmem_shared>> -> memref<10000x16xf32, #tpu.memory_space<vmem_shared>>
      tpu.enqueue_indirect_dma source(%arg5 : memref<80x16xf32, #tpu.memory_space<vmem>>) target(%dma_start3A_147 : memref<10000x16xf32, #tpu.memory_space<vmem_shared>>) offsets(%dma_start3A_144 : memref<80xi32, #tpu.memory_space<vmem>>) semaphore(%arg20 : memref<!tpu.dma_semaphore, #tpu.memory_space<semaphore_mem>>) {add = true}
      %mul3A_148 = arith.constant 25 : i32
      %mul3A_149 = arith.muli %scan3A_18, %mul3A_148 : i32
      %add3A_150 = arith.constant 13 : i32
      %add3A_151 = arith.addi %mul3A_149, %add3A_150 : i32
      %dma_start3A_152 = arith.constant 0 : i32
      %dma_start3A_153 = tpu.memref_slice %arg6[%add3A_151, %dma_start3A_152] : memref<125x80xi32, #tpu.memory_space<vmem>> -> memref<1x80xi32, #tpu.memory_space<vmem>>
      %dma_start3A_154 = tpu.memref_squeeze %dma_start3A_153 : memref<1x80xi32, #tpu.memory_space<vmem>> -> memref<80xi32, #tpu.memory_space<vmem>>
      %dma_start3A_155 = arith.constant 0 : i32
      %dma_start3A_156 = arith.constant 0 : i32
      %dma_start3A_157 = tpu.memref_slice %arg7[%dma_start3A_155, %dma_start3A_156] : memref<10000x16xf32, #tpu.memory_space<vmem_shared>> -> memref<10000x16xf32, #tpu.memory_space<vmem_shared>>
      tpu.enqueue_indirect_dma source(%arg5 : memref<80x16xf32, #tpu.memory_space<vmem>>) target(%dma_start3A_157 : memref<10000x16xf32, #tpu.memory_space<vmem_shared>>) offsets(%dma_start3A_154 : memref<80xi32, #tpu.memory_space<vmem>>) semaphore(%arg21 : memref<!tpu.dma_semaphore, #tpu.memory_space<semaphore_mem>>) {add = true}
      %mul3A_158 = arith.constant 25 : i32
      %mul3A_159 = arith.muli %scan3A_18, %mul3A_158 : i32
      %add3A_160 = arith.constant 14 : i32
      %add3A_161 = arith.addi %mul3A_159, %add3A_160 : i32
      %dma_start3A_162 = arith.constant 0 : i32
      %dma_start3A_163 = tpu.memref_slice %arg6[%add3A_161, %dma_start3A_162] : memref<125x80xi32, #tpu.memory_space<vmem>> -> memref<1x80xi32, #tpu.memory_space<vmem>>
      %dma_start3A_164 = tpu.memref_squeeze %dma_start3A_163 : memref<1x80xi32, #tpu.memory_space<vmem>> -> memref<80xi32, #tpu.memory_space<vmem>>
      %dma_start3A_165 = arith.constant 0 : i32
      %dma_start3A_166 = arith.constant 0 : i32
      %dma_start3A_167 = tpu.memref_slice %arg7[%dma_start3A_165, %dma_start3A_166] : memref<10000x16xf32, #tpu.memory_space<vmem_shared>> -> memref<10000x16xf32, #tpu.memory_space<vmem_shared>>
      tpu.enqueue_indirect_dma source(%arg5 : memref<80x16xf32, #tpu.memory_space<vmem>>) target(%dma_start3A_167 : memref<10000x16xf32, #tpu.memory_space<vmem_shared>>) offsets(%dma_start3A_164 : memref<80xi32, #tpu.memory_space<vmem>>) semaphore(%arg22 : memref<!tpu.dma_semaphore, #tpu.memory_space<semaphore_mem>>) {add = true}
      %mul3A_168 = arith.constant 25 : i32
      %mul3A_169 = arith.muli %scan3A_18, %mul3A_168 : i32
      %add3A_170 = arith.constant 15 : i32
      %add3A_171 = arith.addi %mul3A_169, %add3A_170 : i32
      %dma_start3A_172 = arith.constant 0 : i32
      %dma_start3A_173 = tpu.memref_slice %arg6[%add3A_171, %dma_start3A_172] : memref<125x80xi32, #tpu.memory_space<vmem>> -> memref<1x80xi32, #tpu.memory_space<vmem>>
      %dma_start3A_174 = tpu.memref_squeeze %dma_start3A_173 : memref<1x80xi32, #tpu.memory_space<vmem>> -> memref<80xi32, #tpu.memory_space<vmem>>
      %dma_start3A_175 = arith.constant 0 : i32
      %dma_start3A_176 = arith.constant 0 : i32
      %dma_start3A_177 = tpu.memref_slice %arg7[%dma_start3A_175, %dma_start3A_176] : memref<10000x16xf32, #tpu.memory_space<vmem_shared>> -> memref<10000x16xf32, #tpu.memory_space<vmem_shared>>
      tpu.enqueue_indirect_dma source(%arg5 : memref<80x16xf32, #tpu.memory_space<vmem>>) target(%dma_start3A_177 : memref<10000x16xf32, #tpu.memory_space<vmem_shared>>) offsets(%dma_start3A_174 : memref<80xi32, #tpu.memory_space<vmem>>) semaphore(%arg23 : memref<!tpu.dma_semaphore, #tpu.memory_space<semaphore_mem>>) {add = true}
      %mul3A_178 = arith.constant 25 : i32
      %mul3A_179 = arith.muli %scan3A_18, %mul3A_178 : i32
      %add3A_180 = arith.constant 16 : i32
      %add3A_181 = arith.addi %mul3A_179, %add3A_180 : i32
      %dma_start3A_182 = arith.constant 0 : i32
      %dma_start3A_183 = tpu.memref_slice %arg6[%add3A_181, %dma_start3A_182] : memref<125x80xi32, #tpu.memory_space<vmem>> -> memref<1x80xi32, #tpu.memory_space<vmem>>
      %dma_start3A_184 = tpu.memref_squeeze %dma_start3A_183 : memref<1x80xi32, #tpu.memory_space<vmem>> -> memref<80xi32, #tpu.memory_space<vmem>>
      %dma_start3A_185 = arith.constant 0 : i32
      %dma_start3A_186 = arith.constant 0 : i32
      %dma_start3A_187 = tpu.memref_slice %arg7[%dma_start3A_185, %dma_start3A_186] : memref<10000x16xf32, #tpu.memory_space<vmem_shared>> -> memref<10000x16xf32, #tpu.memory_space<vmem_shared>>
      tpu.enqueue_indirect_dma source(%arg5 : memref<80x16xf32, #tpu.memory_space<vmem>>) target(%dma_start3A_187 : memref<10000x16xf32, #tpu.memory_space<vmem_shared>>) offsets(%dma_start3A_184 : memref<80xi32, #tpu.memory_space<vmem>>) semaphore(%arg24 : memref<!tpu.dma_semaphore, #tpu.memory_space<semaphore_mem>>) {add = true}
      %mul3A_188 = arith.constant 25 : i32
      %mul3A_189 = arith.muli %scan3A_18, %mul3A_188 : i32
      %add3A_190 = arith.constant 17 : i32
      %add3A_191 = arith.addi %mul3A_189, %add3A_190 : i32
      %dma_start3A_192 = arith.constant 0 : i32
      %dma_start3A_193 = tpu.memref_slice %arg6[%add3A_191, %dma_start3A_192] : memref<125x80xi32, #tpu.memory_space<vmem>> -> memref<1x80xi32, #tpu.memory_space<vmem>>
      %dma_start3A_194 = tpu.memref_squeeze %dma_start3A_193 : memref<1x80xi32, #tpu.memory_space<vmem>> -> memref<80xi32, #tpu.memory_space<vmem>>
      %dma_start3A_195 = arith.constant 0 : i32
      %dma_start3A_196 = arith.constant 0 : i32
      %dma_start3A_197 = tpu.memref_slice %arg7[%dma_start3A_195, %dma_start3A_196] : memref<10000x16xf32, #tpu.memory_space<vmem_shared>> -> memref<10000x16xf32, #tpu.memory_space<vmem_shared>>
      tpu.enqueue_indirect_dma source(%arg5 : memref<80x16xf32, #tpu.memory_space<vmem>>) target(%dma_start3A_197 : memref<10000x16xf32, #tpu.memory_space<vmem_shared>>) offsets(%dma_start3A_194 : memref<80xi32, #tpu.memory_space<vmem>>) semaphore(%arg25 : memref<!tpu.dma_semaphore, #tpu.memory_space<semaphore_mem>>) {add = true}
      %mul3A_198 = arith.constant 25 : i32
      %mul3A_199 = arith.muli %scan3A_18, %mul3A_198 : i32
      %add3A_200 = arith.constant 18 : i32
      %add3A_201 = arith.addi %mul3A_199, %add3A_200 : i32
      %dma_start3A_202 = arith.constant 0 : i32
      %dma_start3A_203 = tpu.memref_slice %arg6[%add3A_201, %dma_start3A_202] : memref<125x80xi32, #tpu.memory_space<vmem>> -> memref<1x80xi32, #tpu.memory_space<vmem>>
      %dma_start3A_204 = tpu.memref_squeeze %dma_start3A_203 : memref<1x80xi32, #tpu.memory_space<vmem>> -> memref<80xi32, #tpu.memory_space<vmem>>
      %dma_start3A_205 = arith.constant 0 : i32
      %dma_start3A_206 = arith.constant 0 : i32
      %dma_start3A_207 = tpu.memref_slice %arg7[%dma_start3A_205, %dma_start3A_206] : memref<10000x16xf32, #tpu.memory_space<vmem_shared>> -> memref<10000x16xf32, #tpu.memory_space<vmem_shared>>
      tpu.enqueue_indirect_dma source(%arg5 : memref<80x16xf32, #tpu.memory_space<vmem>>) target(%dma_start3A_207 : memref<10000x16xf32, #tpu.memory_space<vmem_shared>>) offsets(%dma_start3A_204 : memref<80xi32, #tpu.memory_space<vmem>>) semaphore(%arg26 : memref<!tpu.dma_semaphore, #tpu.memory_space<semaphore_mem>>) {add = true}
      %mul3A_208 = arith.constant 25 : i32
      %mul3A_209 = arith.muli %scan3A_18, %mul3A_208 : i32
      %add3A_210 = arith.constant 19 : i32
      %add3A_211 = arith.addi %mul3A_209, %add3A_210 : i32
      %dma_start3A_212 = arith.constant 0 : i32
      %dma_start3A_213 = tpu.memref_slice %arg6[%add3A_211, %dma_start3A_212] : memref<125x80xi32, #tpu.memory_space<vmem>> -> memref<1x80xi32, #tpu.memory_space<vmem>>
      %dma_start3A_214 = tpu.memref_squeeze %dma_start3A_213 : memref<1x80xi32, #tpu.memory_space<vmem>> -> memref<80xi32, #tpu.memory_space<vmem>>
      %dma_start3A_215 = arith.constant 0 : i32
      %dma_start3A_216 = arith.constant 0 : i32
      %dma_start3A_217 = tpu.memref_slice %arg7[%dma_start3A_215, %dma_start3A_216] : memref<10000x16xf32, #tpu.memory_space<vmem_shared>> -> memref<10000x16xf32, #tpu.memory_space<vmem_shared>>
      tpu.enqueue_indirect_dma source(%arg5 : memref<80x16xf32, #tpu.memory_space<vmem>>) target(%dma_start3A_217 : memref<10000x16xf32, #tpu.memory_space<vmem_shared>>) offsets(%dma_start3A_214 : memref<80xi32, #tpu.memory_space<vmem>>) semaphore(%arg27 : memref<!tpu.dma_semaphore, #tpu.memory_space<semaphore_mem>>) {add = true}
      %mul3A_218 = arith.constant 25 : i32
      %mul3A_219 = arith.muli %scan3A_18, %mul3A_218 : i32
      %add3A_220 = arith.constant 20 : i32
      %add3A_221 = arith.addi %mul3A_219, %add3A_220 : i32
      %dma_start3A_222 = arith.constant 0 : i32
      %dma_start3A_223 = tpu.memref_slice %arg6[%add3A_221, %dma_start3A_222] : memref<125x80xi32, #tpu.memory_space<vmem>> -> memref<1x80xi32, #tpu.memory_space<vmem>>
      %dma_start3A_224 = tpu.memref_squeeze %dma_start3A_223 : memref<1x80xi32, #tpu.memory_space<vmem>> -> memref<80xi32, #tpu.memory_space<vmem>>
      %dma_start3A_225 = arith.constant 0 : i32
      %dma_start3A_226 = arith.constant 0 : i32
      %dma_start3A_227 = tpu.memref_slice %arg7[%dma_start3A_225, %dma_start3A_226] : memref<10000x16xf32, #tpu.memory_space<vmem_shared>> -> memref<10000x16xf32, #tpu.memory_space<vmem_shared>>
      tpu.enqueue_indirect_dma source(%arg5 : memref<80x16xf32, #tpu.memory_space<vmem>>) target(%dma_start3A_227 : memref<10000x16xf32, #tpu.memory_space<vmem_shared>>) offsets(%dma_start3A_224 : memref<80xi32, #tpu.memory_space<vmem>>) semaphore(%arg28 : memref<!tpu.dma_semaphore, #tpu.memory_space<semaphore_mem>>) {add = true}
      %mul3A_228 = arith.constant 25 : i32
      %mul3A_229 = arith.muli %scan3A_18, %mul3A_228 : i32
      %add3A_230 = arith.constant 21 : i32
      %add3A_231 = arith.addi %mul3A_229, %add3A_230 : i32
      %dma_start3A_232 = arith.constant 0 : i32
      %dma_start3A_233 = tpu.memref_slice %arg6[%add3A_231, %dma_start3A_232] : memref<125x80xi32, #tpu.memory_space<vmem>> -> memref<1x80xi32, #tpu.memory_space<vmem>>
      %dma_start3A_234 = tpu.memref_squeeze %dma_start3A_233 : memref<1x80xi32, #tpu.memory_space<vmem>> -> memref<80xi32, #tpu.memory_space<vmem>>
      %dma_start3A_235 = arith.constant 0 : i32
      %dma_start3A_236 = arith.constant 0 : i32
      %dma_start3A_237 = tpu.memref_slice %arg7[%dma_start3A_235, %dma_start3A_236] : memref<10000x16xf32, #tpu.memory_space<vmem_shared>> -> memref<10000x16xf32, #tpu.memory_space<vmem_shared>>
      tpu.enqueue_indirect_dma source(%arg5 : memref<80x16xf32, #tpu.memory_space<vmem>>) target(%dma_start3A_237 : memref<10000x16xf32, #tpu.memory_space<vmem_shared>>) offsets(%dma_start3A_234 : memref<80xi32, #tpu.memory_space<vmem>>) semaphore(%arg29 : memref<!tpu.dma_semaphore, #tpu.memory_space<semaphore_mem>>) {add = true}
      %mul3A_238 = arith.constant 25 : i32
      %mul3A_239 = arith.muli %scan3A_18, %mul3A_238 : i32
      %add3A_240 = arith.constant 22 : i32
      %add3A_241 = arith.addi %mul3A_239, %add3A_240 : i32
      %dma_start3A_242 = arith.constant 0 : i32
      %dma_start3A_243 = tpu.memref_slice %arg6[%add3A_241, %dma_start3A_242] : memref<125x80xi32, #tpu.memory_space<vmem>> -> memref<1x80xi32, #tpu.memory_space<vmem>>
      %dma_start3A_244 = tpu.memref_squeeze %dma_start3A_243 : memref<1x80xi32, #tpu.memory_space<vmem>> -> memref<80xi32, #tpu.memory_space<vmem>>
      %dma_start3A_245 = arith.constant 0 : i32
      %dma_start3A_246 = arith.constant 0 : i32
      %dma_start3A_247 = tpu.memref_slice %arg7[%dma_start3A_245, %dma_start3A_246] : memref<10000x16xf32, #tpu.memory_space<vmem_shared>> -> memref<10000x16xf32, #tpu.memory_space<vmem_shared>>
      tpu.enqueue_indirect_dma source(%arg5 : memref<80x16xf32, #tpu.memory_space<vmem>>) target(%dma_start3A_247 : memref<10000x16xf32, #tpu.memory_space<vmem_shared>>) offsets(%dma_start3A_244 : memref<80xi32, #tpu.memory_space<vmem>>) semaphore(%arg30 : memref<!tpu.dma_semaphore, #tpu.memory_space<semaphore_mem>>) {add = true}
      %mul3A_248 = arith.constant 25 : i32
      %mul3A_249 = arith.muli %scan3A_18, %mul3A_248 : i32
      %add3A_250 = arith.constant 23 : i32
      %add3A_251 = arith.addi %mul3A_249, %add3A_250 : i32
      %dma_start3A_252 = arith.constant 0 : i32
      %dma_start3A_253 = tpu.memref_slice %arg6[%add3A_251, %dma_start3A_252] : memref<125x80xi32, #tpu.memory_space<vmem>> -> memref<1x80xi32, #tpu.memory_space<vmem>>
      %dma_start3A_254 = tpu.memref_squeeze %dma_start3A_253 : memref<1x80xi32, #tpu.memory_space<vmem>> -> memref<80xi32, #tpu.memory_space<vmem>>
      %dma_start3A_255 = arith.constant 0 : i32
      %dma_start3A_256 = arith.constant 0 : i32
      %dma_start3A_257 = tpu.memref_slice %arg7[%dma_start3A_255, %dma_start3A_256] : memref<10000x16xf32, #tpu.memory_space<vmem_shared>> -> memref<10000x16xf32, #tpu.memory_space<vmem_shared>>
      tpu.enqueue_indirect_dma source(%arg5 : memref<80x16xf32, #tpu.memory_space<vmem>>) target(%dma_start3A_257 : memref<10000x16xf32, #tpu.memory_space<vmem_shared>>) offsets(%dma_start3A_254 : memref<80xi32, #tpu.memory_space<vmem>>) semaphore(%arg31 : memref<!tpu.dma_semaphore, #tpu.memory_space<semaphore_mem>>) {add = true}
      %mul3A_258 = arith.constant 25 : i32
      %mul3A_259 = arith.muli %scan3A_18, %mul3A_258 : i32
      %add3A_260 = arith.constant 24 : i32
      %add3A_261 = arith.addi %mul3A_259, %add3A_260 : i32
      %dma_start3A_262 = arith.constant 0 : i32
      %dma_start3A_263 = tpu.memref_slice %arg6[%add3A_261, %dma_start3A_262] : memref<125x80xi32, #tpu.memory_space<vmem>> -> memref<1x80xi32, #tpu.memory_space<vmem>>
      %dma_start3A_264 = tpu.memref_squeeze %dma_start3A_263 : memref<1x80xi32, #tpu.memory_space<vmem>> -> memref<80xi32, #tpu.memory_space<vmem>>
      %dma_start3A_265 = arith.constant 0 : i32
      %dma_start3A_266 = arith.constant 0 : i32
      %dma_start3A_267 = tpu.memref_slice %arg7[%dma_start3A_265, %dma_start3A_266] : memref<10000x16xf32, #tpu.memory_space<vmem_shared>> -> memref<10000x16xf32, #tpu.memory_space<vmem_shared>>
      tpu.enqueue_indirect_dma source(%arg5 : memref<80x16xf32, #tpu.memory_space<vmem>>) target(%dma_start3A_267 : memref<10000x16xf32, #tpu.memory_space<vmem_shared>>) offsets(%dma_start3A_264 : memref<80xi32, #tpu.memory_space<vmem>>) semaphore(%arg32 : memref<!tpu.dma_semaphore, #tpu.memory_space<semaphore_mem>>) {add = true}
      %dma_wait3A = arith.constant 0 : i32
      %dma_wait3A_268 = tpu.memref_slice %arg6[%add3A_22, %dma_wait3A] : memref<125x80xi32, #tpu.memory_space<vmem>> -> memref<1x80xi32, #tpu.memory_space<vmem>>
      %dma_wait3A_269 = tpu.memref_squeeze %dma_wait3A_268 : memref<1x80xi32, #tpu.memory_space<vmem>> -> memref<80xi32, #tpu.memory_space<vmem>>
      %dma_wait3A_270 = arith.constant 0 : i32
      %dma_wait3A_271 = arith.constant 0 : i32
      %dma_wait3A_272 = tpu.memref_slice %arg7[%dma_wait3A_270, %dma_wait3A_271] : memref<10000x16xf32, #tpu.memory_space<vmem_shared>> -> memref<10000x16xf32, #tpu.memory_space<vmem_shared>>
      tpu.wait_indirect_dma semaphore(%arg8 : memref<!tpu.dma_semaphore, #tpu.memory_space<semaphore_mem>>) src(%arg5 : memref<80x16xf32, #tpu.memory_space<vmem>>) dst(%dma_wait3A_272 : memref<10000x16xf32, #tpu.memory_space<vmem_shared>>)
      %dma_wait3A_273 = arith.constant 0 : i32
      %dma_wait3A_274 = tpu.memref_slice %arg6[%add3A_31, %dma_wait3A_273] : memref<125x80xi32, #tpu.memory_space<vmem>> -> memref<1x80xi32, #tpu.memory_space<vmem>>
      %dma_wait3A_275 = tpu.memref_squeeze %dma_wait3A_274 : memref<1x80xi32, #tpu.memory_space<vmem>> -> memref<80xi32, #tpu.memory_space<vmem>>
      %dma_wait3A_276 = arith.constant 0 : i32
      %dma_wait3A_277 = arith.constant 0 : i32
      %dma_wait3A_278 = tpu.memref_slice %arg7[%dma_wait3A_276, %dma_wait3A_277] : memref<10000x16xf32, #tpu.memory_space<vmem_shared>> -> memref<10000x16xf32, #tpu.memory_space<vmem_shared>>
      tpu.wait_indirect_dma semaphore(%arg9 : memref<!tpu.dma_semaphore, #tpu.memory_space<semaphore_mem>>) src(%arg5 : memref<80x16xf32, #tpu.memory_space<vmem>>) dst(%dma_wait3A_278 : memref<10000x16xf32, #tpu.memory_space<vmem_shared>>)
      %dma_wait3A_279 = arith.constant 0 : i32
      %dma_wait3A_280 = tpu.memref_slice %arg6[%add3A_41, %dma_wait3A_279] : memref<125x80xi32, #tpu.memory_space<vmem>> -> memref<1x80xi32, #tpu.memory_space<vmem>>
      %dma_wait3A_281 = tpu.memref_squeeze %dma_wait3A_280 : memref<1x80xi32, #tpu.memory_space<vmem>> -> memref<80xi32, #tpu.memory_space<vmem>>
      %dma_wait3A_282 = arith.constant 0 : i32
      %dma_wait3A_283 = arith.constant 0 : i32
      %dma_wait3A_284 = tpu.memref_slice %arg7[%dma_wait3A_282, %dma_wait3A_283] : memref<10000x16xf32, #tpu.memory_space<vmem_shared>> -> memref<10000x16xf32, #tpu.memory_space<vmem_shared>>
      tpu.wait_indirect_dma semaphore(%arg10 : memref<!tpu.dma_semaphore, #tpu.memory_space<semaphore_mem>>) src(%arg5 : memref<80x16xf32, #tpu.memory_space<vmem>>) dst(%dma_wait3A_284 : memref<10000x16xf32, #tpu.memory_space<vmem_shared>>)
      %dma_wait3A_285 = arith.constant 0 : i32
      %dma_wait3A_286 = tpu.memref_slice %arg6[%add3A_51, %dma_wait3A_285] : memref<125x80xi32, #tpu.memory_space<vmem>> -> memref<1x80xi32, #tpu.memory_space<vmem>>
      %dma_wait3A_287 = tpu.memref_squeeze %dma_wait3A_286 : memref<1x80xi32, #tpu.memory_space<vmem>> -> memref<80xi32, #tpu.memory_space<vmem>>
      %dma_wait3A_288 = arith.constant 0 : i32
      %dma_wait3A_289 = arith.constant 0 : i32
      %dma_wait3A_290 = tpu.memref_slice %arg7[%dma_wait3A_288, %dma_wait3A_289] : memref<10000x16xf32, #tpu.memory_space<vmem_shared>> -> memref<10000x16xf32, #tpu.memory_space<vmem_shared>>
      tpu.wait_indirect_dma semaphore(%arg11 : memref<!tpu.dma_semaphore, #tpu.memory_space<semaphore_mem>>) src(%arg5 : memref<80x16xf32, #tpu.memory_space<vmem>>) dst(%dma_wait3A_290 : memref<10000x16xf32, #tpu.memory_space<vmem_shared>>)
      %dma_wait3A_291 = arith.constant 0 : i32
      %dma_wait3A_292 = tpu.memref_slice %arg6[%add3A_61, %dma_wait3A_291] : memref<125x80xi32, #tpu.memory_space<vmem>> -> memref<1x80xi32, #tpu.memory_space<vmem>>
      %dma_wait3A_293 = tpu.memref_squeeze %dma_wait3A_292 : memref<1x80xi32, #tpu.memory_space<vmem>> -> memref<80xi32, #tpu.memory_space<vmem>>
      %dma_wait3A_294 = arith.constant 0 : i32
      %dma_wait3A_295 = arith.constant 0 : i32
      %dma_wait3A_296 = tpu.memref_slice %arg7[%dma_wait3A_294, %dma_wait3A_295] : memref<10000x16xf32, #tpu.memory_space<vmem_shared>> -> memref<10000x16xf32, #tpu.memory_space<vmem_shared>>
      tpu.wait_indirect_dma semaphore(%arg12 : memref<!tpu.dma_semaphore, #tpu.memory_space<semaphore_mem>>) src(%arg5 : memref<80x16xf32, #tpu.memory_space<vmem>>) dst(%dma_wait3A_296 : memref<10000x16xf32, #tpu.memory_space<vmem_shared>>)
      %dma_wait3A_297 = arith.constant 0 : i32
      %dma_wait3A_298 = tpu.memref_slice %arg6[%add3A_71, %dma_wait3A_297] : memref<125x80xi32, #tpu.memory_space<vmem>> -> memref<1x80xi32, #tpu.memory_space<vmem>>
      %dma_wait3A_299 = tpu.memref_squeeze %dma_wait3A_298 : memref<1x80xi32, #tpu.memory_space<vmem>> -> memref<80xi32, #tpu.memory_space<vmem>>
      %dma_wait3A_300 = arith.constant 0 : i32
      %dma_wait3A_301 = arith.constant 0 : i32
      %dma_wait3A_302 = tpu.memref_slice %arg7[%dma_wait3A_300, %dma_wait3A_301] : memref<10000x16xf32, #tpu.memory_space<vmem_shared>> -> memref<10000x16xf32, #tpu.memory_space<vmem_shared>>
      tpu.wait_indirect_dma semaphore(%arg13 : memref<!tpu.dma_semaphore, #tpu.memory_space<semaphore_mem>>) src(%arg5 : memref<80x16xf32, #tpu.memory_space<vmem>>) dst(%dma_wait3A_302 : memref<10000x16xf32, #tpu.memory_space<vmem_shared>>)
      %dma_wait3A_303 = arith.constant 0 : i32
      %dma_wait3A_304 = tpu.memref_slice %arg6[%add3A_81, %dma_wait3A_303] : memref<125x80xi32, #tpu.memory_space<vmem>> -> memref<1x80xi32, #tpu.memory_space<vmem>>
      %dma_wait3A_305 = tpu.memref_squeeze %dma_wait3A_304 : memref<1x80xi32, #tpu.memory_space<vmem>> -> memref<80xi32, #tpu.memory_space<vmem>>
      %dma_wait3A_306 = arith.constant 0 : i32
      %dma_wait3A_307 = arith.constant 0 : i32
      %dma_wait3A_308 = tpu.memref_slice %arg7[%dma_wait3A_306, %dma_wait3A_307] : memref<10000x16xf32, #tpu.memory_space<vmem_shared>> -> memref<10000x16xf32, #tpu.memory_space<vmem_shared>>
      tpu.wait_indirect_dma semaphore(%arg14 : memref<!tpu.dma_semaphore, #tpu.memory_space<semaphore_mem>>) src(%arg5 : memref<80x16xf32, #tpu.memory_space<vmem>>) dst(%dma_wait3A_308 : memref<10000x16xf32, #tpu.memory_space<vmem_shared>>)
      %dma_wait3A_309 = arith.constant 0 : i32
      %dma_wait3A_310 = tpu.memref_slice %arg6[%add3A_91, %dma_wait3A_309] : memref<125x80xi32, #tpu.memory_space<vmem>> -> memref<1x80xi32, #tpu.memory_space<vmem>>
      %dma_wait3A_311 = tpu.memref_squeeze %dma_wait3A_310 : memref<1x80xi32, #tpu.memory_space<vmem>> -> memref<80xi32, #tpu.memory_space<vmem>>
      %dma_wait3A_312 = arith.constant 0 : i32
      %dma_wait3A_313 = arith.constant 0 : i32
      %dma_wait3A_314 = tpu.memref_slice %arg7[%dma_wait3A_312, %dma_wait3A_313] : memref<10000x16xf32, #tpu.memory_space<vmem_shared>> -> memref<10000x16xf32, #tpu.memory_space<vmem_shared>>
      tpu.wait_indirect_dma semaphore(%arg15 : memref<!tpu.dma_semaphore, #tpu.memory_space<semaphore_mem>>) src(%arg5 : memref<80x16xf32, #tpu.memory_space<vmem>>) dst(%dma_wait3A_314 : memref<10000x16xf32, #tpu.memory_space<vmem_shared>>)
      %dma_wait3A_315 = arith.constant 0 : i32
      %dma_wait3A_316 = tpu.memref_slice %arg6[%add3A_101, %dma_wait3A_315] : memref<125x80xi32, #tpu.memory_space<vmem>> -> memref<1x80xi32, #tpu.memory_space<vmem>>
      %dma_wait3A_317 = tpu.memref_squeeze %dma_wait3A_316 : memref<1x80xi32, #tpu.memory_space<vmem>> -> memref<80xi32, #tpu.memory_space<vmem>>
      %dma_wait3A_318 = arith.constant 0 : i32
      %dma_wait3A_319 = arith.constant 0 : i32
      %dma_wait3A_320 = tpu.memref_slice %arg7[%dma_wait3A_318, %dma_wait3A_319] : memref<10000x16xf32, #tpu.memory_space<vmem_shared>> -> memref<10000x16xf32, #tpu.memory_space<vmem_shared>>
      tpu.wait_indirect_dma semaphore(%arg16 : memref<!tpu.dma_semaphore, #tpu.memory_space<semaphore_mem>>) src(%arg5 : memref<80x16xf32, #tpu.memory_space<vmem>>) dst(%dma_wait3A_320 : memref<10000x16xf32, #tpu.memory_space<vmem_shared>>)
      %dma_wait3A_321 = arith.constant 0 : i32
      %dma_wait3A_322 = tpu.memref_slice %arg6[%add3A_111, %dma_wait3A_321] : memref<125x80xi32, #tpu.memory_space<vmem>> -> memref<1x80xi32, #tpu.memory_space<vmem>>
      %dma_wait3A_323 = tpu.memref_squeeze %dma_wait3A_322 : memref<1x80xi32, #tpu.memory_space<vmem>> -> memref<80xi32, #tpu.memory_space<vmem>>
      %dma_wait3A_324 = arith.constant 0 : i32
      %dma_wait3A_325 = arith.constant 0 : i32
      %dma_wait3A_326 = tpu.memref_slice %arg7[%dma_wait3A_324, %dma_wait3A_325] : memref<10000x16xf32, #tpu.memory_space<vmem_shared>> -> memref<10000x16xf32, #tpu.memory_space<vmem_shared>>
      tpu.wait_indirect_dma semaphore(%arg17 : memref<!tpu.dma_semaphore, #tpu.memory_space<semaphore_mem>>) src(%arg5 : memref<80x16xf32, #tpu.memory_space<vmem>>) dst(%dma_wait3A_326 : memref<10000x16xf32, #tpu.memory_space<vmem_shared>>)
      %dma_wait3A_327 = arith.constant 0 : i32
      %dma_wait3A_328 = tpu.memref_slice %arg6[%add3A_121, %dma_wait3A_327] : memref<125x80xi32, #tpu.memory_space<vmem>> -> memref<1x80xi32, #tpu.memory_space<vmem>>
      %dma_wait3A_329 = tpu.memref_squeeze %dma_wait3A_328 : memref<1x80xi32, #tpu.memory_space<vmem>> -> memref<80xi32, #tpu.memory_space<vmem>>
      %dma_wait3A_330 = arith.constant 0 : i32
      %dma_wait3A_331 = arith.constant 0 : i32
      %dma_wait3A_332 = tpu.memref_slice %arg7[%dma_wait3A_330, %dma_wait3A_331] : memref<10000x16xf32, #tpu.memory_space<vmem_shared>> -> memref<10000x16xf32, #tpu.memory_space<vmem_shared>>
      tpu.wait_indirect_dma semaphore(%arg18 : memref<!tpu.dma_semaphore, #tpu.memory_space<semaphore_mem>>) src(%arg5 : memref<80x16xf32, #tpu.memory_space<vmem>>) dst(%dma_wait3A_332 : memref<10000x16xf32, #tpu.memory_space<vmem_shared>>)
      %dma_wait3A_333 = arith.constant 0 : i32
      %dma_wait3A_334 = tpu.memref_slice %arg6[%add3A_131, %dma_wait3A_333] : memref<125x80xi32, #tpu.memory_space<vmem>> -> memref<1x80xi32, #tpu.memory_space<vmem>>
      %dma_wait3A_335 = tpu.memref_squeeze %dma_wait3A_334 : memref<1x80xi32, #tpu.memory_space<vmem>> -> memref<80xi32, #tpu.memory_space<vmem>>
      %dma_wait3A_336 = arith.constant 0 : i32
      %dma_wait3A_337 = arith.constant 0 : i32
      %dma_wait3A_338 = tpu.memref_slice %arg7[%dma_wait3A_336, %dma_wait3A_337] : memref<10000x16xf32, #tpu.memory_space<vmem_shared>> -> memref<10000x16xf32, #tpu.memory_space<vmem_shared>>
      tpu.wait_indirect_dma semaphore(%arg19 : memref<!tpu.dma_semaphore, #tpu.memory_space<semaphore_mem>>) src(%arg5 : memref<80x16xf32, #tpu.memory_space<vmem>>) dst(%dma_wait3A_338 : memref<10000x16xf32, #tpu.memory_space<vmem_shared>>)
      %dma_wait3A_339 = arith.constant 0 : i32
      %dma_wait3A_340 = tpu.memref_slice %arg6[%add3A_141, %dma_wait3A_339] : memref<125x80xi32, #tpu.memory_space<vmem>> -> memref<1x80xi32, #tpu.memory_space<vmem>>
      %dma_wait3A_341 = tpu.memref_squeeze %dma_wait3A_340 : memref<1x80xi32, #tpu.memory_space<vmem>> -> memref<80xi32, #tpu.memory_space<vmem>>
      %dma_wait3A_342 = arith.constant 0 : i32
      %dma_wait3A_343 = arith.constant 0 : i32
      %dma_wait3A_344 = tpu.memref_slice %arg7[%dma_wait3A_342, %dma_wait3A_343] : memref<10000x16xf32, #tpu.memory_space<vmem_shared>> -> memref<10000x16xf32, #tpu.memory_space<vmem_shared>>
      tpu.wait_indirect_dma semaphore(%arg20 : memref<!tpu.dma_semaphore, #tpu.memory_space<semaphore_mem>>) src(%arg5 : memref<80x16xf32, #tpu.memory_space<vmem>>) dst(%dma_wait3A_344 : memref<10000x16xf32, #tpu.memory_space<vmem_shared>>)
      %dma_wait3A_345 = arith.constant 0 : i32
      %dma_wait3A_346 = tpu.memref_slice %arg6[%add3A_151, %dma_wait3A_345] : memref<125x80xi32, #tpu.memory_space<vmem>> -> memref<1x80xi32, #tpu.memory_space<vmem>>
      %dma_wait3A_347 = tpu.memref_squeeze %dma_wait3A_346 : memref<1x80xi32, #tpu.memory_space<vmem>> -> memref<80xi32, #tpu.memory_space<vmem>>
      %dma_wait3A_348 = arith.constant 0 : i32
      %dma_wait3A_349 = arith.constant 0 : i32
      %dma_wait3A_350 = tpu.memref_slice %arg7[%dma_wait3A_348, %dma_wait3A_349] : memref<10000x16xf32, #tpu.memory_space<vmem_shared>> -> memref<10000x16xf32, #tpu.memory_space<vmem_shared>>
      tpu.wait_indirect_dma semaphore(%arg21 : memref<!tpu.dma_semaphore, #tpu.memory_space<semaphore_mem>>) src(%arg5 : memref<80x16xf32, #tpu.memory_space<vmem>>) dst(%dma_wait3A_350 : memref<10000x16xf32, #tpu.memory_space<vmem_shared>>)
      %dma_wait3A_351 = arith.constant 0 : i32
      %dma_wait3A_352 = tpu.memref_slice %arg6[%add3A_161, %dma_wait3A_351] : memref<125x80xi32, #tpu.memory_space<vmem>> -> memref<1x80xi32, #tpu.memory_space<vmem>>
      %dma_wait3A_353 = tpu.memref_squeeze %dma_wait3A_352 : memref<1x80xi32, #tpu.memory_space<vmem>> -> memref<80xi32, #tpu.memory_space<vmem>>
      %dma_wait3A_354 = arith.constant 0 : i32
      %dma_wait3A_355 = arith.constant 0 : i32
      %dma_wait3A_356 = tpu.memref_slice %arg7[%dma_wait3A_354, %dma_wait3A_355] : memref<10000x16xf32, #tpu.memory_space<vmem_shared>> -> memref<10000x16xf32, #tpu.memory_space<vmem_shared>>
      tpu.wait_indirect_dma semaphore(%arg22 : memref<!tpu.dma_semaphore, #tpu.memory_space<semaphore_mem>>) src(%arg5 : memref<80x16xf32, #tpu.memory_space<vmem>>) dst(%dma_wait3A_356 : memref<10000x16xf32, #tpu.memory_space<vmem_shared>>)
      %dma_wait3A_357 = arith.constant 0 : i32
      %dma_wait3A_358 = tpu.memref_slice %arg6[%add3A_171, %dma_wait3A_357] : memref<125x80xi32, #tpu.memory_space<vmem>> -> memref<1x80xi32, #tpu.memory_space<vmem>>
      %dma_wait3A_359 = tpu.memref_squeeze %dma_wait3A_358 : memref<1x80xi32, #tpu.memory_space<vmem>> -> memref<80xi32, #tpu.memory_space<vmem>>
      %dma_wait3A_360 = arith.constant 0 : i32
      %dma_wait3A_361 = arith.constant 0 : i32
      %dma_wait3A_362 = tpu.memref_slice %arg7[%dma_wait3A_360, %dma_wait3A_361] : memref<10000x16xf32, #tpu.memory_space<vmem_shared>> -> memref<10000x16xf32, #tpu.memory_space<vmem_shared>>
      tpu.wait_indirect_dma semaphore(%arg23 : memref<!tpu.dma_semaphore, #tpu.memory_space<semaphore_mem>>) src(%arg5 : memref<80x16xf32, #tpu.memory_space<vmem>>) dst(%dma_wait3A_362 : memref<10000x16xf32, #tpu.memory_space<vmem_shared>>)
      %dma_wait3A_363 = arith.constant 0 : i32
      %dma_wait3A_364 = tpu.memref_slice %arg6[%add3A_181, %dma_wait3A_363] : memref<125x80xi32, #tpu.memory_space<vmem>> -> memref<1x80xi32, #tpu.memory_space<vmem>>
      %dma_wait3A_365 = tpu.memref_squeeze %dma_wait3A_364 : memref<1x80xi32, #tpu.memory_space<vmem>> -> memref<80xi32, #tpu.memory_space<vmem>>
      %dma_wait3A_366 = arith.constant 0 : i32
      %dma_wait3A_367 = arith.constant 0 : i32
      %dma_wait3A_368 = tpu.memref_slice %arg7[%dma_wait3A_366, %dma_wait3A_367] : memref<10000x16xf32, #tpu.memory_space<vmem_shared>> -> memref<10000x16xf32, #tpu.memory_space<vmem_shared>>
      tpu.wait_indirect_dma semaphore(%arg24 : memref<!tpu.dma_semaphore, #tpu.memory_space<semaphore_mem>>) src(%arg5 : memref<80x16xf32, #tpu.memory_space<vmem>>) dst(%dma_wait3A_368 : memref<10000x16xf32, #tpu.memory_space<vmem_shared>>)
      %dma_wait3A_369 = arith.constant 0 : i32
      %dma_wait3A_370 = tpu.memref_slice %arg6[%add3A_191, %dma_wait3A_369] : memref<125x80xi32, #tpu.memory_space<vmem>> -> memref<1x80xi32, #tpu.memory_space<vmem>>
      %dma_wait3A_371 = tpu.memref_squeeze %dma_wait3A_370 : memref<1x80xi32, #tpu.memory_space<vmem>> -> memref<80xi32, #tpu.memory_space<vmem>>
      %dma_wait3A_372 = arith.constant 0 : i32
      %dma_wait3A_373 = arith.constant 0 : i32
      %dma_wait3A_374 = tpu.memref_slice %arg7[%dma_wait3A_372, %dma_wait3A_373] : memref<10000x16xf32, #tpu.memory_space<vmem_shared>> -> memref<10000x16xf32, #tpu.memory_space<vmem_shared>>
      tpu.wait_indirect_dma semaphore(%arg25 : memref<!tpu.dma_semaphore, #tpu.memory_space<semaphore_mem>>) src(%arg5 : memref<80x16xf32, #tpu.memory_space<vmem>>) dst(%dma_wait3A_374 : memref<10000x16xf32, #tpu.memory_space<vmem_shared>>)
      %dma_wait3A_375 = arith.constant 0 : i32
      %dma_wait3A_376 = tpu.memref_slice %arg6[%add3A_201, %dma_wait3A_375] : memref<125x80xi32, #tpu.memory_space<vmem>> -> memref<1x80xi32, #tpu.memory_space<vmem>>
      %dma_wait3A_377 = tpu.memref_squeeze %dma_wait3A_376 : memref<1x80xi32, #tpu.memory_space<vmem>> -> memref<80xi32, #tpu.memory_space<vmem>>
      %dma_wait3A_378 = arith.constant 0 : i32
      %dma_wait3A_379 = arith.constant 0 : i32
      %dma_wait3A_380 = tpu.memref_slice %arg7[%dma_wait3A_378, %dma_wait3A_379] : memref<10000x16xf32, #tpu.memory_space<vmem_shared>> -> memref<10000x16xf32, #tpu.memory_space<vmem_shared>>
      tpu.wait_indirect_dma semaphore(%arg26 : memref<!tpu.dma_semaphore, #tpu.memory_space<semaphore_mem>>) src(%arg5 : memref<80x16xf32, #tpu.memory_space<vmem>>) dst(%dma_wait3A_380 : memref<10000x16xf32, #tpu.memory_space<vmem_shared>>)
      %dma_wait3A_381 = arith.constant 0 : i32
      %dma_wait3A_382 = tpu.memref_slice %arg6[%add3A_211, %dma_wait3A_381] : memref<125x80xi32, #tpu.memory_space<vmem>> -> memref<1x80xi32, #tpu.memory_space<vmem>>
      %dma_wait3A_383 = tpu.memref_squeeze %dma_wait3A_382 : memref<1x80xi32, #tpu.memory_space<vmem>> -> memref<80xi32, #tpu.memory_space<vmem>>
      %dma_wait3A_384 = arith.constant 0 : i32
      %dma_wait3A_385 = arith.constant 0 : i32
      %dma_wait3A_386 = tpu.memref_slice %arg7[%dma_wait3A_384, %dma_wait3A_385] : memref<10000x16xf32, #tpu.memory_space<vmem_shared>> -> memref<10000x16xf32, #tpu.memory_space<vmem_shared>>
      tpu.wait_indirect_dma semaphore(%arg27 : memref<!tpu.dma_semaphore, #tpu.memory_space<semaphore_mem>>) src(%arg5 : memref<80x16xf32, #tpu.memory_space<vmem>>) dst(%dma_wait3A_386 : memref<10000x16xf32, #tpu.memory_space<vmem_shared>>)
      %dma_wait3A_387 = arith.constant 0 : i32
      %dma_wait3A_388 = tpu.memref_slice %arg6[%add3A_221, %dma_wait3A_387] : memref<125x80xi32, #tpu.memory_space<vmem>> -> memref<1x80xi32, #tpu.memory_space<vmem>>
      %dma_wait3A_389 = tpu.memref_squeeze %dma_wait3A_388 : memref<1x80xi32, #tpu.memory_space<vmem>> -> memref<80xi32, #tpu.memory_space<vmem>>
      %dma_wait3A_390 = arith.constant 0 : i32
      %dma_wait3A_391 = arith.constant 0 : i32
      %dma_wait3A_392 = tpu.memref_slice %arg7[%dma_wait3A_390, %dma_wait3A_391] : memref<10000x16xf32, #tpu.memory_space<vmem_shared>> -> memref<10000x16xf32, #tpu.memory_space<vmem_shared>>
      tpu.wait_indirect_dma semaphore(%arg28 : memref<!tpu.dma_semaphore, #tpu.memory_space<semaphore_mem>>) src(%arg5 : memref<80x16xf32, #tpu.memory_space<vmem>>) dst(%dma_wait3A_392 : memref<10000x16xf32, #tpu.memory_space<vmem_shared>>)
      %dma_wait3A_393 = arith.constant 0 : i32
      %dma_wait3A_394 = tpu.memref_slice %arg6[%add3A_231, %dma_wait3A_393] : memref<125x80xi32, #tpu.memory_space<vmem>> -> memref<1x80xi32, #tpu.memory_space<vmem>>
      %dma_wait3A_395 = tpu.memref_squeeze %dma_wait3A_394 : memref<1x80xi32, #tpu.memory_space<vmem>> -> memref<80xi32, #tpu.memory_space<vmem>>
      %dma_wait3A_396 = arith.constant 0 : i32
      %dma_wait3A_397 = arith.constant 0 : i32
      %dma_wait3A_398 = tpu.memref_slice %arg7[%dma_wait3A_396, %dma_wait3A_397] : memref<10000x16xf32, #tpu.memory_space<vmem_shared>> -> memref<10000x16xf32, #tpu.memory_space<vmem_shared>>
      tpu.wait_indirect_dma semaphore(%arg29 : memref<!tpu.dma_semaphore, #tpu.memory_space<semaphore_mem>>) src(%arg5 : memref<80x16xf32, #tpu.memory_space<vmem>>) dst(%dma_wait3A_398 : memref<10000x16xf32, #tpu.memory_space<vmem_shared>>)
      %dma_wait3A_399 = arith.constant 0 : i32
      %dma_wait3A_400 = tpu.memref_slice %arg6[%add3A_241, %dma_wait3A_399] : memref<125x80xi32, #tpu.memory_space<vmem>> -> memref<1x80xi32, #tpu.memory_space<vmem>>
      %dma_wait3A_401 = tpu.memref_squeeze %dma_wait3A_400 : memref<1x80xi32, #tpu.memory_space<vmem>> -> memref<80xi32, #tpu.memory_space<vmem>>
      %dma_wait3A_402 = arith.constant 0 : i32
      %dma_wait3A_403 = arith.constant 0 : i32
      %dma_wait3A_404 = tpu.memref_slice %arg7[%dma_wait3A_402, %dma_wait3A_403] : memref<10000x16xf32, #tpu.memory_space<vmem_shared>> -> memref<10000x16xf32, #tpu.memory_space<vmem_shared>>
      tpu.wait_indirect_dma semaphore(%arg30 : memref<!tpu.dma_semaphore, #tpu.memory_space<semaphore_mem>>) src(%arg5 : memref<80x16xf32, #tpu.memory_space<vmem>>) dst(%dma_wait3A_404 : memref<10000x16xf32, #tpu.memory_space<vmem_shared>>)
      %dma_wait3A_405 = arith.constant 0 : i32
      %dma_wait3A_406 = tpu.memref_slice %arg6[%add3A_251, %dma_wait3A_405] : memref<125x80xi32, #tpu.memory_space<vmem>> -> memref<1x80xi32, #tpu.memory_space<vmem>>
      %dma_wait3A_407 = tpu.memref_squeeze %dma_wait3A_406 : memref<1x80xi32, #tpu.memory_space<vmem>> -> memref<80xi32, #tpu.memory_space<vmem>>
      %dma_wait3A_408 = arith.constant 0 : i32
      %dma_wait3A_409 = arith.constant 0 : i32
      %dma_wait3A_410 = tpu.memref_slice %arg7[%dma_wait3A_408, %dma_wait3A_409] : memref<10000x16xf32, #tpu.memory_space<vmem_shared>> -> memref<10000x16xf32, #tpu.memory_space<vmem_shared>>
      tpu.wait_indirect_dma semaphore(%arg31 : memref<!tpu.dma_semaphore, #tpu.memory_space<semaphore_mem>>) src(%arg5 : memref<80x16xf32, #tpu.memory_space<vmem>>) dst(%dma_wait3A_410 : memref<10000x16xf32, #tpu.memory_space<vmem_shared>>)
      %dma_wait3A_411 = arith.constant 0 : i32
      %dma_wait3A_412 = tpu.memref_slice %arg6[%add3A_261, %dma_wait3A_411] : memref<125x80xi32, #tpu.memory_space<vmem>> -> memref<1x80xi32, #tpu.memory_space<vmem>>
      %dma_wait3A_413 = tpu.memref_squeeze %dma_wait3A_412 : memref<1x80xi32, #tpu.memory_space<vmem>> -> memref<80xi32, #tpu.memory_space<vmem>>
      %dma_wait3A_414 = arith.constant 0 : i32
      %dma_wait3A_415 = arith.constant 0 : i32
      %dma_wait3A_416 = tpu.memref_slice %arg7[%dma_wait3A_414, %dma_wait3A_415] : memref<10000x16xf32, #tpu.memory_space<vmem_shared>> -> memref<10000x16xf32, #tpu.memory_space<vmem_shared>>
      tpu.wait_indirect_dma semaphore(%arg32 : memref<!tpu.dma_semaphore, #tpu.memory_space<semaphore_mem>>) src(%arg5 : memref<80x16xf32, #tpu.memory_space<vmem>>) dst(%dma_wait3A_416 : memref<10000x16xf32, #tpu.memory_space<vmem_shared>>)
    }
    %scan3A_9 = arith.constant 5 : i32
    %barrier3A_10 = arith.constant 0 : index
    tpu.barrier barrier_id(%barrier3A_10)
    %mul3A_11 = arith.constant 624 : i32
    %mul3A_12 = arith.muli %arg1, %mul3A_11 : i32
    "tpu.region"() ({
      %run_scoped3A = tpu.sem_alloc : memref<!tpu.dma_semaphore, #tpu.memory_space<semaphore_mem>>
      %dma_start3A = arith.constant 0 : i32
      %dma_start3A_18 = tpu.memref_slice %arg4[%arg0, %mul3A_12, %dma_start3A] : memref<2x10000x16xf32, #tpu.memory_space<hbm>> -> memref<1x624x16xf32, #tpu.memory_space<hbm>>
      %dma_start3A_19 = tpu.memref_squeeze %dma_start3A_18 : memref<1x624x16xf32, #tpu.memory_space<hbm>> -> memref<624x16xf32, #tpu.memory_space<hbm>>
      %dma_start3A_20 = arith.constant 0 : i32
      %dma_start3A_21 = tpu.memref_slice %arg7[%mul3A_12, %dma_start3A_20] : memref<10000x16xf32, #tpu.memory_space<vmem_shared>> -> memref<624x16xf32, #tpu.memory_space<vmem_shared>>
      tpu.enqueue_dma source(%dma_start3A_21 : memref<624x16xf32, #tpu.memory_space<vmem_shared>>) target(%dma_start3A_19 : memref<624x16xf32, #tpu.memory_space<hbm>>) target_semaphore(%run_scoped3A : memref<!tpu.dma_semaphore, #tpu.memory_space<semaphore_mem>>)
      %dma_wait3A = arith.constant 0 : i32
      %dma_wait3A_22 = tpu.memref_slice %arg4[%arg0, %mul3A_12, %dma_wait3A] : memref<2x10000x16xf32, #tpu.memory_space<hbm>> -> memref<1x624x16xf32, #tpu.memory_space<hbm>>
      %dma_wait3A_23 = tpu.memref_squeeze %dma_wait3A_22 : memref<1x624x16xf32, #tpu.memory_space<hbm>> -> memref<624x16xf32, #tpu.memory_space<hbm>>
      %dma_wait3A_24 = arith.constant 0 : i32
      %dma_wait3A_25 = tpu.memref_slice %arg7[%mul3A_12, %dma_wait3A_24] : memref<10000x16xf32, #tpu.memory_space<vmem_shared>> -> memref<624x16xf32, #tpu.memory_space<vmem_shared>>
      tpu.wait_dma2 semaphore(%run_scoped3A : memref<!tpu.dma_semaphore, #tpu.memory_space<semaphore_mem>>) src(%dma_wait3A_25 : memref<624x16xf32, #tpu.memory_space<vmem_shared>>) dst(%dma_wait3A_23 : memref<624x16xf32, #tpu.memory_space<hbm>>)
      tpu.yield
    }) : () -> ()
    %eq3A_13 = arith.constant 15 : i32
    %eq3A_14 = arith.cmpi eq, %arg1, %eq3A_13 : i32
    %convert_element_type3A_15 = arith.extui %eq3A_14 : i1 to i32
    %cond3A_16 = arith.constant 0 : i32
    %cond3A_17 = arith.cmpi ne, %convert_element_type3A_15, %cond3A_16 : i32
    scf.if %cond3A_17 {
      "tpu.region"() ({
        %run_scoped3A = tpu.sem_alloc : memref<!tpu.dma_semaphore, #tpu.memory_space<semaphore_mem>>
        %dma_start3A = arith.constant 9984 : i32
        %dma_start3A_18 = arith.constant 0 : i32
        %dma_start3A_19 = tpu.memref_slice %arg4[%arg0, %dma_start3A, %dma_start3A_18] : memref<2x10000x16xf32, #tpu.memory_space<hbm>> -> memref<1x16x16xf32, #tpu.memory_space<hbm>>
        %dma_start3A_20 = tpu.memref_squeeze %dma_start3A_19 : memref<1x16x16xf32, #tpu.memory_space<hbm>> -> memref<16x16xf32, #tpu.memory_space<hbm>>
        %dma_start3A_21 = arith.constant 9984 : i32
        %dma_start3A_22 = arith.constant 0 : i32
        %dma_start3A_23 = tpu.memref_slice %arg7[%dma_start3A_21, %dma_start3A_22] : memref<10000x16xf32, #tpu.memory_space<vmem_shared>> -> memref<16x16xf32, #tpu.memory_space<vmem_shared>>
        tpu.enqueue_dma source(%dma_start3A_23 : memref<16x16xf32, #tpu.memory_space<vmem_shared>>) target(%dma_start3A_20 : memref<16x16xf32, #tpu.memory_space<hbm>>) target_semaphore(%run_scoped3A : memref<!tpu.dma_semaphore, #tpu.memory_space<semaphore_mem>>)
        %dma_wait3A = arith.constant 9984 : i32
        %dma_wait3A_24 = arith.constant 0 : i32
        %dma_wait3A_25 = tpu.memref_slice %arg4[%arg0, %dma_wait3A, %dma_wait3A_24] : memref<2x10000x16xf32, #tpu.memory_space<hbm>> -> memref<1x16x16xf32, #tpu.memory_space<hbm>>
        %dma_wait3A_26 = tpu.memref_squeeze %dma_wait3A_25 : memref<1x16x16xf32, #tpu.memory_space<hbm>> -> memref<16x16xf32, #tpu.memory_space<hbm>>
        %dma_wait3A_27 = arith.constant 9984 : i32
        %dma_wait3A_28 = arith.constant 0 : i32
        %dma_wait3A_29 = tpu.memref_slice %arg7[%dma_wait3A_27, %dma_wait3A_28] : memref<10000x16xf32, #tpu.memory_space<vmem_shared>> -> memref<16x16xf32, #tpu.memory_space<vmem_shared>>
        tpu.wait_dma2 semaphore(%run_scoped3A : memref<!tpu.dma_semaphore, #tpu.memory_space<semaphore_mem>>) src(%dma_wait3A_29 : memref<16x16xf32, #tpu.memory_space<vmem_shared>>) dst(%dma_wait3A_26 : memref<16x16xf32, #tpu.memory_space<hbm>>)
        tpu.yield
      }) : () -> ()
    } else {
    }
    return
  }
}

module attributes {stable_mosaic.version = 14 : i64} {
  func.func @_tc_lin0_body(%arg0: i32, %arg1: memref<2x10000x16xf32, #tpu.memory_space<vmem>>, %arg2: memref<10000x128xf32, #tpu.memory_space<vmem>>, %arg3: memref<128x128xf32, #tpu.memory_space<vmem>>, %arg4: memref<10000x128xf32, #tpu.memory_space<vmem>>) attributes {dimension_semantics = [#tpu.dimension_semantics<arbitrary>], iteration_bounds = array<i64: 1>, scalar_prefetch = 0 : i64, scratch_operands = 0 : i64, tpu.core_type = #tpu.core_type<tc>, window_params = [{transform_indices = @transform_0, window_bounds = array<i64: 2, 10000, 16>}, {transform_indices = @transform_1, window_bounds = array<i64: 10000, 128>}, {pipeline_mode = #tpu.pipeline_mode<synchronous>, transform_indices = @transform_2, window_bounds = array<i64: 128, 128>}, {transform_indices = @transform_3, window_bounds = array<i64: 10000, 128>}]} {
    %get3A = arith.constant 0 : index
    %get3A_0 = arith.constant 0 : index
    %get3A_1 = arith.constant 0 : index
    %get3A_2 = vector.load %arg1[%get3A, %get3A_0, %get3A_1] : memref<2x10000x16xf32, #tpu.memory_space<vmem>>, vector<2x10000x16xf32>
    %slice3A = vector.extract_strided_slice %get3A_2 {offsets = [0, 0, 0], sizes = [1, 10000, 16], strides = [1, 1, 1]} : vector<2x10000x16xf32> to vector<1x10000x16xf32>
    %squeeze3A = vector.shape_cast %slice3A : vector<1x10000x16xf32> to vector<10000x16xf32>
    %slice3A_3 = vector.extract_strided_slice %get3A_2 {offsets = [1, 0, 0], sizes = [1, 10000, 16], strides = [1, 1, 1]} : vector<2x10000x16xf32> to vector<1x10000x16xf32>
    %squeeze3A_4 = vector.shape_cast %slice3A_3 : vector<1x10000x16xf32> to vector<10000x16xf32>
    %add3A = arith.addf %squeeze3A, %squeeze3A_4 : vector<10000x16xf32>
    %sub3A = arith.constant 1.000000e+00 : f32
    %sub3A_5 = vector.broadcast %sub3A : f32 to vector<10000x16xf32>
    %sub3A_6 = arith.subf %add3A, %sub3A_5 : vector<10000x16xf32>
    %slice3A_7 = vector.extract_strided_slice %sub3A_6 {offsets = [0, 0], sizes = [10000, 1], strides = [1, 1]} : vector<10000x16xf32> to vector<10000x1xf32>
    %rsqrt3A = math.rsqrt %slice3A_7 : vector<10000x1xf32>
    %get3A_8 = arith.constant 0 : index
    %get3A_9 = arith.constant 0 : index
    %get3A_10 = vector.load %arg2[%get3A_8, %get3A_9] : memref<10000x128xf32, #tpu.memory_space<vmem>>, vector<10000x128xf32>
    %get3A_11 = arith.constant 0 : index
    %get3A_12 = arith.constant 0 : index
    %get3A_13 = vector.load %arg3[%get3A_11, %get3A_12] : memref<128x128xf32, #tpu.memory_space<vmem>>, vector<128x128xf32>
    %dot_general3A = arith.constant dense<0.000000e+00> : vector<10000x128xf32>
    %dot_general3A_14 = tpu.matmul %get3A_10, %get3A_13, %dot_general3A {dimension_numbers = #tpu.dot_dimension_numbers<[1], [1], [0], [0], [0, 0, 1, 0], [], []>, transpose_lhs_hint = false} : vector<10000x128xf32>, vector<128x128xf32>, vector<10000x128xf32> -> vector<10000x128xf32>
    %mul3A = vector.broadcast %rsqrt3A : vector<10000x1xf32> to vector<10000x128xf32>
    %mul3A_15 = arith.mulf %dot_general3A_14, %mul3A : vector<10000x128xf32>
    %swap3A = arith.constant 0 : index
    %swap3A_16 = arith.constant 0 : index
    %swap3A_17 = vector.load %arg4[%swap3A, %swap3A_16] : memref<10000x128xf32, #tpu.memory_space<vmem>>, vector<10000x128xf32>
    tpu.vector_store %arg4[%swap3A, %swap3A_16], %mul3A_15 {strides = array<i32>} : memref<10000x128xf32, #tpu.memory_space<vmem>>, vector<10000x128xf32>,
    return
  }
  func.func @transform_0(%arg0: i32) -> (i32, i32, i32) {
    %c0_i32 = arith.constant 0 : i32
    %c0_i32_0 = arith.constant 0 : i32
    %c0_i32_1 = arith.constant 0 : i32
    return %c0_i32, %arg0, %c0_i32_0 : i32, i32, i32
  }
  func.func @transform_1(%arg0: i32) -> (i32, i32) {
    %c0_i32 = arith.constant 0 : i32
    %c0_i32_0 = arith.constant 0 : i32
    return %arg0, %c0_i32 : i32, i32
  }
  func.func @transform_2(%arg0: i32) -> (i32, i32) {
    %c0_i32 = arith.constant 0 : i32
    %c0_i32_0 = arith.constant 0 : i32
    %c0_i32_1 = arith.constant 0 : i32
    return %c0_i32, %c0_i32_0 : i32, i32
  }
  func.func @transform_3(%arg0: i32) -> (i32, i32) {
    %c0_i32 = arith.constant 0 : i32
    %c0_i32_0 = arith.constant 0 : i32
    return %arg0, %c0_i32 : i32, i32
  }
}

module attributes {stable_mosaic.version = 14 : i64} {
  func.func @_tc_lin1_body(%arg0: i32, %arg1: memref<2x10000x16xf32, #tpu.memory_space<vmem>>, %arg2: memref<2x10000x128xf32, #tpu.memory_space<vmem>>, %arg3: memref<10000x128xf32, #tpu.memory_space<vmem>>, %arg4: memref<16x128xf32, #tpu.memory_space<vmem>>, %arg5: memref<10000x16xf32, #tpu.memory_space<vmem>>) attributes {dimension_semantics = [#tpu.dimension_semantics<arbitrary>], iteration_bounds = array<i64: 1>, scalar_prefetch = 0 : i64, scratch_operands = 0 : i64, tpu.core_type = #tpu.core_type<tc>, window_params = [{transform_indices = @transform_0, window_bounds = array<i64: 2, 10000, 16>}, {transform_indices = @transform_1, window_bounds = array<i64: 2, 10000, 128>}, {transform_indices = @transform_2, window_bounds = array<i64: 10000, 128>}, {pipeline_mode = #tpu.pipeline_mode<synchronous>, transform_indices = @transform_3, window_bounds = array<i64: 16, 128>}, {transform_indices = @transform_4, window_bounds = array<i64: 10000, 16>}]} {
    %get3A = arith.constant 0 : index
    %get3A_0 = arith.constant 0 : index
    %get3A_1 = arith.constant 0 : index
    %get3A_2 = vector.load %arg1[%get3A, %get3A_0, %get3A_1] : memref<2x10000x16xf32, #tpu.memory_space<vmem>>, vector<2x10000x16xf32>
    %slice3A = vector.extract_strided_slice %get3A_2 {offsets = [0, 0, 0], sizes = [1, 10000, 16], strides = [1, 1, 1]} : vector<2x10000x16xf32> to vector<1x10000x16xf32>
    %squeeze3A = vector.shape_cast %slice3A : vector<1x10000x16xf32> to vector<10000x16xf32>
    %slice3A_3 = vector.extract_strided_slice %get3A_2 {offsets = [1, 0, 0], sizes = [1, 10000, 16], strides = [1, 1, 1]} : vector<2x10000x16xf32> to vector<1x10000x16xf32>
    %squeeze3A_4 = vector.shape_cast %slice3A_3 : vector<1x10000x16xf32> to vector<10000x16xf32>
    %add3A = arith.addf %squeeze3A, %squeeze3A_4 : vector<10000x16xf32>
    %sub3A = arith.constant 1.000000e+00 : f32
    %sub3A_5 = vector.broadcast %sub3A : f32 to vector<10000x16xf32>
    %sub3A_6 = arith.subf %add3A, %sub3A_5 : vector<10000x16xf32>
    %slice3A_7 = vector.extract_strided_slice %sub3A_6 {offsets = [0, 0], sizes = [10000, 1], strides = [1, 1]} : vector<10000x16xf32> to vector<10000x1xf32>
    %rsqrt3A = math.rsqrt %slice3A_7 : vector<10000x1xf32>
    %get3A_8 = arith.constant 0 : index
    %get3A_9 = arith.constant 0 : index
    %get3A_10 = arith.constant 0 : index
    %get3A_11 = vector.load %arg2[%get3A_8, %get3A_9, %get3A_10] : memref<2x10000x128xf32, #tpu.memory_space<vmem>>, vector<2x10000x128xf32>
    %slice3A_12 = vector.extract_strided_slice %get3A_11 {offsets = [0, 0, 0], sizes = [1, 10000, 128], strides = [1, 1, 1]} : vector<2x10000x128xf32> to vector<1x10000x128xf32>
    %squeeze3A_13 = vector.shape_cast %slice3A_12 : vector<1x10000x128xf32> to vector<10000x128xf32>
    %slice3A_14 = vector.extract_strided_slice %get3A_11 {offsets = [1, 0, 0], sizes = [1, 10000, 128], strides = [1, 1, 1]} : vector<2x10000x128xf32> to vector<1x10000x128xf32>
    %squeeze3A_15 = vector.shape_cast %slice3A_14 : vector<1x10000x128xf32> to vector<10000x128xf32>
    %add3A_16 = arith.addf %squeeze3A_13, %squeeze3A_15 : vector<10000x128xf32>
    %get3A_17 = arith.constant 0 : index
    %get3A_18 = arith.constant 0 : index
    %get3A_19 = vector.load %arg3[%get3A_17, %get3A_18] : memref<10000x128xf32, #tpu.memory_space<vmem>>, vector<10000x128xf32>
    %sub3A_20 = arith.subf %add3A_16, %get3A_19 : vector<10000x128xf32>
    %mul3A = vector.broadcast %rsqrt3A : vector<10000x1xf32> to vector<10000x128xf32>
    %mul3A_21 = arith.mulf %sub3A_20, %mul3A : vector<10000x128xf32>
    %max3A = arith.constant 0.000000e+00 : f32
    %max3A_22 = vector.broadcast %max3A : f32 to vector<10000x128xf32>
    %max3A_23 = arith.maximumf %mul3A_21, %max3A_22 : vector<10000x128xf32>
    %get3A_24 = arith.constant 0 : index
    %get3A_25 = arith.constant 0 : index
    %get3A_26 = vector.load %arg4[%get3A_24, %get3A_25] : memref<16x128xf32, #tpu.memory_space<vmem>>, vector<16x128xf32>
    %dot_general3A = arith.constant dense<0.000000e+00> : vector<10000x16xf32>
    %dot_general3A_27 = tpu.matmul %max3A_23, %get3A_26, %dot_general3A {dimension_numbers = #tpu.dot_dimension_numbers<[1], [1], [0], [0], [0, 0, 1, 0], [], []>, transpose_lhs_hint = false} : vector<10000x128xf32>, vector<16x128xf32>, vector<10000x16xf32> -> vector<10000x16xf32>
    %mul3A_28 = vector.broadcast %rsqrt3A : vector<10000x1xf32> to vector<10000x16xf32>
    %mul3A_29 = arith.mulf %dot_general3A_27, %mul3A_28 : vector<10000x16xf32>
    %swap3A = arith.constant 0 : index
    %swap3A_30 = arith.constant 0 : index
    %swap3A_31 = vector.load %arg5[%swap3A, %swap3A_30] : memref<10000x16xf32, #tpu.memory_space<vmem>>, vector<10000x16xf32>
    tpu.vector_store %arg5[%swap3A, %swap3A_30], %mul3A_29 {strides = array<i32>} : memref<10000x16xf32, #tpu.memory_space<vmem>>, vector<10000x16xf32>,
    return
  }
  func.func @transform_0(%arg0: i32) -> (i32, i32, i32) {
    %c0_i32 = arith.constant 0 : i32
    %c0_i32_0 = arith.constant 0 : i32
    %c0_i32_1 = arith.constant 0 : i32
    return %c0_i32, %arg0, %c0_i32_0 : i32, i32, i32
  }
  func.func @transform_1(%arg0: i32) -> (i32, i32, i32) {
    %c0_i32 = arith.constant 0 : i32
    %c0_i32_0 = arith.constant 0 : i32
    %c0_i32_1 = arith.constant 0 : i32
    return %c0_i32, %arg0, %c0_i32_0 : i32, i32, i32
  }
  func.func @transform_2(%arg0: i32) -> (i32, i32) {
    %c0_i32 = arith.constant 0 : i32
    %c0_i32_0 = arith.constant 0 : i32
    return %arg0, %c0_i32 : i32, i32
  }
  func.func @transform_3(%arg0: i32) -> (i32, i32) {
    %c0_i32 = arith.constant 0 : i32
    %c0_i32_0 = arith.constant 0 : i32
    %c0_i32_1 = arith.constant 0 : i32
    return %c0_i32, %c0_i32_0 : i32, i32
  }
  func.func @transform_4(%arg0: i32) -> (i32, i32) {
    %c0_i32 = arith.constant 0 : i32
    %c0_i32_0 = arith.constant 0 : i32
    return %arg0, %c0_i32 : i32, i32
  }
}

module attributes {stable_mosaic.version = 14 : i64} {
  func.func @_tc_out_body(%arg0: i32, %arg1: memref<2x10000x16xf32, #tpu.memory_space<vmem>>, %arg2: memref<2x10000x16xf32, #tpu.memory_space<vmem>>, %arg3: memref<10000x16xf32, #tpu.memory_space<vmem>>, %arg4: memref<10000x16xf32, #tpu.memory_space<vmem>>) attributes {dimension_semantics = [#tpu.dimension_semantics<arbitrary>], iteration_bounds = array<i64: 1>, scalar_prefetch = 0 : i64, scratch_operands = 0 : i64, tpu.core_type = #tpu.core_type<tc>, window_params = [{transform_indices = @transform_0, window_bounds = array<i64: 2, 10000, 16>}, {transform_indices = @transform_1, window_bounds = array<i64: 2, 10000, 16>}, {transform_indices = @transform_2, window_bounds = array<i64: 10000, 16>}, {transform_indices = @transform_3, window_bounds = array<i64: 10000, 16>}]} {
    %get3A = arith.constant 0 : index
    %get3A_0 = arith.constant 0 : index
    %get3A_1 = arith.constant 0 : index
    %get3A_2 = vector.load %arg1[%get3A, %get3A_0, %get3A_1] : memref<2x10000x16xf32, #tpu.memory_space<vmem>>, vector<2x10000x16xf32>
    %slice3A = vector.extract_strided_slice %get3A_2 {offsets = [0, 0, 0], sizes = [1, 10000, 16], strides = [1, 1, 1]} : vector<2x10000x16xf32> to vector<1x10000x16xf32>
    %squeeze3A = vector.shape_cast %slice3A : vector<1x10000x16xf32> to vector<10000x16xf32>
    %slice3A_3 = vector.extract_strided_slice %get3A_2 {offsets = [1, 0, 0], sizes = [1, 10000, 16], strides = [1, 1, 1]} : vector<2x10000x16xf32> to vector<1x10000x16xf32>
    %squeeze3A_4 = vector.shape_cast %slice3A_3 : vector<1x10000x16xf32> to vector<10000x16xf32>
    %add3A = arith.addf %squeeze3A, %squeeze3A_4 : vector<10000x16xf32>
    %sub3A = arith.constant 1.000000e+00 : f32
    %sub3A_5 = vector.broadcast %sub3A : f32 to vector<10000x16xf32>
    %sub3A_6 = arith.subf %add3A, %sub3A_5 : vector<10000x16xf32>
    %slice3A_7 = vector.extract_strided_slice %sub3A_6 {offsets = [0, 0], sizes = [10000, 1], strides = [1, 1]} : vector<10000x16xf32> to vector<10000x1xf32>
    %rsqrt3A = math.rsqrt %slice3A_7 : vector<10000x1xf32>
    %get3A_8 = arith.constant 0 : index
    %get3A_9 = arith.constant 0 : index
    %get3A_10 = arith.constant 0 : index
    %get3A_11 = vector.load %arg2[%get3A_8, %get3A_9, %get3A_10] : memref<2x10000x16xf32, #tpu.memory_space<vmem>>, vector<2x10000x16xf32>
    %slice3A_12 = vector.extract_strided_slice %get3A_11 {offsets = [0, 0, 0], sizes = [1, 10000, 16], strides = [1, 1, 1]} : vector<2x10000x16xf32> to vector<1x10000x16xf32>
    %squeeze3A_13 = vector.shape_cast %slice3A_12 : vector<1x10000x16xf32> to vector<10000x16xf32>
    %slice3A_14 = vector.extract_strided_slice %get3A_11 {offsets = [1, 0, 0], sizes = [1, 10000, 16], strides = [1, 1, 1]} : vector<2x10000x16xf32> to vector<1x10000x16xf32>
    %squeeze3A_15 = vector.shape_cast %slice3A_14 : vector<1x10000x16xf32> to vector<10000x16xf32>
    %add3A_16 = arith.addf %squeeze3A_13, %squeeze3A_15 : vector<10000x16xf32>
    %get3A_17 = arith.constant 0 : index
    %get3A_18 = arith.constant 0 : index
    %get3A_19 = vector.load %arg3[%get3A_17, %get3A_18] : memref<10000x16xf32, #tpu.memory_space<vmem>>, vector<10000x16xf32>
    %sub3A_20 = arith.subf %add3A_16, %get3A_19 : vector<10000x16xf32>
    %mul3A = vector.broadcast %rsqrt3A : vector<10000x1xf32> to vector<10000x16xf32>
    %mul3A_21 = arith.mulf %sub3A_20, %mul3A : vector<10000x16xf32>
    %swap3A = arith.constant 0 : index
    %swap3A_22 = arith.constant 0 : index
    %swap3A_23 = vector.load %arg4[%swap3A, %swap3A_22] : memref<10000x16xf32, #tpu.memory_space<vmem>>, vector<10000x16xf32>
    tpu.vector_store %arg4[%swap3A, %swap3A_22], %mul3A_21 {strides = array<i32>} : memref<10000x16xf32, #tpu.memory_space<vmem>>, vector<10000x16xf32>,
    return
  }
  func.func @transform_0(%arg0: i32) -> (i32, i32, i32) {
    %c0_i32 = arith.constant 0 : i32
    %c0_i32_0 = arith.constant 0 : i32
    %c0_i32_1 = arith.constant 0 : i32
    return %c0_i32, %arg0, %c0_i32_0 : i32, i32, i32
  }
  func.func @transform_1(%arg0: i32) -> (i32, i32, i32) {
    %c0_i32 = arith.constant 0 : i32
    %c0_i32_0 = arith.constant 0 : i32
    %c0_i32_1 = arith.constant 0 : i32
    return %c0_i32, %arg0, %c0_i32_0 : i32, i32, i32
  }
  func.func @transform_2(%arg0: i32) -> (i32, i32) {
    %c0_i32 = arith.constant 0 : i32
    %c0_i32_0 = arith.constant 0 : i32
    return %arg0, %c0_i32 : i32, i32
  }
  func.func @transform_3(%arg0: i32) -> (i32, i32) {
    %c0_i32 = arith.constant 0 : i32
    %c0_i32_0 = arith.constant 0 : i32
    return %arg0, %c0_i32 : i32, i32
  }
}

</mosaic_0001>

<sc_bundles>
// kernel: kernel.11.cloned.1.call-start
scs
__scs_entry_jumppad:
0x0: {  	(pc) =	sbr.rel $0x88, $3  }
0x1: {  	(tag) =	ssettag $0x0;
	lr =	simm.s32 $0x1  }
0x2: {  	[smem:$0x3F9D] =	sst lr;
	_ =	strace $0xD0000000  }
0x3: {  	_ = 	snop  }
0x4: {  	_ = 	snop  }
0x5: {  	_ = 	snop  }
0x6: {  	_ = 	snop  }
0x7: {  	_ = 	snop  }
__scs_overlays_trampoline_lowered:
0x8: {  	[smem:$0x3FAC] =	sst s0  }
0x9: {  	[smem:$0x3FAD] =	sst s1  }
0xa: {  	[smem:$0x3FAE] =	sst s2  }
0xb: {  	[smem:$0x3FAF] =	sst s3  }
0xc: {  	[smem:$0x3FB0] =	sst s4  }
0xd: {  	[smem:$0x3FB1] =	sst s5  }
0xe: {  	[smem:$0x3FB2] =	sst s6  }
0xf: {  	[smem:$0x3FB3] =	sst s7  }
0x10: {  	[smem:$0x3FB4] =	sst s8  }
0x11: {  	[smem:$0x3FB5] =	sst s9;
	s0 =	simm.s32 @!p0 $0x0  }
0x12: {  	s1 =	sld [smem:$0x3F9B];
	s0 =	simm.s32 @p0 $0x1  }
0x13: {  	[smem:$0x3FB6] =	sst s0;
	s0 =	simm.s32 @!p1 $0x0  }
0x14: {  	s2 =	sld [smem:$0x3F9A];
	s0 =	simm.s32 @p1 $0x1  }
0x15: {  	[smem:$0x3FB7] =	sst s0;
	s0 =	simm.s32 @!p2 $0x0  }
0x16: {  	s3 =	sld [smem:$0x3FDB];
	s0 =	simm.s32 @p2 $0x1  }
0x17: {  	s4 =	simm.s32 $0x1BF5;
	[smem:$0x3FB9] =	sst s0  }
0x18: {  	s0 =	sld [smem:$0x3F9C];
	_ =	swait.ge [sflag:s4], $0x0  }
0x19: {  	s7 =	sld [smem:$0x3F9D]  }
0x1a: {  	s8 =	sadd.s32 $0xFFFFE003, lr  }
0x1b: {  	s9 =	sadd.s32 $0xFFFFFEF7, lr;
	s5 =	simm.s32 $0xFFFFFFFF;
	p2 =	slt.u32 s8, $0xFFFFF086  }
0x1c: {  	p1 =	slt.u32 s9, $0xF7A;
	s5 =	simm.s32 @!p2 $0x0  }
0x1d: {  	s5 =	simm.s32 @p1 $0x1;
	p0 =	seq.s32 s7, s2  }
0x1e: {  	s7 =	smul.u32 @!p0 $0xF7A, s2;
	p2 =	seq.s32 @!p0 s5, $0x0  }
0x1f: {  	s9 =	smul.u32 $0xF7A, s1;
	s8 =	simm.s32 @!p0 $0x1BF5;
	p2 =	por !p2, p0  }
0x20: {  	[sflag:s8] =	ssyncset.s32 @!p0 $0xFFFFF086;
	s6 =	sadd.s32 @!p0 s3, s7;
	s7 =	simm.s32 @!p0 $0x108  }
0x21: {  	s3 =	sadd.s32 s3, s9;
	s6 =	sadd.s32 @!p0 $0x88, s6;
	s7 =	simm.s32 @p2 $0x1082  }
0x22: {  	[simem:s7], [sflag:s8] =	dma.local @!p0 [hbm:s6], $0xF7A  }
0x23: {  	s9 =	sor.u32 $0xD0000000, s2;
	s6 =	simm.s32 $0x108;
	_ =	swait.ge @!p0 [sflag:s8], $0x0  }
0x24: {  	s3 =	sadd.s32 $0x88, s3;
	s6 =	simm.s32 @!p1 $0x1082;
	[sflag:s4] =	ssyncset.s32 $0xFFFFF086  }
0x25: {  	[simem:s6], [sflag:s4] =	dma.local [hbm:s3], $0xF7A  }
0x26: {  	[smem:$0x3F9D] =	sst s1;
	(tag) =	ssettag s2;
	_ =	strace s9  }
0x27: {  	s1 =	sld [smem:$0x3FAD]  }
0x28: {  	s2 =	sld [smem:$0x3FAE]  }
0x29: {  	s4 =	sld [smem:$0x3FB0]  }
0x2a: {  	p0 =	seq.s32 s5, $0x0;
	s5 =	sld [smem:$0x3FB1]  }
0x2b: {  	s6 =	sld [smem:$0x3FB2]  }
0x2c: {  	s7 =	sld [smem:$0x3FB3]  }
0x2d: {  	s3 =	simm.s32 $0x108;
	s8 =	sld [smem:$0x3FB4]  }
0x2e: {  	s3 =	simm.s32 @!p0 $0x1082;
	s9 =	sld [smem:$0x3FB5]  }
0x2f: {  	lr =	sadd.s32 s0, s3;
	s0 =	sld [smem:$0x3FAC]  }
0x30: {  	s3 =	sld [smem:$0x3FAF]  }
0x31: {  	[smem:$0x3FB8] =	sst s10  }
0x32: {  	s10 =	sld [smem:$0x3FB6];
	_ =	sdelay $0x3  }
0x33: {  	p0 =	seq.s32 s10, $0x1;
	s10 =	sld [smem:$0x3FB8];
	_ =	sdelay $0x3  }
0x34: {  	[smem:$0x3FB8] =	sst s10  }
0x35: {  	s10 =	sld [smem:$0x3FB7];
	_ =	sdelay $0x3  }
0x36: {  	p1 =	seq.s32 s10, $0x1;
	s10 =	sld [smem:$0x3FB8];
	_ =	sdelay $0x3  }
0x37: {  	[smem:$0x3FB8] =	sst s10  }
0x38: {  	s10 =	sld [smem:$0x3FB9]  }
0x39: {  	_ = 	snop;
	(pc) =	sbr.ind lr, $3  }
0x3a: {  	_ = 	snop  }
0x3b: {  	_ = 	snop  }
0x3c: {  	p2 =	seq.s32 s10, $0x1;
	s10 =	sld [smem:$0x3FB8]  }
0x3d: {  	_ =	shalt  }
0x3e: {  	_ =	shalt  }
0x3f: {  	_ =	shalt  }
0x40: {  	_ =	shalt  }
0x41: {  	_ =	shalt  }
0x42: {  	_ =	shalt  }
0x43: {  	_ =	shalt  }
0x44: {  	_ =	shalt  }
0x45: {  	_ =	shalt  }
0x46: {  	_ =	shalt  }
0x47: {  	_ =	shalt  }
0x48: {  	_ =	shalt  }
0x49: {  	_ =	shalt  }
0x4a: {  	_ =	shalt  }
0x4b: {  	_ =	shalt  }
0x4c: {  	_ =	shalt  }
0x4d: {  	_ =	shalt  }
0x4e: {  	_ =	shalt  }
0x4f: {  	_ =	shalt  }
0x50: {  	_ =	shalt  }
0x51: {  	_ =	shalt  }
0x52: {  	_ =	shalt  }
0x53: {  	_ =	shalt  }
0x54: {  	_ =	shalt  }
0x55: {  	_ =	shalt  }
0x56: {  	_ =	shalt  }
0x57: {  	_ =	shalt  }
0x58: {  	_ =	shalt  }
0x59: {  	_ =	shalt  }
0x5a: {  	_ =	shalt  }
0x5b: {  	_ =	shalt  }
0x5c: {  	_ =	shalt  }
0x5d: {  	_ =	shalt  }
0x5e: {  	_ =	shalt  }
0x5f: {  	_ =	shalt  }
0x60: {  	_ =	shalt  }
0x61: {  	_ =	shalt  }
0x62: {  	_ =	shalt  }
0x63: {  	_ =	shalt  }
0x64: {  	_ =	shalt  }
0x65: {  	_ =	shalt  }
0x66: {  	_ =	shalt  }
0x67: {  	_ =	shalt  }
0x68: {  	_ =	shalt  }
0x69: {  	_ =	shalt  }
0x6a: {  	_ =	shalt  }
0x6b: {  	_ =	shalt  }
0x6c: {  	_ =	shalt  }
0x6d: {  	_ =	shalt  }
0x6e: {  	_ =	shalt  }
0x6f: {  	_ =	shalt  }
0x70: {  	_ =	shalt  }
0x71: {  	_ =	shalt  }
0x72: {  	_ =	shalt  }
0x73: {  	_ =	shalt  }
0x74: {  	_ =	shalt  }
0x75: {  	_ =	shalt  }
0x76: {  	_ =	shalt  }
0x77: {  	_ =	shalt  }
0x78: {  	_ =	shalt  }
0x79: {  	_ =	shalt  }
0x7a: {  	_ =	shalt  }
0x7b: {  	_ =	shalt  }
0x7c: {  	_ =	shalt  }
0x7d: {  	_ =	shalt  }
0x7e: {  	_ =	shalt  }
0x7f: {  	_ =	shalt  }
0x80: {  	_ =	shalt  }
0x81: {  	_ =	shalt  }
0x82: {  	_ =	shalt  }
0x83: {  	_ =	shalt  }
0x84: {  	_ =	shalt  }
0x85: {  	_ =	shalt  }
0x86: {  	_ =	shalt  }
0x87: {  	_ =	shalt  }
.Lfunc_end0:
.L_simem_size_0:
called_computation.1_lowered:
.L_overlay_start_0:
0x88: {  	s2 =	sld [smem:$0x3FD9]  }
0x89: {  	s3 =	sld [smem:$0x3FFE];
	_ =	sdelay $0x1  }
0x8a: {  	s1 =	srdreg.scid  }
0x8b: {  	s0 =	sand.u32 $0x1, s1  }
0x8c: {  	s16 =	sshll.u32 s0, $0xA;
	s2 =	sadd.s32 s3, s2  }
0x8d: {  	s2 =	sadd.s32 s2, s16  }
0x8e: {  	[smem:$0x3FC4] =	sst s2  }
0x8f: {  	_ = 	snop  }
0x90: {  	(tm) =	ssettm $0x1  }
0x91: {  	s17 =	sld [smem:$0x3FFB];
	_ =	sdelay $0x3  }
0x92: {  	_ =	strace s17  }
0x93: {  	s2 =	sld [smem:$0x3FFC];
	_ =	sdelay $0x3  }
0x94: {  	_ =	strace s2  }
0x95: {  	s2 =	sld [smem:$0x3FFD];
	_ =	sdelay $0x3  }
0x96: {  	_ =	strace s2  }
0x97: {  	_ =	strace $0x8FFFFFFF  }
0x98: {  	s18 =	sld [smem:$0x3FDB];
	_ =	sdelay $0x1  }
0x99: {  	s19 =	simm.s32 $_scs_section_size  }
0x9a: {  	s4 =	simm.s32 $_size__tile_overlayer_lowered;
	s5 =	simm.s32 $_tile_overlayer_lowered  }
0x9b: {  	s22 =	simm.s32 $0x1BFF;
	s21 =	sshll.u32 s5, $0x1;
	s2 =	sadd.s32 s19, s18  }
0x9c: {  	s6 =	simm.s32 $0x0;
	s20 =	sshll.u32 s4, $0x1;
	s4 =	sadd.s32 s21, s2  }
0x9d: {  	[timem:s6], [sflag:s22] =	dma.local [hbm:s4], s20  }
0x9e: {  	_ =	swait.ge [sflag:s22], s20  }
0x9f: {  	s3 =	ssub.s32 $0x0, s20;
	[sflag:s22] =	ssyncset.done $0x0  }
0xa0: {  	[sflag:s22] =	ssyncadd.s32 s3;
	_ =	sdelay $0x1  }
0xa1: {  	s23 =	simm.s32 $0x1B8B  }
0xa2: {  	_ =	swait.ge [sflag:s23], $0x1  }
0xa3: {  	[sflag:s23] =	ssyncset.done $0x0  }
0xa4: {  	s25 =	simm.s32 $0x1B8E;
	s24 =	sld [smem:$0x3FFE];
	[sflag:s23] =	ssyncadd.s32 $0xFFFFFFFF  }
0xa5: {  	s26 =	simm.s32 $execute0_lowered;
	[smem:$0x3FD2] =	sst s25  }
0xa6: {  	s4 =	sshll.u32 s26, $0x1;
	_ =	strace $0x80000049;
	[dreg:$0x1] =	wrdreg $0xFFFFFFFF  }
0xa7: {  	s28 =	simm.s32 $_size_execute0_lowered;
	s2 =	sadd.s32 s2, s4;
	[dreg:$0x0] =	wrdreg $0x0  }
0xa8: {  	s4 =	sshll.u32 s28, $0x1;
	[dreg:$0x2] =	wrdreg s2  }
0xa9: {  	[dreg:$0x3] =	wrdreg s4  }
0xaa: {  	[dreg:$0x4] =	wrdreg $0xC0  }
0xab: {  	_ =	task [dreg:s6], $0x5FFFF  }
0xac: {  	[dreg:$0x1] =	wrdreg $0xFFFFFFFF  }
0xad: {  	[dreg:$0x0] =	wrdreg $0x60  }
0xae: {  	[dreg:$0x2] =	wrdreg s24  }
0xaf: {  	[dreg:$0x3] =	wrdreg $0x9E200  }
0xb0: {  	[dreg:$0x4] =	wrdreg $0x9  }
0xb1: {  	_ =	task.clear_ibuf [dreg:s6], $0x5FFFF;
	_ =	strace $0x90000049  }
0xb2: {  	s29 =	simm.s32 $0x9;
	_ =	strace $0x8000004B  }
0xb3: {  	_ =	swait.ge [sflag:s29], $0x1  }
0xb4: {  	[sflag:s29] =	ssyncadd.s32 $0xFFFFFFFF  }
0xb5: {  	_ =	strace $0x9000004B  }
0xb6: {  	_ =	sfence  }
0xb7: {  	s30 =	sld [smem:$0x0];
	_ =	sdelay $0x2  }
0xb8: {  	s31 =	sshll.u32 s1, $0xD;
	s1 =	sshrl.u32 s1, $0x2  }
0xb9: {  	s3 =	sand.u32 $0x4000, s31;
	s1 =	sadd.s32 s1, s30  }
0xba: {  	s0 =	sor.u32 s3, s0;
	s1 =	sshll.u32 s1, $0x11  }
0xbb: {  	s0 =	sor.u32 s1, s0  }
0xbc: {  	s0 =	sadd.s32 $0x8F2B, s0  }
0xbd: {  	[sflag:s0] =	ssyncadd.remote.s32 $0x1  }
0xbe: {  	_ =	sfence.sel $0xFFFF  }
0xbf: {  	[dreg:$0x0] =	wrdreg $0xFFFFFFFF;
	(pc) =	sbr.abs _section_cstart, $3  }
0xc0: {  	[dreg:$0x1] =	wrdreg $0xFFFFFFFF  }
0xc1: {  	_ =	task.clear_ibuf [dreg:s6], $0x2FFFF;
	_ =	strace $0x9FFFFFFF  }
0xc2: {  	(tm) =	ssettm $0x7FFFFFFF  }
0xc3: {  	_ =	shalt  }
tec
execute0_lowered:
.L_overlay_start_1:
0x0: {  	(tag) =	ssettag $0x1  }
0x1: {  	s0 =	srdreg.scid;
	s1 =	rddreg [dreg:$0x0]  }
0x2: {  	s2 =	rddreg [dreg:$0x1];
	s17 =	stileid.u32  }
0x3: {  	s3 =	simm.s32 $0x0;
	s12 =	simm.s32 $0x9;
	s14 =	simm.s32 $0x28  }
0x4: {  	s15 =	simm.s32 $0x4E20;
	s16 =	simm.s32 $0x6220;
	s20 =	simm.s32 $0x7620  }
0x5: {  	s21 =	simm.s32 $0x8A20;
	s22 =	simm.s32 $0x1;
	s23 =	simm.s32 $0x2  }
0x6: {  	s28 =	simm.s32 $0x4;
	s29 =	simm.s32 $0x7;
	s30 =	simm.s32 $0x8  }
0x7: {  	s0 =	sand.u32 $0x1, s0;
	[smem:$0x7FF] =	sst s3;
	s8 =	smul.u32 $0x13800, s17  }
0x8: {  	s10 =	sadd.s32 $0x3C800, s1;
	s19 =	sadd.s32 $0x138000, s2;
	p0 =	sne.s32 s17, $0xF  }
0x9: {  	s31 =	sshll.u32 s17, $0x6;
	s4 =	sshll.u32 s0, $0x4;
	_ =	strace $0x8000004A  }
0xa: {  	s6 =	ssub.s32 $0x2, s0;
	s0 =	smul.u32 $0x138800, s0;
	s19 =	sshrl.u32 @!p0 s19, $0x3  }
0xb: {  	s4 =	sor.u32 s17, s4;
	s7 =	sshrl.u32 s6, $0x1;
	s25 =	sshrl.u32 s8, $0x3  }
0xc: {  	s13 =	sadd.s32 s8, s2;
	s17 =	sor.u32 $0x1C09, s31;
	s5 =	smul.u32 $0x4E2, s4  }
0xd: {  	s4 =	sadd.s32 $0x15600, s1;
	s11 =	ssub.s32 s6, s7;
	s26 =	sadd.s32 s8, s0  }
0xe: {  	s0 =	sshrl.u32 s0, $0x3;
	s8 =	sadd.s32 $0x3C600, s1;
	s18 =	sshrl.u32 s13, $0x3  }
0xf: {  	s7 =	sadd.s32 s4, s25;
	s0 =	sadd.s32 s10, s0;
	s5 =	sadd.s32 s5, s1  }
0x10: {  	s11 =	smax.u32 s11, $0x1;
	s25 =	simm.s32 $0x6;
	s24 =	sadd.s32 $0x1A00, s5  }
0x11: {  	s1 =	simm.s32 $0x0;
	s5 =	sadd.s32 $0xB800, s5;
	[dreg:$0x3] =	wrdreg s24  }
0x12: {  	[dreg:$0x4] =	wrdreg s5;
	s5 =	sshrl.u32 s26, $0x3;
	s24 =	simm.s32 $0x5  }
0x13: {  	s26 =	simm.s32 $0x3;
	s9 =	sadd.s32 s10, s5;
	s10 =	sadd.s32 $0x27000, s0  }
.LBB2_1:
0x14: {  	s0 =	rddreg [dreg:$0x3]  }
0x15: {  	[tilespmem:s3], [sflag:$0x9] =	stream.linear.gather [hbm4b:s0+s3], $0x2710, $0x38;
	[tilespmem:$0x1D6A0] =	vst v63  }
0x16: {  	_ =	swait.ge [sflag:s12], $0x2710  }
0x17: {  	[sflag:s12] =	ssyncset.done $0x0  }
0x18: {  	s5 =	simm.s32 $0x2710;
	s13 =	rddreg [dreg:$0x4];
	[sflag:s12] =	ssyncadd.s32 $0xFFFFD8F0  }
0x19: {  	[tilespmem:s5], [sflag:$0x9] =	stream.linear.gather [hbm4b:s13+s3], $0x2710, $0x38;
	[tilespmem:$0x1D6A0] =	vst v63  }
0x1a: {  	_ =	swait.ge [sflag:s12], $0x2710  }
0x1b: {  	[sflag:s12] =	ssyncset.done $0x0  }
0x1c: {  	[sflag:s12] =	ssyncadd.s32 $0xFFFFD8F0  }
0x1d: {  	[tilespmem:s15], [sflag:$0x1] =	stream.indirect.gather [hbm4b:s4+s14], $0x80, s3, s14, $0xb8;
	[tilespmem:$0x1D6A0] =	vst v63  }
0x1e: {  	_ = 	snop  }
0x1f: {  	[tilespmem:s16], [sflag:$0x2] =	stream.indirect.gather [hbm4b:s4+s14], $0x80, s14, s14, $0xb8;
	[tilespmem:$0x1D6A0] =	vst v63  }
0x20: {  	[spmem:s18], [sflag:s17] =	dma.local [hbm:s7], $0x2700  }
0x21: {  	_ =	swait.ge [sflag:s12], $0x2700  }
0x22: {  	[sflag:s12] =	ssyncset.done $0x0  }
0x23: {  	s0 =	simm.s32 @!p0 $0x9;
	[sflag:s12] =	ssyncadd.s32 $0xFFFFD900  }
0x24: {  	[spmem:s19], [sflag:s17] =	dma.local @!p0 [hbm:s8], $0x100  }
0x25: {  	_ =	swait.ge @!p0 [sflag:s0], $0x100  }
0x26: {  	[sflag:s0] =	ssyncset.done @!p0 $0x0  }
0x27: {  	[sflag:s0] =	ssyncadd.s32 @!p0 $0xFFFFFF00  }
0x28: {  	s6 =	simm.s32 $0x50;
	[bflag:$0x0] =	sbarrier.arrive $0xFFFF  }
0x29: {  	[tilespmem:s20], [sflag:$0x3] =	stream.indirect.gather [hbm4b:s4+s14], $0x80, s6, s14, $0xb8;
	[tilespmem:$0x1D6A0] =	vst v63  }
0x2a: {  	s13 =	simm.s32 $0x78  }
0x2b: {  	[tilespmem:s21], [sflag:$0x4] =	stream.indirect.gather [hbm4b:s4+s14], $0x80, s13, s14, $0xb8;
	[tilespmem:$0x1D6A0] =	vst v63  }
0x2c: {  	_ =	swait.ge [sflag:s22], $0x1400  }
0x2d: {  	[sflag:s22] =	ssyncset.done $0x0  }
0x2e: {  	s5 =	simm.s32 $0x2710;
	[sflag:s22] =	ssyncadd.s32 $0xFFFFEC00  }
0x2f: {  	[spmem:s2] =	stream.indirect.scatter.add.f32 [tilespmem:s15], [sflag:$0x5], $0x80, s5, s14, $0xb8;
	[tilespmem:$0x1D6A0] =	vst v63  }
0x30: {  	_ =	swait.ge [sflag:s23], $0x1400  }
0x31: {  	[sflag:s23] =	ssyncset.done $0x0  }
0x32: {  	s6 =	simm.s32 $0x2738;
	[sflag:s23] =	ssyncadd.s32 $0xFFFFEC00  }
0x33: {  	[spmem:s2] =	stream.indirect.scatter.add.f32 [tilespmem:s16], [sflag:$0x6], $0x80, s6, s14, $0xb8;
	[tilespmem:$0x1D6A0] =	vst v63  }
0x34: {  	_ =	swait.ge [sflag:s24], $0x1400  }
0x35: {  	[sflag:s24] =	ssyncset.done $0x0  }
0x36: {  	[sflag:s24] =	ssyncadd.s32 $0xFFFFEC00  }
0x37: {  	_ =	swait.ge [sflag:s25], $0x1400  }
0x38: {  	[sflag:s25] =	ssyncset.done $0x0  }
0x39: {  	s13 =	simm.s32 $0xA0;
	[sflag:s25] =	ssyncadd.s32 $0xFFFFEC00  }
0x3a: {  	[tilespmem:s15], [sflag:$0x1] =	stream.indirect.gather [hbm4b:s4+s14], $0x80, s13, s14, $0xb8;
	[tilespmem:$0x1D6A0] =	vst v63  }
0x3b: {  	s5 =	simm.s32 $0xC8  }
0x3c: {  	[tilespmem:s16], [sflag:$0x2] =	stream.indirect.gather [hbm4b:s4+s14], $0x80, s5, s14, $0xb8;
	[tilespmem:$0x1D6A0] =	vst v63  }
0x3d: {  	_ =	swait.ge [sflag:s26], $0x1400  }
0x3e: {  	[sflag:s26] =	ssyncset.done $0x0  }
0x3f: {  	s6 =	simm.s32 $0x2760;
	[sflag:s26] =	ssyncadd.s32 $0xFFFFEC00  }
0x40: {  	[spmem:s2] =	stream.indirect.scatter.add.f32 [tilespmem:s20], [sflag:$0x7], $0x80, s6, s14, $0xb8;
	[tilespmem:$0x1D6A0] =	vst v63  }
0x41: {  	_ =	swait.ge [sflag:s28], $0x1400  }
0x42: {  	[sflag:s28] =	ssyncset.done $0x0  }
0x43: {  	s13 =	simm.s32 $0x2788;
	[sflag:s28] =	ssyncadd.s32 $0xFFFFEC00  }
0x44: {  	[spmem:s2] =	stream.indirect.scatter.add.f32 [tilespmem:s21], [sflag:$0x8], $0x80, s13, s14, $0xb8;
	[tilespmem:$0x1D6A0] =	vst v63  }
0x45: {  	_ =	swait.ge [sflag:s29], $0x1400  }
0x46: {  	[sflag:s29] =	ssyncset.done $0x0  }
0x47: {  	[sflag:s29] =	ssyncadd.s32 $0xFFFFEC00  }
0x48: {  	_ =	swait.ge [sflag:s30], $0x1400  }
0x49: {  	s31 =	simm.s32 $0x500;
	s13 =	simm.s32 $0xA0;
	[sflag:s30] =	ssyncset.done $0x0  }
.LBB2_2:
0x4a: {  	s6 =	sadd.s32 $0x50, s13  }
0x4b: {  	[sflag:s30] =	ssyncadd.s32 $0xFFFFEC00;
	s0 =	smov.u32 s31;
	s5 =	sadd.s32 $0x280, s31  }
0x4c: {  	[tilespmem:s20], [sflag:$0x3] =	stream.indirect.gather [hbm4b:s4+s14], $0x80, s6, s14, $0xb8;
	[tilespmem:$0x1D6A0] =	vst v63  }
0x4d: {  	p1 =	sne.s32 s31, $0x9600;
	s6 =	sadd.s32 $0x78, s13  }
0x4e: {  	[tilespmem:s21], [sflag:$0x4] =	stream.indirect.gather [hbm4b:s4+s14], $0x80, s6, s14, $0xb8;
	[tilespmem:$0x1D6A0] =	vst v63  }
0x4f: {  	_ =	swait.ge [sflag:s22], $0x1400  }
0x50: {  	[sflag:s22] =	ssyncset.done $0x0  }
0x51: {  	s6 =	sadd.s32 $0x2710, s13;
	[sflag:s22] =	ssyncadd.s32 $0xFFFFEC00  }
0x52: {  	[spmem:s2] =	stream.indirect.scatter.add.f32 [tilespmem:s15], [sflag:$0x5], $0x80, s6, s14, $0xb8;
	[tilespmem:$0x1D6A0] =	vst v63  }
0x53: {  	_ =	swait.ge [sflag:s23], $0x1400  }
0x54: {  	[sflag:s23] =	ssyncset.done $0x0  }
0x55: {  	s6 =	sadd.s32 $0x2738, s13;
	[sflag:s23] =	ssyncadd.s32 $0xFFFFEC00  }
0x56: {  	[spmem:s2] =	stream.indirect.scatter.add.f32 [tilespmem:s16], [sflag:$0x6], $0x80, s6, s14, $0xb8;
	[tilespmem:$0x1D6A0] =	vst v63  }
0x57: {  	_ =	swait.ge [sflag:s24], $0x1400  }
0x58: {  	[sflag:s24] =	ssyncset.done $0x0  }
0x59: {  	[sflag:s24] =	ssyncadd.s32 $0xFFFFEC00  }
0x5a: {  	_ =	swait.ge [sflag:s25], $0x1400  }
0x5b: {  	[sflag:s25] =	ssyncset.done $0x0  }
0x5c: {  	s6 =	sadd.s32 $0xA0, s13;
	[sflag:s25] =	ssyncadd.s32 $0xFFFFEC00  }
0x5d: {  	[tilespmem:s15], [sflag:$0x1] =	stream.indirect.gather [hbm4b:s4+s14], $0x80, s6, s14, $0xb8;
	[tilespmem:$0x1D6A0] =	vst v63  }
0x5e: {  	s6 =	sadd.s32 $0xC8, s13  }
0x5f: {  	[tilespmem:s16], [sflag:$0x2] =	stream.indirect.gather [hbm4b:s4+s14], $0x80, s6, s14, $0xb8;
	[tilespmem:$0x1D6A0] =	vst v63  }
0x60: {  	_ =	swait.ge [sflag:s26], $0x1400  }
0x61: {  	[sflag:s26] =	ssyncset.done $0x0  }
0x62: {  	s6 =	sadd.s32 $0x2760, s13;
	[sflag:s26] =	ssyncadd.s32 $0xFFFFEC00  }
0x63: {  	[spmem:s2] =	stream.indirect.scatter.add.f32 [tilespmem:s20], [sflag:$0x7], $0x80, s6, s14, $0xb8;
	[tilespmem:$0x1D6A0] =	vst v63  }
0x64: {  	_ =	swait.ge [sflag:s28], $0x1400  }
0x65: {  	[sflag:s28] =	ssyncset.done $0x0  }
0x66: {  	s6 =	sadd.s32 $0x2788, s13;
	[sflag:s28] =	ssyncadd.s32 $0xFFFFEC00  }
0x67: {  	[spmem:s2] =	stream.indirect.scatter.add.f32 [tilespmem:s21], [sflag:$0x8], $0x80, s6, s14, $0xb8;
	[tilespmem:$0x1D6A0] =	vst v63  }
.Ltmp0:
0x68: {  	_ =	swait.ge [sflag:s29], $0x1400;
	(pc) =	sbr.rel @p1 .LBB2_2-.Ltmp0, $4  }
0x69: {  	[sflag:s29] =	ssyncset.done $0x0  }
0x6a: {  	[sflag:s29] =	ssyncadd.s32 $0xFFFFEC00  }
0x6b: {  	_ =	swait.ge [sflag:s30], $0x1400  }
0x6c: {  	s31 =	smov.u32 s5;
	s13 =	sshra.s32 s0, $0x2;
	[sflag:s30] =	ssyncset.done $0x0  }
0x6d: {  	s0 =	sadd.s32 $0x50, s13;
	[sflag:s30] =	ssyncadd.s32 $0xFFFFEC00  }
0x6e: {  	[tilespmem:s20], [sflag:$0x3] =	stream.indirect.gather [hbm4b:s4+s14], $0x80, s0, s14, $0xb8;
	[tilespmem:$0x1D6A0] =	vst v63  }
0x6f: {  	s6 =	sadd.s32 $0x78, s13  }
0x70: {  	[tilespmem:s21], [sflag:$0x4] =	stream.indirect.gather [hbm4b:s4+s14], $0x80, s6, s14, $0xb8;
	[tilespmem:$0x1D6A0] =	vst v63  }
0x71: {  	_ =	swait.ge [sflag:s22], $0x1400  }
0x72: {  	[sflag:s22] =	ssyncset.done $0x0  }
0x73: {  	s31 =	sadd.s32 $0x2710, s13;
	[sflag:s22] =	ssyncadd.s32 $0xFFFFEC00  }
0x74: {  	[spmem:s2] =	stream.indirect.scatter.add.f32 [tilespmem:s15], [sflag:$0x5], $0x80, s31, s14, $0xb8;
	[tilespmem:$0x1D6A0] =	vst v63  }
0x75: {  	_ =	swait.ge [sflag:s23], $0x1400  }
0x76: {  	[sflag:s23] =	ssyncset.done $0x0  }
0x77: {  	s5 =	sadd.s32 $0x2738, s13;
	[sflag:s23] =	ssyncadd.s32 $0xFFFFEC00  }
0x78: {  	[spmem:s2] =	stream.indirect.scatter.add.f32 [tilespmem:s16], [sflag:$0x6], $0x80, s5, s14, $0xb8;
	[tilespmem:$0x1D6A0] =	vst v63  }
0x79: {  	_ =	swait.ge [sflag:s24], $0x1400  }
0x7a: {  	[sflag:s24] =	ssyncset.done $0x0  }
0x7b: {  	[sflag:s24] =	ssyncadd.s32 $0xFFFFEC00  }
0x7c: {  	_ =	swait.ge [sflag:s25], $0x1400  }
0x7d: {  	[sflag:s25] =	ssyncset.done $0x0  }
0x7e: {  	s6 =	sadd.s32 $0xA0, s13;
	[sflag:s25] =	ssyncadd.s32 $0xFFFFEC00  }
0x7f: {  	[tilespmem:s15], [sflag:$0x1] =	stream.indirect.gather [hbm4b:s4+s14], $0x80, s6, s14, $0xb8;
	[tilespmem:$0x1D6A0] =	vst v63  }
0x80: {  	s31 =	sadd.s32 $0xC8, s13  }
0x81: {  	[tilespmem:s16], [sflag:$0x2] =	stream.indirect.gather [hbm4b:s4+s14], $0x80, s31, s14, $0xb8;
	[tilespmem:$0x1D6A0] =	vst v63  }
0x82: {  	_ =	swait.ge [sflag:s26], $0x1400  }
0x83: {  	[sflag:s26] =	ssyncset.done $0x0  }
0x84: {  	s5 =	sadd.s32 $0x2760, s13;
	[sflag:s26] =	ssyncadd.s32 $0xFFFFEC00  }
0x85: {  	[spmem:s2] =	stream.indirect.scatter.add.f32 [tilespmem:s20], [sflag:$0x7], $0x80, s5, s14, $0xb8;
	[tilespmem:$0x1D6A0] =	vst v63  }
0x86: {  	_ =	swait.ge [sflag:s28], $0x1400  }
0x87: {  	[sflag:s28] =	ssyncset.done $0x0  }
0x88: {  	s6 =	sadd.s32 $0x2788, s13;
	[sflag:s28] =	ssyncadd.s32 $0xFFFFEC00  }
0x89: {  	[spmem:s2] =	stream.indirect.scatter.add.f32 [tilespmem:s21], [sflag:$0x8], $0x80, s6, s14, $0xb8;
	[tilespmem:$0x1D6A0] =	vst v63  }
0x8a: {  	_ =	swait.ge [sflag:s29], $0x1400  }
0x8b: {  	[sflag:s29] =	ssyncset.done $0x0  }
0x8c: {  	[sflag:s29] =	ssyncadd.s32 $0xFFFFEC00  }
0x8d: {  	_ =	swait.ge [sflag:s30], $0x1400  }
0x8e: {  	[sflag:s30] =	ssyncset.done $0x0  }
0x8f: {  	[sflag:s30] =	ssyncadd.s32 $0xFFFFEC00  }
0x90: {  	_ =	swait.ge [sflag:s22], $0x1400  }
0x91: {  	[sflag:s22] =	ssyncset.done $0x0  }
0x92: {  	s13 =	simm.s32 $0x4D30;
	[sflag:s22] =	ssyncadd.s32 $0xFFFFEC00  }
0x93: {  	[spmem:s2] =	stream.indirect.scatter.add.f32 [tilespmem:s15], [sflag:$0x5], $0x80, s13, s14, $0xb8;
	[tilespmem:$0x1D6A0] =	vst v63  }
0x94: {  	_ =	swait.ge [sflag:s23], $0x1400  }
0x95: {  	[sflag:s23] =	ssyncset.done $0x0  }
0x96: {  	s31 =	simm.s32 $0x4D58;
	[sflag:s23] =	ssyncadd.s32 $0xFFFFEC00  }
0x97: {  	[spmem:s2] =	stream.indirect.scatter.add.f32 [tilespmem:s16], [sflag:$0x6], $0x80, s31, s14, $0xb8;
	[tilespmem:$0x1D6A0] =	vst v63  }
0x98: {  	_ =	swait.ge [sflag:s24], $0x1400  }
0x99: {  	[sflag:s24] =	ssyncset.done $0x0  }
0x9a: {  	[sflag:s24] =	ssyncadd.s32 $0xFFFFEC00  }
0x9b: {  	_ =	swait.ge [sflag:s25], $0x1400  }
0x9c: {  	[sflag:s25] =	ssyncset.done $0x0  }
0x9d: {  	s5 =	simm.s32 $0x2670;
	[sflag:s25] =	ssyncadd.s32 $0xFFFFEC00  }
0x9e: {  	[tilespmem:s15], [sflag:$0x1] =	stream.indirect.gather [hbm4b:s4+s14], $0x80, s5, s14, $0xb8;
	[tilespmem:$0x1D6A0] =	vst v63  }
0x9f: {  	s6 =	simm.s32 $0x2698  }
0xa0: {  	[tilespmem:s16], [sflag:$0x2] =	stream.indirect.gather [hbm4b:s4+s14], $0x80, s6, s14, $0xb8;
	[tilespmem:$0x1D6A0] =	vst v63  }
0xa1: {  	s13 =	simm.s32 $0x26C0  }
0xa2: {  	[tilespmem:s20], [sflag:$0x3] =	stream.indirect.gather [hbm4b:s4+s14], $0x80, s13, s14, $0xb8;
	[tilespmem:$0x1D6A0] =	vst v63  }
0xa3: {  	s31 =	simm.s32 $0x26E8  }
0xa4: {  	[tilespmem:s21], [sflag:$0x4] =	stream.indirect.gather [hbm4b:s4+s14], $0x80, s31, s14, $0xb8;
	[tilespmem:$0x1D6A0] =	vst v63  }
0xa5: {  	_ =	swait.ge [sflag:s22], $0x1400  }
0xa6: {  	[sflag:s22] =	ssyncset.done $0x0  }
0xa7: {  	s5 =	simm.s32 $0x4D80;
	[sflag:s22] =	ssyncadd.s32 $0xFFFFEC00  }
0xa8: {  	[spmem:s2] =	stream.indirect.scatter.add.f32 [tilespmem:s15], [sflag:$0x5], $0x80, s5, s14, $0xb8;
	[tilespmem:$0x1D6A0] =	vst v63  }
0xa9: {  	_ =	swait.ge [sflag:s23], $0x1400  }
0xaa: {  	[sflag:s23] =	ssyncset.done $0x0  }
0xab: {  	s6 =	simm.s32 $0x4DA8;
	[sflag:s23] =	ssyncadd.s32 $0xFFFFEC00  }
0xac: {  	[spmem:s2] =	stream.indirect.scatter.add.f32 [tilespmem:s16], [sflag:$0x6], $0x80, s6, s14, $0xb8;
	[tilespmem:$0x1D6A0] =	vst v63  }
0xad: {  	_ =	swait.ge [sflag:s26], $0x1400  }
0xae: {  	[sflag:s26] =	ssyncset.done $0x0  }
0xaf: {  	s13 =	simm.s32 $0x4DD0;
	[sflag:s26] =	ssyncadd.s32 $0xFFFFEC00  }
0xb0: {  	[spmem:s2] =	stream.indirect.scatter.add.f32 [tilespmem:s20], [sflag:$0x7], $0x80, s13, s14, $0xb8;
	[tilespmem:$0x1D6A0] =	vst v63  }
0xb1: {  	_ =	swait.ge [sflag:s28], $0x1400  }
0xb2: {  	[sflag:s28] =	ssyncset.done $0x0  }
0xb3: {  	s31 =	simm.s32 $0x4DF8;
	[sflag:s28] =	ssyncadd.s32 $0xFFFFEC00  }
0xb4: {  	[spmem:s2] =	stream.indirect.scatter.add.f32 [tilespmem:s21], [sflag:$0x8], $0x80, s31, s14, $0xb8;
	[tilespmem:$0x1D6A0] =	vst v63  }
0xb5: {  	_ =	swait.ge [sflag:s24], $0x1400  }
0xb6: {  	[sflag:s24] =	ssyncset.done $0x0  }
0xb7: {  	[sflag:s24] =	ssyncadd.s32 $0xFFFFEC00  }
0xb8: {  	_ =	swait.ge [sflag:s25], $0x1400  }
0xb9: {  	[sflag:s25] =	ssyncset.done $0x0  }
0xba: {  	[sflag:s25] =	ssyncadd.s32 $0xFFFFEC00  }
0xbb: {  	_ =	swait.ge [sflag:s29], $0x1400  }
0xbc: {  	[sflag:s29] =	ssyncset.done $0x0  }
0xbd: {  	[sflag:s29] =	ssyncadd.s32 $0xFFFFEC00  }
0xbe: {  	_ =	swait.ge [sflag:s30], $0x1400  }
0xbf: {  	[sflag:s30] =	ssyncset.done $0x0  }
0xc0: {  	[sflag:s30] =	ssyncadd.s32 $0xFFFFEC00  }
0xc1: {  	[bflag:$0x0] =	sbarrier.arrive $0xFFFF  }
0xc2: {  	[hbm:s9], [sflag:s17] =	dma.local [spmem:s18], $0x2700  }
0xc3: {  	s1 =	sadd.s32 $0x1, s1;
	_ =	swait.ge [sflag:s12], $0x2700  }
0xc4: {  	p1 =	sne.s32 s1, s11;
	[sflag:s12] =	ssyncset.done $0x0  }
.Ltmp1:
0xc5: {  	s0 =	simm.s32 @!p0 $0x9;
	[sflag:s12] =	ssyncadd.s32 $0xFFFFD900;
	(pc) =	sbr.rel @p1 .LBB2_1-.Ltmp1, $4  }
0xc6: {  	[hbm:s10], [sflag:s17] =	dma.local @!p0 [spmem:s19], $0x100  }
0xc7: {  	_ =	swait.ge @!p0 [sflag:s0], $0x100  }
0xc8: {  	[sflag:s0] =	ssyncset.done @!p0 $0x0  }
0xc9: {  	[sflag:s0] =	ssyncadd.s32 @!p0 $0xFFFFFF00  }
0xca: {  	_ =	sfence.sel $0x180000  }
0xcb: {  	[bflag:$0x0] =	sbarrier.arrive $0xFFFF  }
0xcc: {  	_ =	strace $0x9000004A  }
0xcd: {  	s0 =	stileid.u32;
	[bflag:$0x2] =	sbarrier.arrive $0xFFFF  }
0xce: {  	p0 =	sne.s32 s0, $0x0;
	s0 =	rddreg [dreg:$0x2]  }
0xcf: {  	s0 =	sadd.s32 @!p0 $0x100000, s0  }
0xd0: {  	[sflag:s0] =	ssyncadd.tile.s32 @!p0 $0x1;
	_ =	shalt  }
.Lfunc_end2:
_tile_overlayer_lowered:
.L_overlay_start_2:
0xd1: {  	(tag) =	ssettag $0x2  }
0xd2: {  	s0 =	rddreg [dreg:$0x0];
	s2 =	stileid.u32  }
0xd3: {  	s1 =	rddreg [dreg:$0x1];
	p0 =	sne.s32 s2, $0x0  }
0xd4: {  	s3 =	rddreg [dreg:$0x2];
	[bflag:$0x3] =	sbarrier.arrive $0xFFFF;
	s2 =	simm.s32 @!p0 $0x1C09  }
0xd5: {  	[timem:s3], [sflag:s2] =	dma.local @!p0 [hbm:s0], s1  }
0xd6: {  	s0 =	simm.s32 @!p0 $0x9  }
0xd7: {  	_ =	swait.ge @!p0 [sflag:s0], s1  }
0xd8: {  	s1 =	ssub.s32 @!p0 $0x0, s1;
	[sflag:s0] =	ssyncset.done @!p0 $0x0  }
0xd9: {  	[sflag:s0] =	ssyncadd.s32 @!p0 s1  }
0xda: {  	[bflag:$0x3] =	sbarrier.arrive $0xFFFF  }
0xdb: {  	_ =	shalt  }

// kernel: kernel.14.cloned.1.call-start
scs
__scs_entry_jumppad:
0x0: {  	(pc) =	sbr.rel $0x88, $3  }
0x1: {  	(tag) =	ssettag $0x0;
	lr =	simm.s32 $0x1  }
0x2: {  	[smem:$0x3F9D] =	sst lr;
	_ =	strace $0xD0000000  }
0x3: {  	_ = 	snop  }
0x4: {  	_ = 	snop  }
0x5: {  	_ = 	snop  }
0x6: {  	_ = 	snop  }
0x7: {  	_ = 	snop  }
__scs_overlays_trampoline_lowered:
0x8: {  	[smem:$0x3FAC] =	sst s0  }
0x9: {  	[smem:$0x3FAD] =	sst s1  }
0xa: {  	[smem:$0x3FAE] =	sst s2  }
0xb: {  	[smem:$0x3FAF] =	sst s3  }
0xc: {  	[smem:$0x3FB0] =	sst s4  }
0xd: {  	[smem:$0x3FB1] =	sst s5  }
0xe: {  	[smem:$0x3FB2] =	sst s6  }
0xf: {  	[smem:$0x3FB3] =	sst s7  }
0x10: {  	[smem:$0x3FB4] =	sst s8  }
0x11: {  	[smem:$0x3FB5] =	sst s9;
	s0 =	simm.s32 @!p0 $0x0  }
0x12: {  	s1 =	sld [smem:$0x3F9B];
	s0 =	simm.s32 @p0 $0x1  }
0x13: {  	[smem:$0x3FB6] =	sst s0;
	s0 =	simm.s32 @!p1 $0x0  }
0x14: {  	s2 =	sld [smem:$0x3F9A];
	s0 =	simm.s32 @p1 $0x1  }
0x15: {  	[smem:$0x3FB7] =	sst s0;
	s0 =	simm.s32 @!p2 $0x0  }
0x16: {  	s3 =	sld [smem:$0x3FDB];
	s0 =	simm.s32 @p2 $0x1  }
0x17: {  	s4 =	simm.s32 $0x1BF5;
	[smem:$0x3FB9] =	sst s0  }
0x18: {  	s0 =	sld [smem:$0x3F9C];
	_ =	swait.ge [sflag:s4], $0x0  }
0x19: {  	s7 =	sld [smem:$0x3F9D]  }
0x1a: {  	s8 =	sadd.s32 $0xFFFFE003, lr  }
0x1b: {  	s9 =	sadd.s32 $0xFFFFFEF7, lr;
	s5 =	simm.s32 $0xFFFFFFFF;
	p2 =	slt.u32 s8, $0xFFFFF086  }
0x1c: {  	p1 =	slt.u32 s9, $0xF7A;
	s5 =	simm.s32 @!p2 $0x0  }
0x1d: {  	s5 =	simm.s32 @p1 $0x1;
	p0 =	seq.s32 s7, s2  }
0x1e: {  	s7 =	smul.u32 @!p0 $0xF7A, s2;
	p2 =	seq.s32 @!p0 s5, $0x0  }
0x1f: {  	s9 =	smul.u32 $0xF7A, s1;
	s8 =	simm.s32 @!p0 $0x1BF5;
	p2 =	por !p2, p0  }
0x20: {  	[sflag:s8] =	ssyncset.s32 @!p0 $0xFFFFF086;
	s6 =	sadd.s32 @!p0 s3, s7;
	s7 =	simm.s32 @!p0 $0x108  }
0x21: {  	s3 =	sadd.s32 s3, s9;
	s6 =	sadd.s32 @!p0 $0x88, s6;
	s7 =	simm.s32 @p2 $0x1082  }
0x22: {  	[simem:s7], [sflag:s8] =	dma.local @!p0 [hbm:s6], $0xF7A  }
0x23: {  	s9 =	sor.u32 $0xD0000000, s2;
	s6 =	simm.s32 $0x108;
	_ =	swait.ge @!p0 [sflag:s8], $0x0  }
0x24: {  	s3 =	sadd.s32 $0x88, s3;
	s6 =	simm.s32 @!p1 $0x1082;
	[sflag:s4] =	ssyncset.s32 $0xFFFFF086  }
0x25: {  	[simem:s6], [sflag:s4] =	dma.local [hbm:s3], $0xF7A  }
0x26: {  	[smem:$0x3F9D] =	sst s1;
	(tag) =	ssettag s2;
	_ =	strace s9  }
0x27: {  	s1 =	sld [smem:$0x3FAD]  }
0x28: {  	s2 =	sld [smem:$0x3FAE]  }
0x29: {  	s4 =	sld [smem:$0x3FB0]  }
0x2a: {  	p0 =	seq.s32 s5, $0x0;
	s5 =	sld [smem:$0x3FB1]  }
0x2b: {  	s6 =	sld [smem:$0x3FB2]  }
0x2c: {  	s7 =	sld [smem:$0x3FB3]  }
0x2d: {  	s3 =	simm.s32 $0x108;
	s8 =	sld [smem:$0x3FB4]  }
0x2e: {  	s3 =	simm.s32 @!p0 $0x1082;
	s9 =	sld [smem:$0x3FB5]  }
0x2f: {  	lr =	sadd.s32 s0, s3;
	s0 =	sld [smem:$0x3FAC]  }
0x30: {  	s3 =	sld [smem:$0x3FAF]  }
0x31: {  	[smem:$0x3FB8] =	sst s10  }
0x32: {  	s10 =	sld [smem:$0x3FB6];
	_ =	sdelay $0x3  }
0x33: {  	p0 =	seq.s32 s10, $0x1;
	s10 =	sld [smem:$0x3FB8];
	_ =	sdelay $0x3  }
0x34: {  	[smem:$0x3FB8] =	sst s10  }
0x35: {  	s10 =	sld [smem:$0x3FB7];
	_ =	sdelay $0x3  }
0x36: {  	p1 =	seq.s32 s10, $0x1;
	s10 =	sld [smem:$0x3FB8];
	_ =	sdelay $0x3  }
0x37: {  	[smem:$0x3FB8] =	sst s10  }
0x38: {  	s10 =	sld [smem:$0x3FB9]  }
0x39: {  	_ = 	snop;
	(pc) =	sbr.ind lr, $3  }
0x3a: {  	_ = 	snop  }
0x3b: {  	_ = 	snop  }
0x3c: {  	p2 =	seq.s32 s10, $0x1;
	s10 =	sld [smem:$0x3FB8]  }
0x3d: {  	_ =	shalt  }
0x3e: {  	_ =	shalt  }
0x3f: {  	_ =	shalt  }
0x40: {  	_ =	shalt  }
0x41: {  	_ =	shalt  }
0x42: {  	_ =	shalt  }
0x43: {  	_ =	shalt  }
0x44: {  	_ =	shalt  }
0x45: {  	_ =	shalt  }
0x46: {  	_ =	shalt  }
0x47: {  	_ =	shalt  }
0x48: {  	_ =	shalt  }
0x49: {  	_ =	shalt  }
0x4a: {  	_ =	shalt  }
0x4b: {  	_ =	shalt  }
0x4c: {  	_ =	shalt  }
0x4d: {  	_ =	shalt  }
0x4e: {  	_ =	shalt  }
0x4f: {  	_ =	shalt  }
0x50: {  	_ =	shalt  }
0x51: {  	_ =	shalt  }
0x52: {  	_ =	shalt  }
0x53: {  	_ =	shalt  }
0x54: {  	_ =	shalt  }
0x55: {  	_ =	shalt  }
0x56: {  	_ =	shalt  }
0x57: {  	_ =	shalt  }
0x58: {  	_ =	shalt  }
0x59: {  	_ =	shalt  }
0x5a: {  	_ =	shalt  }
0x5b: {  	_ =	shalt  }
0x5c: {  	_ =	shalt  }
0x5d: {  	_ =	shalt  }
0x5e: {  	_ =	shalt  }
0x5f: {  	_ =	shalt  }
0x60: {  	_ =	shalt  }
0x61: {  	_ =	shalt  }
0x62: {  	_ =	shalt  }
0x63: {  	_ =	shalt  }
0x64: {  	_ =	shalt  }
0x65: {  	_ =	shalt  }
0x66: {  	_ =	shalt  }
0x67: {  	_ =	shalt  }
0x68: {  	_ =	shalt  }
0x69: {  	_ =	shalt  }
0x6a: {  	_ =	shalt  }
0x6b: {  	_ =	shalt  }
0x6c: {  	_ =	shalt  }
0x6d: {  	_ =	shalt  }
0x6e: {  	_ =	shalt  }
0x6f: {  	_ =	shalt  }
0x70: {  	_ =	shalt  }
0x71: {  	_ =	shalt  }
0x72: {  	_ =	shalt  }
0x73: {  	_ =	shalt  }
0x74: {  	_ =	shalt  }
0x75: {  	_ =	shalt  }
0x76: {  	_ =	shalt  }
0x77: {  	_ =	shalt  }
0x78: {  	_ =	shalt  }
0x79: {  	_ =	shalt  }
0x7a: {  	_ =	shalt  }
0x7b: {  	_ =	shalt  }
0x7c: {  	_ =	shalt  }
0x7d: {  	_ =	shalt  }
0x7e: {  	_ =	shalt  }
0x7f: {  	_ =	shalt  }
0x80: {  	_ =	shalt  }
0x81: {  	_ =	shalt  }
0x82: {  	_ =	shalt  }
0x83: {  	_ =	shalt  }
0x84: {  	_ =	shalt  }
0x85: {  	_ =	shalt  }
0x86: {  	_ =	shalt  }
0x87: {  	_ =	shalt  }
.Lfunc_end0:
.L_simem_size_0:
called_computation.2_lowered:
.L_overlay_start_0:
0x88: {  	s2 =	sld [smem:$0x3FD9]  }
0x89: {  	s3 =	sld [smem:$0x3FFE];
	_ =	sdelay $0x1  }
0x8a: {  	s1 =	srdreg.scid  }
0x8b: {  	s0 =	sand.u32 $0x1, s1  }
0x8c: {  	s17 =	sshll.u32 s0, $0xA;
	s2 =	sadd.s32 s3, s2  }
0x8d: {  	s2 =	sadd.s32 s2, s17  }
0x8e: {  	[smem:$0x3FC4] =	sst s2  }
0x8f: {  	_ = 	snop  }
0x90: {  	s2 =	sld [smem:$0x3FD0];
	(tm) =	ssettm $0x1  }
0x91: {  	s18 =	sld [smem:$0x3FFB];
	_ =	sdelay $0x3  }
0x92: {  	_ =	strace s18  }
0x93: {  	s3 =	sld [smem:$0x3FFC];
	_ =	sdelay $0x3  }
0x94: {  	_ =	strace s3  }
0x95: {  	s3 =	sld [smem:$0x3FFD];
	_ =	sdelay $0x3  }
0x96: {  	_ =	strace s3  }
0x97: {  	_ =	strace $0x8FFFFFFF  }
0x98: {  	s19 =	sld [smem:$0x3FDB];
	_ =	sdelay $0x1  }
0x99: {  	s4 =	simm.s32 $_scs_section_size  }
0x9a: {  	s5 =	simm.s32 $_size__tile_overlayer_lowered;
	s6 =	simm.s32 $_tile_overlayer_lowered  }
0x9b: {  	s22 =	simm.s32 $0x1BFF;
	s21 =	sshll.u32 s6, $0x1;
	s3 =	sadd.s32 s4, s19  }
0x9c: {  	s7 =	simm.s32 $0x0;
	s20 =	sshll.u32 s5, $0x1;
	s5 =	sadd.s32 s21, s3  }
0x9d: {  	[timem:s7], [sflag:s22] =	dma.local [hbm:s5], s20  }
0x9e: {  	_ =	swait.ge [sflag:s22], s20  }
0x9f: {  	s4 =	ssub.s32 $0x0, s20;
	[sflag:s22] =	ssyncset.done $0x0  }
0xa0: {  	[sflag:s22] =	ssyncadd.s32 s4;
	_ =	sdelay $0x1  }
0xa1: {  	s23 =	simm.s32 $0x1B8B  }
0xa2: {  	_ =	swait.ge [sflag:s23], $0x1  }
0xa3: {  	[sflag:s23] =	ssyncset.done $0x0  }
0xa4: {  	s25 =	simm.s32 $0x1B8E;
	s24 =	sld [smem:$0x3FFE];
	[sflag:s23] =	ssyncadd.s32 $0xFFFFFFFF  }
0xa5: {  	s26 =	simm.s32 $execute0_lowered;
	[smem:$0x3FD2] =	sst s25  }
0xa6: {  	s5 =	sshll.u32 s26, $0x1;
	_ =	strace $0x8000004C;
	[dreg:$0x1] =	wrdreg $0xFFFFFFFF  }
0xa7: {  	s28 =	simm.s32 $_size_execute0_lowered;
	s3 =	sadd.s32 s3, s5;
	[dreg:$0x0] =	wrdreg $0x0  }
0xa8: {  	s5 =	sshll.u32 s28, $0x1;
	[dreg:$0x2] =	wrdreg s3  }
0xa9: {  	[dreg:$0x3] =	wrdreg s5  }
0xaa: {  	[dreg:$0x4] =	wrdreg $0xC0  }
0xab: {  	_ =	task [dreg:s7], $0x5FFFF  }
0xac: {  	[dreg:$0x1] =	wrdreg $0xFFFFFFFF  }
0xad: {  	[dreg:$0x0] =	wrdreg $0x60  }
0xae: {  	[dreg:$0x2] =	wrdreg s2  }
0xaf: {  	[dreg:$0x3] =	wrdreg s24  }
0xb0: {  	[dreg:$0x4] =	wrdreg $0x76200  }
0xb1: {  	[dreg:$0x5] =	wrdreg $0x9  }
0xb2: {  	_ =	task.clear_ibuf [dreg:s7], $0x6FFFF;
	_ =	strace $0x9000004C  }
0xb3: {  	s29 =	simm.s32 $0x9;
	_ =	strace $0x8000004E  }
0xb4: {  	_ =	swait.ge [sflag:s29], $0x1  }
0xb5: {  	[sflag:s29] =	ssyncadd.s32 $0xFFFFFFFF  }
0xb6: {  	_ =	strace $0x9000004E  }
0xb7: {  	_ =	sfence  }
0xb8: {  	s30 =	sld [smem:$0x0];
	_ =	sdelay $0x2  }
0xb9: {  	s31 =	sshll.u32 s1, $0xD;
	s1 =	sshrl.u32 s1, $0x2  }
0xba: {  	s3 =	sand.u32 $0x4000, s31;
	s1 =	sadd.s32 s1, s30  }
0xbb: {  	s0 =	sor.u32 s3, s0;
	s1 =	sshll.u32 s1, $0x11  }
0xbc: {  	s0 =	sor.u32 s1, s0  }
0xbd: {  	s0 =	sadd.s32 $0x8F2B, s0  }
0xbe: {  	[sflag:s0] =	ssyncadd.remote.s32 $0x1  }
0xbf: {  	_ =	sfence.sel $0xFFFF  }
0xc0: {  	[dreg:$0x0] =	wrdreg $0xFFFFFFFF;
	(pc) =	sbr.abs _section_cstart, $3  }
0xc1: {  	[dreg:$0x1] =	wrdreg $0xFFFFFFFF  }
0xc2: {  	_ =	task.clear_ibuf [dreg:s7], $0x2FFFF;
	_ =	strace $0x9FFFFFFF  }
0xc3: {  	(tm) =	ssettm $0x7FFFFFFF  }
tec
execute0_lowered:
.L_overlay_start_1:
0x0: {  	(tag) =	ssettag $0x1  }
0x1: {  	s0 =	rddreg [dreg:$0x0]  }
0x2: {  	s1 =	srdreg.scid;
	s2 =	rddreg [dreg:$0x1]  }
0x3: {  	s3 =	rddreg [dreg:$0x2];
	s8 =	stileid.u32;
	s5 =	simm.s32 $0x0  }
0x4: {  	s14 =	simm.s32 $0x11;
	s16 =	simm.s32 $0x50;
	s28 =	simm.s32 $0x7120  }
0x5: {  	s29 =	simm.s32 $0x1;
	s30 =	simm.s32 $0x2;
	s31 =	simm.s32 $0x3  }
0x6: {  	s15 =	simm.s32 $0xA;
	s9 =	simm.s32 $0xD;
	s10 =	simm.s32 $0xE  }
0x7: {  	s11 =	simm.s32 $0xF;
	s12 =	simm.s32 $0x10;
	s17 =	simm.s32 $0x0  }
0x8: {  	s1 =	sand.u32 $0x1, s1;
	[smem:$0x7FF] =	sst s5;
	s7 =	smul.u32 $0x2700, s8  }
0x9: {  	s23 =	sadd.s32 $0x27000, s3;
	s24 =	sadd.s32 $0x4E00, s0;
	p0 =	sne.s32 s8, $0xF  }
0xa: {  	s26 =	sshll.u32 s8, $0x6;
	s4 =	sshll.u32 s1, $0x4;
	_ =	strace $0x8000004D  }
0xb: {  	s18 =	ssub.s32 $0x2, s1;
	s1 =	smul.u32 $0x27100, s1;
	[dreg:$0x8] =	wrdreg s23  }
0xc: {  	[dreg:$0x9] =	wrdreg s24;
	s23 =	sor.u32 $0x1C11, s26;
	s24 =	simm.s32 $0x6220  }
0xd: {  	s26 =	simm.s32 $0x6C20;
	s4 =	sor.u32 s8, s4;
	s6 =	sshrl.u32 s18, $0x1  }
0xe: {  	s20 =	sshrl.u32 s7, $0x3;
	s21 =	sadd.s32 s7, s3;
	s8 =	simm.s32 $0x8  }
0xf: {  	[dreg:$0xd] =	wrdreg s23;
	s4 =	smul.u32 $0x4E2, s4;
	s5 =	ssub.s32 s18, s6  }
0x10: {  	[dreg:$0x6] =	wrdreg s21;
	s22 =	sadd.s32 s7, s1;
	s1 =	sshrl.u32 s1, $0x3  }
0x11: {  	s18 =	simm.s32 $0x5320;
	s21 =	simm.s32 $0xC;
	s6 =	simm.s32 $0x6  }
0x12: {  	s7 =	simm.s32 $0x7;
	s25 =	smax.u32 s5, $0x1;
	s4 =	sadd.s32 s4, s2  }
0x13: {  	s5 =	simm.s32 $0x5;
	[dreg:$0xc] =	wrdreg s25;
	s19 =	sadd.s32 $0x1A00, s4  }
0x14: {  	s2 =	sadd.s32 $0x15600, s2;
	s4 =	sadd.s32 $0xB800, s4;
	[dreg:$0x4] =	wrdreg s19  }
0x15: {  	s25 =	simm.s32 $0x6720;
	s1 =	sadd.s32 s2, s1;
	[dreg:$0x5] =	wrdreg s4  }
0x16: {  	s4 =	sadd.s32 s0, s20;
	s1 =	sadd.s32 $0x4E00, s1;
	s20 =	simm.s32 $0x5820  }
0x17: {  	s19 =	simm.s32 $0xB;
	[dreg:$0x7] =	wrdreg s4;
	s4 =	sshrl.u32 s22, $0x3  }
0x18: {  	[dreg:$0xb] =	wrdreg s1;
	s22 =	simm.s32 $0x5D20;
	s4 =	sadd.s32 s2, s4  }
0x19: {  	s1 =	simm.s32 $0x4;
	s2 =	simm.s32 $0x9;
	[dreg:$0xa] =	wrdreg s4  }
.LBB2_1:
0x1a: {  	[dreg:$0xe] =	wrdreg s17  }
0x1b: {  	s4 =	simm.s32 $0x0;
	s13 =	rddreg [dreg:$0x4]  }
0x1c: {  	[tilespmem:s4], [sflag:$0x11] =	stream.linear.gather [hbm4b:s13+s4], $0x2710, $0x38;
	[tilespmem:$0x9D30] =	vst v63  }
0x1d: {  	_ =	swait.ge [sflag:s14], $0x2710  }
0x1e: {  	[sflag:s14] =	ssyncset.done $0x0  }
0x1f: {  	s17 =	simm.s32 $0x2710;
	s13 =	rddreg [dreg:$0x5];
	[sflag:s14] =	ssyncadd.s32 $0xFFFFD8F0  }
0x20: {  	[tilespmem:s17], [sflag:$0x11] =	stream.linear.gather [hbm4b:s13+s4], $0x2710, $0x38;
	[tilespmem:$0x9D30] =	vst v63  }
0x21: {  	_ =	swait.ge [sflag:s14], $0x2710  }
0x22: {  	[sflag:s14] =	ssyncset.done $0x0  }
0x23: {  	s13 =	simm.s32 $0x4E20;
	[sflag:s14] =	ssyncadd.s32 $0xFFFFD8F0  }
0x24: {  	[tilespmem:s13], [sflag:$0x1] =	stream.indirect.gather [hbm4b:s0+s16], $0x10, s4, s16, $0xb8;
	[tilespmem:$0x9D30] =	vst v63  }
0x25: {  	_ = 	snop  }
0x26: {  	[tilespmem:s18], [sflag:$0x2] =	stream.indirect.gather [hbm4b:s0+s16], $0x10, s16, s16, $0xb8;
	[tilespmem:$0x9D30] =	vst v63  }
0x27: {  	s17 =	simm.s32 $0xA0  }
0x28: {  	[tilespmem:s20], [sflag:$0x3] =	stream.indirect.gather [hbm4b:s0+s16], $0x10, s17, s16, $0xb8;
	[tilespmem:$0x9D30] =	vst v63  }
0x29: {  	s17 =	simm.s32 $0xF0  }
0x2a: {  	[tilespmem:s22], [sflag:$0x4] =	stream.indirect.gather [hbm4b:s0+s16], $0x10, s17, s16, $0xb8;
	[tilespmem:$0x9D30] =	vst v63  }
0x2b: {  	s17 =	rddreg [dreg:$0x6]  }
0x2c: {  	s4 =	rddreg [dreg:$0x7];
	s17 =	sshrl.u32 s17, $0x3  }
0x2d: {  	[dreg:$0xf] =	wrdreg s17  }
0x2e: {  	[spmem:s17], [sflag:s23] =	dma.local [hbm:s4], $0x4E0  }
0x2f: {  	_ =	swait.ge [sflag:s14], $0x4E0  }
0x30: {  	[sflag:s14] =	ssyncset.done $0x0;
	s4 =	rddreg [dreg:$0x8]  }
0x31: {  	[sflag:s14] =	ssyncadd.s32 $0xFFFFFB20;
	s14 =	sshrl.u32 @!p0 s4, $0x3;
	s4 =	rddreg [dreg:$0x9]  }
0x32: {  	[dreg:$0x10] =	wrdreg s14  }
0x33: {  	[spmem:s14], [sflag:s23] =	dma.local @!p0 [hbm:s4], $0x20  }
0x34: {  	s4 =	simm.s32 @!p0 $0x11  }
0x35: {  	_ =	swait.ge @!p0 [sflag:s4], $0x20  }
0x36: {  	[sflag:s4] =	ssyncset.done @!p0 $0x0  }
0x37: {  	[sflag:s4] =	ssyncadd.s32 @!p0 $0xFFFFFFE0  }
0x38: {  	s14 =	simm.s32 $0x140;
	[bflag:$0x0] =	sbarrier.arrive $0xFFFF  }
0x39: {  	[tilespmem:s24], [sflag:$0x5] =	stream.indirect.gather [hbm4b:s0+s16], $0x10, s14, s16, $0xb8;
	[tilespmem:$0x9D30] =	vst v63  }
0x3a: {  	s17 =	simm.s32 $0x190  }
0x3b: {  	[tilespmem:s25], [sflag:$0x6] =	stream.indirect.gather [hbm4b:s0+s16], $0x10, s17, s16, $0xb8;
	[tilespmem:$0x9D30] =	vst v63  }
0x3c: {  	s23 =	simm.s32 $0x1E0  }
0x3d: {  	[tilespmem:s26], [sflag:$0x7] =	stream.indirect.gather [hbm4b:s0+s16], $0x10, s23, s16, $0xb8;
	[tilespmem:$0x9D30] =	vst v63  }
0x3e: {  	s14 =	simm.s32 $0x230  }
0x3f: {  	[tilespmem:s28], [sflag:$0x8] =	stream.indirect.gather [hbm4b:s0+s16], $0x10, s14, s16, $0xb8;
	[tilespmem:$0x9D30] =	vst v63  }
0x40: {  	_ =	swait.ge [sflag:s29], $0x500  }
0x41: {  	[sflag:s29] =	ssyncset.done $0x0  }
0x42: {  	s17 =	simm.s32 $0x2710;
	[sflag:s29] =	ssyncadd.s32 $0xFFFFFB00  }
0x43: {  	[spmem:s3] =	stream.indirect.scatter.add.f32 [tilespmem:s13], [sflag:$0x9], $0x10, s17, s16, $0xb8;
	[tilespmem:$0x9D30] =	vst v63  }
0x44: {  	_ =	swait.ge [sflag:s30], $0x500  }
0x45: {  	[sflag:s30] =	ssyncset.done $0x0  }
0x46: {  	s23 =	simm.s32 $0x2760;
	[sflag:s30] =	ssyncadd.s32 $0xFFFFFB00  }
0x47: {  	[spmem:s3] =	stream.indirect.scatter.add.f32 [tilespmem:s18], [sflag:$0xA], $0x10, s23, s16, $0xb8;
	[tilespmem:$0x9D30] =	vst v63  }
0x48: {  	_ =	swait.ge [sflag:s31], $0x500  }
0x49: {  	[sflag:s31] =	ssyncset.done $0x0  }
0x4a: {  	s14 =	simm.s32 $0x27B0;
	[sflag:s31] =	ssyncadd.s32 $0xFFFFFB00  }
0x4b: {  	[spmem:s3] =	stream.indirect.scatter.add.f32 [tilespmem:s20], [sflag:$0xB], $0x10, s14, s16, $0xb8;
	[tilespmem:$0x9D30] =	vst v63  }
0x4c: {  	_ =	swait.ge [sflag:s1], $0x500  }
0x4d: {  	[sflag:s1] =	ssyncset.done $0x0  }
0x4e: {  	s17 =	simm.s32 $0x2800;
	[sflag:s1] =	ssyncadd.s32 $0xFFFFFB00  }
0x4f: {  	[spmem:s3] =	stream.indirect.scatter.add.f32 [tilespmem:s22], [sflag:$0xC], $0x10, s17, s16, $0xb8;
	[tilespmem:$0x9D30] =	vst v63  }
0x50: {  	_ =	swait.ge [sflag:s2], $0x500  }
0x51: {  	[sflag:s2] =	ssyncset.done $0x0  }
0x52: {  	[sflag:s2] =	ssyncadd.s32 $0xFFFFFB00  }
0x53: {  	_ =	swait.ge [sflag:s15], $0x500  }
0x54: {  	[sflag:s15] =	ssyncset.done $0x0  }
0x55: {  	[sflag:s15] =	ssyncadd.s32 $0xFFFFFB00  }
0x56: {  	_ =	swait.ge [sflag:s19], $0x500  }
0x57: {  	[sflag:s19] =	ssyncset.done $0x0  }
0x58: {  	[sflag:s19] =	ssyncadd.s32 $0xFFFFFB00  }
0x59: {  	_ =	swait.ge [sflag:s21], $0x500  }
0x5a: {  	[sflag:s21] =	ssyncset.done $0x0  }
0x5b: {  	s23 =	simm.s32 $0x280;
	[sflag:s21] =	ssyncadd.s32 $0xFFFFFB00  }
0x5c: {  	[tilespmem:s13], [sflag:$0x1] =	stream.indirect.gather [hbm4b:s0+s16], $0x10, s23, s16, $0xb8;
	[tilespmem:$0x9D30] =	vst v63  }
0x5d: {  	s14 =	simm.s32 $0x2D0  }
0x5e: {  	[tilespmem:s18], [sflag:$0x2] =	stream.indirect.gather [hbm4b:s0+s16], $0x10, s14, s16, $0xb8;
	[tilespmem:$0x9D30] =	vst v63  }
0x5f: {  	s17 =	simm.s32 $0x320  }
0x60: {  	[tilespmem:s20], [sflag:$0x3] =	stream.indirect.gather [hbm4b:s0+s16], $0x10, s17, s16, $0xb8;
	[tilespmem:$0x9D30] =	vst v63  }
0x61: {  	s23 =	simm.s32 $0x370  }
0x62: {  	[tilespmem:s22], [sflag:$0x4] =	stream.indirect.gather [hbm4b:s0+s16], $0x10, s23, s16, $0xb8;
	[tilespmem:$0x9D30] =	vst v63  }
0x63: {  	_ =	swait.ge [sflag:s5], $0x500  }
0x64: {  	[sflag:s5] =	ssyncset.done $0x0  }
0x65: {  	s13 =	simm.s32 $0x2850;
	[sflag:s5] =	ssyncadd.s32 $0xFFFFFB00  }
0x66: {  	[spmem:s3] =	stream.indirect.scatter.add.f32 [tilespmem:s24], [sflag:$0xD], $0x10, s13, s16, $0xb8;
	[tilespmem:$0x9D30] =	vst v63  }
0x67: {  	_ =	swait.ge [sflag:s6], $0x500  }
0x68: {  	[sflag:s6] =	ssyncset.done $0x0  }
0x69: {  	s14 =	simm.s32 $0x28A0;
	[sflag:s6] =	ssyncadd.s32 $0xFFFFFB00  }
0x6a: {  	[spmem:s3] =	stream.indirect.scatter.add.f32 [tilespmem:s25], [sflag:$0xE], $0x10, s14, s16, $0xb8;
	[tilespmem:$0x9D30] =	vst v63  }
0x6b: {  	_ =	swait.ge [sflag:s7], $0x500  }
0x6c: {  	[sflag:s7] =	ssyncset.done $0x0  }
0x6d: {  	s17 =	simm.s32 $0x28F0;
	[sflag:s7] =	ssyncadd.s32 $0xFFFFFB00  }
0x6e: {  	[spmem:s3] =	stream.indirect.scatter.add.f32 [tilespmem:s26], [sflag:$0xF], $0x10, s17, s16, $0xb8;
	[tilespmem:$0x9D30] =	vst v63  }
0x6f: {  	_ =	swait.ge [sflag:s8], $0x500  }
0x70: {  	[sflag:s8] =	ssyncset.done $0x0  }
0x71: {  	s23 =	simm.s32 $0x2940;
	[sflag:s8] =	ssyncadd.s32 $0xFFFFFB00  }
0x72: {  	[spmem:s3] =	stream.indirect.scatter.add.f32 [tilespmem:s28], [sflag:$0x10], $0x10, s23, s16, $0xb8;
	[tilespmem:$0x9D30] =	vst v63  }
0x73: {  	_ =	swait.ge [sflag:s9], $0x500  }
0x74: {  	[sflag:s9] =	ssyncset.done $0x0  }
0x75: {  	[sflag:s9] =	ssyncadd.s32 $0xFFFFFB00  }
0x76: {  	_ =	swait.ge [sflag:s10], $0x500  }
0x77: {  	[sflag:s10] =	ssyncset.done $0x0  }
0x78: {  	[sflag:s10] =	ssyncadd.s32 $0xFFFFFB00  }
0x79: {  	_ =	swait.ge [sflag:s11], $0x500  }
0x7a: {  	[sflag:s11] =	ssyncset.done $0x0  }
0x7b: {  	[sflag:s11] =	ssyncadd.s32 $0xFFFFFB00  }
0x7c: {  	_ =	swait.ge [sflag:s12], $0x500  }
0x7d: {  	s4 =	simm.s32 $0x280;
	s23 =	simm.s32 $0x1400;
	[sflag:s12] =	ssyncset.done $0x0  }
.LBB2_2:
0x7e: {  	s17 =	sadd.s32 $0x140, s4  }
0x7f: {  	[sflag:s12] =	ssyncadd.s32 $0xFFFFFB00;
	s14 =	smov.u32 s23;
	s13 =	sadd.s32 $0xA00, s23  }
0x80: {  	[tilespmem:s24], [sflag:$0x5] =	stream.indirect.gather [hbm4b:s0+s16], $0x10, s17, s16, $0xb8;
	[tilespmem:$0x9D30] =	vst v63  }
0x81: {  	p1 =	sne.s32 s23, $0x8200;
	s17 =	sadd.s32 $0x190, s4  }
0x82: {  	[tilespmem:s25], [sflag:$0x6] =	stream.indirect.gather [hbm4b:s0+s16], $0x10, s17, s16, $0xb8;
	[tilespmem:$0x9D30] =	vst v63  }
0x83: {  	s17 =	sadd.s32 $0x1E0, s4  }
0x84: {  	[tilespmem:s26], [sflag:$0x7] =	stream.indirect.gather [hbm4b:s0+s16], $0x10, s17, s16, $0xb8;
	[tilespmem:$0x9D30] =	vst v63  }
0x85: {  	s17 =	sadd.s32 $0x230, s4  }
0x86: {  	[tilespmem:s28], [sflag:$0x8] =	stream.indirect.gather [hbm4b:s0+s16], $0x10, s17, s16, $0xb8;
	[tilespmem:$0x9D30] =	vst v63  }
0x87: {  	_ =	swait.ge [sflag:s29], $0x500  }
0x88: {  	[sflag:s29] =	ssyncset.done $0x0  }
0x89: {  	s23 =	simm.s32 $0x4E20;
	s17 =	sadd.s32 $0x2710, s4;
	[sflag:s29] =	ssyncadd.s32 $0xFFFFFB00  }
0x8a: {  	[spmem:s3] =	stream.indirect.scatter.add.f32 [tilespmem:s23], [sflag:$0x9], $0x10, s17, s16, $0xb8;
	[tilespmem:$0x9D30] =	vst v63  }
0x8b: {  	_ =	swait.ge [sflag:s30], $0x500  }
0x8c: {  	[sflag:s30] =	ssyncset.done $0x0  }
0x8d: {  	s17 =	sadd.s32 $0x2760, s4;
	[sflag:s30] =	ssyncadd.s32 $0xFFFFFB00  }
0x8e: {  	[spmem:s3] =	stream.indirect.scatter.add.f32 [tilespmem:s18], [sflag:$0xA], $0x10, s17, s16, $0xb8;
	[tilespmem:$0x9D30] =	vst v63  }
0x8f: {  	_ =	swait.ge [sflag:s31], $0x500  }
0x90: {  	[sflag:s31] =	ssyncset.done $0x0  }
0x91: {  	s17 =	sadd.s32 $0x27B0, s4;
	[sflag:s31] =	ssyncadd.s32 $0xFFFFFB00  }
0x92: {  	[spmem:s3] =	stream.indirect.scatter.add.f32 [tilespmem:s20], [sflag:$0xB], $0x10, s17, s16, $0xb8;
	[tilespmem:$0x9D30] =	vst v63  }
0x93: {  	_ =	swait.ge [sflag:s1], $0x500  }
0x94: {  	[sflag:s1] =	ssyncset.done $0x0  }
0x95: {  	s17 =	sadd.s32 $0x2800, s4;
	[sflag:s1] =	ssyncadd.s32 $0xFFFFFB00  }
0x96: {  	[spmem:s3] =	stream.indirect.scatter.add.f32 [tilespmem:s22], [sflag:$0xC], $0x10, s17, s16, $0xb8;
	[tilespmem:$0x9D30] =	vst v63  }
0x97: {  	_ =	swait.ge [sflag:s2], $0x500  }
0x98: {  	[sflag:s2] =	ssyncset.done $0x0  }
0x99: {  	[sflag:s2] =	ssyncadd.s32 $0xFFFFFB00  }
0x9a: {  	_ =	swait.ge [sflag:s15], $0x500  }
0x9b: {  	[sflag:s15] =	ssyncset.done $0x0  }
0x9c: {  	[sflag:s15] =	ssyncadd.s32 $0xFFFFFB00  }
0x9d: {  	_ =	swait.ge [sflag:s19], $0x500  }
0x9e: {  	[sflag:s19] =	ssyncset.done $0x0  }
0x9f: {  	[sflag:s19] =	ssyncadd.s32 $0xFFFFFB00  }
0xa0: {  	_ =	swait.ge [sflag:s21], $0x500  }
0xa1: {  	[sflag:s21] =	ssyncset.done $0x0  }
0xa2: {  	s17 =	sadd.s32 $0x280, s4;
	[sflag:s21] =	ssyncadd.s32 $0xFFFFFB00  }
0xa3: {  	[tilespmem:s23], [sflag:$0x1] =	stream.indirect.gather [hbm4b:s0+s16], $0x10, s17, s16, $0xb8;
	[tilespmem:$0x9D30] =	vst v63  }
0xa4: {  	s17 =	sadd.s32 $0x2D0, s4  }
0xa5: {  	[tilespmem:s18], [sflag:$0x2] =	stream.indirect.gather [hbm4b:s0+s16], $0x10, s17, s16, $0xb8;
	[tilespmem:$0x9D30] =	vst v63  }
0xa6: {  	s17 =	sadd.s32 $0x320, s4  }
0xa7: {  	[tilespmem:s20], [sflag:$0x3] =	stream.indirect.gather [hbm4b:s0+s16], $0x10, s17, s16, $0xb8;
	[tilespmem:$0x9D30] =	vst v63  }
0xa8: {  	s17 =	sadd.s32 $0x370, s4  }
0xa9: {  	[tilespmem:s22], [sflag:$0x4] =	stream.indirect.gather [hbm4b:s0+s16], $0x10, s17, s16, $0xb8;
	[tilespmem:$0x9D30] =	vst v63  }
0xaa: {  	_ =	swait.ge [sflag:s5], $0x500  }
0xab: {  	[sflag:s5] =	ssyncset.done $0x0  }
0xac: {  	s17 =	sadd.s32 $0x2850, s4;
	[sflag:s5] =	ssyncadd.s32 $0xFFFFFB00  }
0xad: {  	[spmem:s3] =	stream.indirect.scatter.add.f32 [tilespmem:s24], [sflag:$0xD], $0x10, s17, s16, $0xb8;
	[tilespmem:$0x9D30] =	vst v63  }
0xae: {  	_ =	swait.ge [sflag:s6], $0x500  }
0xaf: {  	[sflag:s6] =	ssyncset.done $0x0  }
0xb0: {  	s17 =	sadd.s32 $0x28A0, s4;
	[sflag:s6] =	ssyncadd.s32 $0xFFFFFB00  }
0xb1: {  	[spmem:s3] =	stream.indirect.scatter.add.f32 [tilespmem:s25], [sflag:$0xE], $0x10, s17, s16, $0xb8;
	[tilespmem:$0x9D30] =	vst v63  }
0xb2: {  	_ =	swait.ge [sflag:s7], $0x500  }
0xb3: {  	[sflag:s7] =	ssyncset.done $0x0  }
0xb4: {  	s17 =	sadd.s32 $0x28F0, s4;
	[sflag:s7] =	ssyncadd.s32 $0xFFFFFB00  }
0xb5: {  	[spmem:s3] =	stream.indirect.scatter.add.f32 [tilespmem:s26], [sflag:$0xF], $0x10, s17, s16, $0xb8;
	[tilespmem:$0x9D30] =	vst v63  }
0xb6: {  	_ =	swait.ge [sflag:s8], $0x500  }
0xb7: {  	[sflag:s8] =	ssyncset.done $0x0  }
0xb8: {  	s4 =	sadd.s32 $0x2940, s4;
	[sflag:s8] =	ssyncadd.s32 $0xFFFFFB00  }
0xb9: {  	[spmem:s3] =	stream.indirect.scatter.add.f32 [tilespmem:s28], [sflag:$0x10], $0x10, s4, s16, $0xb8;
	[tilespmem:$0x9D30] =	vst v63  }
0xba: {  	_ =	swait.ge [sflag:s9], $0x500  }
0xbb: {  	[sflag:s9] =	ssyncset.done $0x0  }
0xbc: {  	[sflag:s9] =	ssyncadd.s32 $0xFFFFFB00  }
0xbd: {  	_ =	swait.ge [sflag:s10], $0x500  }
0xbe: {  	[sflag:s10] =	ssyncset.done $0x0  }
0xbf: {  	[sflag:s10] =	ssyncadd.s32 $0xFFFFFB00  }
.Ltmp0:
0xc0: {  	_ =	swait.ge [sflag:s11], $0x500;
	(pc) =	sbr.rel @p1 .LBB2_2-.Ltmp0, $4  }
0xc1: {  	[sflag:s11] =	ssyncset.done $0x0  }
0xc2: {  	[sflag:s11] =	ssyncadd.s32 $0xFFFFFB00  }
0xc3: {  	_ =	swait.ge [sflag:s12], $0x500  }
0xc4: {  	s23 =	smov.u32 s13;
	s4 =	sshra.s32 s14, $0x2;
	[sflag:s12] =	ssyncset.done $0x0  }
0xc5: {  	s13 =	sadd.s32 $0x140, s4;
	[sflag:s12] =	ssyncadd.s32 $0xFFFFFB00  }
0xc6: {  	[tilespmem:s24], [sflag:$0x5] =	stream.indirect.gather [hbm4b:s0+s16], $0x10, s13, s16, $0xb8;
	[tilespmem:$0x9D30] =	vst v63  }
0xc7: {  	s17 =	sadd.s32 $0x190, s4  }
0xc8: {  	[tilespmem:s25], [sflag:$0x6] =	stream.indirect.gather [hbm4b:s0+s16], $0x10, s17, s16, $0xb8;
	[tilespmem:$0x9D30] =	vst v63  }
0xc9: {  	s23 =	sadd.s32 $0x1E0, s4  }
0xca: {  	[tilespmem:s26], [sflag:$0x7] =	stream.indirect.gather [hbm4b:s0+s16], $0x10, s23, s16, $0xb8;
	[tilespmem:$0x9D30] =	vst v63  }
0xcb: {  	s14 =	sadd.s32 $0x230, s4  }
0xcc: {  	[tilespmem:s28], [sflag:$0x8] =	stream.indirect.gather [hbm4b:s0+s16], $0x10, s14, s16, $0xb8;
	[tilespmem:$0x9D30] =	vst v63  }
0xcd: {  	_ =	swait.ge [sflag:s29], $0x500  }
0xce: {  	[sflag:s29] =	ssyncset.done $0x0  }
0xcf: {  	s17 =	sadd.s32 $0x2710, s4;
	s14 =	simm.s32 $0x4E20;
	[sflag:s29] =	ssyncadd.s32 $0xFFFFFB00  }
0xd0: {  	[spmem:s3] =	stream.indirect.scatter.add.f32 [tilespmem:s14], [sflag:$0x9], $0x10, s17, s16, $0xb8;
	[tilespmem:$0x9D30] =	vst v63  }
0xd1: {  	_ =	swait.ge [sflag:s30], $0x500  }
0xd2: {  	[sflag:s30] =	ssyncset.done $0x0  }
0xd3: {  	s23 =	sadd.s32 $0x2760, s4;
	[sflag:s30] =	ssyncadd.s32 $0xFFFFFB00  }
0xd4: {  	[spmem:s3] =	stream.indirect.scatter.add.f32 [tilespmem:s18], [sflag:$0xA], $0x10, s23, s16, $0xb8;
	[tilespmem:$0x9D30] =	vst v63  }
0xd5: {  	_ =	swait.ge [sflag:s31], $0x500  }
0xd6: {  	[sflag:s31] =	ssyncset.done $0x0  }
0xd7: {  	s17 =	sadd.s32 $0x27B0, s4;
	[sflag:s31] =	ssyncadd.s32 $0xFFFFFB00  }
0xd8: {  	[spmem:s3] =	stream.indirect.scatter.add.f32 [tilespmem:s20], [sflag:$0xB], $0x10, s17, s16, $0xb8;
	[tilespmem:$0x9D30] =	vst v63  }
0xd9: {  	_ =	swait.ge [sflag:s1], $0x500  }
0xda: {  	[sflag:s1] =	ssyncset.done $0x0  }
0xdb: {  	s23 =	sadd.s32 $0x2800, s4;
	[sflag:s1] =	ssyncadd.s32 $0xFFFFFB00  }
0xdc: {  	[spmem:s3] =	stream.indirect.scatter.add.f32 [tilespmem:s22], [sflag:$0xC], $0x10, s23, s16, $0xb8;
	[tilespmem:$0x9D30] =	vst v63  }
0xdd: {  	_ =	swait.ge [sflag:s2], $0x500  }
0xde: {  	[sflag:s2] =	ssyncset.done $0x0  }
0xdf: {  	[sflag:s2] =	ssyncadd.s32 $0xFFFFFB00  }
0xe0: {  	_ =	swait.ge [sflag:s15], $0x500  }
0xe1: {  	[sflag:s15] =	ssyncset.done $0x0  }
0xe2: {  	[sflag:s15] =	ssyncadd.s32 $0xFFFFFB00  }
0xe3: {  	_ =	swait.ge [sflag:s19], $0x500  }
0xe4: {  	[sflag:s19] =	ssyncset.done $0x0  }
0xe5: {  	[sflag:s19] =	ssyncadd.s32 $0xFFFFFB00  }
0xe6: {  	_ =	swait.ge [sflag:s21], $0x500  }
0xe7: {  	[sflag:s21] =	ssyncset.done $0x0  }
0xe8: {  	s17 =	sadd.s32 $0x280, s4;
	[sflag:s21] =	ssyncadd.s32 $0xFFFFFB00  }
0xe9: {  	[tilespmem:s14], [sflag:$0x1] =	stream.indirect.gather [hbm4b:s0+s16], $0x10, s17, s16, $0xb8;
	[tilespmem:$0x9D30] =	vst v63  }
0xea: {  	s23 =	sadd.s32 $0x2D0, s4  }
0xeb: {  	[tilespmem:s18], [sflag:$0x2] =	stream.indirect.gather [hbm4b:s0+s16], $0x10, s23, s16, $0xb8;
	[tilespmem:$0x9D30] =	vst v63  }
0xec: {  	s17 =	sadd.s32 $0x320, s4  }
0xed: {  	[tilespmem:s20], [sflag:$0x3] =	stream.indirect.gather [hbm4b:s0+s16], $0x10, s17, s16, $0xb8;
	[tilespmem:$0x9D30] =	vst v63  }
0xee: {  	s23 =	sadd.s32 $0x370, s4  }
0xef: {  	[tilespmem:s22], [sflag:$0x4] =	stream.indirect.gather [hbm4b:s0+s16], $0x10, s23, s16, $0xb8;
	[tilespmem:$0x9D30] =	vst v63  }
0xf0: {  	_ =	swait.ge [sflag:s5], $0x500  }
0xf1: {  	[sflag:s5] =	ssyncset.done $0x0  }
0xf2: {  	s17 =	sadd.s32 $0x2850, s4;
	[sflag:s5] =	ssyncadd.s32 $0xFFFFFB00  }
0xf3: {  	[spmem:s3] =	stream.indirect.scatter.add.f32 [tilespmem:s24], [sflag:$0xD], $0x10, s17, s16, $0xb8;
	[tilespmem:$0x9D30] =	vst v63  }
0xf4: {  	_ =	swait.ge [sflag:s6], $0x500  }
0xf5: {  	[sflag:s6] =	ssyncset.done $0x0  }
0xf6: {  	s23 =	sadd.s32 $0x28A0, s4;
	[sflag:s6] =	ssyncadd.s32 $0xFFFFFB00  }
0xf7: {  	[spmem:s3] =	stream.indirect.scatter.add.f32 [tilespmem:s25], [sflag:$0xE], $0x10, s23, s16, $0xb8;
	[tilespmem:$0x9D30] =	vst v63  }
0xf8: {  	_ =	swait.ge [sflag:s7], $0x500  }
0xf9: {  	[sflag:s7] =	ssyncset.done $0x0  }
0xfa: {  	s17 =	sadd.s32 $0x28F0, s4;
	[sflag:s7] =	ssyncadd.s32 $0xFFFFFB00  }
0xfb: {  	[spmem:s3] =	stream.indirect.scatter.add.f32 [tilespmem:s26], [sflag:$0xF], $0x10, s17, s16, $0xb8;
	[tilespmem:$0x9D30] =	vst v63  }
0xfc: {  	_ =	swait.ge [sflag:s8], $0x500  }
0xfd: {  	[sflag:s8] =	ssyncset.done $0x0  }
0xfe: {  	s23 =	sadd.s32 $0x2940, s4;
	[sflag:s8] =	ssyncadd.s32 $0xFFFFFB00  }
0xff: {  	[spmem:s3] =	stream.indirect.scatter.add.f32 [tilespmem:s28], [sflag:$0x10], $0x10, s23, s16, $0xb8;
	[tilespmem:$0x9D30] =	vst v63  }
0x100: {  	_ =	swait.ge [sflag:s9], $0x500  }
0x101: {  	[sflag:s9] =	ssyncset.done $0x0  }
0x102: {  	[sflag:s9] =	ssyncadd.s32 $0xFFFFFB00  }
0x103: {  	_ =	swait.ge [sflag:s10], $0x500  }
0x104: {  	[sflag:s10] =	ssyncset.done $0x0  }
0x105: {  	[sflag:s10] =	ssyncadd.s32 $0xFFFFFB00  }
0x106: {  	_ =	swait.ge [sflag:s11], $0x500  }
0x107: {  	[sflag:s11] =	ssyncset.done $0x0  }
0x108: {  	[sflag:s11] =	ssyncadd.s32 $0xFFFFFB00  }
0x109: {  	_ =	swait.ge [sflag:s12], $0x500  }
0x10a: {  	[sflag:s12] =	ssyncset.done $0x0  }
0x10b: {  	[sflag:s12] =	ssyncadd.s32 $0xFFFFFB00  }
0x10c: {  	_ =	swait.ge [sflag:s29], $0x500  }
0x10d: {  	[sflag:s29] =	ssyncset.done $0x0  }
0x10e: {  	s13 =	simm.s32 $0x4A10;
	[sflag:s29] =	ssyncadd.s32 $0xFFFFFB00  }
0x10f: {  	[spmem:s3] =	stream.indirect.scatter.add.f32 [tilespmem:s14], [sflag:$0x9], $0x10, s13, s16, $0xb8;
	[tilespmem:$0x9D30] =	vst v63  }
0x110: {  	_ =	swait.ge [sflag:s30], $0x500  }
0x111: {  	[sflag:s30] =	ssyncset.done $0x0  }
0x112: {  	s17 =	simm.s32 $0x4A60;
	[sflag:s30] =	ssyncadd.s32 $0xFFFFFB00  }
0x113: {  	[spmem:s3] =	stream.indirect.scatter.add.f32 [tilespmem:s18], [sflag:$0xA], $0x10, s17, s16, $0xb8;
	[tilespmem:$0x9D30] =	vst v63  }
0x114: {  	_ =	swait.ge [sflag:s31], $0x500  }
0x115: {  	[sflag:s31] =	ssyncset.done $0x0  }
0x116: {  	s23 =	simm.s32 $0x4AB0;
	[sflag:s31] =	ssyncadd.s32 $0xFFFFFB00  }
0x117: {  	[spmem:s3] =	stream.indirect.scatter.add.f32 [tilespmem:s20], [sflag:$0xB], $0x10, s23, s16, $0xb8;
	[tilespmem:$0x9D30] =	vst v63  }
0x118: {  	_ =	swait.ge [sflag:s1], $0x500  }
0x119: {  	[sflag:s1] =	ssyncset.done $0x0  }
0x11a: {  	s13 =	simm.s32 $0x4B00;
	[sflag:s1] =	ssyncadd.s32 $0xFFFFFB00  }
0x11b: {  	[spmem:s3] =	stream.indirect.scatter.add.f32 [tilespmem:s22], [sflag:$0xC], $0x10, s13, s16, $0xb8;
	[tilespmem:$0x9D30] =	vst v63  }
0x11c: {  	_ =	swait.ge [sflag:s2], $0x500  }
0x11d: {  	[sflag:s2] =	ssyncset.done $0x0  }
0x11e: {  	[sflag:s2] =	ssyncadd.s32 $0xFFFFFB00  }
0x11f: {  	_ =	swait.ge [sflag:s15], $0x500  }
0x120: {  	[sflag:s15] =	ssyncset.done $0x0  }
0x121: {  	[sflag:s15] =	ssyncadd.s32 $0xFFFFFB00  }
0x122: {  	_ =	swait.ge [sflag:s19], $0x500  }
0x123: {  	[sflag:s19] =	ssyncset.done $0x0  }
0x124: {  	[sflag:s19] =	ssyncadd.s32 $0xFFFFFB00  }
0x125: {  	_ =	swait.ge [sflag:s21], $0x500  }
0x126: {  	[sflag:s21] =	ssyncset.done $0x0  }
0x127: {  	s17 =	simm.s32 $0x2440;
	[sflag:s21] =	ssyncadd.s32 $0xFFFFFB00  }
0x128: {  	[tilespmem:s14], [sflag:$0x1] =	stream.indirect.gather [hbm4b:s0+s16], $0x10, s17, s16, $0xb8;
	[tilespmem:$0x9D30] =	vst v63  }
0x129: {  	s23 =	simm.s32 $0x2490  }
0x12a: {  	[tilespmem:s18], [sflag:$0x2] =	stream.indirect.gather [hbm4b:s0+s16], $0x10, s23, s16, $0xb8;
	[tilespmem:$0x9D30] =	vst v63  }
0x12b: {  	s13 =	simm.s32 $0x24E0  }
0x12c: {  	[tilespmem:s20], [sflag:$0x3] =	stream.indirect.gather [hbm4b:s0+s16], $0x10, s13, s16, $0xb8;
	[tilespmem:$0x9D30] =	vst v63  }
0x12d: {  	s17 =	simm.s32 $0x2530  }
0x12e: {  	[tilespmem:s22], [sflag:$0x4] =	stream.indirect.gather [hbm4b:s0+s16], $0x10, s17, s16, $0xb8;
	[tilespmem:$0x9D30] =	vst v63  }
0x12f: {  	s23 =	simm.s32 $0x2580  }
0x130: {  	[tilespmem:s24], [sflag:$0x5] =	stream.indirect.gather [hbm4b:s0+s16], $0x10, s23, s16, $0xb8;
	[tilespmem:$0x9D30] =	vst v63  }
0x131: {  	s13 =	simm.s32 $0x25D0  }
0x132: {  	[tilespmem:s25], [sflag:$0x6] =	stream.indirect.gather [hbm4b:s0+s16], $0x10, s13, s16, $0xb8;
	[tilespmem:$0x9D30] =	vst v63  }
0x133: {  	s17 =	simm.s32 $0x2620  }
0x134: {  	[tilespmem:s26], [sflag:$0x7] =	stream.indirect.gather [hbm4b:s0+s16], $0x10, s17, s16, $0xb8;
	[tilespmem:$0x9D30] =	vst v63  }
0x135: {  	s23 =	simm.s32 $0x2670  }
0x136: {  	[tilespmem:s28], [sflag:$0x8] =	stream.indirect.gather [hbm4b:s0+s16], $0x10, s23, s16, $0xb8;
	[tilespmem:$0x9D30] =	vst v63  }
0x137: {  	_ =	swait.ge [sflag:s29], $0x500  }
0x138: {  	[sflag:s29] =	ssyncset.done $0x0  }
0x139: {  	s13 =	simm.s32 $0x4B50;
	[sflag:s29] =	ssyncadd.s32 $0xFFFFFB00  }
0x13a: {  	[spmem:s3] =	stream.indirect.scatter.add.f32 [tilespmem:s14], [sflag:$0x9], $0x10, s13, s16, $0xb8;
	[tilespmem:$0x9D30] =	vst v63  }
0x13b: {  	_ =	swait.ge [sflag:s30], $0x500  }
0x13c: {  	[sflag:s30] =	ssyncset.done $0x0  }
0x13d: {  	s17 =	simm.s32 $0x4BA0;
	[sflag:s30] =	ssyncadd.s32 $0xFFFFFB00  }
0x13e: {  	[spmem:s3] =	stream.indirect.scatter.add.f32 [tilespmem:s18], [sflag:$0xA], $0x10, s17, s16, $0xb8;
	[tilespmem:$0x9D30] =	vst v63  }
0x13f: {  	_ =	swait.ge [sflag:s31], $0x500  }
0x140: {  	[sflag:s31] =	ssyncset.done $0x0  }
0x141: {  	s23 =	simm.s32 $0x4BF0;
	[sflag:s31] =	ssyncadd.s32 $0xFFFFFB00  }
0x142: {  	[spmem:s3] =	stream.indirect.scatter.add.f32 [tilespmem:s20], [sflag:$0xB], $0x10, s23, s16, $0xb8;
	[tilespmem:$0x9D30] =	vst v63  }
0x143: {  	_ =	swait.ge [sflag:s1], $0x500  }
0x144: {  	[sflag:s1] =	ssyncset.done $0x0  }
0x145: {  	s13 =	simm.s32 $0x4C40;
	[sflag:s1] =	ssyncadd.s32 $0xFFFFFB00  }
0x146: {  	[spmem:s3] =	stream.indirect.scatter.add.f32 [tilespmem:s22], [sflag:$0xC], $0x10, s13, s16, $0xb8;
	[tilespmem:$0x9D30] =	vst v63  }
0x147: {  	_ =	swait.ge [sflag:s5], $0x500  }
0x148: {  	[sflag:s5] =	ssyncset.done $0x0  }
0x149: {  	s17 =	simm.s32 $0x4C90;
	[sflag:s5] =	ssyncadd.s32 $0xFFFFFB00  }
0x14a: {  	[spmem:s3] =	stream.indirect.scatter.add.f32 [tilespmem:s24], [sflag:$0xD], $0x10, s17, s16, $0xb8;
	[tilespmem:$0x9D30] =	vst v63  }
0x14b: {  	_ =	swait.ge [sflag:s6], $0x500  }
0x14c: {  	[sflag:s6] =	ssyncset.done $0x0  }
0x14d: {  	s23 =	simm.s32 $0x4CE0;
	[sflag:s6] =	ssyncadd.s32 $0xFFFFFB00  }
0x14e: {  	[spmem:s3] =	stream.indirect.scatter.add.f32 [tilespmem:s25], [sflag:$0xE], $0x10, s23, s16, $0xb8;
	[tilespmem:$0x9D30] =	vst v63  }
0x14f: {  	_ =	swait.ge [sflag:s7], $0x500  }
0x150: {  	[sflag:s7] =	ssyncset.done $0x0  }
0x151: {  	s13 =	simm.s32 $0x4D30;
	[sflag:s7] =	ssyncadd.s32 $0xFFFFFB00  }
0x152: {  	[spmem:s3] =	stream.indirect.scatter.add.f32 [tilespmem:s26], [sflag:$0xF], $0x10, s13, s16, $0xb8;
	[tilespmem:$0x9D30] =	vst v63  }
0x153: {  	_ =	swait.ge [sflag:s8], $0x500  }
0x154: {  	[sflag:s8] =	ssyncset.done $0x0  }
0x155: {  	s17 =	simm.s32 $0x4D80;
	[sflag:s8] =	ssyncadd.s32 $0xFFFFFB00  }
0x156: {  	[spmem:s3] =	stream.indirect.scatter.add.f32 [tilespmem:s28], [sflag:$0x10], $0x10, s17, s16, $0xb8;
	[tilespmem:$0x9D30] =	vst v63  }
0x157: {  	_ =	swait.ge [sflag:s2], $0x500  }
0x158: {  	[sflag:s2] =	ssyncset.done $0x0  }
0x159: {  	[sflag:s2] =	ssyncadd.s32 $0xFFFFFB00  }
0x15a: {  	_ =	swait.ge [sflag:s15], $0x500  }
0x15b: {  	[sflag:s15] =	ssyncset.done $0x0  }
0x15c: {  	[sflag:s15] =	ssyncadd.s32 $0xFFFFFB00  }
0x15d: {  	_ =	swait.ge [sflag:s19], $0x500  }
0x15e: {  	[sflag:s19] =	ssyncset.done $0x0  }
0x15f: {  	[sflag:s19] =	ssyncadd.s32 $0xFFFFFB00  }
0x160: {  	_ =	swait.ge [sflag:s21], $0x500  }
0x161: {  	[sflag:s21] =	ssyncset.done $0x0  }
0x162: {  	[sflag:s21] =	ssyncadd.s32 $0xFFFFFB00  }
0x163: {  	_ =	swait.ge [sflag:s9], $0x500  }
0x164: {  	[sflag:s9] =	ssyncset.done $0x0  }
0x165: {  	[sflag:s9] =	ssyncadd.s32 $0xFFFFFB00  }
0x166: {  	_ =	swait.ge [sflag:s10], $0x500  }
0x167: {  	[sflag:s10] =	ssyncset.done $0x0  }
0x168: {  	[sflag:s10] =	ssyncadd.s32 $0xFFFFFB00  }
0x169: {  	_ =	swait.ge [sflag:s11], $0x500  }
0x16a: {  	[sflag:s11] =	ssyncset.done $0x0  }
0x16b: {  	[sflag:s11] =	ssyncadd.s32 $0xFFFFFB00  }
0x16c: {  	_ =	swait.ge [sflag:s12], $0x500  }
0x16d: {  	[sflag:s12] =	ssyncset.done $0x0  }
0x16e: {  	s23 =	simm.s32 $0x26C0;
	[sflag:s12] =	ssyncadd.s32 $0xFFFFFB00  }
0x16f: {  	[tilespmem:s14], [sflag:$0x1] =	stream.indirect.gather [hbm4b:s0+s16], $0x10, s23, s16, $0xb8;
	[tilespmem:$0x9D30] =	vst v63  }
0x170: {  	_ =	swait.ge [sflag:s29], $0x500  }
0x171: {  	[sflag:s29] =	ssyncset.done $0x0  }
0x172: {  	s13 =	simm.s32 $0x4DD0;
	[sflag:s29] =	ssyncadd.s32 $0xFFFFFB00  }
0x173: {  	[spmem:s3] =	stream.indirect.scatter.add.f32 [tilespmem:s14], [sflag:$0x9], $0x10, s13, s16, $0xb8;
	[tilespmem:$0x9D30] =	vst v63  }
0x174: {  	_ =	swait.ge [sflag:s2], $0x500  }
0x175: {  	[sflag:s2] =	ssyncset.done $0x0  }
0x176: {  	[sflag:s2] =	ssyncadd.s32 $0xFFFFFB00  }
0x177: {  	[bflag:$0x0] =	sbarrier.arrive $0xFFFF  }
0x178: {  	s14 =	rddreg [dreg:$0xa]  }
0x179: {  	s23 =	rddreg [dreg:$0xd]  }
0x17a: {  	s17 =	rddreg [dreg:$0xf]  }
0x17b: {  	[hbm:s14], [sflag:s23] =	dma.local [spmem:s17], $0x4E0  }
0x17c: {  	s14 =	simm.s32 $0x11  }
0x17d: {  	_ =	swait.ge [sflag:s14], $0x4E0  }
0x17e: {  	[sflag:s14] =	ssyncset.done $0x0;
	s4 =	rddreg [dreg:$0xb]  }
0x17f: {  	s13 =	rddreg [dreg:$0x10];
	[sflag:s14] =	ssyncadd.s32 $0xFFFFFB20  }
0x180: {  	[hbm:s4], [sflag:s23] =	dma.local @!p0 [spmem:s13], $0x20  }
0x181: {  	s4 =	simm.s32 @!p0 $0x11  }
0x182: {  	_ =	swait.ge @!p0 [sflag:s4], $0x20  }
0x183: {  	s17 =	rddreg [dreg:$0xe]  }
0x184: {  	s13 =	rddreg [dreg:$0xc];
	s17 =	sadd.s32 $0x1, s17  }
0x185: {  	p1 =	sne.s32 s17, s13  }
.Ltmp1:
0x186: {  	_ = 	snop;
	(pc) =	sbr.rel @p1 .LBB2_1-.Ltmp1, $3  }
0x187: {  	_ =	sdelay $0x1  }
0x188: {  	[sflag:s4] =	ssyncset.done @!p0 $0x0  }
0x189: {  	[sflag:s4] =	ssyncadd.s32 @!p0 $0xFFFFFFE0  }
0x18a: {  	_ =	sfence.sel $0x180000  }
0x18b: {  	[bflag:$0x0] =	sbarrier.arrive $0xFFFF  }
0x18c: {  	_ =	strace $0x9000004D  }
0x18d: {  	s0 =	stileid.u32;
	[bflag:$0x2] =	sbarrier.arrive $0xFFFF  }
0x18e: {  	p0 =	sne.s32 s0, $0x0;
	s0 =	rddreg [dreg:$0x3]  }
0x18f: {  	s0 =	sadd.s32 @!p0 $0x100000, s0  }
0x190: {  	[sflag:s0] =	ssyncadd.tile.s32 @!p0 $0x1;
	_ =	shalt  }
.Lfunc_end2:
_tile_overlayer_lowered:
.L_overlay_start_2:
0x191: {  	(tag) =	ssettag $0x2  }
0x192: {  	s0 =	rddreg [dreg:$0x0];
	s2 =	stileid.u32  }
0x193: {  	s1 =	rddreg [dreg:$0x1];
	p0 =	sne.s32 s2, $0x0  }
0x194: {  	s3 =	rddreg [dreg:$0x2];
	[bflag:$0x3] =	sbarrier.arrive $0xFFFF;
	s2 =	simm.s32 @!p0 $0x1C11  }
0x195: {  	[timem:s3], [sflag:s2] =	dma.local @!p0 [hbm:s0], s1  }
0x196: {  	s0 =	simm.s32 @!p0 $0x11  }
0x197: {  	_ =	swait.ge @!p0 [sflag:s0], s1  }
0x198: {  	s1 =	ssub.s32 @!p0 $0x0, s1;
	[sflag:s0] =	ssyncset.done @!p0 $0x0  }
0x199: {  	[sflag:s0] =	ssyncadd.s32 @!p0 s1  }
0x19a: {  	[bflag:$0x3] =	sbarrier.arrive $0xFFFF  }
0x19b: {  	_ =	shalt  }

// kernel: kernel.8.cloned.1.call-start
scs
__scs_entry_jumppad:
0x0: {  	(pc) =	sbr.rel $0x88, $3  }
0x1: {  	(tag) =	ssettag $0x0;
	lr =	simm.s32 $0x1  }
0x2: {  	[smem:$0x3F9D] =	sst lr;
	_ =	strace $0xD0000000  }
0x3: {  	_ = 	snop  }
0x4: {  	_ = 	snop  }
0x5: {  	_ = 	snop  }
0x6: {  	_ = 	snop  }
0x7: {  	_ = 	snop  }
__scs_overlays_trampoline_lowered:
0x8: {  	[smem:$0x3FAC] =	sst s0  }
0x9: {  	[smem:$0x3FAD] =	sst s1  }
0xa: {  	[smem:$0x3FAE] =	sst s2  }
0xb: {  	[smem:$0x3FAF] =	sst s3  }
0xc: {  	[smem:$0x3FB0] =	sst s4  }
0xd: {  	[smem:$0x3FB1] =	sst s5  }
0xe: {  	[smem:$0x3FB2] =	sst s6  }
0xf: {  	[smem:$0x3FB3] =	sst s7  }
0x10: {  	[smem:$0x3FB4] =	sst s8  }
0x11: {  	[smem:$0x3FB5] =	sst s9;
	s0 =	simm.s32 @!p0 $0x0  }
0x12: {  	s1 =	sld [smem:$0x3F9B];
	s0 =	simm.s32 @p0 $0x1  }
0x13: {  	[smem:$0x3FB6] =	sst s0;
	s0 =	simm.s32 @!p1 $0x0  }
0x14: {  	s2 =	sld [smem:$0x3F9A];
	s0 =	simm.s32 @p1 $0x1  }
0x15: {  	[smem:$0x3FB7] =	sst s0;
	s0 =	simm.s32 @!p2 $0x0  }
0x16: {  	s3 =	sld [smem:$0x3FDB];
	s0 =	simm.s32 @p2 $0x1  }
0x17: {  	s4 =	simm.s32 $0x1BF5;
	[smem:$0x3FB9] =	sst s0  }
0x18: {  	s0 =	sld [smem:$0x3F9C];
	_ =	swait.ge [sflag:s4], $0x0  }
0x19: {  	s7 =	sld [smem:$0x3F9D]  }
0x1a: {  	s8 =	sadd.s32 $0xFFFFE003, lr  }
0x1b: {  	s9 =	sadd.s32 $0xFFFFFEF7, lr;
	s5 =	simm.s32 $0xFFFFFFFF;
	p2 =	slt.u32 s8, $0xFFFFF086  }
0x1c: {  	p1 =	slt.u32 s9, $0xF7A;
	s5 =	simm.s32 @!p2 $0x0  }
0x1d: {  	s5 =	simm.s32 @p1 $0x1;
	p0 =	seq.s32 s7, s2  }
0x1e: {  	s7 =	smul.u32 @!p0 $0xF7A, s2;
	p2 =	seq.s32 @!p0 s5, $0x0  }
0x1f: {  	s9 =	smul.u32 $0xF7A, s1;
	s8 =	simm.s32 @!p0 $0x1BF5;
	p2 =	por !p2, p0  }
0x20: {  	[sflag:s8] =	ssyncset.s32 @!p0 $0xFFFFF086;
	s6 =	sadd.s32 @!p0 s3, s7;
	s7 =	simm.s32 @!p0 $0x108  }
0x21: {  	s3 =	sadd.s32 s3, s9;
	s6 =	sadd.s32 @!p0 $0x88, s6;
	s7 =	simm.s32 @p2 $0x1082  }
0x22: {  	[simem:s7], [sflag:s8] =	dma.local @!p0 [hbm:s6], $0xF7A  }
0x23: {  	s9 =	sor.u32 $0xD0000000, s2;
	s6 =	simm.s32 $0x108;
	_ =	swait.ge @!p0 [sflag:s8], $0x0  }
0x24: {  	s3 =	sadd.s32 $0x88, s3;
	s6 =	simm.s32 @!p1 $0x1082;
	[sflag:s4] =	ssyncset.s32 $0xFFFFF086  }
0x25: {  	[simem:s6], [sflag:s4] =	dma.local [hbm:s3], $0xF7A  }
0x26: {  	[smem:$0x3F9D] =	sst s1;
	(tag) =	ssettag s2;
	_ =	strace s9  }
0x27: {  	s1 =	sld [smem:$0x3FAD]  }
0x28: {  	s2 =	sld [smem:$0x3FAE]  }
0x29: {  	s4 =	sld [smem:$0x3FB0]  }
0x2a: {  	p0 =	seq.s32 s5, $0x0;
	s5 =	sld [smem:$0x3FB1]  }
0x2b: {  	s6 =	sld [smem:$0x3FB2]  }
0x2c: {  	s7 =	sld [smem:$0x3FB3]  }
0x2d: {  	s3 =	simm.s32 $0x108;
	s8 =	sld [smem:$0x3FB4]  }
0x2e: {  	s3 =	simm.s32 @!p0 $0x1082;
	s9 =	sld [smem:$0x3FB5]  }
0x2f: {  	lr =	sadd.s32 s0, s3;
	s0 =	sld [smem:$0x3FAC]  }
0x30: {  	s3 =	sld [smem:$0x3FAF]  }
0x31: {  	[smem:$0x3FB8] =	sst s10  }
0x32: {  	s10 =	sld [smem:$0x3FB6];
	_ =	sdelay $0x3  }
0x33: {  	p0 =	seq.s32 s10, $0x1;
	s10 =	sld [smem:$0x3FB8];
	_ =	sdelay $0x3  }
0x34: {  	[smem:$0x3FB8] =	sst s10  }
0x35: {  	s10 =	sld [smem:$0x3FB7];
	_ =	sdelay $0x3  }
0x36: {  	p1 =	seq.s32 s10, $0x1;
	s10 =	sld [smem:$0x3FB8];
	_ =	sdelay $0x3  }
0x37: {  	[smem:$0x3FB8] =	sst s10  }
0x38: {  	s10 =	sld [smem:$0x3FB9]  }
0x39: {  	_ = 	snop;
	(pc) =	sbr.ind lr, $3  }
0x3a: {  	_ = 	snop  }
0x3b: {  	_ = 	snop  }
0x3c: {  	p2 =	seq.s32 s10, $0x1;
	s10 =	sld [smem:$0x3FB8]  }
0x3d: {  	_ =	shalt  }
0x3e: {  	_ =	shalt  }
0x3f: {  	_ =	shalt  }
0x40: {  	_ =	shalt  }
0x41: {  	_ =	shalt  }
0x42: {  	_ =	shalt  }
0x43: {  	_ =	shalt  }
0x44: {  	_ =	shalt  }
0x45: {  	_ =	shalt  }
0x46: {  	_ =	shalt  }
0x47: {  	_ =	shalt  }
0x48: {  	_ =	shalt  }
0x49: {  	_ =	shalt  }
0x4a: {  	_ =	shalt  }
0x4b: {  	_ =	shalt  }
0x4c: {  	_ =	shalt  }
0x4d: {  	_ =	shalt  }
0x4e: {  	_ =	shalt  }
0x4f: {  	_ =	shalt  }
0x50: {  	_ =	shalt  }
0x51: {  	_ =	shalt  }
0x52: {  	_ =	shalt  }
0x53: {  	_ =	shalt  }
0x54: {  	_ =	shalt  }
0x55: {  	_ =	shalt  }
0x56: {  	_ =	shalt  }
0x57: {  	_ =	shalt  }
0x58: {  	_ =	shalt  }
0x59: {  	_ =	shalt  }
0x5a: {  	_ =	shalt  }
0x5b: {  	_ =	shalt  }
0x5c: {  	_ =	shalt  }
0x5d: {  	_ =	shalt  }
0x5e: {  	_ =	shalt  }
0x5f: {  	_ =	shalt  }
0x60: {  	_ =	shalt  }
0x61: {  	_ =	shalt  }
0x62: {  	_ =	shalt  }
0x63: {  	_ =	shalt  }
0x64: {  	_ =	shalt  }
0x65: {  	_ =	shalt  }
0x66: {  	_ =	shalt  }
0x67: {  	_ =	shalt  }
0x68: {  	_ =	shalt  }
0x69: {  	_ =	shalt  }
0x6a: {  	_ =	shalt  }
0x6b: {  	_ =	shalt  }
0x6c: {  	_ =	shalt  }
0x6d: {  	_ =	shalt  }
0x6e: {  	_ =	shalt  }
0x6f: {  	_ =	shalt  }
0x70: {  	_ =	shalt  }
0x71: {  	_ =	shalt  }
0x72: {  	_ =	shalt  }
0x73: {  	_ =	shalt  }
0x74: {  	_ =	shalt  }
0x75: {  	_ =	shalt  }
0x76: {  	_ =	shalt  }
0x77: {  	_ =	shalt  }
0x78: {  	_ =	shalt  }
0x79: {  	_ =	shalt  }
0x7a: {  	_ =	shalt  }
0x7b: {  	_ =	shalt  }
0x7c: {  	_ =	shalt  }
0x7d: {  	_ =	shalt  }
0x7e: {  	_ =	shalt  }
0x7f: {  	_ =	shalt  }
0x80: {  	_ =	shalt  }
0x81: {  	_ =	shalt  }
0x82: {  	_ =	shalt  }
0x83: {  	_ =	shalt  }
0x84: {  	_ =	shalt  }
0x85: {  	_ =	shalt  }
0x86: {  	_ =	shalt  }
0x87: {  	_ =	shalt  }
.Lfunc_end0:
.L_simem_size_0:
called_computation_lowered:
.L_overlay_start_0:
0x88: {  	s2 =	sld [smem:$0x3FD9]  }
0x89: {  	s3 =	sld [smem:$0x3FFE];
	_ =	sdelay $0x1  }
0x8a: {  	s1 =	srdreg.scid  }
0x8b: {  	s0 =	sand.u32 $0x1, s1  }
0x8c: {  	s17 =	sshll.u32 s0, $0xA;
	s2 =	sadd.s32 s3, s2  }
0x8d: {  	s2 =	sadd.s32 s2, s17  }
0x8e: {  	[smem:$0x3FC4] =	sst s2  }
0x8f: {  	_ = 	snop  }
0x90: {  	s2 =	sld [smem:$0x3FD0];
	(tm) =	ssettm $0x1  }
0x91: {  	s18 =	sld [smem:$0x3FFB];
	_ =	sdelay $0x3  }
0x92: {  	_ =	strace s18  }
0x93: {  	s3 =	sld [smem:$0x3FFC];
	_ =	sdelay $0x3  }
0x94: {  	_ =	strace s3  }
0x95: {  	s3 =	sld [smem:$0x3FFD];
	_ =	sdelay $0x3  }
0x96: {  	_ =	strace s3  }
0x97: {  	_ =	strace $0x8FFFFFFF  }
0x98: {  	s19 =	sld [smem:$0x3FDB];
	_ =	sdelay $0x1  }
0x99: {  	s4 =	simm.s32 $_scs_section_size  }
0x9a: {  	s5 =	simm.s32 $_size__tile_overlayer_lowered;
	s6 =	simm.s32 $_tile_overlayer_lowered  }
0x9b: {  	s22 =	simm.s32 $0x1BFF;
	s21 =	sshll.u32 s6, $0x1;
	s3 =	sadd.s32 s4, s19  }
0x9c: {  	s7 =	simm.s32 $0x0;
	s20 =	sshll.u32 s5, $0x1;
	s5 =	sadd.s32 s21, s3  }
0x9d: {  	[timem:s7], [sflag:s22] =	dma.local [hbm:s5], s20  }
0x9e: {  	_ =	swait.ge [sflag:s22], s20  }
0x9f: {  	s4 =	ssub.s32 $0x0, s20;
	[sflag:s22] =	ssyncset.done $0x0  }
0xa0: {  	[sflag:s22] =	ssyncadd.s32 s4;
	_ =	sdelay $0x1  }
0xa1: {  	s23 =	simm.s32 $0x1B8B  }
0xa2: {  	_ =	swait.ge [sflag:s23], $0x1  }
0xa3: {  	[sflag:s23] =	ssyncset.done $0x0  }
0xa4: {  	s25 =	simm.s32 $0x1B8E;
	s24 =	sld [smem:$0x3FFE];
	[sflag:s23] =	ssyncadd.s32 $0xFFFFFFFF  }
0xa5: {  	s26 =	simm.s32 $execute0_lowered;
	[smem:$0x3FD2] =	sst s25  }
0xa6: {  	s5 =	sshll.u32 s26, $0x1;
	_ =	strace $0x80000046;
	[dreg:$0x1] =	wrdreg $0xFFFFFFFF  }
0xa7: {  	s28 =	simm.s32 $_size_execute0_lowered;
	s3 =	sadd.s32 s3, s5;
	[dreg:$0x0] =	wrdreg $0x0  }
0xa8: {  	s5 =	sshll.u32 s28, $0x1;
	[dreg:$0x2] =	wrdreg s3  }
0xa9: {  	[dreg:$0x3] =	wrdreg s5  }
0xaa: {  	[dreg:$0x4] =	wrdreg $0xC0  }
0xab: {  	_ =	task [dreg:s7], $0x5FFFF  }
0xac: {  	[dreg:$0x1] =	wrdreg $0xFFFFFFFF  }
0xad: {  	[dreg:$0x0] =	wrdreg $0x60  }
0xae: {  	[dreg:$0x2] =	wrdreg s2  }
0xaf: {  	[dreg:$0x3] =	wrdreg s24  }
0xb0: {  	[dreg:$0x4] =	wrdreg $0x2C100  }
0xb1: {  	[dreg:$0x5] =	wrdreg $0x9  }
0xb2: {  	_ =	task.clear_ibuf [dreg:s7], $0x6FFFF;
	_ =	strace $0x90000046  }
0xb3: {  	s29 =	simm.s32 $0x9;
	_ =	strace $0x80000048  }
0xb4: {  	_ =	swait.ge [sflag:s29], $0x1  }
0xb5: {  	[sflag:s29] =	ssyncadd.s32 $0xFFFFFFFF  }
0xb6: {  	_ =	strace $0x90000048  }
0xb7: {  	_ =	sfence  }
0xb8: {  	s30 =	sld [smem:$0x0];
	_ =	sdelay $0x2  }
0xb9: {  	s31 =	sshll.u32 s1, $0xD;
	s1 =	sshrl.u32 s1, $0x2  }
0xba: {  	s3 =	sand.u32 $0x4000, s31;
	s1 =	sadd.s32 s1, s30  }
0xbb: {  	s0 =	sor.u32 s3, s0;
	s1 =	sshll.u32 s1, $0x11  }
0xbc: {  	s0 =	sor.u32 s1, s0  }
0xbd: {  	s0 =	sadd.s32 $0x8F2B, s0  }
0xbe: {  	[sflag:s0] =	ssyncadd.remote.s32 $0x1  }
0xbf: {  	_ =	sfence.sel $0xFFFF  }
0xc0: {  	[dreg:$0x0] =	wrdreg $0xFFFFFFFF;
	(pc) =	sbr.abs _section_cstart, $3  }
0xc1: {  	[dreg:$0x1] =	wrdreg $0xFFFFFFFF  }
0xc2: {  	_ =	task.clear_ibuf [dreg:s7], $0x2FFFF;
	_ =	strace $0x9FFFFFFF  }
0xc3: {  	(tm) =	ssettm $0x7FFFFFFF  }
tec
execute0_lowered:
.L_overlay_start_1:
0x0: {  	(tag) =	ssettag $0x1  }
0x1: {  	s10 =	rddreg [dreg:$0x0]  }
0x2: {  	s1 =	rddreg [dreg:$0x1]  }
0x3: {  	s0 =	srdreg.scid;
	s3 =	rddreg [dreg:$0x2]  }
0x4: {  	s11 =	stileid.u32;
	s4 =	simm.s32 $0x0;
	s18 =	simm.s32 $0x1A  }
0x5: {  	s16 =	simm.s32 $0x50;
	s19 =	simm.s32 $0x3;
	s20 =	simm.s32 $0x4  }
0x6: {  	s21 =	simm.s32 $0x5;
	s22 =	simm.s32 $0x6;
	s23 =	simm.s32 $0x7  }
0x7: {  	s28 =	simm.s32 $0xB;
	s29 =	simm.s32 $0xC;
	s30 =	simm.s32 $0xD  }
0x8: {  	s31 =	simm.s32 $0xE;
	s15 =	simm.s32 $0x12;
	s12 =	simm.s32 $0x19  }
0x9: {  	s0 =	sand.u32 $0x1, s0;
	[smem:$0x7FF] =	sst s4;
	s7 =	smul.u32 $0x2700, s11  }
0xa: {  	s8 =	sshll.u32 s11, $0x6;
	s25 =	sadd.s32 $0x4E00, s10;
	p0 =	sne.s32 s11, $0xF  }
0xb: {  	s2 =	sshll.u32 s0, $0x4;
	s5 =	ssub.s32 $0x2, s0;
	_ =	strace $0x80000047  }
0xc: {  	s0 =	smul.u32 $0x27100, s0;
	s13 =	sor.u32 $0x1C1A, s8;
	[dreg:$0x6] =	wrdreg s25  }
0xd: {  	s25 =	simm.s32 $0x9;
	s8 =	simm.s32 $0x15;
	s2 =	sor.u32 s11, s2  }
0xe: {  	s6 =	sshrl.u32 s5, $0x1;
	s24 =	sshrl.u32 s7, $0x3;
	s9 =	sadd.s32 s7, s3  }
0xf: {  	s11 =	simm.s32 $0x18;
	[dreg:$0x5] =	wrdreg s13;
	s2 =	smul.u32 $0x4E2, s2  }
0x10: {  	s5 =	ssub.s32 s5, s6;
	s6 =	sadd.s32 s10, s24;
	s7 =	sadd.s32 s7, s0  }
0x11: {  	s0 =	sshrl.u32 s0, $0x3;
	s17 =	sshrl.u32 s9, $0x3;
	s24 =	simm.s32 $0x8  }
0x12: {  	s9 =	simm.s32 $0x16;
	s10 =	simm.s32 $0x17;
	[dreg:$0x4] =	wrdreg s6  }
0x13: {  	s6 =	sadd.s32 $0x27000, s3;
	s7 =	sshrl.u32 s7, $0x3;
	s26 =	smax.u32 s5, $0x1  }
0x14: {  	s5 =	simm.s32 $0x13;
	[dreg:$0xb] =	wrdreg s17;
	s2 =	sadd.s32 s2, s1  }
0x15: {  	[dreg:$0xa] =	wrdreg s26;
	s14 =	sshrl.u32 @!p0 s6, $0x3;
	s6 =	simm.s32 $0x0  }
0x16: {  	s1 =	sadd.s32 $0x15600, s1;
	s26 =	simm.s32 $0xA;
	[dreg:$0xd] =	wrdreg s6  }
0x17: {  	s0 =	sadd.s32 s1, s0;
	s2 =	sadd.s32 $0xB800, s2;
	[dreg:$0xc] =	wrdreg s14  }
0x18: {  	s1 =	sadd.s32 s1, s7;
	s7 =	simm.s32 $0x14;
	[dreg:$0x7] =	wrdreg s2  }
0x19: {  	[dreg:$0x8] =	wrdreg s1;
	s0 =	sadd.s32 $0x4E00, s0;
	s1 =	simm.s32 $0xF  }
0x1a: {  	s2 =	simm.s32 $0x10;
	[dreg:$0x9] =	wrdreg s0;
	s0 =	simm.s32 $0x11  }
.LBB2_1:
0x1b: {  	s6 =	rddreg [dreg:$0x4]  }
0x1c: {  	[spmem:s17], [sflag:s13] =	dma.local [hbm:s6], $0x4E0  }
0x1d: {  	_ =	swait.ge [sflag:s18], $0x4E0  }
0x1e: {  	[sflag:s18] =	ssyncset.done $0x0  }
0x1f: {  	s6 =	rddreg [dreg:$0x6];
	[sflag:s18] =	ssyncadd.s32 $0xFFFFFB20  }
0x20: {  	[spmem:s14], [sflag:s13] =	dma.local @!p0 [hbm:s6], $0x20  }
0x21: {  	s6 =	simm.s32 @!p0 $0x1A  }
0x22: {  	_ =	swait.ge @!p0 [sflag:s6], $0x20  }
0x23: {  	[sflag:s6] =	ssyncset.done @!p0 $0x0  }
0x24: {  	[sflag:s6] =	ssyncadd.s32 @!p0 $0xFFFFFFE0  }
0x25: {  	s6 =	rddreg [dreg:$0x0]  }
0x26: {  	[tilespmem:s4], [sflag:$0x1A] =	stream.linear.gather [hbm4b:s6+s4], $0x500, $0x38;
	[tilespmem:$0x5320] =	vst v63  }
0x27: {  	_ =	swait.ge [sflag:s18], $0x500  }
0x28: {  	[sflag:s18] =	ssyncset.done $0x0  }
0x29: {  	s17 =	simm.s32 $0x500;
	s14 =	rddreg [dreg:$0x7];
	[sflag:s18] =	ssyncadd.s32 $0xFFFFFB00  }
0x2a: {  	[tilespmem:s17], [sflag:$0x1A] =	stream.linear.gather [hbm4b:s14+s4], $0x2710, $0x38;
	[tilespmem:$0x5320] =	vst v63  }
0x2b: {  	_ =	swait.ge [sflag:s18], $0x2710  }
0x2c: {  	[sflag:s18] =	ssyncset.done $0x0  }
0x2d: {  	[sflag:s18] =	ssyncadd.s32 $0xFFFFD8F0  }
0x2e: {  	s14 =	simm.s32 $0x500;
	[bflag:$0x0] =	sbarrier.arrive $0xFFFF  }
0x2f: {  	[spmem:s3] =	stream.indirect.scatter.add.f32 [tilespmem:s4], [sflag:$0x1], $0x10, s14, s16, $0xb8;
	[tilespmem:$0x5320] =	vst v63  }
0x30: {  	s17 =	simm.s32 $0x550  }
0x31: {  	[spmem:s3] =	stream.indirect.scatter.add.f32 [tilespmem:s4], [sflag:$0x2], $0x10, s17, s16, $0xb8;
	[tilespmem:$0x5320] =	vst v63  }
0x32: {  	s18 =	simm.s32 $0x5A0  }
0x33: {  	[spmem:s3] =	stream.indirect.scatter.add.f32 [tilespmem:s4], [sflag:$0x3], $0x10, s18, s16, $0xb8;
	[tilespmem:$0x5320] =	vst v63  }
0x34: {  	s13 =	simm.s32 $0x5F0  }
0x35: {  	[spmem:s3] =	stream.indirect.scatter.add.f32 [tilespmem:s4], [sflag:$0x4], $0x10, s13, s16, $0xb8;
	[tilespmem:$0x5320] =	vst v63  }
0x36: {  	s14 =	simm.s32 $0x640  }
0x37: {  	[spmem:s3] =	stream.indirect.scatter.add.f32 [tilespmem:s4], [sflag:$0x5], $0x10, s14, s16, $0xb8;
	[tilespmem:$0x5320] =	vst v63  }
0x38: {  	s17 =	simm.s32 $0x690  }
0x39: {  	[spmem:s3] =	stream.indirect.scatter.add.f32 [tilespmem:s4], [sflag:$0x6], $0x10, s17, s16, $0xb8;
	[tilespmem:$0x5320] =	vst v63  }
0x3a: {  	s18 =	simm.s32 $0x6E0  }
0x3b: {  	[spmem:s3] =	stream.indirect.scatter.add.f32 [tilespmem:s4], [sflag:$0x7], $0x10, s18, s16, $0xb8;
	[tilespmem:$0x5320] =	vst v63  }
0x3c: {  	s13 =	simm.s32 $0x730  }
0x3d: {  	[spmem:s3] =	stream.indirect.scatter.add.f32 [tilespmem:s4], [sflag:$0x8], $0x10, s13, s16, $0xb8;
	[tilespmem:$0x5320] =	vst v63  }
0x3e: {  	s14 =	simm.s32 $0x780  }
0x3f: {  	[spmem:s3] =	stream.indirect.scatter.add.f32 [tilespmem:s4], [sflag:$0x9], $0x10, s14, s16, $0xb8;
	[tilespmem:$0x5320] =	vst v63  }
0x40: {  	s17 =	simm.s32 $0x7D0  }
0x41: {  	[spmem:s3] =	stream.indirect.scatter.add.f32 [tilespmem:s4], [sflag:$0xA], $0x10, s17, s16, $0xb8;
	[tilespmem:$0x5320] =	vst v63  }
0x42: {  	s18 =	simm.s32 $0x820  }
0x43: {  	[spmem:s3] =	stream.indirect.scatter.add.f32 [tilespmem:s4], [sflag:$0xB], $0x10, s18, s16, $0xb8;
	[tilespmem:$0x5320] =	vst v63  }
0x44: {  	s13 =	simm.s32 $0x870  }
0x45: {  	[spmem:s3] =	stream.indirect.scatter.add.f32 [tilespmem:s4], [sflag:$0xC], $0x10, s13, s16, $0xb8;
	[tilespmem:$0x5320] =	vst v63  }
0x46: {  	s14 =	simm.s32 $0x8C0  }
0x47: {  	[spmem:s3] =	stream.indirect.scatter.add.f32 [tilespmem:s4], [sflag:$0xD], $0x10, s14, s16, $0xb8;
	[tilespmem:$0x5320] =	vst v63  }
0x48: {  	s17 =	simm.s32 $0x910  }
0x49: {  	[spmem:s3] =	stream.indirect.scatter.add.f32 [tilespmem:s4], [sflag:$0xE], $0x10, s17, s16, $0xb8;
	[tilespmem:$0x5320] =	vst v63  }
0x4a: {  	s18 =	simm.s32 $0x960  }
0x4b: {  	[spmem:s3] =	stream.indirect.scatter.add.f32 [tilespmem:s4], [sflag:$0xF], $0x10, s18, s16, $0xb8;
	[tilespmem:$0x5320] =	vst v63  }
0x4c: {  	s13 =	simm.s32 $0x9B0  }
0x4d: {  	[spmem:s3] =	stream.indirect.scatter.add.f32 [tilespmem:s4], [sflag:$0x10], $0x10, s13, s16, $0xb8;
	[tilespmem:$0x5320] =	vst v63  }
0x4e: {  	s14 =	simm.s32 $0xA00  }
0x4f: {  	[spmem:s3] =	stream.indirect.scatter.add.f32 [tilespmem:s4], [sflag:$0x11], $0x10, s14, s16, $0xb8;
	[tilespmem:$0x5320] =	vst v63  }
0x50: {  	s17 =	simm.s32 $0xA50  }
0x51: {  	[spmem:s3] =	stream.indirect.scatter.add.f32 [tilespmem:s4], [sflag:$0x12], $0x10, s17, s16, $0xb8;
	[tilespmem:$0x5320] =	vst v63  }
0x52: {  	s18 =	simm.s32 $0xAA0  }
0x53: {  	[spmem:s3] =	stream.indirect.scatter.add.f32 [tilespmem:s4], [sflag:$0x13], $0x10, s18, s16, $0xb8;
	[tilespmem:$0x5320] =	vst v63  }
0x54: {  	s13 =	simm.s32 $0xAF0  }
0x55: {  	[spmem:s3] =	stream.indirect.scatter.add.f32 [tilespmem:s4], [sflag:$0x14], $0x10, s13, s16, $0xb8;
	[tilespmem:$0x5320] =	vst v63  }
0x56: {  	s14 =	simm.s32 $0xB40  }
0x57: {  	[spmem:s3] =	stream.indirect.scatter.add.f32 [tilespmem:s4], [sflag:$0x15], $0x10, s14, s16, $0xb8;
	[tilespmem:$0x5320] =	vst v63  }
0x58: {  	s17 =	simm.s32 $0xB90  }
0x59: {  	[spmem:s3] =	stream.indirect.scatter.add.f32 [tilespmem:s4], [sflag:$0x16], $0x10, s17, s16, $0xb8;
	[tilespmem:$0x5320] =	vst v63  }
0x5a: {  	s18 =	simm.s32 $0xBE0  }
0x5b: {  	[spmem:s3] =	stream.indirect.scatter.add.f32 [tilespmem:s4], [sflag:$0x17], $0x10, s18, s16, $0xb8;
	[tilespmem:$0x5320] =	vst v63  }
0x5c: {  	s13 =	simm.s32 $0xC30  }
0x5d: {  	[spmem:s3] =	stream.indirect.scatter.add.f32 [tilespmem:s4], [sflag:$0x18], $0x10, s13, s16, $0xb8;
	[tilespmem:$0x5320] =	vst v63  }
0x5e: {  	s14 =	simm.s32 $0xC80;
	s17 =	simm.s32 $0x1  }
0x5f: {  	[spmem:s3] =	stream.indirect.scatter.add.f32 [tilespmem:s4], [sflag:$0x19], $0x10, s14, s16, $0xb8;
	[tilespmem:$0x5320] =	vst v63  }
0x60: {  	_ =	swait.ge [sflag:s17], $0x500  }
0x61: {  	[sflag:s17] =	ssyncset.done $0x0  }
0x62: {  	s18 =	simm.s32 $0x2;
	[sflag:s17] =	ssyncadd.s32 $0xFFFFFB00  }
0x63: {  	_ =	swait.ge [sflag:s18], $0x500  }
0x64: {  	[sflag:s18] =	ssyncset.done $0x0  }
0x65: {  	[sflag:s18] =	ssyncadd.s32 $0xFFFFFB00  }
0x66: {  	_ =	swait.ge [sflag:s19], $0x500  }
0x67: {  	[sflag:s19] =	ssyncset.done $0x0  }
0x68: {  	[sflag:s19] =	ssyncadd.s32 $0xFFFFFB00  }
0x69: {  	_ =	swait.ge [sflag:s20], $0x500  }
0x6a: {  	[sflag:s20] =	ssyncset.done $0x0  }
0x6b: {  	[sflag:s20] =	ssyncadd.s32 $0xFFFFFB00  }
0x6c: {  	_ =	swait.ge [sflag:s21], $0x500  }
0x6d: {  	[sflag:s21] =	ssyncset.done $0x0  }
0x6e: {  	[sflag:s21] =	ssyncadd.s32 $0xFFFFFB00  }
0x6f: {  	_ =	swait.ge [sflag:s22], $0x500  }
0x70: {  	[sflag:s22] =	ssyncset.done $0x0  }
0x71: {  	[sflag:s22] =	ssyncadd.s32 $0xFFFFFB00  }
0x72: {  	_ =	swait.ge [sflag:s23], $0x500  }
0x73: {  	[sflag:s23] =	ssyncset.done $0x0  }
0x74: {  	[sflag:s23] =	ssyncadd.s32 $0xFFFFFB00  }
0x75: {  	_ =	swait.ge [sflag:s24], $0x500  }
0x76: {  	[sflag:s24] =	ssyncset.done $0x0  }
0x77: {  	[sflag:s24] =	ssyncadd.s32 $0xFFFFFB00  }
0x78: {  	_ =	swait.ge [sflag:s25], $0x500  }
0x79: {  	[sflag:s25] =	ssyncset.done $0x0  }
0x7a: {  	[sflag:s25] =	ssyncadd.s32 $0xFFFFFB00  }
0x7b: {  	_ =	swait.ge [sflag:s26], $0x500  }
0x7c: {  	[sflag:s26] =	ssyncset.done $0x0  }
0x7d: {  	[sflag:s26] =	ssyncadd.s32 $0xFFFFFB00  }
0x7e: {  	_ =	swait.ge [sflag:s28], $0x500  }
0x7f: {  	[sflag:s28] =	ssyncset.done $0x0  }
0x80: {  	[sflag:s28] =	ssyncadd.s32 $0xFFFFFB00  }
0x81: {  	_ =	swait.ge [sflag:s29], $0x500  }
0x82: {  	[sflag:s29] =	ssyncset.done $0x0  }
0x83: {  	[sflag:s29] =	ssyncadd.s32 $0xFFFFFB00  }
0x84: {  	_ =	swait.ge [sflag:s30], $0x500  }
0x85: {  	[sflag:s30] =	ssyncset.done $0x0  }
0x86: {  	[sflag:s30] =	ssyncadd.s32 $0xFFFFFB00  }
0x87: {  	_ =	swait.ge [sflag:s31], $0x500  }
0x88: {  	[sflag:s31] =	ssyncset.done $0x0  }
0x89: {  	[sflag:s31] =	ssyncadd.s32 $0xFFFFFB00  }
0x8a: {  	_ =	swait.ge [sflag:s1], $0x500  }
0x8b: {  	[sflag:s1] =	ssyncset.done $0x0  }
0x8c: {  	[sflag:s1] =	ssyncadd.s32 $0xFFFFFB00  }
0x8d: {  	_ =	swait.ge [sflag:s2], $0x500  }
0x8e: {  	[sflag:s2] =	ssyncset.done $0x0  }
0x8f: {  	[sflag:s2] =	ssyncadd.s32 $0xFFFFFB00  }
0x90: {  	_ =	swait.ge [sflag:s0], $0x500  }
0x91: {  	[sflag:s0] =	ssyncset.done $0x0  }
0x92: {  	[sflag:s0] =	ssyncadd.s32 $0xFFFFFB00  }
0x93: {  	_ =	swait.ge [sflag:s15], $0x500  }
0x94: {  	[sflag:s15] =	ssyncset.done $0x0  }
0x95: {  	[sflag:s15] =	ssyncadd.s32 $0xFFFFFB00  }
0x96: {  	_ =	swait.ge [sflag:s5], $0x500  }
0x97: {  	[sflag:s5] =	ssyncset.done $0x0  }
0x98: {  	[sflag:s5] =	ssyncadd.s32 $0xFFFFFB00  }
0x99: {  	_ =	swait.ge [sflag:s7], $0x500  }
0x9a: {  	[sflag:s7] =	ssyncset.done $0x0  }
0x9b: {  	[sflag:s7] =	ssyncadd.s32 $0xFFFFFB00  }
0x9c: {  	_ =	swait.ge [sflag:s8], $0x500  }
0x9d: {  	[sflag:s8] =	ssyncset.done $0x0  }
0x9e: {  	[sflag:s8] =	ssyncadd.s32 $0xFFFFFB00  }
0x9f: {  	_ =	swait.ge [sflag:s9], $0x500  }
0xa0: {  	[sflag:s9] =	ssyncset.done $0x0  }
0xa1: {  	[sflag:s9] =	ssyncadd.s32 $0xFFFFFB00  }
0xa2: {  	_ =	swait.ge [sflag:s10], $0x500  }
0xa3: {  	[sflag:s10] =	ssyncset.done $0x0  }
0xa4: {  	[sflag:s10] =	ssyncadd.s32 $0xFFFFFB00  }
0xa5: {  	_ =	swait.ge [sflag:s11], $0x500  }
0xa6: {  	[sflag:s11] =	ssyncset.done $0x0  }
0xa7: {  	[sflag:s11] =	ssyncadd.s32 $0xFFFFFB00  }
0xa8: {  	_ =	swait.ge [sflag:s12], $0x500  }
0xa9: {  	s6 =	simm.s32 $0x3E80;
	s14 =	simm.s32 $0x7D0;
	[sflag:s12] =	ssyncset.done $0x0  }
.LBB2_2:
0xaa: {  	s18 =	sadd.s32 $0x500, s14  }
0xab: {  	[sflag:s12] =	ssyncadd.s32 $0xFFFFFB00;
	s13 =	smov.u32 s6;
	s17 =	sadd.s32 $0x1F40, s6  }
0xac: {  	[spmem:s3] =	stream.indirect.scatter.add.f32 [tilespmem:s4], [sflag:$0x1], $0x10, s18, s16, $0xb8;
	[tilespmem:$0x5320] =	vst v63  }
0xad: {  	p1 =	sne.s32 s6, $0x7D00;
	s6 =	sadd.s32 $0x550, s14  }
0xae: {  	[spmem:s3] =	stream.indirect.scatter.add.f32 [tilespmem:s4], [sflag:$0x2], $0x10, s6, s16, $0xb8;
	[tilespmem:$0x5320] =	vst v63  }
0xaf: {  	s6 =	sadd.s32 $0x5A0, s14  }
0xb0: {  	[spmem:s3] =	stream.indirect.scatter.add.f32 [tilespmem:s4], [sflag:$0x3], $0x10, s6, s16, $0xb8;
	[tilespmem:$0x5320] =	vst v63  }
0xb1: {  	s6 =	sadd.s32 $0x5F0, s14  }
0xb2: {  	[spmem:s3] =	stream.indirect.scatter.add.f32 [tilespmem:s4], [sflag:$0x4], $0x10, s6, s16, $0xb8;
	[tilespmem:$0x5320] =	vst v63  }
0xb3: {  	s6 =	sadd.s32 $0x640, s14  }
0xb4: {  	[spmem:s3] =	stream.indirect.scatter.add.f32 [tilespmem:s4], [sflag:$0x5], $0x10, s6, s16, $0xb8;
	[tilespmem:$0x5320] =	vst v63  }
0xb5: {  	s6 =	sadd.s32 $0x690, s14  }
0xb6: {  	[spmem:s3] =	stream.indirect.scatter.add.f32 [tilespmem:s4], [sflag:$0x6], $0x10, s6, s16, $0xb8;
	[tilespmem:$0x5320] =	vst v63  }
0xb7: {  	s6 =	sadd.s32 $0x6E0, s14  }
0xb8: {  	[spmem:s3] =	stream.indirect.scatter.add.f32 [tilespmem:s4], [sflag:$0x7], $0x10, s6, s16, $0xb8;
	[tilespmem:$0x5320] =	vst v63  }
0xb9: {  	s6 =	sadd.s32 $0x730, s14  }
0xba: {  	[spmem:s3] =	stream.indirect.scatter.add.f32 [tilespmem:s4], [sflag:$0x8], $0x10, s6, s16, $0xb8;
	[tilespmem:$0x5320] =	vst v63  }
0xbb: {  	s6 =	sadd.s32 $0x780, s14  }
0xbc: {  	[spmem:s3] =	stream.indirect.scatter.add.f32 [tilespmem:s4], [sflag:$0x9], $0x10, s6, s16, $0xb8;
	[tilespmem:$0x5320] =	vst v63  }
0xbd: {  	s6 =	sadd.s32 $0x7D0, s14  }
0xbe: {  	[spmem:s3] =	stream.indirect.scatter.add.f32 [tilespmem:s4], [sflag:$0xA], $0x10, s6, s16, $0xb8;
	[tilespmem:$0x5320] =	vst v63  }
0xbf: {  	s6 =	sadd.s32 $0x820, s14  }
0xc0: {  	[spmem:s3] =	stream.indirect.scatter.add.f32 [tilespmem:s4], [sflag:$0xB], $0x10, s6, s16, $0xb8;
	[tilespmem:$0x5320] =	vst v63  }
0xc1: {  	s6 =	sadd.s32 $0x870, s14  }
0xc2: {  	[spmem:s3] =	stream.indirect.scatter.add.f32 [tilespmem:s4], [sflag:$0xC], $0x10, s6, s16, $0xb8;
	[tilespmem:$0x5320] =	vst v63  }
0xc3: {  	s6 =	sadd.s32 $0x8C0, s14  }
0xc4: {  	[spmem:s3] =	stream.indirect.scatter.add.f32 [tilespmem:s4], [sflag:$0xD], $0x10, s6, s16, $0xb8;
	[tilespmem:$0x5320] =	vst v63  }
0xc5: {  	s6 =	sadd.s32 $0x910, s14  }
0xc6: {  	[spmem:s3] =	stream.indirect.scatter.add.f32 [tilespmem:s4], [sflag:$0xE], $0x10, s6, s16, $0xb8;
	[tilespmem:$0x5320] =	vst v63  }
0xc7: {  	s6 =	sadd.s32 $0x960, s14  }
0xc8: {  	[spmem:s3] =	stream.indirect.scatter.add.f32 [tilespmem:s4], [sflag:$0xF], $0x10, s6, s16, $0xb8;
	[tilespmem:$0x5320] =	vst v63  }
0xc9: {  	s6 =	sadd.s32 $0x9B0, s14  }
0xca: {  	[spmem:s3] =	stream.indirect.scatter.add.f32 [tilespmem:s4], [sflag:$0x10], $0x10, s6, s16, $0xb8;
	[tilespmem:$0x5320] =	vst v63  }
0xcb: {  	s6 =	sadd.s32 $0xA00, s14  }
0xcc: {  	[spmem:s3] =	stream.indirect.scatter.add.f32 [tilespmem:s4], [sflag:$0x11], $0x10, s6, s16, $0xb8;
	[tilespmem:$0x5320] =	vst v63  }
0xcd: {  	s6 =	sadd.s32 $0xA50, s14  }
0xce: {  	[spmem:s3] =	stream.indirect.scatter.add.f32 [tilespmem:s4], [sflag:$0x12], $0x10, s6, s16, $0xb8;
	[tilespmem:$0x5320] =	vst v63  }
0xcf: {  	s6 =	sadd.s32 $0xAA0, s14  }
0xd0: {  	[spmem:s3] =	stream.indirect.scatter.add.f32 [tilespmem:s4], [sflag:$0x13], $0x10, s6, s16, $0xb8;
	[tilespmem:$0x5320] =	vst v63  }
0xd1: {  	s6 =	sadd.s32 $0xAF0, s14  }
0xd2: {  	[spmem:s3] =	stream.indirect.scatter.add.f32 [tilespmem:s4], [sflag:$0x14], $0x10, s6, s16, $0xb8;
	[tilespmem:$0x5320] =	vst v63  }
0xd3: {  	s6 =	sadd.s32 $0xB40, s14  }
0xd4: {  	[spmem:s3] =	stream.indirect.scatter.add.f32 [tilespmem:s4], [sflag:$0x15], $0x10, s6, s16, $0xb8;
	[tilespmem:$0x5320] =	vst v63  }
0xd5: {  	s6 =	sadd.s32 $0xB90, s14  }
0xd6: {  	[spmem:s3] =	stream.indirect.scatter.add.f32 [tilespmem:s4], [sflag:$0x16], $0x10, s6, s16, $0xb8;
	[tilespmem:$0x5320] =	vst v63  }
0xd7: {  	s6 =	sadd.s32 $0xBE0, s14  }
0xd8: {  	[spmem:s3] =	stream.indirect.scatter.add.f32 [tilespmem:s4], [sflag:$0x17], $0x10, s6, s16, $0xb8;
	[tilespmem:$0x5320] =	vst v63  }
0xd9: {  	s6 =	sadd.s32 $0xC30, s14  }
0xda: {  	[spmem:s3] =	stream.indirect.scatter.add.f32 [tilespmem:s4], [sflag:$0x18], $0x10, s6, s16, $0xb8;
	[tilespmem:$0x5320] =	vst v63  }
0xdb: {  	s6 =	sadd.s32 $0xC80, s14  }
0xdc: {  	[spmem:s3] =	stream.indirect.scatter.add.f32 [tilespmem:s4], [sflag:$0x19], $0x10, s6, s16, $0xb8;
	[tilespmem:$0x5320] =	vst v63  }
0xdd: {  	s6 =	simm.s32 $0x1  }
0xde: {  	_ =	swait.ge [sflag:s6], $0x500  }
0xdf: {  	[sflag:s6] =	ssyncset.done $0x0  }
0xe0: {  	[sflag:s6] =	ssyncadd.s32 $0xFFFFFB00;
	s6 =	simm.s32 $0x2  }
0xe1: {  	_ =	swait.ge [sflag:s6], $0x500  }
0xe2: {  	[sflag:s6] =	ssyncset.done $0x0  }
0xe3: {  	[sflag:s6] =	ssyncadd.s32 $0xFFFFFB00  }
0xe4: {  	_ =	swait.ge [sflag:s19], $0x500  }
0xe5: {  	[sflag:s19] =	ssyncset.done $0x0  }
0xe6: {  	[sflag:s19] =	ssyncadd.s32 $0xFFFFFB00  }
0xe7: {  	_ =	swait.ge [sflag:s20], $0x500  }
0xe8: {  	[sflag:s20] =	ssyncset.done $0x0  }
0xe9: {  	[sflag:s20] =	ssyncadd.s32 $0xFFFFFB00  }
0xea: {  	_ =	swait.ge [sflag:s21], $0x500  }
0xeb: {  	[sflag:s21] =	ssyncset.done $0x0  }
0xec: {  	[sflag:s21] =	ssyncadd.s32 $0xFFFFFB00  }
0xed: {  	_ =	swait.ge [sflag:s22], $0x500  }
0xee: {  	[sflag:s22] =	ssyncset.done $0x0  }
0xef: {  	[sflag:s22] =	ssyncadd.s32 $0xFFFFFB00  }
0xf0: {  	_ =	swait.ge [sflag:s23], $0x500  }
0xf1: {  	[sflag:s23] =	ssyncset.done $0x0  }
0xf2: {  	[sflag:s23] =	ssyncadd.s32 $0xFFFFFB00  }
0xf3: {  	_ =	swait.ge [sflag:s24], $0x500  }
0xf4: {  	[sflag:s24] =	ssyncset.done $0x0  }
0xf5: {  	[sflag:s24] =	ssyncadd.s32 $0xFFFFFB00  }
0xf6: {  	_ =	swait.ge [sflag:s25], $0x500  }
0xf7: {  	[sflag:s25] =	ssyncset.done $0x0  }
0xf8: {  	[sflag:s25] =	ssyncadd.s32 $0xFFFFFB00  }
0xf9: {  	_ =	swait.ge [sflag:s26], $0x500  }
0xfa: {  	[sflag:s26] =	ssyncset.done $0x0  }
0xfb: {  	[sflag:s26] =	ssyncadd.s32 $0xFFFFFB00  }
0xfc: {  	_ =	swait.ge [sflag:s28], $0x500  }
0xfd: {  	[sflag:s28] =	ssyncset.done $0x0  }
0xfe: {  	[sflag:s28] =	ssyncadd.s32 $0xFFFFFB00  }
0xff: {  	_ =	swait.ge [sflag:s29], $0x500  }
0x100: {  	[sflag:s29] =	ssyncset.done $0x0  }
0x101: {  	[sflag:s29] =	ssyncadd.s32 $0xFFFFFB00  }
0x102: {  	_ =	swait.ge [sflag:s30], $0x500  }
0x103: {  	[sflag:s30] =	ssyncset.done $0x0  }
0x104: {  	[sflag:s30] =	ssyncadd.s32 $0xFFFFFB00  }
0x105: {  	_ =	swait.ge [sflag:s31], $0x500  }
0x106: {  	[sflag:s31] =	ssyncset.done $0x0  }
0x107: {  	[sflag:s31] =	ssyncadd.s32 $0xFFFFFB00  }
0x108: {  	_ =	swait.ge [sflag:s1], $0x500  }
0x109: {  	[sflag:s1] =	ssyncset.done $0x0  }
0x10a: {  	[sflag:s1] =	ssyncadd.s32 $0xFFFFFB00  }
0x10b: {  	_ =	swait.ge [sflag:s2], $0x500  }
0x10c: {  	[sflag:s2] =	ssyncset.done $0x0  }
0x10d: {  	[sflag:s2] =	ssyncadd.s32 $0xFFFFFB00  }
0x10e: {  	_ =	swait.ge [sflag:s0], $0x500  }
0x10f: {  	[sflag:s0] =	ssyncset.done $0x0  }
0x110: {  	[sflag:s0] =	ssyncadd.s32 $0xFFFFFB00  }
0x111: {  	_ =	swait.ge [sflag:s15], $0x500  }
0x112: {  	[sflag:s15] =	ssyncset.done $0x0  }
0x113: {  	[sflag:s15] =	ssyncadd.s32 $0xFFFFFB00  }
0x114: {  	_ =	swait.ge [sflag:s5], $0x500  }
0x115: {  	[sflag:s5] =	ssyncset.done $0x0  }
0x116: {  	[sflag:s5] =	ssyncadd.s32 $0xFFFFFB00  }
0x117: {  	_ =	swait.ge [sflag:s7], $0x500  }
0x118: {  	[sflag:s7] =	ssyncset.done $0x0  }
0x119: {  	[sflag:s7] =	ssyncadd.s32 $0xFFFFFB00  }
0x11a: {  	_ =	swait.ge [sflag:s8], $0x500  }
0x11b: {  	[sflag:s8] =	ssyncset.done $0x0  }
0x11c: {  	[sflag:s8] =	ssyncadd.s32 $0xFFFFFB00  }
0x11d: {  	_ =	swait.ge [sflag:s9], $0x500  }
0x11e: {  	[sflag:s9] =	ssyncset.done $0x0  }
0x11f: {  	[sflag:s9] =	ssyncadd.s32 $0xFFFFFB00  }
0x120: {  	_ =	swait.ge [sflag:s10], $0x500  }
0x121: {  	[sflag:s10] =	ssyncset.done $0x0  }
0x122: {  	[sflag:s10] =	ssyncadd.s32 $0xFFFFFB00  }
.Ltmp0:
0x123: {  	_ =	swait.ge [sflag:s11], $0x500;
	(pc) =	sbr.rel @p1 .LBB2_2-.Ltmp0, $4  }
0x124: {  	[sflag:s11] =	ssyncset.done $0x0  }
0x125: {  	[sflag:s11] =	ssyncadd.s32 $0xFFFFFB00  }
0x126: {  	_ =	swait.ge [sflag:s12], $0x500  }
0x127: {  	s14 =	sshra.s32 s13, $0x2;
	s6 =	smov.u32 s17;
	[sflag:s12] =	ssyncset.done $0x0  }
0x128: {  	s6 =	sadd.s32 $0x500, s14;
	[sflag:s12] =	ssyncadd.s32 $0xFFFFFB00  }
0x129: {  	[spmem:s3] =	stream.indirect.scatter.add.f32 [tilespmem:s4], [sflag:$0x1], $0x10, s6, s16, $0xb8;
	[tilespmem:$0x5320] =	vst v63  }
0x12a: {  	s13 =	sadd.s32 $0x550, s14  }
0x12b: {  	[spmem:s3] =	stream.indirect.scatter.add.f32 [tilespmem:s4], [sflag:$0x2], $0x10, s13, s16, $0xb8;
	[tilespmem:$0x5320] =	vst v63  }
0x12c: {  	s17 =	sadd.s32 $0x5A0, s14  }
0x12d: {  	[spmem:s3] =	stream.indirect.scatter.add.f32 [tilespmem:s4], [sflag:$0x3], $0x10, s17, s16, $0xb8;
	[tilespmem:$0x5320] =	vst v63  }
0x12e: {  	s18 =	sadd.s32 $0x5F0, s14  }
0x12f: {  	[spmem:s3] =	stream.indirect.scatter.add.f32 [tilespmem:s4], [sflag:$0x4], $0x10, s18, s16, $0xb8;
	[tilespmem:$0x5320] =	vst v63  }
0x130: {  	s13 =	sadd.s32 $0x640, s14  }
0x131: {  	[spmem:s3] =	stream.indirect.scatter.add.f32 [tilespmem:s4], [sflag:$0x5], $0x10, s13, s16, $0xb8;
	[tilespmem:$0x5320] =	vst v63  }
0x132: {  	s17 =	sadd.s32 $0x690, s14  }
0x133: {  	[spmem:s3] =	stream.indirect.scatter.add.f32 [tilespmem:s4], [sflag:$0x6], $0x10, s17, s16, $0xb8;
	[tilespmem:$0x5320] =	vst v63  }
0x134: {  	s18 =	sadd.s32 $0x6E0, s14  }
0x135: {  	[spmem:s3] =	stream.indirect.scatter.add.f32 [tilespmem:s4], [sflag:$0x7], $0x10, s18, s16, $0xb8;
	[tilespmem:$0x5320] =	vst v63  }
0x136: {  	s13 =	sadd.s32 $0x730, s14  }
0x137: {  	[spmem:s3] =	stream.indirect.scatter.add.f32 [tilespmem:s4], [sflag:$0x8], $0x10, s13, s16, $0xb8;
	[tilespmem:$0x5320] =	vst v63  }
0x138: {  	s17 =	sadd.s32 $0x780, s14  }
0x139: {  	[spmem:s3] =	stream.indirect.scatter.add.f32 [tilespmem:s4], [sflag:$0x9], $0x10, s17, s16, $0xb8;
	[tilespmem:$0x5320] =	vst v63  }
0x13a: {  	s18 =	sadd.s32 $0x7D0, s14  }
0x13b: {  	[spmem:s3] =	stream.indirect.scatter.add.f32 [tilespmem:s4], [sflag:$0xA], $0x10, s18, s16, $0xb8;
	[tilespmem:$0x5320] =	vst v63  }
0x13c: {  	s13 =	sadd.s32 $0x820, s14  }
0x13d: {  	[spmem:s3] =	stream.indirect.scatter.add.f32 [tilespmem:s4], [sflag:$0xB], $0x10, s13, s16, $0xb8;
	[tilespmem:$0x5320] =	vst v63  }
0x13e: {  	s17 =	sadd.s32 $0x870, s14  }
0x13f: {  	[spmem:s3] =	stream.indirect.scatter.add.f32 [tilespmem:s4], [sflag:$0xC], $0x10, s17, s16, $0xb8;
	[tilespmem:$0x5320] =	vst v63  }
0x140: {  	s18 =	sadd.s32 $0x8C0, s14  }
0x141: {  	[spmem:s3] =	stream.indirect.scatter.add.f32 [tilespmem:s4], [sflag:$0xD], $0x10, s18, s16, $0xb8;
	[tilespmem:$0x5320] =	vst v63  }
0x142: {  	s13 =	sadd.s32 $0x910, s14  }
0x143: {  	[spmem:s3] =	stream.indirect.scatter.add.f32 [tilespmem:s4], [sflag:$0xE], $0x10, s13, s16, $0xb8;
	[tilespmem:$0x5320] =	vst v63  }
0x144: {  	s17 =	sadd.s32 $0x960, s14  }
0x145: {  	[spmem:s3] =	stream.indirect.scatter.add.f32 [tilespmem:s4], [sflag:$0xF], $0x10, s17, s16, $0xb8;
	[tilespmem:$0x5320] =	vst v63  }
0x146: {  	s18 =	sadd.s32 $0x9B0, s14  }
0x147: {  	[spmem:s3] =	stream.indirect.scatter.add.f32 [tilespmem:s4], [sflag:$0x10], $0x10, s18, s16, $0xb8;
	[tilespmem:$0x5320] =	vst v63  }
0x148: {  	s13 =	sadd.s32 $0xA00, s14  }
0x149: {  	[spmem:s3] =	stream.indirect.scatter.add.f32 [tilespmem:s4], [sflag:$0x11], $0x10, s13, s16, $0xb8;
	[tilespmem:$0x5320] =	vst v63  }
0x14a: {  	s17 =	sadd.s32 $0xA50, s14  }
0x14b: {  	[spmem:s3] =	stream.indirect.scatter.add.f32 [tilespmem:s4], [sflag:$0x12], $0x10, s17, s16, $0xb8;
	[tilespmem:$0x5320] =	vst v63  }
0x14c: {  	s18 =	sadd.s32 $0xAA0, s14  }
0x14d: {  	[spmem:s3] =	stream.indirect.scatter.add.f32 [tilespmem:s4], [sflag:$0x13], $0x10, s18, s16, $0xb8;
	[tilespmem:$0x5320] =	vst v63  }
0x14e: {  	s13 =	sadd.s32 $0xAF0, s14  }
0x14f: {  	[spmem:s3] =	stream.indirect.scatter.add.f32 [tilespmem:s4], [sflag:$0x14], $0x10, s13, s16, $0xb8;
	[tilespmem:$0x5320] =	vst v63  }
0x150: {  	s17 =	sadd.s32 $0xB40, s14  }
0x151: {  	[spmem:s3] =	stream.indirect.scatter.add.f32 [tilespmem:s4], [sflag:$0x15], $0x10, s17, s16, $0xb8;
	[tilespmem:$0x5320] =	vst v63  }
0x152: {  	s18 =	sadd.s32 $0xB90, s14  }
0x153: {  	[spmem:s3] =	stream.indirect.scatter.add.f32 [tilespmem:s4], [sflag:$0x16], $0x10, s18, s16, $0xb8;
	[tilespmem:$0x5320] =	vst v63  }
0x154: {  	s13 =	sadd.s32 $0xBE0, s14  }
0x155: {  	[spmem:s3] =	stream.indirect.scatter.add.f32 [tilespmem:s4], [sflag:$0x17], $0x10, s13, s16, $0xb8;
	[tilespmem:$0x5320] =	vst v63  }
0x156: {  	s17 =	sadd.s32 $0xC30, s14  }
0x157: {  	[spmem:s3] =	stream.indirect.scatter.add.f32 [tilespmem:s4], [sflag:$0x18], $0x10, s17, s16, $0xb8;
	[tilespmem:$0x5320] =	vst v63  }
0x158: {  	s18 =	sadd.s32 $0xC80, s14;
	s13 =	simm.s32 $0x1  }
0x159: {  	[spmem:s3] =	stream.indirect.scatter.add.f32 [tilespmem:s4], [sflag:$0x19], $0x10, s18, s16, $0xb8;
	[tilespmem:$0x5320] =	vst v63  }
0x15a: {  	_ =	swait.ge [sflag:s13], $0x500  }
0x15b: {  	[sflag:s13] =	ssyncset.done $0x0  }
0x15c: {  	s14 =	simm.s32 $0x2;
	[sflag:s13] =	ssyncadd.s32 $0xFFFFFB00  }
0x15d: {  	_ =	swait.ge [sflag:s14], $0x500  }
0x15e: {  	[sflag:s14] =	ssyncset.done $0x0  }
0x15f: {  	[sflag:s14] =	ssyncadd.s32 $0xFFFFFB00  }
0x160: {  	_ =	swait.ge [sflag:s19], $0x500  }
0x161: {  	[sflag:s19] =	ssyncset.done $0x0  }
0x162: {  	[sflag:s19] =	ssyncadd.s32 $0xFFFFFB00  }
0x163: {  	_ =	swait.ge [sflag:s20], $0x500  }
0x164: {  	[sflag:s20] =	ssyncset.done $0x0  }
0x165: {  	[sflag:s20] =	ssyncadd.s32 $0xFFFFFB00  }
0x166: {  	_ =	swait.ge [sflag:s21], $0x500  }
0x167: {  	[sflag:s21] =	ssyncset.done $0x0  }
0x168: {  	[sflag:s21] =	ssyncadd.s32 $0xFFFFFB00  }
0x169: {  	_ =	swait.ge [sflag:s22], $0x500  }
0x16a: {  	[sflag:s22] =	ssyncset.done $0x0  }
0x16b: {  	[sflag:s22] =	ssyncadd.s32 $0xFFFFFB00  }
0x16c: {  	_ =	swait.ge [sflag:s23], $0x500  }
0x16d: {  	[sflag:s23] =	ssyncset.done $0x0  }
0x16e: {  	[sflag:s23] =	ssyncadd.s32 $0xFFFFFB00  }
0x16f: {  	_ =	swait.ge [sflag:s24], $0x500  }
0x170: {  	[sflag:s24] =	ssyncset.done $0x0  }
0x171: {  	[sflag:s24] =	ssyncadd.s32 $0xFFFFFB00  }
0x172: {  	_ =	swait.ge [sflag:s25], $0x500  }
0x173: {  	[sflag:s25] =	ssyncset.done $0x0  }
0x174: {  	[sflag:s25] =	ssyncadd.s32 $0xFFFFFB00  }
0x175: {  	_ =	swait.ge [sflag:s26], $0x500  }
0x176: {  	[sflag:s26] =	ssyncset.done $0x0  }
0x177: {  	[sflag:s26] =	ssyncadd.s32 $0xFFFFFB00  }
0x178: {  	_ =	swait.ge [sflag:s28], $0x500  }
0x179: {  	[sflag:s28] =	ssyncset.done $0x0  }
0x17a: {  	[sflag:s28] =	ssyncadd.s32 $0xFFFFFB00  }
0x17b: {  	_ =	swait.ge [sflag:s29], $0x500  }
0x17c: {  	[sflag:s29] =	ssyncset.done $0x0  }
0x17d: {  	[sflag:s29] =	ssyncadd.s32 $0xFFFFFB00  }
0x17e: {  	_ =	swait.ge [sflag:s30], $0x500  }
0x17f: {  	[sflag:s30] =	ssyncset.done $0x0  }
0x180: {  	[sflag:s30] =	ssyncadd.s32 $0xFFFFFB00  }
0x181: {  	_ =	swait.ge [sflag:s31], $0x500  }
0x182: {  	[sflag:s31] =	ssyncset.done $0x0  }
0x183: {  	[sflag:s31] =	ssyncadd.s32 $0xFFFFFB00  }
0x184: {  	_ =	swait.ge [sflag:s1], $0x500  }
0x185: {  	[sflag:s1] =	ssyncset.done $0x0  }
0x186: {  	[sflag:s1] =	ssyncadd.s32 $0xFFFFFB00  }
0x187: {  	_ =	swait.ge [sflag:s2], $0x500  }
0x188: {  	[sflag:s2] =	ssyncset.done $0x0  }
0x189: {  	[sflag:s2] =	ssyncadd.s32 $0xFFFFFB00  }
0x18a: {  	_ =	swait.ge [sflag:s0], $0x500  }
0x18b: {  	[sflag:s0] =	ssyncset.done $0x0  }
0x18c: {  	[sflag:s0] =	ssyncadd.s32 $0xFFFFFB00  }
0x18d: {  	_ =	swait.ge [sflag:s15], $0x500  }
0x18e: {  	[sflag:s15] =	ssyncset.done $0x0  }
0x18f: {  	[sflag:s15] =	ssyncadd.s32 $0xFFFFFB00  }
0x190: {  	_ =	swait.ge [sflag:s5], $0x500  }
0x191: {  	[sflag:s5] =	ssyncset.done $0x0  }
0x192: {  	[sflag:s5] =	ssyncadd.s32 $0xFFFFFB00  }
0x193: {  	_ =	swait.ge [sflag:s7], $0x500  }
0x194: {  	[sflag:s7] =	ssyncset.done $0x0  }
0x195: {  	[sflag:s7] =	ssyncadd.s32 $0xFFFFFB00  }
0x196: {  	_ =	swait.ge [sflag:s8], $0x500  }
0x197: {  	[sflag:s8] =	ssyncset.done $0x0  }
0x198: {  	[sflag:s8] =	ssyncadd.s32 $0xFFFFFB00  }
0x199: {  	_ =	swait.ge [sflag:s9], $0x500  }
0x19a: {  	[sflag:s9] =	ssyncset.done $0x0  }
0x19b: {  	[sflag:s9] =	ssyncadd.s32 $0xFFFFFB00  }
0x19c: {  	_ =	swait.ge [sflag:s10], $0x500  }
0x19d: {  	[sflag:s10] =	ssyncset.done $0x0  }
0x19e: {  	[sflag:s10] =	ssyncadd.s32 $0xFFFFFB00  }
0x19f: {  	_ =	swait.ge [sflag:s11], $0x500  }
0x1a0: {  	[sflag:s11] =	ssyncset.done $0x0  }
0x1a1: {  	[sflag:s11] =	ssyncadd.s32 $0xFFFFFB00  }
0x1a2: {  	_ =	swait.ge [sflag:s12], $0x500  }
0x1a3: {  	[sflag:s12] =	ssyncset.done $0x0  }
0x1a4: {  	[sflag:s12] =	ssyncadd.s32 $0xFFFFFB00  }
0x1a5: {  	[bflag:$0x0] =	sbarrier.arrive $0xFFFF  }
0x1a6: {  	s13 =	rddreg [dreg:$0x5]  }
0x1a7: {  	s17 =	rddreg [dreg:$0x8]  }
0x1a8: {  	s18 =	rddreg [dreg:$0xb]  }
0x1a9: {  	[hbm:s17], [sflag:s13] =	dma.local [spmem:s18], $0x4E0  }
0x1aa: {  	s18 =	simm.s32 $0x1A  }
0x1ab: {  	_ =	swait.ge [sflag:s18], $0x4E0  }
0x1ac: {  	[sflag:s18] =	ssyncset.done $0x0;
	s6 =	rddreg [dreg:$0x9]  }
0x1ad: {  	s14 =	simm.s32 @!p0 $0x1A;
	s17 =	rddreg [dreg:$0xc];
	[sflag:s18] =	ssyncadd.s32 $0xFFFFFB20  }
0x1ae: {  	[hbm:s6], [sflag:s13] =	dma.local @!p0 [spmem:s17], $0x20  }
0x1af: {  	_ =	swait.ge @!p0 [sflag:s14], $0x20  }
0x1b0: {  	s6 =	rddreg [dreg:$0xd]  }
0x1b1: {  	[sflag:s14] =	ssyncset.done @!p0 $0x0;
	s14 =	rddreg [dreg:$0xa];
	s6 =	sadd.s32 $0x1, s6  }
0x1b2: {  	p1 =	sne.s32 s6, s14  }
.Ltmp1:
0x1b3: {  	_ = 	snop;
	(pc) =	sbr.rel @p1 .LBB2_1-.Ltmp1, $3  }
0x1b4: {  	_ =	sdelay $0x1  }
0x1b5: {  	[dreg:$0xd] =	wrdreg s6;
	s6 =	simm.s32 @!p0 $0x1A  }
0x1b6: {  	s14 =	smov.u32 s17;
	s17 =	rddreg [dreg:$0xb];
	[sflag:s6] =	ssyncadd.s32 @!p0 $0xFFFFFFE0  }
0x1b7: {  	_ =	sfence.sel $0x180000  }
0x1b8: {  	[bflag:$0x0] =	sbarrier.arrive $0xFFFF  }
0x1b9: {  	_ =	strace $0x90000047  }
0x1ba: {  	s0 =	stileid.u32;
	[bflag:$0x2] =	sbarrier.arrive $0xFFFF  }
0x1bb: {  	p0 =	sne.s32 s0, $0x0;
	s0 =	rddreg [dreg:$0x3]  }
0x1bc: {  	s0 =	sadd.s32 @!p0 $0x100000, s0  }
0x1bd: {  	[sflag:s0] =	ssyncadd.tile.s32 @!p0 $0x1;
	_ =	shalt  }
.Lfunc_end2:
_tile_overlayer_lowered:
.L_overlay_start_2:
0x1be: {  	(tag) =	ssettag $0x2  }
0x1bf: {  	s0 =	rddreg [dreg:$0x0];
	s2 =	stileid.u32  }
0x1c0: {  	s1 =	rddreg [dreg:$0x1];
	p0 =	sne.s32 s2, $0x0  }
0x1c1: {  	s3 =	rddreg [dreg:$0x2];
	[bflag:$0x3] =	sbarrier.arrive $0xFFFF;
	s2 =	simm.s32 @!p0 $0x1C1A  }
0x1c2: {  	[timem:s3], [sflag:s2] =	dma.local @!p0 [hbm:s0], s1  }
0x1c3: {  	s0 =	simm.s32 @!p0 $0x1A  }
0x1c4: {  	_ =	swait.ge @!p0 [sflag:s0], s1  }
0x1c5: {  	s1 =	ssub.s32 @!p0 $0x0, s1;
	[sflag:s0] =	ssyncset.done @!p0 $0x0  }
0x1c6: {  	[sflag:s0] =	ssyncadd.s32 @!p0 s1  }
0x1c7: {  	[bflag:$0x3] =	sbarrier.arrive $0xFFFF  }
0x1c8: {  	_ =	shalt  }

</sc_bundles>
